<compile_context>
chip_gen: v7x
topology: tpu7x:2x2x1
jax: 0.10.2.dev20260603
libtpu: 0.0.44.dev20260713+nightly
codegen_flags: <defaults>
</compile_context>

<pallas_src>
import jax
import jax.numpy as jnp
from jax import lax
from jax.experimental import pallas as pl
from jax.experimental.pallas import tpu as pltpu
from jax.experimental.pallas import tpu_sc as plsc

N_SAMP = 2_000_000
N_BATCH = 4
N_OBS = 500_000
REGION = 1_000_000

NC = 2
NS = 16
LANES = 16
NW = NC * NS

HALF = REGION // NC

SLAB = 4_000
N_SLAB = HALF // SLAB

C_CHUNK = 20_000
C_STEPS = C_CHUNK // LANES
N_CCHUNK = N_SAMP // C_CHUNK

A_CHUNK = 3200
A_STEPS = A_CHUNK // LANES
N_ACHUNK = N_SAMP // A_CHUNK

G_CHUNK = 800
G_STEPS = G_CHUNK // LANES
N_GCHUNK = N_OBS // G_CHUNK


def _trig_body(psi_ref, c_ref, s_ref):
    two_psi = 2.0 * psi_ref[...]
    c_ref[...] = jnp.cos(two_psi)
    s_ref[...] = jnp.sin(two_psi)


def _trig_weights(psi):
    psi2 = psi.reshape(625, 3200)
    c, s = pl.pallas_call(
        _trig_body,
        grid=(5,),
        in_specs=[pl.BlockSpec((625, 640), lambda i: (0, i))],
        out_specs=[pl.BlockSpec((625, 640), lambda i: (0, i))] * 2,
        out_shape=[jax.ShapeDtypeStruct((625, 3200), jnp.float32)] * 2,
    )(psi2)
    return c.reshape(-1), s.reshape(-1)


def _mesh():
    return plsc.VectorSubcoreMesh(
        core_axis_name="c", subcore_axis_name="s",
        num_cores=NC, num_subcores=NS)


def _local_idx(pvec, base_px):
    li = pvec - base_px
    ok = (li >= 0) & (li < HALF)
    li = jnp.where(li > 0, li, 0)
    li = jnp.where(li < HALF - 1, li, HALF - 1)
    return li, ok


def _count_body(pix_h, zeros_h, cnt_out, acc_cnt, pix_v, one_v, idx_v, dbuf):
    core = lax.axis_index("c")
    sub = lax.axis_index("s")
    base_px = core * HALF

    pltpu.sync_copy(zeros_h, dbuf)

    @pl.loop(sub, N_SLAB, step=NS)
    def _zero(j):
        pltpu.sync_copy(dbuf, acc_cnt.at[pl.ds(j * SLAB, SLAB)])

    plsc.subcore_barrier()

    @pl.loop(sub, N_CCHUNK, step=NS)
    def _chunk(k):
        pltpu.sync_copy(pix_h.at[pl.ds(k * C_CHUNK, C_CHUNK)], pix_v)

        @pl.loop(0, C_STEPS)
        def _step(i):
            sl = pl.ds(i * LANES, LANES)
            li, ok = _local_idx(pix_v[sl], base_px)
            idx_v[sl] = li
            one_v[sl] = jnp.where(ok, 1.0, 0.0)

        pltpu.sync_copy(one_v, acc_cnt.at[idx_v], add=True)

    plsc.subcore_barrier()

    @pl.loop(sub, N_SLAB, step=NS)
    def _dump(j):
        sl = pl.ds(j * SLAB, SLAB)
        pltpu.sync_copy(acc_cnt.at[sl], dbuf)
        pltpu.sync_copy(dbuf, cnt_out.at[pl.ds(base_px + j * SLAB, SLAB)])


def _count(pix):
    zeros = jnp.zeros((SLAB,), jnp.float32)
    kern = pl.kernel(
        _count_body,
        out_type=jax.ShapeDtypeStruct((REGION,), jnp.float32),
        mesh=_mesh(),
        scratch_types=[
            pltpu.VMEM_SHARED((HALF,), jnp.float32),
            pltpu.VMEM((C_CHUNK,), jnp.int32),
            pltpu.VMEM((C_CHUNK,), jnp.float32),
            pltpu.VMEM((C_CHUNK,), jnp.int32),
            pltpu.VMEM((SLAB,), jnp.float32),
        ],
    )
    return kern(pix, zeros)


def _value_body(pix_h, tod_h, c_h, s_h, zeros_h, acc_out,
                acc_all,
                pix_v, t_v, cc_v, ss_v, vbuf, ibuf, dbuf):
    core = lax.axis_index("c")
    sub = lax.axis_index("s")
    base_px = core * HALF

    for b in range(N_BATCH):
        pltpu.sync_copy(zeros_h, dbuf)

        @pl.loop(sub, 3 * N_SLAB, step=NS)
        def _zero(j):
            pltpu.sync_copy(dbuf, acc_all.at[pl.ds(j * SLAB, SLAB)])

        plsc.subcore_barrier()

        @pl.loop(sub, N_ACHUNK, step=NS)
        def _chunk(k):
            samp0 = k * A_CHUNK
            pltpu.sync_copy(pix_h.at[pl.ds(samp0, A_CHUNK)], pix_v)
            pltpu.sync_copy(tod_h.at[pl.ds(b * N_SAMP + samp0, A_CHUNK)], t_v)
            pltpu.sync_copy(c_h.at[pl.ds(samp0, A_CHUNK)], cc_v)
            pltpu.sync_copy(s_h.at[pl.ds(samp0, A_CHUNK)], ss_v)

            @pl.loop(0, A_STEPS)
            def _step(i):
                off = i * LANES
                sl = pl.ds(off, LANES)
                li, ok = _local_idx(pix_v[sl], base_px)
                t16 = jnp.where(ok, t_v[sl], 0.0)
                ibuf[sl] = li
                ibuf[pl.ds(A_CHUNK + off, LANES)] = li + HALF
                ibuf[pl.ds(2 * A_CHUNK + off, LANES)] = li + 2 * HALF
                vbuf[sl] = t16
                vbuf[pl.ds(A_CHUNK + off, LANES)] = t16 * cc_v[sl]
                vbuf[pl.ds(2 * A_CHUNK + off, LANES)] = t16 * ss_v[sl]

            pltpu.sync_copy(vbuf, acc_all.at[ibuf], add=True)

        plsc.subcore_barrier()

        for ci in range(3):
            @pl.loop(sub, N_SLAB, step=NS)
            def _dump(j):
                pltpu.sync_copy(acc_all.at[pl.ds(ci * HALF + j * SLAB, SLAB)], dbuf)
                pltpu.sync_copy(
                    dbuf,
                    acc_out.at[pl.ds((3 * b + ci) * REGION + base_px + j * SLAB,
                                     SLAB)])

        plsc.subcore_barrier()


def _values(pix, tod, c, s):
    zeros = jnp.zeros((SLAB,), jnp.float32)
    kern = pl.kernel(
        _value_body,
        out_type=jax.ShapeDtypeStruct((3 * N_BATCH * REGION,), jnp.float32),
        mesh=_mesh(),
        scratch_types=[
            pltpu.VMEM_SHARED((3 * HALF,), jnp.float32),
            pltpu.VMEM((A_CHUNK,), jnp.int32),
            pltpu.VMEM((A_CHUNK,), jnp.float32),
            pltpu.VMEM((A_CHUNK,), jnp.float32),
            pltpu.VMEM((A_CHUNK,), jnp.float32),
            pltpu.VMEM((3 * A_CHUNK,), jnp.float32),
            pltpu.VMEM((3 * A_CHUNK,), jnp.int32),
            pltpu.VMEM((SLAB,), jnp.float32),
        ],
    )
    return kern(pix, tod.reshape(-1), c, s, zeros)


def _gather_body(acc_h, cnt_h, seen_h, svec_h, out_i, out_q, out_u,
                 seen_v, bidx_v, g_v, inv_v, res_v, svec_v, sem):
    core = lax.axis_index("c")
    sub = lax.axis_index("s")
    wid = sub * NC + core

    pltpu.sync_copy(svec_h, svec_v)
    sc_i = svec_v[pl.ds(0 * LANES, LANES)]
    bs_i = svec_v[pl.ds(1 * LANES, LANES)]
    sc_q = svec_v[pl.ds(2 * LANES, LANES)]
    bs_q = svec_v[pl.ds(3 * LANES, LANES)]
    sc_u = svec_v[pl.ds(4 * LANES, LANES)]
    bs_u = svec_v[pl.ds(5 * LANES, LANES)]
    chans = ((sc_i, bs_i, out_i), (sc_q, bs_q, out_q), (sc_u, bs_u, out_u))

    @pl.loop(wid, N_GCHUNK, step=NW)
    def _chunk(k):
        base = k * G_CHUNK
        pltpu.sync_copy(seen_h.at[pl.ds(base, G_CHUNK)], seen_v)

        pltpu.async_copy(cnt_h.at[seen_v], g_v, sem).wait()

        @pl.loop(0, G_STEPS)
        def _cinv(i):
            sl = pl.ds(i * LANES, LANES)
            inv_v[sl] = 1.0 / jnp.maximum(g_v[sl], 1.0)

        for b in range(N_BATCH):
            for ch in range(3):
                scale, bias, out_ref = chans[ch]
                off = (3 * b + ch) * REGION

                @pl.loop(0, G_STEPS)
                def _bidx(i):
                    sl = pl.ds(i * LANES, LANES)
                    bidx_v[sl] = seen_v[sl] + off

                pltpu.async_copy(acc_h.at[bidx_v], g_v, sem).wait()

                @pl.loop(0, G_STEPS)
                def _scale(i):
                    sl = pl.ds(i * LANES, LANES)
                    res_v[sl] = g_v[sl] * inv_v[sl] * scale + bias

                pltpu.sync_copy(res_v, out_ref.at[pl.ds(b * N_OBS + base, G_CHUNK)])


def _gather(acc, cnt, seen, svec):
    kern = pl.kernel(
        _gather_body,
        out_type=[jax.ShapeDtypeStruct((N_BATCH * N_OBS,), jnp.float32)] * 3,
        mesh=_mesh(),
        scratch_types=[
            pltpu.VMEM((G_CHUNK,), jnp.int32),
            pltpu.VMEM((G_CHUNK,), jnp.int32),
            pltpu.VMEM((G_CHUNK,), jnp.float32),
            pltpu.VMEM((G_CHUNK,), jnp.float32),
            pltpu.VMEM((G_CHUNK,), jnp.float32),
            pltpu.VMEM((6 * LANES,), jnp.float32),
            pltpu.SemaphoreType.DMA,
        ],
    )
    return kern(acc, cnt, seen, svec)


def kernel(tod_tensor, pix, psi, seen_indexes_ring, ring2nest,
           scale_I, bias_I, scale_Q, bias_Q, scale_U, bias_U):
    del ring2nest
    c, s = _trig_weights(psi)
    cnt = _count(pix)
    acc = _values(pix, tod_tensor, c, s)
    svec = jnp.concatenate([
        jnp.full((LANES,), v, jnp.float32) for v in (
            scale_I, bias_I * jnp.float32(1e-18),
            scale_Q, bias_Q * jnp.float32(1e-21),
            scale_U, bias_U * jnp.float32(1e-21))
    ])
    out_i, out_q, out_u = _gather(acc, cnt, seen_indexes_ring, svec)
    shp = (N_BATCH, N_OBS, 1)
    return out_i.reshape(shp), out_q.reshape(shp), out_u.reshape(shp)

# --- scband reference (transcript-rebuilt; emitter-appended) ---
"""Pipeline reference for scband-trainable-inverse-projection-first-order-scale-72121090834668 (READ-ONLY COPY).

The authoritative reference and input builder live on the scoring server;
editing this copy changes nothing except your own understanding.
"""

import jax, jax.numpy as jnp
import numpy as np

NSIDE = 512
NPIX = 12 * NSIDE ** 2  # 3_145_728
NSAMP = 2_000_000       # TOD samples per batch element
B = 4
NOBS = 500_000          # observed pixels
REGION = 1_000_000      # scanned pixel region (pointing hits pixels [0, REGION))


def setup_inputs(seed: int = 0) -> dict:
    key = jax.random.key(seed)
    k1, k2, k3, k4 = jax.random.split(key, 4)
    tod_tensor = jax.random.normal(k1, (B, NSAMP), dtype=jnp.float32)
    # Pointing matrix P: each TOD sample hits one pixel with IQU weights (1, cos2psi, sin2psi)
    pix = jax.random.randint(k2, (NSAMP,), 0, REGION, dtype=jnp.int32)
    psi = jax.random.uniform(k3, (NSAMP,), dtype=jnp.float32) * jnp.float32(np.pi)
    seen_indexes_ring = jax.random.randint(k4, (NOBS,), 0, REGION, dtype=jnp.int32)
    # healpy ring2nest is a fixed permutation of pixel indices; synthesize one deterministically
    ring2nest = jnp.asarray(np.random.RandomState(0).permutation(NPIX).astype(np.int32))
    return {
        "tod_tensor": tod_tensor,
        "pix": pix,
        "psi": psi,
        "seen_indexes_ring": seen_indexes_ring,
        "ring2nest": ring2nest,
        "scale_I": jnp.float32(0.001), "bias_I": jnp.float32(0.0),
        "scale_Q": jnp.float32(0.001), "bias_Q": jnp.float32(0.0),
        "scale_U": jnp.float32(0.001), "bias_U": jnp.float32(0.0),
    }


def reference(tod_tensor, pix, psi, seen_indexes_ring, ring2nest,
              scale_I, bias_I, scale_Q, bias_Q, scale_U, bias_U):
    n_pix = ring2nest.shape[0]
    # IQU pointing weights per TOD sample
    w = jnp.stack([jnp.ones_like(psi), jnp.cos(2.0 * psi), jnp.sin(2.0 * psi)], axis=1)  # (NSAMP, 3)
    # projection_cov = P^T(ones)[:, 0]  -> hit count per pixel (scatter-add of ones)
    cov = jnp.zeros((n_pix,), jnp.float32).at[pix].add(1.0)
    cov = jnp.maximum(cov, 1.0)  # guard unhit pixels (real operator guarantees coverage on seen pixels)
    seen_nest = jnp.take(ring2nest, seen_indexes_ring, axis=0)

    def per_sample(tod_i):
        # P^T(tod): scatter-add tod * weights into sky pixels (ring ordering)
        sky = jnp.zeros((n_pix, 3), jnp.float32).at[pix].add(tod_i[:, None] * w)
        sky = sky / cov[:, None]  # divide I,Q,U by coverage
        # sky_n[ring2nest] = sky  (scatter-overwrite permutation into nested ordering)
        sky_n = jnp.zeros_like(sky).at[ring2nest].set(sky)
        obs = jnp.take(sky_n, seen_nest, axis=0)  # gather observed pixels
        I = obs[:, 0] * 1e18
        Q = obs[:, 1] * 1e21
        U = obs[:, 2] * 1e21
        I_s = (I[:, None] * scale_I + bias_I) / 1e18
        Q_s = (Q[:, None] * scale_Q + bias_Q) / 1e21
        U_s = (U[:, None] * scale_U + bias_U) / 1e21
        return I_s, Q_s, U_s

    # batched over B; returns tuple of three (B, NOBS, 1) arrays (delta_I_hat, delta_Q_hat, delta_U_hat)
    return jax.vmap(per_sample)(tod_tensor)

if __name__ == "__main__":
    import jax
    _d = setup_inputs()
    print(jax.jit(kernel)(*tuple(_d.values())))

</pallas_src>

<mosaic_0001>
#map = affine_map<(d0, d1) -> (0)>
module attributes {stable_mosaic.version = 14 : i64} {
  func.func @_value_body(%arg0: i32, %arg1: i32, %arg2: memref<2000000xi32, #tpu.memory_space<hbm>>, %arg3: memref<8000000xf32, #tpu.memory_space<hbm>>, %arg4: memref<2000000xf32, #tpu.memory_space<hbm>>, %arg5: memref<2000000xf32, #tpu.memory_space<hbm>>, %arg6: memref<4000xf32, #tpu.memory_space<hbm>>, %arg7: memref<12000000xf32, #tpu.memory_space<hbm>>, %arg8: memref<1500000xf32, #tpu.memory_space<vmem_shared>>, %arg9: memref<3200xi32, #tpu.memory_space<vmem>>, %arg10: memref<3200xf32, #tpu.memory_space<vmem>>, %arg11: memref<3200xf32, #tpu.memory_space<vmem>>, %arg12: memref<3200xf32, #tpu.memory_space<vmem>>, %arg13: memref<9600xf32, #tpu.memory_space<vmem>>, %arg14: memref<9600xi32, #tpu.memory_space<vmem>>, %arg15: memref<4000xf32, #tpu.memory_space<vmem>>) attributes {dimension_semantics = [#tpu.dimension_semantics<core_parallel>, #tpu.dimension_semantics<subcore_parallel>], iteration_bounds = array<i64: 2, 16>, scalar_prefetch = 0 : i64, scratch_operands = 8 : i64, tpu.core_type = #tpu.core_type<sc_vector_subcore>, window_params = [{transform_indices = #map}, {transform_indices = #map}, {transform_indices = #map}, {transform_indices = #map}, {transform_indices = #map}, {transform_indices = #map}]} {
    %mul3A = arith.constant 500000 : i32
    %mul3A_0 = arith.muli %arg0, %mul3A : i32
    "tpu.region"() ({
      %run_scoped3A = tpu.sem_alloc : memref<!tpu.dma_semaphore, #tpu.memory_space<semaphore_mem>>
      tpu.enqueue_dma source(%arg6 : memref<4000xf32, #tpu.memory_space<hbm>>) target(%arg15 : memref<4000xf32, #tpu.memory_space<vmem>>) target_semaphore(%run_scoped3A : memref<!tpu.dma_semaphore, #tpu.memory_space<semaphore_mem>>)
      tpu.wait_dma2 semaphore(%run_scoped3A : memref<!tpu.dma_semaphore, #tpu.memory_space<semaphore_mem>>) src(%arg6 : memref<4000xf32, #tpu.memory_space<hbm>>) dst(%arg15 : memref<4000xf32, #tpu.memory_space<vmem>>)
      tpu.yield
    }) : () -> ()
    %sub3A = arith.constant 375 : i32
    %sub3A_1 = arith.subi %sub3A, %arg1 : i32
    %sub3A_2 = arith.constant 16 : i32
    %sub3A_3 = arith.constant 1 : i32
    %sub3A_4 = arith.subi %sub3A_2, %sub3A_3 : i32
    %add3A = arith.addi %sub3A_1, %sub3A_4 : i32
    %div3A = arith.constant 16 : i32
    %div3A_5 = arith.divsi %add3A, %div3A : i32
    %while3A = arith.constant 16 : i32
    %while3A_6 = arith.constant 0 : i32
    %while3A_7 = arith.subi %div3A_5, %while3A_6 : i32
    %while3A_8 = arith.addi %while3A_6, %while3A_7 : i32
    %while3A_9 = arith.constant 1 : i32
    %while3A_10 = arith.divsi %while3A_7, %while3A_9 : i32
    %while3A_11 = arith.muli %while3A_10, %while3A_9 : i32
    %while3A_12 = arith.addi %while3A_6, %while3A_11 : i32
    %while3A_13 = arith.constant 1 : i32
    scf.for %while3A_368 = %while3A_6 to %while3A_12 step %while3A_13  : i32 {
      %mul3A_369 = arith.muli %while3A_368, %while3A : i32
      %add3A_370 = arith.addi %arg1, %mul3A_369 : i32
      %mul3A_371 = arith.constant 4000 : i32
      %mul3A_372 = arith.muli %add3A_370, %mul3A_371 : i32
      "tpu.region"() ({
        %run_scoped3A = tpu.sem_alloc : memref<!tpu.dma_semaphore, #tpu.memory_space<semaphore_mem>>
        %dma_start3A = tpu.memref_slice %arg8[%mul3A_372] : memref<1500000xf32, #tpu.memory_space<vmem_shared>> -> memref<4000xf32, #tpu.memory_space<vmem_shared>>
        %dma_start3A_373 = tpu.memref_slice %arg8[%mul3A_372] : memref<1500000xf32, #tpu.memory_space<vmem_shared>> -> memref<4000xf32, #tpu.memory_space<vmem_shared>>
        tpu.enqueue_dma source(%arg15 : memref<4000xf32, #tpu.memory_space<vmem>>) target(%dma_start3A_373 : memref<4000xf32, #tpu.memory_space<vmem_shared>>) target_semaphore(%run_scoped3A : memref<!tpu.dma_semaphore, #tpu.memory_space<semaphore_mem>>)
        %dma_wait3A = tpu.memref_slice %arg8[%mul3A_372] : memref<1500000xf32, #tpu.memory_space<vmem_shared>> -> memref<4000xf32, #tpu.memory_space<vmem_shared>>
        %dma_wait3A_374 = tpu.memref_slice %arg8[%mul3A_372] : memref<1500000xf32, #tpu.memory_space<vmem_shared>> -> memref<4000xf32, #tpu.memory_space<vmem_shared>>
        tpu.wait_dma2 semaphore(%run_scoped3A : memref<!tpu.dma_semaphore, #tpu.memory_space<semaphore_mem>>) src(%arg15 : memref<4000xf32, #tpu.memory_space<vmem>>) dst(%dma_wait3A_374 : memref<4000xf32, #tpu.memory_space<vmem_shared>>)
        tpu.yield
      }) : () -> ()
    }
    %while3A_14 = arith.constant 1 : i32
    scf.for %while3A_368 = %while3A_12 to %while3A_8 step %while3A_14  : i32 {
      %mul3A_369 = arith.muli %while3A_368, %while3A : i32
      %add3A_370 = arith.addi %arg1, %mul3A_369 : i32
      %mul3A_371 = arith.constant 4000 : i32
      %mul3A_372 = arith.muli %add3A_370, %mul3A_371 : i32
      "tpu.region"() ({
        %run_scoped3A = tpu.sem_alloc : memref<!tpu.dma_semaphore, #tpu.memory_space<semaphore_mem>>
        %dma_start3A = tpu.memref_slice %arg8[%mul3A_372] : memref<1500000xf32, #tpu.memory_space<vmem_shared>> -> memref<4000xf32, #tpu.memory_space<vmem_shared>>
        %dma_start3A_373 = tpu.memref_slice %arg8[%mul3A_372] : memref<1500000xf32, #tpu.memory_space<vmem_shared>> -> memref<4000xf32, #tpu.memory_space<vmem_shared>>
        tpu.enqueue_dma source(%arg15 : memref<4000xf32, #tpu.memory_space<vmem>>) target(%dma_start3A_373 : memref<4000xf32, #tpu.memory_space<vmem_shared>>) target_semaphore(%run_scoped3A : memref<!tpu.dma_semaphore, #tpu.memory_space<semaphore_mem>>)
        %dma_wait3A = tpu.memref_slice %arg8[%mul3A_372] : memref<1500000xf32, #tpu.memory_space<vmem_shared>> -> memref<4000xf32, #tpu.memory_space<vmem_shared>>
        %dma_wait3A_374 = tpu.memref_slice %arg8[%mul3A_372] : memref<1500000xf32, #tpu.memory_space<vmem_shared>> -> memref<4000xf32, #tpu.memory_space<vmem_shared>>
        tpu.wait_dma2 semaphore(%run_scoped3A : memref<!tpu.dma_semaphore, #tpu.memory_space<semaphore_mem>>) src(%arg15 : memref<4000xf32, #tpu.memory_space<vmem>>) dst(%dma_wait3A_374 : memref<4000xf32, #tpu.memory_space<vmem_shared>>)
        tpu.yield
      }) : () -> ()
    }
    %barrier3A = arith.constant 0 : index
    tpu.barrier barrier_id(%barrier3A)
    %sub3A_15 = arith.constant 625 : i32
    %sub3A_16 = arith.subi %sub3A_15, %arg1 : i32
    %sub3A_17 = arith.constant 16 : i32
    %sub3A_18 = arith.constant 1 : i32
    %sub3A_19 = arith.subi %sub3A_17, %sub3A_18 : i32
    %add3A_20 = arith.addi %sub3A_16, %sub3A_19 : i32
    %div3A_21 = arith.constant 16 : i32
    %div3A_22 = arith.divsi %add3A_20, %div3A_21 : i32
    %while3A_23 = arith.constant 16 : i32
    %while3A_24 = arith.constant 0 : i32
    %while3A_25 = arith.subi %div3A_22, %while3A_24 : i32
    %while3A_26 = arith.addi %while3A_24, %while3A_25 : i32
    %while3A_27 = arith.constant 1 : i32
    %while3A_28 = arith.divsi %while3A_25, %while3A_27 : i32
    %while3A_29 = arith.muli %while3A_28, %while3A_27 : i32
    %while3A_30 = arith.addi %while3A_24, %while3A_29 : i32
    %while3A_31 = arith.constant 1 : i32
    scf.for %while3A_368 = %while3A_24 to %while3A_30 step %while3A_31  : i32 {
      %mul3A_369 = arith.muli %while3A_368, %while3A_23 : i32
      %add3A_370 = arith.addi %arg1, %mul3A_369 : i32
      %mul3A_371 = arith.constant 3200 : i32
      %mul3A_372 = arith.muli %add3A_370, %mul3A_371 : i32
      "tpu.region"() ({
        %run_scoped3A = tpu.sem_alloc : memref<!tpu.dma_semaphore, #tpu.memory_space<semaphore_mem>>
        %dma_start3A = tpu.memref_slice %arg2[%mul3A_372] : memref<2000000xi32, #tpu.memory_space<hbm>> -> memref<3200xi32, #tpu.memory_space<hbm>>
        %dma_start3A_379 = tpu.memref_slice %arg2[%mul3A_372] : memref<2000000xi32, #tpu.memory_space<hbm>> -> memref<3200xi32, #tpu.memory_space<hbm>>
        tpu.enqueue_dma source(%dma_start3A_379 : memref<3200xi32, #tpu.memory_space<hbm>>) target(%arg9 : memref<3200xi32, #tpu.memory_space<vmem>>) target_semaphore(%run_scoped3A : memref<!tpu.dma_semaphore, #tpu.memory_space<semaphore_mem>>)
        %dma_wait3A = tpu.memref_slice %arg2[%mul3A_372] : memref<2000000xi32, #tpu.memory_space<hbm>> -> memref<3200xi32, #tpu.memory_space<hbm>>
        %dma_wait3A_380 = tpu.memref_slice %arg2[%mul3A_372] : memref<2000000xi32, #tpu.memory_space<hbm>> -> memref<3200xi32, #tpu.memory_space<hbm>>
        tpu.wait_dma2 semaphore(%run_scoped3A : memref<!tpu.dma_semaphore, #tpu.memory_space<semaphore_mem>>) src(%dma_wait3A_380 : memref<3200xi32, #tpu.memory_space<hbm>>) dst(%arg9 : memref<3200xi32, #tpu.memory_space<vmem>>)
        tpu.yield
      }) : () -> ()
      %add3A_373 = arith.constant 0 : i32
      %add3A_374 = arith.addi %add3A_373, %mul3A_372 : i32
      "tpu.region"() ({
        %run_scoped3A = tpu.sem_alloc : memref<!tpu.dma_semaphore, #tpu.memory_space<semaphore_mem>>
        %dma_start3A = tpu.memref_slice %arg3[%add3A_374] : memref<8000000xf32, #tpu.memory_space<hbm>> -> memref<3200xf32, #tpu.memory_space<hbm>>
        %dma_start3A_379 = tpu.memref_slice %arg3[%add3A_374] : memref<8000000xf32, #tpu.memory_space<hbm>> -> memref<3200xf32, #tpu.memory_space<hbm>>
        tpu.enqueue_dma source(%dma_start3A_379 : memref<3200xf32, #tpu.memory_space<hbm>>) target(%arg10 : memref<3200xf32, #tpu.memory_space<vmem>>) target_semaphore(%run_scoped3A : memref<!tpu.dma_semaphore, #tpu.memory_space<semaphore_mem>>)
        %dma_wait3A = tpu.memref_slice %arg3[%add3A_374] : memref<8000000xf32, #tpu.memory_space<hbm>> -> memref<3200xf32, #tpu.memory_space<hbm>>
        %dma_wait3A_380 = tpu.memref_slice %arg3[%add3A_374] : memref<8000000xf32, #tpu.memory_space<hbm>> -> memref<3200xf32, #tpu.memory_space<hbm>>
        tpu.wait_dma2 semaphore(%run_scoped3A : memref<!tpu.dma_semaphore, #tpu.memory_space<semaphore_mem>>) src(%dma_wait3A_380 : memref<3200xf32, #tpu.memory_space<hbm>>) dst(%arg10 : memref<3200xf32, #tpu.memory_space<vmem>>)
        tpu.yield
      }) : () -> ()
      "tpu.region"() ({
        %run_scoped3A = tpu.sem_alloc : memref<!tpu.dma_semaphore, #tpu.memory_space<semaphore_mem>>
        %dma_start3A = tpu.memref_slice %arg4[%mul3A_372] : memref<2000000xf32, #tpu.memory_space<hbm>> -> memref<3200xf32, #tpu.memory_space<hbm>>
        %dma_start3A_379 = tpu.memref_slice %arg4[%mul3A_372] : memref<2000000xf32, #tpu.memory_space<hbm>> -> memref<3200xf32, #tpu.memory_space<hbm>>
        tpu.enqueue_dma source(%dma_start3A_379 : memref<3200xf32, #tpu.memory_space<hbm>>) target(%arg11 : memref<3200xf32, #tpu.memory_space<vmem>>) target_semaphore(%run_scoped3A : memref<!tpu.dma_semaphore, #tpu.memory_space<semaphore_mem>>)
        %dma_wait3A = tpu.memref_slice %arg4[%mul3A_372] : memref<2000000xf32, #tpu.memory_space<hbm>> -> memref<3200xf32, #tpu.memory_space<hbm>>
        %dma_wait3A_380 = tpu.memref_slice %arg4[%mul3A_372] : memref<2000000xf32, #tpu.memory_space<hbm>> -> memref<3200xf32, #tpu.memory_space<hbm>>
        tpu.wait_dma2 semaphore(%run_scoped3A : memref<!tpu.dma_semaphore, #tpu.memory_space<semaphore_mem>>) src(%dma_wait3A_380 : memref<3200xf32, #tpu.memory_space<hbm>>) dst(%arg11 : memref<3200xf32, #tpu.memory_space<vmem>>)
        tpu.yield
      }) : () -> ()
      "tpu.region"() ({
        %run_scoped3A = tpu.sem_alloc : memref<!tpu.dma_semaphore, #tpu.memory_space<semaphore_mem>>
        %dma_start3A = tpu.memref_slice %arg5[%mul3A_372] : memref<2000000xf32, #tpu.memory_space<hbm>> -> memref<3200xf32, #tpu.memory_space<hbm>>
        %dma_start3A_379 = tpu.memref_slice %arg5[%mul3A_372] : memref<2000000xf32, #tpu.memory_space<hbm>> -> memref<3200xf32, #tpu.memory_space<hbm>>
        tpu.enqueue_dma source(%dma_start3A_379 : memref<3200xf32, #tpu.memory_space<hbm>>) target(%arg12 : memref<3200xf32, #tpu.memory_space<vmem>>) target_semaphore(%run_scoped3A : memref<!tpu.dma_semaphore, #tpu.memory_space<semaphore_mem>>)
        %dma_wait3A = tpu.memref_slice %arg5[%mul3A_372] : memref<2000000xf32, #tpu.memory_space<hbm>> -> memref<3200xf32, #tpu.memory_space<hbm>>
        %dma_wait3A_380 = tpu.memref_slice %arg5[%mul3A_372] : memref<2000000xf32, #tpu.memory_space<hbm>> -> memref<3200xf32, #tpu.memory_space<hbm>>
        tpu.wait_dma2 semaphore(%run_scoped3A : memref<!tpu.dma_semaphore, #tpu.memory_space<semaphore_mem>>) src(%dma_wait3A_380 : memref<3200xf32, #tpu.memory_space<hbm>>) dst(%arg12 : memref<3200xf32, #tpu.memory_space<vmem>>)
        tpu.yield
      }) : () -> ()
      %scan3A = arith.constant 0 : i32
      %scan3A_375 = arith.constant 200 : i32
      %scan3A_376 = arith.addi %scan3A, %scan3A_375 : i32
      %scan3A_377 = arith.constant 1 : i32
      scf.for %scan3A_379 = %scan3A to %scan3A_376 step %scan3A_377  : i32 {
        %mul3A_380 = arith.constant 1 : i32
        %mul3A_381 = arith.muli %scan3A_379, %mul3A_380 : i32
        %add3A_382 = arith.constant 0 : i32
        %add3A_383 = arith.addi %add3A_382, %mul3A_381 : i32
        %mul3A_384 = arith.constant 16 : i32
        %mul3A_385 = arith.muli %add3A_383, %mul3A_384 : i32
        %get3A = arith.index_cast %mul3A_385 : i32 to index
        %get3A_386 = tpu.vector_load %arg9[%get3A] {strides = array<i32>} : memref<3200xi32, #tpu.memory_space<vmem>>, vector<16xi32>,
        %get3A_387 = vector.shape_cast %get3A_386 : vector<16xi32> to vector<16xi32>
        %sub3A_388 = vector.broadcast %mul3A_0 : i32 to vector<16xi32>
        %sub3A_389 = arith.subi %get3A_387, %sub3A_388 : vector<16xi32>
        %ge3A = arith.constant 0 : i32
        %ge3A_390 = vector.broadcast %ge3A : i32 to vector<16xi32>
        %ge3A_391 = arith.cmpi sge, %sub3A_389, %ge3A_390 : vector<16xi32>
        %lt3A = arith.constant 500000 : i32
        %lt3A_392 = vector.broadcast %lt3A : i32 to vector<16xi32>
        %lt3A_393 = arith.cmpi slt, %sub3A_389, %lt3A_392 : vector<16xi32>
        %and3A = arith.andi %ge3A_391, %lt3A_393 : vector<16xi1>
        %gt3A = arith.constant 0 : i32
        %gt3A_394 = vector.broadcast %gt3A : i32 to vector<16xi32>
        %gt3A_395 = arith.cmpi sgt, %sub3A_389, %gt3A_394 : vector<16xi32>
        %jit3A = arith.constant 0 : i32
        %broadcast_in_dim3A = vector.broadcast %jit3A : i32 to vector<16xi32>
        %select_n3A = arith.select %gt3A_395, %sub3A_389, %broadcast_in_dim3A : vector<16xi1>, vector<16xi32>
        %lt3A_396 = arith.constant 499999 : i32
        %lt3A_397 = vector.broadcast %lt3A_396 : i32 to vector<16xi32>
        %lt3A_398 = arith.cmpi slt, %select_n3A, %lt3A_397 : vector<16xi32>
        %jit3A_399 = arith.constant 499999 : i32
        %broadcast_in_dim3A_400 = vector.broadcast %jit3A_399 : i32 to vector<16xi32>
        %select_n3A_401 = arith.select %lt3A_398, %select_n3A, %broadcast_in_dim3A_400 : vector<16xi1>, vector<16xi32>
        %get3A_402 = arith.index_cast %mul3A_385 : i32 to index
        %get3A_403 = tpu.vector_load %arg10[%get3A_402] {strides = array<i32>} : memref<3200xf32, #tpu.memory_space<vmem>>, vector<16xf32>,
        %get3A_404 = vector.shape_cast %get3A_403 : vector<16xf32> to vector<16xf32>
        %jit3A_405 = arith.constant 0.000000e+00 : f32
        %broadcast_in_dim3A_406 = vector.broadcast %jit3A_405 : f32 to vector<16xf32>
        %select_n3A_407 = arith.select %and3A, %get3A_404, %broadcast_in_dim3A_406 : vector<16xi1>, vector<16xf32>
        %swap3A = arith.index_cast %mul3A_385 : i32 to index
        %swap3A_408 = tpu.vector_load %arg14[%swap3A] {strides = array<i32>} : memref<9600xi32, #tpu.memory_space<vmem>>, vector<16xi32>,
        %swap3A_409 = vector.shape_cast %swap3A_408 : vector<16xi32> to vector<16xi32>
        %swap3A_410 = vector.shape_cast %select_n3A_401 : vector<16xi32> to vector<16xi32>
        tpu.vector_store %arg14[%swap3A], %swap3A_410 {strides = array<i32>} : memref<9600xi32, #tpu.memory_space<vmem>>, vector<16xi32>,
        %add3A_411 = arith.constant 500000 : i32
        %add3A_412 = vector.broadcast %add3A_411 : i32 to vector<16xi32>
        %add3A_413 = arith.addi %select_n3A_401, %add3A_412 : vector<16xi32>
        %add3A_414 = arith.constant 3200 : i32
        %add3A_415 = arith.addi %add3A_414, %mul3A_385 : i32
        %swap3A_416 = arith.index_cast %add3A_415 : i32 to index
        %swap3A_417 = tpu.vector_load %arg14[%swap3A_416] {strides = array<i32>} : memref<9600xi32, #tpu.memory_space<vmem>>, vector<16xi32>,
        %swap3A_418 = vector.shape_cast %swap3A_417 : vector<16xi32> to vector<16xi32>
        %swap3A_419 = vector.shape_cast %add3A_413 : vector<16xi32> to vector<16xi32>
        tpu.vector_store %arg14[%swap3A_416], %swap3A_419 {strides = array<i32>} : memref<9600xi32, #tpu.memory_space<vmem>>, vector<16xi32>,
        %add3A_420 = arith.constant 1000000 : i32
        %add3A_421 = vector.broadcast %add3A_420 : i32 to vector<16xi32>
        %add3A_422 = arith.addi %select_n3A_401, %add3A_421 : vector<16xi32>
        %add3A_423 = arith.constant 6400 : i32
        %add3A_424 = arith.addi %add3A_423, %mul3A_385 : i32
        %swap3A_425 = arith.index_cast %add3A_424 : i32 to index
        %swap3A_426 = tpu.vector_load %arg14[%swap3A_425] {strides = array<i32>} : memref<9600xi32, #tpu.memory_space<vmem>>, vector<16xi32>,
        %swap3A_427 = vector.shape_cast %swap3A_426 : vector<16xi32> to vector<16xi32>
        %swap3A_428 = vector.shape_cast %add3A_422 : vector<16xi32> to vector<16xi32>
        tpu.vector_store %arg14[%swap3A_425], %swap3A_428 {strides = array<i32>} : memref<9600xi32, #tpu.memory_space<vmem>>, vector<16xi32>,
        %swap3A_429 = arith.index_cast %mul3A_385 : i32 to index
        %swap3A_430 = tpu.vector_load %arg13[%swap3A_429] {strides = array<i32>} : memref<9600xf32, #tpu.memory_space<vmem>>, vector<16xf32>,
        %swap3A_431 = vector.shape_cast %swap3A_430 : vector<16xf32> to vector<16xf32>
        %swap3A_432 = vector.shape_cast %select_n3A_407 : vector<16xf32> to vector<16xf32>
        tpu.vector_store %arg13[%swap3A_429], %swap3A_432 {strides = array<i32>} : memref<9600xf32, #tpu.memory_space<vmem>>, vector<16xf32>,
        %get3A_433 = arith.index_cast %mul3A_385 : i32 to index
        %get3A_434 = tpu.vector_load %arg11[%get3A_433] {strides = array<i32>} : memref<3200xf32, #tpu.memory_space<vmem>>, vector<16xf32>,
        %get3A_435 = vector.shape_cast %get3A_434 : vector<16xf32> to vector<16xf32>
        %mul3A_436 = arith.mulf %select_n3A_407, %get3A_435 : vector<16xf32>
        %add3A_437 = arith.constant 3200 : i32
        %add3A_438 = arith.addi %add3A_437, %mul3A_385 : i32
        %swap3A_439 = arith.index_cast %add3A_438 : i32 to index
        %swap3A_440 = tpu.vector_load %arg13[%swap3A_439] {strides = array<i32>} : memref<9600xf32, #tpu.memory_space<vmem>>, vector<16xf32>,
        %swap3A_441 = vector.shape_cast %swap3A_440 : vector<16xf32> to vector<16xf32>
        %swap3A_442 = vector.shape_cast %mul3A_436 : vector<16xf32> to vector<16xf32>
        tpu.vector_store %arg13[%swap3A_439], %swap3A_442 {strides = array<i32>} : memref<9600xf32, #tpu.memory_space<vmem>>, vector<16xf32>,
        %get3A_443 = arith.index_cast %mul3A_385 : i32 to index
        %get3A_444 = tpu.vector_load %arg12[%get3A_443] {strides = array<i32>} : memref<3200xf32, #tpu.memory_space<vmem>>, vector<16xf32>,
        %get3A_445 = vector.shape_cast %get3A_444 : vector<16xf32> to vector<16xf32>
        %mul3A_446 = arith.mulf %select_n3A_407, %get3A_445 : vector<16xf32>
        %add3A_447 = arith.constant 6400 : i32
        %add3A_448 = arith.addi %add3A_447, %mul3A_385 : i32
        %swap3A_449 = arith.index_cast %add3A_448 : i32 to index
        %swap3A_450 = tpu.vector_load %arg13[%swap3A_449] {strides = array<i32>} : memref<9600xf32, #tpu.memory_space<vmem>>, vector<16xf32>,
        %swap3A_451 = vector.shape_cast %swap3A_450 : vector<16xf32> to vector<16xf32>
        %swap3A_452 = vector.shape_cast %mul3A_446 : vector<16xf32> to vector<16xf32>
        tpu.vector_store %arg13[%swap3A_449], %swap3A_452 {strides = array<i32>} : memref<9600xf32, #tpu.memory_space<vmem>>, vector<16xf32>,
      }
      %scan3A_378 = arith.constant 200 : i32
      "tpu.region"() ({
        %run_scoped3A = tpu.sem_alloc : memref<!tpu.dma_semaphore, #tpu.memory_space<semaphore_mem>>
        %dma_start3A = arith.constant 0 : i32
        %dma_start3A_379 = tpu.memref_slice %arg8[%dma_start3A] : memref<1500000xf32, #tpu.memory_space<vmem_shared>> -> memref<1500000xf32, #tpu.memory_space<vmem_shared>>
        tpu.enqueue_indirect_dma source(%arg13 : memref<9600xf32, #tpu.memory_space<vmem>>) target(%dma_start3A_379 : memref<1500000xf32, #tpu.memory_space<vmem_shared>>) offsets(%arg14 : memref<9600xi32, #tpu.memory_space<vmem>>) semaphore(%run_scoped3A : memref<!tpu.dma_semaphore, #tpu.memory_space<semaphore_mem>>) {add = true}
        %dma_wait3A = arith.constant 0 : i32
        %dma_wait3A_380 = tpu.memref_slice %arg8[%dma_wait3A] : memref<1500000xf32, #tpu.memory_space<vmem_shared>> -> memref<1500000xf32, #tpu.memory_space<vmem_shared>>
        tpu.wait_indirect_dma semaphore(%run_scoped3A : memref<!tpu.dma_semaphore, #tpu.memory_space<semaphore_mem>>) src(%arg13 : memref<9600xf32, #tpu.memory_space<vmem>>) dst(%dma_wait3A_380 : memref<1500000xf32, #tpu.memory_space<vmem_shared>>)
        tpu.yield
      }) : () -> ()
    }
    %while3A_32 = arith.constant 1 : i32
    scf.for %while3A_368 = %while3A_30 to %while3A_26 step %while3A_32  : i32 {
      %mul3A_369 = arith.muli %while3A_368, %while3A_23 : i32
      %add3A_370 = arith.addi %arg1, %mul3A_369 : i32
      %mul3A_371 = arith.constant 3200 : i32
      %mul3A_372 = arith.muli %add3A_370, %mul3A_371 : i32
      "tpu.region"() ({
        %run_scoped3A = tpu.sem_alloc : memref<!tpu.dma_semaphore, #tpu.memory_space<semaphore_mem>>
        %dma_start3A = tpu.memref_slice %arg2[%mul3A_372] : memref<2000000xi32, #tpu.memory_space<hbm>> -> memref<3200xi32, #tpu.memory_space<hbm>>
        %dma_start3A_379 = tpu.memref_slice %arg2[%mul3A_372] : memref<2000000xi32, #tpu.memory_space<hbm>> -> memref<3200xi32, #tpu.memory_space<hbm>>
        tpu.enqueue_dma source(%dma_start3A_379 : memref<3200xi32, #tpu.memory_space<hbm>>) target(%arg9 : memref<3200xi32, #tpu.memory_space<vmem>>) target_semaphore(%run_scoped3A : memref<!tpu.dma_semaphore, #tpu.memory_space<semaphore_mem>>)
        %dma_wait3A = tpu.memref_slice %arg2[%mul3A_372] : memref<2000000xi32, #tpu.memory_space<hbm>> -> memref<3200xi32, #tpu.memory_space<hbm>>
        %dma_wait3A_380 = tpu.memref_slice %arg2[%mul3A_372] : memref<2000000xi32, #tpu.memory_space<hbm>> -> memref<3200xi32, #tpu.memory_space<hbm>>
        tpu.wait_dma2 semaphore(%run_scoped3A : memref<!tpu.dma_semaphore, #tpu.memory_space<semaphore_mem>>) src(%dma_wait3A_380 : memref<3200xi32, #tpu.memory_space<hbm>>) dst(%arg9 : memref<3200xi32, #tpu.memory_space<vmem>>)
        tpu.yield
      }) : () -> ()
      %add3A_373 = arith.constant 0 : i32
      %add3A_374 = arith.addi %add3A_373, %mul3A_372 : i32
      "tpu.region"() ({
        %run_scoped3A = tpu.sem_alloc : memref<!tpu.dma_semaphore, #tpu.memory_space<semaphore_mem>>
        %dma_start3A = tpu.memref_slice %arg3[%add3A_374] : memref<8000000xf32, #tpu.memory_space<hbm>> -> memref<3200xf32, #tpu.memory_space<hbm>>
        %dma_start3A_379 = tpu.memref_slice %arg3[%add3A_374] : memref<8000000xf32, #tpu.memory_space<hbm>> -> memref<3200xf32, #tpu.memory_space<hbm>>
        tpu.enqueue_dma source(%dma_start3A_379 : memref<3200xf32, #tpu.memory_space<hbm>>) target(%arg10 : memref<3200xf32, #tpu.memory_space<vmem>>) target_semaphore(%run_scoped3A : memref<!tpu.dma_semaphore, #tpu.memory_space<semaphore_mem>>)
        %dma_wait3A = tpu.memref_slice %arg3[%add3A_374] : memref<8000000xf32, #tpu.memory_space<hbm>> -> memref<3200xf32, #tpu.memory_space<hbm>>
        %dma_wait3A_380 = tpu.memref_slice %arg3[%add3A_374] : memref<8000000xf32, #tpu.memory_space<hbm>> -> memref<3200xf32, #tpu.memory_space<hbm>>
        tpu.wait_dma2 semaphore(%run_scoped3A : memref<!tpu.dma_semaphore, #tpu.memory_space<semaphore_mem>>) src(%dma_wait3A_380 : memref<3200xf32, #tpu.memory_space<hbm>>) dst(%arg10 : memref<3200xf32, #tpu.memory_space<vmem>>)
        tpu.yield
      }) : () -> ()
      "tpu.region"() ({
        %run_scoped3A = tpu.sem_alloc : memref<!tpu.dma_semaphore, #tpu.memory_space<semaphore_mem>>
        %dma_start3A = tpu.memref_slice %arg4[%mul3A_372] : memref<2000000xf32, #tpu.memory_space<hbm>> -> memref<3200xf32, #tpu.memory_space<hbm>>
        %dma_start3A_379 = tpu.memref_slice %arg4[%mul3A_372] : memref<2000000xf32, #tpu.memory_space<hbm>> -> memref<3200xf32, #tpu.memory_space<hbm>>
        tpu.enqueue_dma source(%dma_start3A_379 : memref<3200xf32, #tpu.memory_space<hbm>>) target(%arg11 : memref<3200xf32, #tpu.memory_space<vmem>>) target_semaphore(%run_scoped3A : memref<!tpu.dma_semaphore, #tpu.memory_space<semaphore_mem>>)
        %dma_wait3A = tpu.memref_slice %arg4[%mul3A_372] : memref<2000000xf32, #tpu.memory_space<hbm>> -> memref<3200xf32, #tpu.memory_space<hbm>>
        %dma_wait3A_380 = tpu.memref_slice %arg4[%mul3A_372] : memref<2000000xf32, #tpu.memory_space<hbm>> -> memref<3200xf32, #tpu.memory_space<hbm>>
        tpu.wait_dma2 semaphore(%run_scoped3A : memref<!tpu.dma_semaphore, #tpu.memory_space<semaphore_mem>>) src(%dma_wait3A_380 : memref<3200xf32, #tpu.memory_space<hbm>>) dst(%arg11 : memref<3200xf32, #tpu.memory_space<vmem>>)
        tpu.yield
      }) : () -> ()
      "tpu.region"() ({
        %run_scoped3A = tpu.sem_alloc : memref<!tpu.dma_semaphore, #tpu.memory_space<semaphore_mem>>
        %dma_start3A = tpu.memref_slice %arg5[%mul3A_372] : memref<2000000xf32, #tpu.memory_space<hbm>> -> memref<3200xf32, #tpu.memory_space<hbm>>
        %dma_start3A_379 = tpu.memref_slice %arg5[%mul3A_372] : memref<2000000xf32, #tpu.memory_space<hbm>> -> memref<3200xf32, #tpu.memory_space<hbm>>
        tpu.enqueue_dma source(%dma_start3A_379 : memref<3200xf32, #tpu.memory_space<hbm>>) target(%arg12 : memref<3200xf32, #tpu.memory_space<vmem>>) target_semaphore(%run_scoped3A : memref<!tpu.dma_semaphore, #tpu.memory_space<semaphore_mem>>)
        %dma_wait3A = tpu.memref_slice %arg5[%mul3A_372] : memref<2000000xf32, #tpu.memory_space<hbm>> -> memref<3200xf32, #tpu.memory_space<hbm>>
        %dma_wait3A_380 = tpu.memref_slice %arg5[%mul3A_372] : memref<2000000xf32, #tpu.memory_space<hbm>> -> memref<3200xf32, #tpu.memory_space<hbm>>
        tpu.wait_dma2 semaphore(%run_scoped3A : memref<!tpu.dma_semaphore, #tpu.memory_space<semaphore_mem>>) src(%dma_wait3A_380 : memref<3200xf32, #tpu.memory_space<hbm>>) dst(%arg12 : memref<3200xf32, #tpu.memory_space<vmem>>)
        tpu.yield
      }) : () -> ()
      %scan3A = arith.constant 0 : i32
      %scan3A_375 = arith.constant 200 : i32
      %scan3A_376 = arith.addi %scan3A, %scan3A_375 : i32
      %scan3A_377 = arith.constant 1 : i32
      scf.for %scan3A_379 = %scan3A to %scan3A_376 step %scan3A_377  : i32 {
        %mul3A_380 = arith.constant 1 : i32
        %mul3A_381 = arith.muli %scan3A_379, %mul3A_380 : i32
        %add3A_382 = arith.constant 0 : i32
        %add3A_383 = arith.addi %add3A_382, %mul3A_381 : i32
        %mul3A_384 = arith.constant 16 : i32
        %mul3A_385 = arith.muli %add3A_383, %mul3A_384 : i32
        %get3A = arith.index_cast %mul3A_385 : i32 to index
        %get3A_386 = tpu.vector_load %arg9[%get3A] {strides = array<i32>} : memref<3200xi32, #tpu.memory_space<vmem>>, vector<16xi32>,
        %get3A_387 = vector.shape_cast %get3A_386 : vector<16xi32> to vector<16xi32>
        %sub3A_388 = vector.broadcast %mul3A_0 : i32 to vector<16xi32>
        %sub3A_389 = arith.subi %get3A_387, %sub3A_388 : vector<16xi32>
        %ge3A = arith.constant 0 : i32
        %ge3A_390 = vector.broadcast %ge3A : i32 to vector<16xi32>
        %ge3A_391 = arith.cmpi sge, %sub3A_389, %ge3A_390 : vector<16xi32>
        %lt3A = arith.constant 500000 : i32
        %lt3A_392 = vector.broadcast %lt3A : i32 to vector<16xi32>
        %lt3A_393 = arith.cmpi slt, %sub3A_389, %lt3A_392 : vector<16xi32>
        %and3A = arith.andi %ge3A_391, %lt3A_393 : vector<16xi1>
        %gt3A = arith.constant 0 : i32
        %gt3A_394 = vector.broadcast %gt3A : i32 to vector<16xi32>
        %gt3A_395 = arith.cmpi sgt, %sub3A_389, %gt3A_394 : vector<16xi32>
        %jit3A = arith.constant 0 : i32
        %broadcast_in_dim3A = vector.broadcast %jit3A : i32 to vector<16xi32>
        %select_n3A = arith.select %gt3A_395, %sub3A_389, %broadcast_in_dim3A : vector<16xi1>, vector<16xi32>
        %lt3A_396 = arith.constant 499999 : i32
        %lt3A_397 = vector.broadcast %lt3A_396 : i32 to vector<16xi32>
        %lt3A_398 = arith.cmpi slt, %select_n3A, %lt3A_397 : vector<16xi32>
        %jit3A_399 = arith.constant 499999 : i32
        %broadcast_in_dim3A_400 = vector.broadcast %jit3A_399 : i32 to vector<16xi32>
        %select_n3A_401 = arith.select %lt3A_398, %select_n3A, %broadcast_in_dim3A_400 : vector<16xi1>, vector<16xi32>
        %get3A_402 = arith.index_cast %mul3A_385 : i32 to index
        %get3A_403 = tpu.vector_load %arg10[%get3A_402] {strides = array<i32>} : memref<3200xf32, #tpu.memory_space<vmem>>, vector<16xf32>,
        %get3A_404 = vector.shape_cast %get3A_403 : vector<16xf32> to vector<16xf32>
        %jit3A_405 = arith.constant 0.000000e+00 : f32
        %broadcast_in_dim3A_406 = vector.broadcast %jit3A_405 : f32 to vector<16xf32>
        %select_n3A_407 = arith.select %and3A, %get3A_404, %broadcast_in_dim3A_406 : vector<16xi1>, vector<16xf32>
        %swap3A = arith.index_cast %mul3A_385 : i32 to index
        %swap3A_408 = tpu.vector_load %arg14[%swap3A] {strides = array<i32>} : memref<9600xi32, #tpu.memory_space<vmem>>, vector<16xi32>,
        %swap3A_409 = vector.shape_cast %swap3A_408 : vector<16xi32> to vector<16xi32>
        %swap3A_410 = vector.shape_cast %select_n3A_401 : vector<16xi32> to vector<16xi32>
        tpu.vector_store %arg14[%swap3A], %swap3A_410 {strides = array<i32>} : memref<9600xi32, #tpu.memory_space<vmem>>, vector<16xi32>,
        %add3A_411 = arith.constant 500000 : i32
        %add3A_412 = vector.broadcast %add3A_411 : i32 to vector<16xi32>
        %add3A_413 = arith.addi %select_n3A_401, %add3A_412 : vector<16xi32>
        %add3A_414 = arith.constant 3200 : i32
        %add3A_415 = arith.addi %add3A_414, %mul3A_385 : i32
        %swap3A_416 = arith.index_cast %add3A_415 : i32 to index
        %swap3A_417 = tpu.vector_load %arg14[%swap3A_416] {strides = array<i32>} : memref<9600xi32, #tpu.memory_space<vmem>>, vector<16xi32>,
        %swap3A_418 = vector.shape_cast %swap3A_417 : vector<16xi32> to vector<16xi32>
        %swap3A_419 = vector.shape_cast %add3A_413 : vector<16xi32> to vector<16xi32>
        tpu.vector_store %arg14[%swap3A_416], %swap3A_419 {strides = array<i32>} : memref<9600xi32, #tpu.memory_space<vmem>>, vector<16xi32>,
        %add3A_420 = arith.constant 1000000 : i32
        %add3A_421 = vector.broadcast %add3A_420 : i32 to vector<16xi32>
        %add3A_422 = arith.addi %select_n3A_401, %add3A_421 : vector<16xi32>
        %add3A_423 = arith.constant 6400 : i32
        %add3A_424 = arith.addi %add3A_423, %mul3A_385 : i32
        %swap3A_425 = arith.index_cast %add3A_424 : i32 to index
        %swap3A_426 = tpu.vector_load %arg14[%swap3A_425] {strides = array<i32>} : memref<9600xi32, #tpu.memory_space<vmem>>, vector<16xi32>,
        %swap3A_427 = vector.shape_cast %swap3A_426 : vector<16xi32> to vector<16xi32>
        %swap3A_428 = vector.shape_cast %add3A_422 : vector<16xi32> to vector<16xi32>
        tpu.vector_store %arg14[%swap3A_425], %swap3A_428 {strides = array<i32>} : memref<9600xi32, #tpu.memory_space<vmem>>, vector<16xi32>,
        %swap3A_429 = arith.index_cast %mul3A_385 : i32 to index
        %swap3A_430 = tpu.vector_load %arg13[%swap3A_429] {strides = array<i32>} : memref<9600xf32, #tpu.memory_space<vmem>>, vector<16xf32>,
        %swap3A_431 = vector.shape_cast %swap3A_430 : vector<16xf32> to vector<16xf32>
        %swap3A_432 = vector.shape_cast %select_n3A_407 : vector<16xf32> to vector<16xf32>
        tpu.vector_store %arg13[%swap3A_429], %swap3A_432 {strides = array<i32>} : memref<9600xf32, #tpu.memory_space<vmem>>, vector<16xf32>,
        %get3A_433 = arith.index_cast %mul3A_385 : i32 to index
        %get3A_434 = tpu.vector_load %arg11[%get3A_433] {strides = array<i32>} : memref<3200xf32, #tpu.memory_space<vmem>>, vector<16xf32>,
        %get3A_435 = vector.shape_cast %get3A_434 : vector<16xf32> to vector<16xf32>
        %mul3A_436 = arith.mulf %select_n3A_407, %get3A_435 : vector<16xf32>
        %add3A_437 = arith.constant 3200 : i32
        %add3A_438 = arith.addi %add3A_437, %mul3A_385 : i32
        %swap3A_439 = arith.index_cast %add3A_438 : i32 to index
        %swap3A_440 = tpu.vector_load %arg13[%swap3A_439] {strides = array<i32>} : memref<9600xf32, #tpu.memory_space<vmem>>, vector<16xf32>,
        %swap3A_441 = vector.shape_cast %swap3A_440 : vector<16xf32> to vector<16xf32>
        %swap3A_442 = vector.shape_cast %mul3A_436 : vector<16xf32> to vector<16xf32>
        tpu.vector_store %arg13[%swap3A_439], %swap3A_442 {strides = array<i32>} : memref<9600xf32, #tpu.memory_space<vmem>>, vector<16xf32>,
        %get3A_443 = arith.index_cast %mul3A_385 : i32 to index
        %get3A_444 = tpu.vector_load %arg12[%get3A_443] {strides = array<i32>} : memref<3200xf32, #tpu.memory_space<vmem>>, vector<16xf32>,
        %get3A_445 = vector.shape_cast %get3A_444 : vector<16xf32> to vector<16xf32>
        %mul3A_446 = arith.mulf %select_n3A_407, %get3A_445 : vector<16xf32>
        %add3A_447 = arith.constant 6400 : i32
        %add3A_448 = arith.addi %add3A_447, %mul3A_385 : i32
        %swap3A_449 = arith.index_cast %add3A_448 : i32 to index
        %swap3A_450 = tpu.vector_load %arg13[%swap3A_449] {strides = array<i32>} : memref<9600xf32, #tpu.memory_space<vmem>>, vector<16xf32>,
        %swap3A_451 = vector.shape_cast %swap3A_450 : vector<16xf32> to vector<16xf32>
        %swap3A_452 = vector.shape_cast %mul3A_446 : vector<16xf32> to vector<16xf32>
        tpu.vector_store %arg13[%swap3A_449], %swap3A_452 {strides = array<i32>} : memref<9600xf32, #tpu.memory_space<vmem>>, vector<16xf32>,
      }
      %scan3A_378 = arith.constant 200 : i32
      "tpu.region"() ({
        %run_scoped3A = tpu.sem_alloc : memref<!tpu.dma_semaphore, #tpu.memory_space<semaphore_mem>>
        %dma_start3A = arith.constant 0 : i32
        %dma_start3A_379 = tpu.memref_slice %arg8[%dma_start3A] : memref<1500000xf32, #tpu.memory_space<vmem_shared>> -> memref<1500000xf32, #tpu.memory_space<vmem_shared>>
        tpu.enqueue_indirect_dma source(%arg13 : memref<9600xf32, #tpu.memory_space<vmem>>) target(%dma_start3A_379 : memref<1500000xf32, #tpu.memory_space<vmem_shared>>) offsets(%arg14 : memref<9600xi32, #tpu.memory_space<vmem>>) semaphore(%run_scoped3A : memref<!tpu.dma_semaphore, #tpu.memory_space<semaphore_mem>>) {add = true}
        %dma_wait3A = arith.constant 0 : i32
        %dma_wait3A_380 = tpu.memref_slice %arg8[%dma_wait3A] : memref<1500000xf32, #tpu.memory_space<vmem_shared>> -> memref<1500000xf32, #tpu.memory_space<vmem_shared>>
        tpu.wait_indirect_dma semaphore(%run_scoped3A : memref<!tpu.dma_semaphore, #tpu.memory_space<semaphore_mem>>) src(%arg13 : memref<9600xf32, #tpu.memory_space<vmem>>) dst(%dma_wait3A_380 : memref<1500000xf32, #tpu.memory_space<vmem_shared>>)
        tpu.yield
      }) : () -> ()
    }
    %barrier3A_33 = arith.constant 0 : index
    tpu.barrier barrier_id(%barrier3A_33)
    %sub3A_34 = arith.constant 125 : i32
    %sub3A_35 = arith.subi %sub3A_34, %arg1 : i32
    %sub3A_36 = arith.constant 16 : i32
    %sub3A_37 = arith.constant 1 : i32
    %sub3A_38 = arith.subi %sub3A_36, %sub3A_37 : i32
    %add3A_39 = arith.addi %sub3A_35, %sub3A_38 : i32
    %div3A_40 = arith.constant 16 : i32
    %div3A_41 = arith.divsi %add3A_39, %div3A_40 : i32
    %while3A_42 = arith.constant 16 : i32
    %while3A_43 = arith.constant 0 : i32
    %while3A_44 = arith.subi %div3A_41, %while3A_43 : i32
    %while3A_45 = arith.addi %while3A_43, %while3A_44 : i32
    %while3A_46 = arith.constant 1 : i32
    %while3A_47 = arith.divsi %while3A_44, %while3A_46 : i32
    %while3A_48 = arith.muli %while3A_47, %while3A_46 : i32
    %while3A_49 = arith.addi %while3A_43, %while3A_48 : i32
    %while3A_50 = arith.constant 1 : i32
    scf.for %while3A_368 = %while3A_43 to %while3A_49 step %while3A_50  : i32 {
      %mul3A_369 = arith.muli %while3A_368, %while3A_42 : i32
      %add3A_370 = arith.addi %arg1, %mul3A_369 : i32
      %mul3A_371 = arith.constant 4000 : i32
      %mul3A_372 = arith.muli %add3A_370, %mul3A_371 : i32
      %add3A_373 = arith.constant 0 : i32
      %add3A_374 = arith.addi %add3A_373, %mul3A_372 : i32
      "tpu.region"() ({
        %run_scoped3A = tpu.sem_alloc : memref<!tpu.dma_semaphore, #tpu.memory_space<semaphore_mem>>
        %dma_start3A = tpu.memref_slice %arg8[%add3A_374] : memref<1500000xf32, #tpu.memory_space<vmem_shared>> -> memref<4000xf32, #tpu.memory_space<vmem_shared>>
        %dma_start3A_380 = tpu.memref_slice %arg8[%add3A_374] : memref<1500000xf32, #tpu.memory_space<vmem_shared>> -> memref<4000xf32, #tpu.memory_space<vmem_shared>>
        tpu.enqueue_dma source(%dma_start3A_380 : memref<4000xf32, #tpu.memory_space<vmem_shared>>) target(%arg15 : memref<4000xf32, #tpu.memory_space<vmem>>) target_semaphore(%run_scoped3A : memref<!tpu.dma_semaphore, #tpu.memory_space<semaphore_mem>>)
        %dma_wait3A = tpu.memref_slice %arg8[%add3A_374] : memref<1500000xf32, #tpu.memory_space<vmem_shared>> -> memref<4000xf32, #tpu.memory_space<vmem_shared>>
        %dma_wait3A_381 = tpu.memref_slice %arg8[%add3A_374] : memref<1500000xf32, #tpu.memory_space<vmem_shared>> -> memref<4000xf32, #tpu.memory_space<vmem_shared>>
        tpu.wait_dma2 semaphore(%run_scoped3A : memref<!tpu.dma_semaphore, #tpu.memory_space<semaphore_mem>>) src(%dma_wait3A_381 : memref<4000xf32, #tpu.memory_space<vmem_shared>>) dst(%arg15 : memref<4000xf32, #tpu.memory_space<vmem>>)
        tpu.yield
      }) : () -> ()
      %add3A_375 = arith.constant 0 : i32
      %add3A_376 = arith.addi %add3A_375, %mul3A_0 : i32
      %mul3A_377 = arith.constant 4000 : i32
      %mul3A_378 = arith.muli %add3A_370, %mul3A_377 : i32
      %add3A_379 = arith.addi %add3A_376, %mul3A_378 : i32
      "tpu.region"() ({
        %run_scoped3A = tpu.sem_alloc : memref<!tpu.dma_semaphore, #tpu.memory_space<semaphore_mem>>
        %dma_start3A = tpu.memref_slice %arg7[%add3A_379] : memref<12000000xf32, #tpu.memory_space<hbm>> -> memref<4000xf32, #tpu.memory_space<hbm>>
        %dma_start3A_380 = tpu.memref_slice %arg7[%add3A_379] : memref<12000000xf32, #tpu.memory_space<hbm>> -> memref<4000xf32, #tpu.memory_space<hbm>>
        tpu.enqueue_dma source(%arg15 : memref<4000xf32, #tpu.memory_space<vmem>>) target(%dma_start3A_380 : memref<4000xf32, #tpu.memory_space<hbm>>) target_semaphore(%run_scoped3A : memref<!tpu.dma_semaphore, #tpu.memory_space<semaphore_mem>>)
        %dma_wait3A = tpu.memref_slice %arg7[%add3A_379] : memref<12000000xf32, #tpu.memory_space<hbm>> -> memref<4000xf32, #tpu.memory_space<hbm>>
        %dma_wait3A_381 = tpu.memref_slice %arg7[%add3A_379] : memref<12000000xf32, #tpu.memory_space<hbm>> -> memref<4000xf32, #tpu.memory_space<hbm>>
        tpu.wait_dma2 semaphore(%run_scoped3A : memref<!tpu.dma_semaphore, #tpu.memory_space<semaphore_mem>>) src(%arg15 : memref<4000xf32, #tpu.memory_space<vmem>>) dst(%dma_wait3A_381 : memref<4000xf32, #tpu.memory_space<hbm>>)
        tpu.yield
      }) : () -> ()
    }
    %while3A_51 = arith.constant 1 : i32
    scf.for %while3A_368 = %while3A_49 to %while3A_45 step %while3A_51  : i32 {
      %mul3A_369 = arith.muli %while3A_368, %while3A_42 : i32
      %add3A_370 = arith.addi %arg1, %mul3A_369 : i32
      %mul3A_371 = arith.constant 4000 : i32
      %mul3A_372 = arith.muli %add3A_370, %mul3A_371 : i32
      %add3A_373 = arith.constant 0 : i32
      %add3A_374 = arith.addi %add3A_373, %mul3A_372 : i32
      "tpu.region"() ({
        %run_scoped3A = tpu.sem_alloc : memref<!tpu.dma_semaphore, #tpu.memory_space<semaphore_mem>>
        %dma_start3A = tpu.memref_slice %arg8[%add3A_374] : memref<1500000xf32, #tpu.memory_space<vmem_shared>> -> memref<4000xf32, #tpu.memory_space<vmem_shared>>
        %dma_start3A_380 = tpu.memref_slice %arg8[%add3A_374] : memref<1500000xf32, #tpu.memory_space<vmem_shared>> -> memref<4000xf32, #tpu.memory_space<vmem_shared>>
        tpu.enqueue_dma source(%dma_start3A_380 : memref<4000xf32, #tpu.memory_space<vmem_shared>>) target(%arg15 : memref<4000xf32, #tpu.memory_space<vmem>>) target_semaphore(%run_scoped3A : memref<!tpu.dma_semaphore, #tpu.memory_space<semaphore_mem>>)
        %dma_wait3A = tpu.memref_slice %arg8[%add3A_374] : memref<1500000xf32, #tpu.memory_space<vmem_shared>> -> memref<4000xf32, #tpu.memory_space<vmem_shared>>
        %dma_wait3A_381 = tpu.memref_slice %arg8[%add3A_374] : memref<1500000xf32, #tpu.memory_space<vmem_shared>> -> memref<4000xf32, #tpu.memory_space<vmem_shared>>
        tpu.wait_dma2 semaphore(%run_scoped3A : memref<!tpu.dma_semaphore, #tpu.memory_space<semaphore_mem>>) src(%dma_wait3A_381 : memref<4000xf32, #tpu.memory_space<vmem_shared>>) dst(%arg15 : memref<4000xf32, #tpu.memory_space<vmem>>)
        tpu.yield
      }) : () -> ()
      %add3A_375 = arith.constant 0 : i32
      %add3A_376 = arith.addi %add3A_375, %mul3A_0 : i32
      %mul3A_377 = arith.constant 4000 : i32
      %mul3A_378 = arith.muli %add3A_370, %mul3A_377 : i32
      %add3A_379 = arith.addi %add3A_376, %mul3A_378 : i32
      "tpu.region"() ({
        %run_scoped3A = tpu.sem_alloc : memref<!tpu.dma_semaphore, #tpu.memory_space<semaphore_mem>>
        %dma_start3A = tpu.memref_slice %arg7[%add3A_379] : memref<12000000xf32, #tpu.memory_space<hbm>> -> memref<4000xf32, #tpu.memory_space<hbm>>
        %dma_start3A_380 = tpu.memref_slice %arg7[%add3A_379] : memref<12000000xf32, #tpu.memory_space<hbm>> -> memref<4000xf32, #tpu.memory_space<hbm>>
        tpu.enqueue_dma source(%arg15 : memref<4000xf32, #tpu.memory_space<vmem>>) target(%dma_start3A_380 : memref<4000xf32, #tpu.memory_space<hbm>>) target_semaphore(%run_scoped3A : memref<!tpu.dma_semaphore, #tpu.memory_space<semaphore_mem>>)
        %dma_wait3A = tpu.memref_slice %arg7[%add3A_379] : memref<12000000xf32, #tpu.memory_space<hbm>> -> memref<4000xf32, #tpu.memory_space<hbm>>
        %dma_wait3A_381 = tpu.memref_slice %arg7[%add3A_379] : memref<12000000xf32, #tpu.memory_space<hbm>> -> memref<4000xf32, #tpu.memory_space<hbm>>
        tpu.wait_dma2 semaphore(%run_scoped3A : memref<!tpu.dma_semaphore, #tpu.memory_space<semaphore_mem>>) src(%arg15 : memref<4000xf32, #tpu.memory_space<vmem>>) dst(%dma_wait3A_381 : memref<4000xf32, #tpu.memory_space<hbm>>)
        tpu.yield
      }) : () -> ()
    }
    %sub3A_52 = arith.constant 125 : i32
    %sub3A_53 = arith.subi %sub3A_52, %arg1 : i32
    %sub3A_54 = arith.constant 16 : i32
    %sub3A_55 = arith.constant 1 : i32
    %sub3A_56 = arith.subi %sub3A_54, %sub3A_55 : i32
    %add3A_57 = arith.addi %sub3A_53, %sub3A_56 : i32
    %div3A_58 = arith.constant 16 : i32
    %div3A_59 = arith.divsi %add3A_57, %div3A_58 : i32
    %while3A_60 = arith.constant 16 : i32
    %while3A_61 = arith.constant 0 : i32
    %while3A_62 = arith.subi %div3A_59, %while3A_61 : i32
    %while3A_63 = arith.addi %while3A_61, %while3A_62 : i32
    %while3A_64 = arith.constant 1 : i32
    %while3A_65 = arith.divsi %while3A_62, %while3A_64 : i32
    %while3A_66 = arith.muli %while3A_65, %while3A_64 : i32
    %while3A_67 = arith.addi %while3A_61, %while3A_66 : i32
    %while3A_68 = arith.constant 1 : i32
    scf.for %while3A_368 = %while3A_61 to %while3A_67 step %while3A_68  : i32 {
      %mul3A_369 = arith.muli %while3A_368, %while3A_60 : i32
      %add3A_370 = arith.addi %arg1, %mul3A_369 : i32
      %mul3A_371 = arith.constant 4000 : i32
      %mul3A_372 = arith.muli %add3A_370, %mul3A_371 : i32
      %add3A_373 = arith.constant 500000 : i32
      %add3A_374 = arith.addi %add3A_373, %mul3A_372 : i32
      "tpu.region"() ({
        %run_scoped3A = tpu.sem_alloc : memref<!tpu.dma_semaphore, #tpu.memory_space<semaphore_mem>>
        %dma_start3A = tpu.memref_slice %arg8[%add3A_374] : memref<1500000xf32, #tpu.memory_space<vmem_shared>> -> memref<4000xf32, #tpu.memory_space<vmem_shared>>
        %dma_start3A_380 = tpu.memref_slice %arg8[%add3A_374] : memref<1500000xf32, #tpu.memory_space<vmem_shared>> -> memref<4000xf32, #tpu.memory_space<vmem_shared>>
        tpu.enqueue_dma source(%dma_start3A_380 : memref<4000xf32, #tpu.memory_space<vmem_shared>>) target(%arg15 : memref<4000xf32, #tpu.memory_space<vmem>>) target_semaphore(%run_scoped3A : memref<!tpu.dma_semaphore, #tpu.memory_space<semaphore_mem>>)
        %dma_wait3A = tpu.memref_slice %arg8[%add3A_374] : memref<1500000xf32, #tpu.memory_space<vmem_shared>> -> memref<4000xf32, #tpu.memory_space<vmem_shared>>
        %dma_wait3A_381 = tpu.memref_slice %arg8[%add3A_374] : memref<1500000xf32, #tpu.memory_space<vmem_shared>> -> memref<4000xf32, #tpu.memory_space<vmem_shared>>
        tpu.wait_dma2 semaphore(%run_scoped3A : memref<!tpu.dma_semaphore, #tpu.memory_space<semaphore_mem>>) src(%dma_wait3A_381 : memref<4000xf32, #tpu.memory_space<vmem_shared>>) dst(%arg15 : memref<4000xf32, #tpu.memory_space<vmem>>)
        tpu.yield
      }) : () -> ()
      %add3A_375 = arith.constant 1000000 : i32
      %add3A_376 = arith.addi %add3A_375, %mul3A_0 : i32
      %mul3A_377 = arith.constant 4000 : i32
      %mul3A_378 = arith.muli %add3A_370, %mul3A_377 : i32
      %add3A_379 = arith.addi %add3A_376, %mul3A_378 : i32
      "tpu.region"() ({
        %run_scoped3A = tpu.sem_alloc : memref<!tpu.dma_semaphore, #tpu.memory_space<semaphore_mem>>
        %dma_start3A = tpu.memref_slice %arg7[%add3A_379] : memref<12000000xf32, #tpu.memory_space<hbm>> -> memref<4000xf32, #tpu.memory_space<hbm>>
        %dma_start3A_380 = tpu.memref_slice %arg7[%add3A_379] : memref<12000000xf32, #tpu.memory_space<hbm>> -> memref<4000xf32, #tpu.memory_space<hbm>>
        tpu.enqueue_dma source(%arg15 : memref<4000xf32, #tpu.memory_space<vmem>>) target(%dma_start3A_380 : memref<4000xf32, #tpu.memory_space<hbm>>) target_semaphore(%run_scoped3A : memref<!tpu.dma_semaphore, #tpu.memory_space<semaphore_mem>>)
        %dma_wait3A = tpu.memref_slice %arg7[%add3A_379] : memref<12000000xf32, #tpu.memory_space<hbm>> -> memref<4000xf32, #tpu.memory_space<hbm>>
        %dma_wait3A_381 = tpu.memref_slice %arg7[%add3A_379] : memref<12000000xf32, #tpu.memory_space<hbm>> -> memref<4000xf32, #tpu.memory_space<hbm>>
        tpu.wait_dma2 semaphore(%run_scoped3A : memref<!tpu.dma_semaphore, #tpu.memory_space<semaphore_mem>>) src(%arg15 : memref<4000xf32, #tpu.memory_space<vmem>>) dst(%dma_wait3A_381 : memref<4000xf32, #tpu.memory_space<hbm>>)
        tpu.yield
      }) : () -> ()
    }
    %while3A_69 = arith.constant 1 : i32
    scf.for %while3A_368 = %while3A_67 to %while3A_63 step %while3A_69  : i32 {
      %mul3A_369 = arith.muli %while3A_368, %while3A_60 : i32
      %add3A_370 = arith.addi %arg1, %mul3A_369 : i32
      %mul3A_371 = arith.constant 4000 : i32
      %mul3A_372 = arith.muli %add3A_370, %mul3A_371 : i32
      %add3A_373 = arith.constant 500000 : i32
      %add3A_374 = arith.addi %add3A_373, %mul3A_372 : i32
      "tpu.region"() ({
        %run_scoped3A = tpu.sem_alloc : memref<!tpu.dma_semaphore, #tpu.memory_space<semaphore_mem>>
        %dma_start3A = tpu.memref_slice %arg8[%add3A_374] : memref<1500000xf32, #tpu.memory_space<vmem_shared>> -> memref<4000xf32, #tpu.memory_space<vmem_shared>>
        %dma_start3A_380 = tpu.memref_slice %arg8[%add3A_374] : memref<1500000xf32, #tpu.memory_space<vmem_shared>> -> memref<4000xf32, #tpu.memory_space<vmem_shared>>
        tpu.enqueue_dma source(%dma_start3A_380 : memref<4000xf32, #tpu.memory_space<vmem_shared>>) target(%arg15 : memref<4000xf32, #tpu.memory_space<vmem>>) target_semaphore(%run_scoped3A : memref<!tpu.dma_semaphore, #tpu.memory_space<semaphore_mem>>)
        %dma_wait3A = tpu.memref_slice %arg8[%add3A_374] : memref<1500000xf32, #tpu.memory_space<vmem_shared>> -> memref<4000xf32, #tpu.memory_space<vmem_shared>>
        %dma_wait3A_381 = tpu.memref_slice %arg8[%add3A_374] : memref<1500000xf32, #tpu.memory_space<vmem_shared>> -> memref<4000xf32, #tpu.memory_space<vmem_shared>>
        tpu.wait_dma2 semaphore(%run_scoped3A : memref<!tpu.dma_semaphore, #tpu.memory_space<semaphore_mem>>) src(%dma_wait3A_381 : memref<4000xf32, #tpu.memory_space<vmem_shared>>) dst(%arg15 : memref<4000xf32, #tpu.memory_space<vmem>>)
        tpu.yield
      }) : () -> ()
      %add3A_375 = arith.constant 1000000 : i32
      %add3A_376 = arith.addi %add3A_375, %mul3A_0 : i32
      %mul3A_377 = arith.constant 4000 : i32
      %mul3A_378 = arith.muli %add3A_370, %mul3A_377 : i32
      %add3A_379 = arith.addi %add3A_376, %mul3A_378 : i32
      "tpu.region"() ({
        %run_scoped3A = tpu.sem_alloc : memref<!tpu.dma_semaphore, #tpu.memory_space<semaphore_mem>>
        %dma_start3A = tpu.memref_slice %arg7[%add3A_379] : memref<12000000xf32, #tpu.memory_space<hbm>> -> memref<4000xf32, #tpu.memory_space<hbm>>
        %dma_start3A_380 = tpu.memref_slice %arg7[%add3A_379] : memref<12000000xf32, #tpu.memory_space<hbm>> -> memref<4000xf32, #tpu.memory_space<hbm>>
        tpu.enqueue_dma source(%arg15 : memref<4000xf32, #tpu.memory_space<vmem>>) target(%dma_start3A_380 : memref<4000xf32, #tpu.memory_space<hbm>>) target_semaphore(%run_scoped3A : memref<!tpu.dma_semaphore, #tpu.memory_space<semaphore_mem>>)
        %dma_wait3A = tpu.memref_slice %arg7[%add3A_379] : memref<12000000xf32, #tpu.memory_space<hbm>> -> memref<4000xf32, #tpu.memory_space<hbm>>
        %dma_wait3A_381 = tpu.memref_slice %arg7[%add3A_379] : memref<12000000xf32, #tpu.memory_space<hbm>> -> memref<4000xf32, #tpu.memory_space<hbm>>
        tpu.wait_dma2 semaphore(%run_scoped3A : memref<!tpu.dma_semaphore, #tpu.memory_space<semaphore_mem>>) src(%arg15 : memref<4000xf32, #tpu.memory_space<vmem>>) dst(%dma_wait3A_381 : memref<4000xf32, #tpu.memory_space<hbm>>)
        tpu.yield
      }) : () -> ()
    }
    %sub3A_70 = arith.constant 125 : i32
    %sub3A_71 = arith.subi %sub3A_70, %arg1 : i32
    %sub3A_72 = arith.constant 16 : i32
    %sub3A_73 = arith.constant 1 : i32
    %sub3A_74 = arith.subi %sub3A_72, %sub3A_73 : i32
    %add3A_75 = arith.addi %sub3A_71, %sub3A_74 : i32
    %div3A_76 = arith.constant 16 : i32
    %div3A_77 = arith.divsi %add3A_75, %div3A_76 : i32
    %while3A_78 = arith.constant 16 : i32
    %while3A_79 = arith.constant 0 : i32
    %while3A_80 = arith.subi %div3A_77, %while3A_79 : i32
    %while3A_81 = arith.addi %while3A_79, %while3A_80 : i32
    %while3A_82 = arith.constant 1 : i32
    %while3A_83 = arith.divsi %while3A_80, %while3A_82 : i32
    %while3A_84 = arith.muli %while3A_83, %while3A_82 : i32
    %while3A_85 = arith.addi %while3A_79, %while3A_84 : i32
    %while3A_86 = arith.constant 1 : i32
    scf.for %while3A_368 = %while3A_79 to %while3A_85 step %while3A_86  : i32 {
      %mul3A_369 = arith.muli %while3A_368, %while3A_78 : i32
      %add3A_370 = arith.addi %arg1, %mul3A_369 : i32
      %mul3A_371 = arith.constant 4000 : i32
      %mul3A_372 = arith.muli %add3A_370, %mul3A_371 : i32
      %add3A_373 = arith.constant 1000000 : i32
      %add3A_374 = arith.addi %add3A_373, %mul3A_372 : i32
      "tpu.region"() ({
        %run_scoped3A = tpu.sem_alloc : memref<!tpu.dma_semaphore, #tpu.memory_space<semaphore_mem>>
        %dma_start3A = tpu.memref_slice %arg8[%add3A_374] : memref<1500000xf32, #tpu.memory_space<vmem_shared>> -> memref<4000xf32, #tpu.memory_space<vmem_shared>>
        %dma_start3A_380 = tpu.memref_slice %arg8[%add3A_374] : memref<1500000xf32, #tpu.memory_space<vmem_shared>> -> memref<4000xf32, #tpu.memory_space<vmem_shared>>
        tpu.enqueue_dma source(%dma_start3A_380 : memref<4000xf32, #tpu.memory_space<vmem_shared>>) target(%arg15 : memref<4000xf32, #tpu.memory_space<vmem>>) target_semaphore(%run_scoped3A : memref<!tpu.dma_semaphore, #tpu.memory_space<semaphore_mem>>)
        %dma_wait3A = tpu.memref_slice %arg8[%add3A_374] : memref<1500000xf32, #tpu.memory_space<vmem_shared>> -> memref<4000xf32, #tpu.memory_space<vmem_shared>>
        %dma_wait3A_381 = tpu.memref_slice %arg8[%add3A_374] : memref<1500000xf32, #tpu.memory_space<vmem_shared>> -> memref<4000xf32, #tpu.memory_space<vmem_shared>>
        tpu.wait_dma2 semaphore(%run_scoped3A : memref<!tpu.dma_semaphore, #tpu.memory_space<semaphore_mem>>) src(%dma_wait3A_381 : memref<4000xf32, #tpu.memory_space<vmem_shared>>) dst(%arg15 : memref<4000xf32, #tpu.memory_space<vmem>>)
        tpu.yield
      }) : () -> ()
      %add3A_375 = arith.constant 2000000 : i32
      %add3A_376 = arith.addi %add3A_375, %mul3A_0 : i32
      %mul3A_377 = arith.constant 4000 : i32
      %mul3A_378 = arith.muli %add3A_370, %mul3A_377 : i32
      %add3A_379 = arith.addi %add3A_376, %mul3A_378 : i32
      "tpu.region"() ({
        %run_scoped3A = tpu.sem_alloc : memref<!tpu.dma_semaphore, #tpu.memory_space<semaphore_mem>>
        %dma_start3A = tpu.memref_slice %arg7[%add3A_379] : memref<12000000xf32, #tpu.memory_space<hbm>> -> memref<4000xf32, #tpu.memory_space<hbm>>
        %dma_start3A_380 = tpu.memref_slice %arg7[%add3A_379] : memref<12000000xf32, #tpu.memory_space<hbm>> -> memref<4000xf32, #tpu.memory_space<hbm>>
        tpu.enqueue_dma source(%arg15 : memref<4000xf32, #tpu.memory_space<vmem>>) target(%dma_start3A_380 : memref<4000xf32, #tpu.memory_space<hbm>>) target_semaphore(%run_scoped3A : memref<!tpu.dma_semaphore, #tpu.memory_space<semaphore_mem>>)
        %dma_wait3A = tpu.memref_slice %arg7[%add3A_379] : memref<12000000xf32, #tpu.memory_space<hbm>> -> memref<4000xf32, #tpu.memory_space<hbm>>
        %dma_wait3A_381 = tpu.memref_slice %arg7[%add3A_379] : memref<12000000xf32, #tpu.memory_space<hbm>> -> memref<4000xf32, #tpu.memory_space<hbm>>
        tpu.wait_dma2 semaphore(%run_scoped3A : memref<!tpu.dma_semaphore, #tpu.memory_space<semaphore_mem>>) src(%arg15 : memref<4000xf32, #tpu.memory_space<vmem>>) dst(%dma_wait3A_381 : memref<4000xf32, #tpu.memory_space<hbm>>)
        tpu.yield
      }) : () -> ()
    }
    %while3A_87 = arith.constant 1 : i32
    scf.for %while3A_368 = %while3A_85 to %while3A_81 step %while3A_87  : i32 {
      %mul3A_369 = arith.muli %while3A_368, %while3A_78 : i32
      %add3A_370 = arith.addi %arg1, %mul3A_369 : i32
      %mul3A_371 = arith.constant 4000 : i32
      %mul3A_372 = arith.muli %add3A_370, %mul3A_371 : i32
      %add3A_373 = arith.constant 1000000 : i32
      %add3A_374 = arith.addi %add3A_373, %mul3A_372 : i32
      "tpu.region"() ({
        %run_scoped3A = tpu.sem_alloc : memref<!tpu.dma_semaphore, #tpu.memory_space<semaphore_mem>>
        %dma_start3A = tpu.memref_slice %arg8[%add3A_374] : memref<1500000xf32, #tpu.memory_space<vmem_shared>> -> memref<4000xf32, #tpu.memory_space<vmem_shared>>
        %dma_start3A_380 = tpu.memref_slice %arg8[%add3A_374] : memref<1500000xf32, #tpu.memory_space<vmem_shared>> -> memref<4000xf32, #tpu.memory_space<vmem_shared>>
        tpu.enqueue_dma source(%dma_start3A_380 : memref<4000xf32, #tpu.memory_space<vmem_shared>>) target(%arg15 : memref<4000xf32, #tpu.memory_space<vmem>>) target_semaphore(%run_scoped3A : memref<!tpu.dma_semaphore, #tpu.memory_space<semaphore_mem>>)
        %dma_wait3A = tpu.memref_slice %arg8[%add3A_374] : memref<1500000xf32, #tpu.memory_space<vmem_shared>> -> memref<4000xf32, #tpu.memory_space<vmem_shared>>
        %dma_wait3A_381 = tpu.memref_slice %arg8[%add3A_374] : memref<1500000xf32, #tpu.memory_space<vmem_shared>> -> memref<4000xf32, #tpu.memory_space<vmem_shared>>
        tpu.wait_dma2 semaphore(%run_scoped3A : memref<!tpu.dma_semaphore, #tpu.memory_space<semaphore_mem>>) src(%dma_wait3A_381 : memref<4000xf32, #tpu.memory_space<vmem_shared>>) dst(%arg15 : memref<4000xf32, #tpu.memory_space<vmem>>)
        tpu.yield
      }) : () -> ()
      %add3A_375 = arith.constant 2000000 : i32
      %add3A_376 = arith.addi %add3A_375, %mul3A_0 : i32
      %mul3A_377 = arith.constant 4000 : i32
      %mul3A_378 = arith.muli %add3A_370, %mul3A_377 : i32
      %add3A_379 = arith.addi %add3A_376, %mul3A_378 : i32
      "tpu.region"() ({
        %run_scoped3A = tpu.sem_alloc : memref<!tpu.dma_semaphore, #tpu.memory_space<semaphore_mem>>
        %dma_start3A = tpu.memref_slice %arg7[%add3A_379] : memref<12000000xf32, #tpu.memory_space<hbm>> -> memref<4000xf32, #tpu.memory_space<hbm>>
        %dma_start3A_380 = tpu.memref_slice %arg7[%add3A_379] : memref<12000000xf32, #tpu.memory_space<hbm>> -> memref<4000xf32, #tpu.memory_space<hbm>>
        tpu.enqueue_dma source(%arg15 : memref<4000xf32, #tpu.memory_space<vmem>>) target(%dma_start3A_380 : memref<4000xf32, #tpu.memory_space<hbm>>) target_semaphore(%run_scoped3A : memref<!tpu.dma_semaphore, #tpu.memory_space<semaphore_mem>>)
        %dma_wait3A = tpu.memref_slice %arg7[%add3A_379] : memref<12000000xf32, #tpu.memory_space<hbm>> -> memref<4000xf32, #tpu.memory_space<hbm>>
        %dma_wait3A_381 = tpu.memref_slice %arg7[%add3A_379] : memref<12000000xf32, #tpu.memory_space<hbm>> -> memref<4000xf32, #tpu.memory_space<hbm>>
        tpu.wait_dma2 semaphore(%run_scoped3A : memref<!tpu.dma_semaphore, #tpu.memory_space<semaphore_mem>>) src(%arg15 : memref<4000xf32, #tpu.memory_space<vmem>>) dst(%dma_wait3A_381 : memref<4000xf32, #tpu.memory_space<hbm>>)
        tpu.yield
      }) : () -> ()
    }
    %barrier3A_88 = arith.constant 0 : index
    tpu.barrier barrier_id(%barrier3A_88)
    "tpu.region"() ({
      %run_scoped3A = tpu.sem_alloc : memref<!tpu.dma_semaphore, #tpu.memory_space<semaphore_mem>>
      tpu.enqueue_dma source(%arg6 : memref<4000xf32, #tpu.memory_space<hbm>>) target(%arg15 : memref<4000xf32, #tpu.memory_space<vmem>>) target_semaphore(%run_scoped3A : memref<!tpu.dma_semaphore, #tpu.memory_space<semaphore_mem>>)
      tpu.wait_dma2 semaphore(%run_scoped3A : memref<!tpu.dma_semaphore, #tpu.memory_space<semaphore_mem>>) src(%arg6 : memref<4000xf32, #tpu.memory_space<hbm>>) dst(%arg15 : memref<4000xf32, #tpu.memory_space<vmem>>)
      tpu.yield
    }) : () -> ()
    %sub3A_89 = arith.constant 375 : i32
    %sub3A_90 = arith.subi %sub3A_89, %arg1 : i32
    %sub3A_91 = arith.constant 16 : i32
    %sub3A_92 = arith.constant 1 : i32
    %sub3A_93 = arith.subi %sub3A_91, %sub3A_92 : i32
    %add3A_94 = arith.addi %sub3A_90, %sub3A_93 : i32
    %div3A_95 = arith.constant 16 : i32
    %div3A_96 = arith.divsi %add3A_94, %div3A_95 : i32
    %while3A_97 = arith.constant 16 : i32
    %while3A_98 = arith.constant 0 : i32
    %while3A_99 = arith.subi %div3A_96, %while3A_98 : i32
    %while3A_100 = arith.addi %while3A_98, %while3A_99 : i32
    %while3A_101 = arith.constant 1 : i32
    %while3A_102 = arith.divsi %while3A_99, %while3A_101 : i32
    %while3A_103 = arith.muli %while3A_102, %while3A_101 : i32
    %while3A_104 = arith.addi %while3A_98, %while3A_103 : i32
    %while3A_105 = arith.constant 1 : i32
    scf.for %while3A_368 = %while3A_98 to %while3A_104 step %while3A_105  : i32 {
      %mul3A_369 = arith.muli %while3A_368, %while3A_97 : i32
      %add3A_370 = arith.addi %arg1, %mul3A_369 : i32
      %mul3A_371 = arith.constant 4000 : i32
      %mul3A_372 = arith.muli %add3A_370, %mul3A_371 : i32
      "tpu.region"() ({
        %run_scoped3A = tpu.sem_alloc : memref<!tpu.dma_semaphore, #tpu.memory_space<semaphore_mem>>
        %dma_start3A = tpu.memref_slice %arg8[%mul3A_372] : memref<1500000xf32, #tpu.memory_space<vmem_shared>> -> memref<4000xf32, #tpu.memory_space<vmem_shared>>
        %dma_start3A_373 = tpu.memref_slice %arg8[%mul3A_372] : memref<1500000xf32, #tpu.memory_space<vmem_shared>> -> memref<4000xf32, #tpu.memory_space<vmem_shared>>
        tpu.enqueue_dma source(%arg15 : memref<4000xf32, #tpu.memory_space<vmem>>) target(%dma_start3A_373 : memref<4000xf32, #tpu.memory_space<vmem_shared>>) target_semaphore(%run_scoped3A : memref<!tpu.dma_semaphore, #tpu.memory_space<semaphore_mem>>)
        %dma_wait3A = tpu.memref_slice %arg8[%mul3A_372] : memref<1500000xf32, #tpu.memory_space<vmem_shared>> -> memref<4000xf32, #tpu.memory_space<vmem_shared>>
        %dma_wait3A_374 = tpu.memref_slice %arg8[%mul3A_372] : memref<1500000xf32, #tpu.memory_space<vmem_shared>> -> memref<4000xf32, #tpu.memory_space<vmem_shared>>
        tpu.wait_dma2 semaphore(%run_scoped3A : memref<!tpu.dma_semaphore, #tpu.memory_space<semaphore_mem>>) src(%arg15 : memref<4000xf32, #tpu.memory_space<vmem>>) dst(%dma_wait3A_374 : memref<4000xf32, #tpu.memory_space<vmem_shared>>)
        tpu.yield
      }) : () -> ()
    }
    %while3A_106 = arith.constant 1 : i32
    scf.for %while3A_368 = %while3A_104 to %while3A_100 step %while3A_106  : i32 {
      %mul3A_369 = arith.muli %while3A_368, %while3A_97 : i32
      %add3A_370 = arith.addi %arg1, %mul3A_369 : i32
      %mul3A_371 = arith.constant 4000 : i32
      %mul3A_372 = arith.muli %add3A_370, %mul3A_371 : i32
      "tpu.region"() ({
        %run_scoped3A = tpu.sem_alloc : memref<!tpu.dma_semaphore, #tpu.memory_space<semaphore_mem>>
        %dma_start3A = tpu.memref_slice %arg8[%mul3A_372] : memref<1500000xf32, #tpu.memory_space<vmem_shared>> -> memref<4000xf32, #tpu.memory_space<vmem_shared>>
        %dma_start3A_373 = tpu.memref_slice %arg8[%mul3A_372] : memref<1500000xf32, #tpu.memory_space<vmem_shared>> -> memref<4000xf32, #tpu.memory_space<vmem_shared>>
        tpu.enqueue_dma source(%arg15 : memref<4000xf32, #tpu.memory_space<vmem>>) target(%dma_start3A_373 : memref<4000xf32, #tpu.memory_space<vmem_shared>>) target_semaphore(%run_scoped3A : memref<!tpu.dma_semaphore, #tpu.memory_space<semaphore_mem>>)
        %dma_wait3A = tpu.memref_slice %arg8[%mul3A_372] : memref<1500000xf32, #tpu.memory_space<vmem_shared>> -> memref<4000xf32, #tpu.memory_space<vmem_shared>>
        %dma_wait3A_374 = tpu.memref_slice %arg8[%mul3A_372] : memref<1500000xf32, #tpu.memory_space<vmem_shared>> -> memref<4000xf32, #tpu.memory_space<vmem_shared>>
        tpu.wait_dma2 semaphore(%run_scoped3A : memref<!tpu.dma_semaphore, #tpu.memory_space<semaphore_mem>>) src(%arg15 : memref<4000xf32, #tpu.memory_space<vmem>>) dst(%dma_wait3A_374 : memref<4000xf32, #tpu.memory_space<vmem_shared>>)
        tpu.yield
      }) : () -> ()
    }
    %barrier3A_107 = arith.constant 0 : index
    tpu.barrier barrier_id(%barrier3A_107)
    %sub3A_108 = arith.constant 625 : i32
    %sub3A_109 = arith.subi %sub3A_108, %arg1 : i32
    %sub3A_110 = arith.constant 16 : i32
    %sub3A_111 = arith.constant 1 : i32
    %sub3A_112 = arith.subi %sub3A_110, %sub3A_111 : i32
    %add3A_113 = arith.addi %sub3A_109, %sub3A_112 : i32
    %div3A_114 = arith.constant 16 : i32
    %div3A_115 = arith.divsi %add3A_113, %div3A_114 : i32
    %while3A_116 = arith.constant 16 : i32
    %while3A_117 = arith.constant 0 : i32
    %while3A_118 = arith.subi %div3A_115, %while3A_117 : i32
    %while3A_119 = arith.addi %while3A_117, %while3A_118 : i32
    %while3A_120 = arith.constant 1 : i32
    %while3A_121 = arith.divsi %while3A_118, %while3A_120 : i32
    %while3A_122 = arith.muli %while3A_121, %while3A_120 : i32
    %while3A_123 = arith.addi %while3A_117, %while3A_122 : i32
    %while3A_124 = arith.constant 1 : i32
    scf.for %while3A_368 = %while3A_117 to %while3A_123 step %while3A_124  : i32 {
      %mul3A_369 = arith.muli %while3A_368, %while3A_116 : i32
      %add3A_370 = arith.addi %arg1, %mul3A_369 : i32
      %mul3A_371 = arith.constant 3200 : i32
      %mul3A_372 = arith.muli %add3A_370, %mul3A_371 : i32
      "tpu.region"() ({
        %run_scoped3A = tpu.sem_alloc : memref<!tpu.dma_semaphore, #tpu.memory_space<semaphore_mem>>
        %dma_start3A = tpu.memref_slice %arg2[%mul3A_372] : memref<2000000xi32, #tpu.memory_space<hbm>> -> memref<3200xi32, #tpu.memory_space<hbm>>
        %dma_start3A_379 = tpu.memref_slice %arg2[%mul3A_372] : memref<2000000xi32, #tpu.memory_space<hbm>> -> memref<3200xi32, #tpu.memory_space<hbm>>
        tpu.enqueue_dma source(%dma_start3A_379 : memref<3200xi32, #tpu.memory_space<hbm>>) target(%arg9 : memref<3200xi32, #tpu.memory_space<vmem>>) target_semaphore(%run_scoped3A : memref<!tpu.dma_semaphore, #tpu.memory_space<semaphore_mem>>)
        %dma_wait3A = tpu.memref_slice %arg2[%mul3A_372] : memref<2000000xi32, #tpu.memory_space<hbm>> -> memref<3200xi32, #tpu.memory_space<hbm>>
        %dma_wait3A_380 = tpu.memref_slice %arg2[%mul3A_372] : memref<2000000xi32, #tpu.memory_space<hbm>> -> memref<3200xi32, #tpu.memory_space<hbm>>
        tpu.wait_dma2 semaphore(%run_scoped3A : memref<!tpu.dma_semaphore, #tpu.memory_space<semaphore_mem>>) src(%dma_wait3A_380 : memref<3200xi32, #tpu.memory_space<hbm>>) dst(%arg9 : memref<3200xi32, #tpu.memory_space<vmem>>)
        tpu.yield
      }) : () -> ()
      %add3A_373 = arith.constant 2000000 : i32
      %add3A_374 = arith.addi %add3A_373, %mul3A_372 : i32
      "tpu.region"() ({
        %run_scoped3A = tpu.sem_alloc : memref<!tpu.dma_semaphore, #tpu.memory_space<semaphore_mem>>
        %dma_start3A = tpu.memref_slice %arg3[%add3A_374] : memref<8000000xf32, #tpu.memory_space<hbm>> -> memref<3200xf32, #tpu.memory_space<hbm>>
        %dma_start3A_379 = tpu.memref_slice %arg3[%add3A_374] : memref<8000000xf32, #tpu.memory_space<hbm>> -> memref<3200xf32, #tpu.memory_space<hbm>>
        tpu.enqueue_dma source(%dma_start3A_379 : memref<3200xf32, #tpu.memory_space<hbm>>) target(%arg10 : memref<3200xf32, #tpu.memory_space<vmem>>) target_semaphore(%run_scoped3A : memref<!tpu.dma_semaphore, #tpu.memory_space<semaphore_mem>>)
        %dma_wait3A = tpu.memref_slice %arg3[%add3A_374] : memref<8000000xf32, #tpu.memory_space<hbm>> -> memref<3200xf32, #tpu.memory_space<hbm>>
        %dma_wait3A_380 = tpu.memref_slice %arg3[%add3A_374] : memref<8000000xf32, #tpu.memory_space<hbm>> -> memref<3200xf32, #tpu.memory_space<hbm>>
        tpu.wait_dma2 semaphore(%run_scoped3A : memref<!tpu.dma_semaphore, #tpu.memory_space<semaphore_mem>>) src(%dma_wait3A_380 : memref<3200xf32, #tpu.memory_space<hbm>>) dst(%arg10 : memref<3200xf32, #tpu.memory_space<vmem>>)
        tpu.yield
      }) : () -> ()
      "tpu.region"() ({
        %run_scoped3A = tpu.sem_alloc : memref<!tpu.dma_semaphore, #tpu.memory_space<semaphore_mem>>
        %dma_start3A = tpu.memref_slice %arg4[%mul3A_372] : memref<2000000xf32, #tpu.memory_space<hbm>> -> memref<3200xf32, #tpu.memory_space<hbm>>
        %dma_start3A_379 = tpu.memref_slice %arg4[%mul3A_372] : memref<2000000xf32, #tpu.memory_space<hbm>> -> memref<3200xf32, #tpu.memory_space<hbm>>
        tpu.enqueue_dma source(%dma_start3A_379 : memref<3200xf32, #tpu.memory_space<hbm>>) target(%arg11 : memref<3200xf32, #tpu.memory_space<vmem>>) target_semaphore(%run_scoped3A : memref<!tpu.dma_semaphore, #tpu.memory_space<semaphore_mem>>)
        %dma_wait3A = tpu.memref_slice %arg4[%mul3A_372] : memref<2000000xf32, #tpu.memory_space<hbm>> -> memref<3200xf32, #tpu.memory_space<hbm>>
        %dma_wait3A_380 = tpu.memref_slice %arg4[%mul3A_372] : memref<2000000xf32, #tpu.memory_space<hbm>> -> memref<3200xf32, #tpu.memory_space<hbm>>
        tpu.wait_dma2 semaphore(%run_scoped3A : memref<!tpu.dma_semaphore, #tpu.memory_space<semaphore_mem>>) src(%dma_wait3A_380 : memref<3200xf32, #tpu.memory_space<hbm>>) dst(%arg11 : memref<3200xf32, #tpu.memory_space<vmem>>)
        tpu.yield
      }) : () -> ()
      "tpu.region"() ({
        %run_scoped3A = tpu.sem_alloc : memref<!tpu.dma_semaphore, #tpu.memory_space<semaphore_mem>>
        %dma_start3A = tpu.memref_slice %arg5[%mul3A_372] : memref<2000000xf32, #tpu.memory_space<hbm>> -> memref<3200xf32, #tpu.memory_space<hbm>>
        %dma_start3A_379 = tpu.memref_slice %arg5[%mul3A_372] : memref<2000000xf32, #tpu.memory_space<hbm>> -> memref<3200xf32, #tpu.memory_space<hbm>>
        tpu.enqueue_dma source(%dma_start3A_379 : memref<3200xf32, #tpu.memory_space<hbm>>) target(%arg12 : memref<3200xf32, #tpu.memory_space<vmem>>) target_semaphore(%run_scoped3A : memref<!tpu.dma_semaphore, #tpu.memory_space<semaphore_mem>>)
        %dma_wait3A = tpu.memref_slice %arg5[%mul3A_372] : memref<2000000xf32, #tpu.memory_space<hbm>> -> memref<3200xf32, #tpu.memory_space<hbm>>
        %dma_wait3A_380 = tpu.memref_slice %arg5[%mul3A_372] : memref<2000000xf32, #tpu.memory_space<hbm>> -> memref<3200xf32, #tpu.memory_space<hbm>>
        tpu.wait_dma2 semaphore(%run_scoped3A : memref<!tpu.dma_semaphore, #tpu.memory_space<semaphore_mem>>) src(%dma_wait3A_380 : memref<3200xf32, #tpu.memory_space<hbm>>) dst(%arg12 : memref<3200xf32, #tpu.memory_space<vmem>>)
        tpu.yield
      }) : () -> ()
      %scan3A = arith.constant 0 : i32
      %scan3A_375 = arith.constant 200 : i32
      %scan3A_376 = arith.addi %scan3A, %scan3A_375 : i32
      %scan3A_377 = arith.constant 1 : i32
      scf.for %scan3A_379 = %scan3A to %scan3A_376 step %scan3A_377  : i32 {
        %mul3A_380 = arith.constant 1 : i32
        %mul3A_381 = arith.muli %scan3A_379, %mul3A_380 : i32
        %add3A_382 = arith.constant 0 : i32
        %add3A_383 = arith.addi %add3A_382, %mul3A_381 : i32
        %mul3A_384 = arith.constant 16 : i32
        %mul3A_385 = arith.muli %add3A_383, %mul3A_384 : i32
        %get3A = arith.index_cast %mul3A_385 : i32 to index
        %get3A_386 = tpu.vector_load %arg9[%get3A] {strides = array<i32>} : memref<3200xi32, #tpu.memory_space<vmem>>, vector<16xi32>,
        %get3A_387 = vector.shape_cast %get3A_386 : vector<16xi32> to vector<16xi32>
        %sub3A_388 = vector.broadcast %mul3A_0 : i32 to vector<16xi32>
        %sub3A_389 = arith.subi %get3A_387, %sub3A_388 : vector<16xi32>
        %ge3A = arith.constant 0 : i32
        %ge3A_390 = vector.broadcast %ge3A : i32 to vector<16xi32>
        %ge3A_391 = arith.cmpi sge, %sub3A_389, %ge3A_390 : vector<16xi32>
        %lt3A = arith.constant 500000 : i32
        %lt3A_392 = vector.broadcast %lt3A : i32 to vector<16xi32>
        %lt3A_393 = arith.cmpi slt, %sub3A_389, %lt3A_392 : vector<16xi32>
        %and3A = arith.andi %ge3A_391, %lt3A_393 : vector<16xi1>
        %gt3A = arith.constant 0 : i32
        %gt3A_394 = vector.broadcast %gt3A : i32 to vector<16xi32>
        %gt3A_395 = arith.cmpi sgt, %sub3A_389, %gt3A_394 : vector<16xi32>
        %jit3A = arith.constant 0 : i32
        %broadcast_in_dim3A = vector.broadcast %jit3A : i32 to vector<16xi32>
        %select_n3A = arith.select %gt3A_395, %sub3A_389, %broadcast_in_dim3A : vector<16xi1>, vector<16xi32>
        %lt3A_396 = arith.constant 499999 : i32
        %lt3A_397 = vector.broadcast %lt3A_396 : i32 to vector<16xi32>
        %lt3A_398 = arith.cmpi slt, %select_n3A, %lt3A_397 : vector<16xi32>
        %jit3A_399 = arith.constant 499999 : i32
        %broadcast_in_dim3A_400 = vector.broadcast %jit3A_399 : i32 to vector<16xi32>
        %select_n3A_401 = arith.select %lt3A_398, %select_n3A, %broadcast_in_dim3A_400 : vector<16xi1>, vector<16xi32>
        %get3A_402 = arith.index_cast %mul3A_385 : i32 to index
        %get3A_403 = tpu.vector_load %arg10[%get3A_402] {strides = array<i32>} : memref<3200xf32, #tpu.memory_space<vmem>>, vector<16xf32>,
        %get3A_404 = vector.shape_cast %get3A_403 : vector<16xf32> to vector<16xf32>
        %jit3A_405 = arith.constant 0.000000e+00 : f32
        %broadcast_in_dim3A_406 = vector.broadcast %jit3A_405 : f32 to vector<16xf32>
        %select_n3A_407 = arith.select %and3A, %get3A_404, %broadcast_in_dim3A_406 : vector<16xi1>, vector<16xf32>
        %swap3A = arith.index_cast %mul3A_385 : i32 to index
        %swap3A_408 = tpu.vector_load %arg14[%swap3A] {strides = array<i32>} : memref<9600xi32, #tpu.memory_space<vmem>>, vector<16xi32>,
        %swap3A_409 = vector.shape_cast %swap3A_408 : vector<16xi32> to vector<16xi32>
        %swap3A_410 = vector.shape_cast %select_n3A_401 : vector<16xi32> to vector<16xi32>
        tpu.vector_store %arg14[%swap3A], %swap3A_410 {strides = array<i32>} : memref<9600xi32, #tpu.memory_space<vmem>>, vector<16xi32>,
        %add3A_411 = arith.constant 500000 : i32
        %add3A_412 = vector.broadcast %add3A_411 : i32 to vector<16xi32>
        %add3A_413 = arith.addi %select_n3A_401, %add3A_412 : vector<16xi32>
        %add3A_414 = arith.constant 3200 : i32
        %add3A_415 = arith.addi %add3A_414, %mul3A_385 : i32
        %swap3A_416 = arith.index_cast %add3A_415 : i32 to index
        %swap3A_417 = tpu.vector_load %arg14[%swap3A_416] {strides = array<i32>} : memref<9600xi32, #tpu.memory_space<vmem>>, vector<16xi32>,
        %swap3A_418 = vector.shape_cast %swap3A_417 : vector<16xi32> to vector<16xi32>
        %swap3A_419 = vector.shape_cast %add3A_413 : vector<16xi32> to vector<16xi32>
        tpu.vector_store %arg14[%swap3A_416], %swap3A_419 {strides = array<i32>} : memref<9600xi32, #tpu.memory_space<vmem>>, vector<16xi32>,
        %add3A_420 = arith.constant 1000000 : i32
        %add3A_421 = vector.broadcast %add3A_420 : i32 to vector<16xi32>
        %add3A_422 = arith.addi %select_n3A_401, %add3A_421 : vector<16xi32>
        %add3A_423 = arith.constant 6400 : i32
        %add3A_424 = arith.addi %add3A_423, %mul3A_385 : i32
        %swap3A_425 = arith.index_cast %add3A_424 : i32 to index
        %swap3A_426 = tpu.vector_load %arg14[%swap3A_425] {strides = array<i32>} : memref<9600xi32, #tpu.memory_space<vmem>>, vector<16xi32>,
        %swap3A_427 = vector.shape_cast %swap3A_426 : vector<16xi32> to vector<16xi32>
        %swap3A_428 = vector.shape_cast %add3A_422 : vector<16xi32> to vector<16xi32>
        tpu.vector_store %arg14[%swap3A_425], %swap3A_428 {strides = array<i32>} : memref<9600xi32, #tpu.memory_space<vmem>>, vector<16xi32>,
        %swap3A_429 = arith.index_cast %mul3A_385 : i32 to index
        %swap3A_430 = tpu.vector_load %arg13[%swap3A_429] {strides = array<i32>} : memref<9600xf32, #tpu.memory_space<vmem>>, vector<16xf32>,
        %swap3A_431 = vector.shape_cast %swap3A_430 : vector<16xf32> to vector<16xf32>
        %swap3A_432 = vector.shape_cast %select_n3A_407 : vector<16xf32> to vector<16xf32>
        tpu.vector_store %arg13[%swap3A_429], %swap3A_432 {strides = array<i32>} : memref<9600xf32, #tpu.memory_space<vmem>>, vector<16xf32>,
        %get3A_433 = arith.index_cast %mul3A_385 : i32 to index
        %get3A_434 = tpu.vector_load %arg11[%get3A_433] {strides = array<i32>} : memref<3200xf32, #tpu.memory_space<vmem>>, vector<16xf32>,
        %get3A_435 = vector.shape_cast %get3A_434 : vector<16xf32> to vector<16xf32>
        %mul3A_436 = arith.mulf %select_n3A_407, %get3A_435 : vector<16xf32>
        %add3A_437 = arith.constant 3200 : i32
        %add3A_438 = arith.addi %add3A_437, %mul3A_385 : i32
        %swap3A_439 = arith.index_cast %add3A_438 : i32 to index
        %swap3A_440 = tpu.vector_load %arg13[%swap3A_439] {strides = array<i32>} : memref<9600xf32, #tpu.memory_space<vmem>>, vector<16xf32>,
        %swap3A_441 = vector.shape_cast %swap3A_440 : vector<16xf32> to vector<16xf32>
        %swap3A_442 = vector.shape_cast %mul3A_436 : vector<16xf32> to vector<16xf32>
        tpu.vector_store %arg13[%swap3A_439], %swap3A_442 {strides = array<i32>} : memref<9600xf32, #tpu.memory_space<vmem>>, vector<16xf32>,
        %get3A_443 = arith.index_cast %mul3A_385 : i32 to index
        %get3A_444 = tpu.vector_load %arg12[%get3A_443] {strides = array<i32>} : memref<3200xf32, #tpu.memory_space<vmem>>, vector<16xf32>,
        %get3A_445 = vector.shape_cast %get3A_444 : vector<16xf32> to vector<16xf32>
        %mul3A_446 = arith.mulf %select_n3A_407, %get3A_445 : vector<16xf32>
        %add3A_447 = arith.constant 6400 : i32
        %add3A_448 = arith.addi %add3A_447, %mul3A_385 : i32
        %swap3A_449 = arith.index_cast %add3A_448 : i32 to index
        %swap3A_450 = tpu.vector_load %arg13[%swap3A_449] {strides = array<i32>} : memref<9600xf32, #tpu.memory_space<vmem>>, vector<16xf32>,
        %swap3A_451 = vector.shape_cast %swap3A_450 : vector<16xf32> to vector<16xf32>
        %swap3A_452 = vector.shape_cast %mul3A_446 : vector<16xf32> to vector<16xf32>
        tpu.vector_store %arg13[%swap3A_449], %swap3A_452 {strides = array<i32>} : memref<9600xf32, #tpu.memory_space<vmem>>, vector<16xf32>,
      }
      %scan3A_378 = arith.constant 200 : i32
      "tpu.region"() ({
        %run_scoped3A = tpu.sem_alloc : memref<!tpu.dma_semaphore, #tpu.memory_space<semaphore_mem>>
        %dma_start3A = arith.constant 0 : i32
        %dma_start3A_379 = tpu.memref_slice %arg8[%dma_start3A] : memref<1500000xf32, #tpu.memory_space<vmem_shared>> -> memref<1500000xf32, #tpu.memory_space<vmem_shared>>
        tpu.enqueue_indirect_dma source(%arg13 : memref<9600xf32, #tpu.memory_space<vmem>>) target(%dma_start3A_379 : memref<1500000xf32, #tpu.memory_space<vmem_shared>>) offsets(%arg14 : memref<9600xi32, #tpu.memory_space<vmem>>) semaphore(%run_scoped3A : memref<!tpu.dma_semaphore, #tpu.memory_space<semaphore_mem>>) {add = true}
        %dma_wait3A = arith.constant 0 : i32
        %dma_wait3A_380 = tpu.memref_slice %arg8[%dma_wait3A] : memref<1500000xf32, #tpu.memory_space<vmem_shared>> -> memref<1500000xf32, #tpu.memory_space<vmem_shared>>
        tpu.wait_indirect_dma semaphore(%run_scoped3A : memref<!tpu.dma_semaphore, #tpu.memory_space<semaphore_mem>>) src(%arg13 : memref<9600xf32, #tpu.memory_space<vmem>>) dst(%dma_wait3A_380 : memref<1500000xf32, #tpu.memory_space<vmem_shared>>)
        tpu.yield
      }) : () -> ()
    }
    %while3A_125 = arith.constant 1 : i32
    scf.for %while3A_368 = %while3A_123 to %while3A_119 step %while3A_125  : i32 {
      %mul3A_369 = arith.muli %while3A_368, %while3A_116 : i32
      %add3A_370 = arith.addi %arg1, %mul3A_369 : i32
      %mul3A_371 = arith.constant 3200 : i32
      %mul3A_372 = arith.muli %add3A_370, %mul3A_371 : i32
      "tpu.region"() ({
        %run_scoped3A = tpu.sem_alloc : memref<!tpu.dma_semaphore, #tpu.memory_space<semaphore_mem>>
        %dma_start3A = tpu.memref_slice %arg2[%mul3A_372] : memref<2000000xi32, #tpu.memory_space<hbm>> -> memref<3200xi32, #tpu.memory_space<hbm>>
        %dma_start3A_379 = tpu.memref_slice %arg2[%mul3A_372] : memref<2000000xi32, #tpu.memory_space<hbm>> -> memref<3200xi32, #tpu.memory_space<hbm>>
        tpu.enqueue_dma source(%dma_start3A_379 : memref<3200xi32, #tpu.memory_space<hbm>>) target(%arg9 : memref<3200xi32, #tpu.memory_space<vmem>>) target_semaphore(%run_scoped3A : memref<!tpu.dma_semaphore, #tpu.memory_space<semaphore_mem>>)
        %dma_wait3A = tpu.memref_slice %arg2[%mul3A_372] : memref<2000000xi32, #tpu.memory_space<hbm>> -> memref<3200xi32, #tpu.memory_space<hbm>>
        %dma_wait3A_380 = tpu.memref_slice %arg2[%mul3A_372] : memref<2000000xi32, #tpu.memory_space<hbm>> -> memref<3200xi32, #tpu.memory_space<hbm>>
        tpu.wait_dma2 semaphore(%run_scoped3A : memref<!tpu.dma_semaphore, #tpu.memory_space<semaphore_mem>>) src(%dma_wait3A_380 : memref<3200xi32, #tpu.memory_space<hbm>>) dst(%arg9 : memref<3200xi32, #tpu.memory_space<vmem>>)
        tpu.yield
      }) : () -> ()
      %add3A_373 = arith.constant 2000000 : i32
      %add3A_374 = arith.addi %add3A_373, %mul3A_372 : i32
      "tpu.region"() ({
        %run_scoped3A = tpu.sem_alloc : memref<!tpu.dma_semaphore, #tpu.memory_space<semaphore_mem>>
        %dma_start3A = tpu.memref_slice %arg3[%add3A_374] : memref<8000000xf32, #tpu.memory_space<hbm>> -> memref<3200xf32, #tpu.memory_space<hbm>>
        %dma_start3A_379 = tpu.memref_slice %arg3[%add3A_374] : memref<8000000xf32, #tpu.memory_space<hbm>> -> memref<3200xf32, #tpu.memory_space<hbm>>
        tpu.enqueue_dma source(%dma_start3A_379 : memref<3200xf32, #tpu.memory_space<hbm>>) target(%arg10 : memref<3200xf32, #tpu.memory_space<vmem>>) target_semaphore(%run_scoped3A : memref<!tpu.dma_semaphore, #tpu.memory_space<semaphore_mem>>)
        %dma_wait3A = tpu.memref_slice %arg3[%add3A_374] : memref<8000000xf32, #tpu.memory_space<hbm>> -> memref<3200xf32, #tpu.memory_space<hbm>>
        %dma_wait3A_380 = tpu.memref_slice %arg3[%add3A_374] : memref<8000000xf32, #tpu.memory_space<hbm>> -> memref<3200xf32, #tpu.memory_space<hbm>>
        tpu.wait_dma2 semaphore(%run_scoped3A : memref<!tpu.dma_semaphore, #tpu.memory_space<semaphore_mem>>) src(%dma_wait3A_380 : memref<3200xf32, #tpu.memory_space<hbm>>) dst(%arg10 : memref<3200xf32, #tpu.memory_space<vmem>>)
        tpu.yield
      }) : () -> ()
      "tpu.region"() ({
        %run_scoped3A = tpu.sem_alloc : memref<!tpu.dma_semaphore, #tpu.memory_space<semaphore_mem>>
        %dma_start3A = tpu.memref_slice %arg4[%mul3A_372] : memref<2000000xf32, #tpu.memory_space<hbm>> -> memref<3200xf32, #tpu.memory_space<hbm>>
        %dma_start3A_379 = tpu.memref_slice %arg4[%mul3A_372] : memref<2000000xf32, #tpu.memory_space<hbm>> -> memref<3200xf32, #tpu.memory_space<hbm>>
        tpu.enqueue_dma source(%dma_start3A_379 : memref<3200xf32, #tpu.memory_space<hbm>>) target(%arg11 : memref<3200xf32, #tpu.memory_space<vmem>>) target_semaphore(%run_scoped3A : memref<!tpu.dma_semaphore, #tpu.memory_space<semaphore_mem>>)
        %dma_wait3A = tpu.memref_slice %arg4[%mul3A_372] : memref<2000000xf32, #tpu.memory_space<hbm>> -> memref<3200xf32, #tpu.memory_space<hbm>>
        %dma_wait3A_380 = tpu.memref_slice %arg4[%mul3A_372] : memref<2000000xf32, #tpu.memory_space<hbm>> -> memref<3200xf32, #tpu.memory_space<hbm>>
        tpu.wait_dma2 semaphore(%run_scoped3A : memref<!tpu.dma_semaphore, #tpu.memory_space<semaphore_mem>>) src(%dma_wait3A_380 : memref<3200xf32, #tpu.memory_space<hbm>>) dst(%arg11 : memref<3200xf32, #tpu.memory_space<vmem>>)
        tpu.yield
      }) : () -> ()
      "tpu.region"() ({
        %run_scoped3A = tpu.sem_alloc : memref<!tpu.dma_semaphore, #tpu.memory_space<semaphore_mem>>
        %dma_start3A = tpu.memref_slice %arg5[%mul3A_372] : memref<2000000xf32, #tpu.memory_space<hbm>> -> memref<3200xf32, #tpu.memory_space<hbm>>
        %dma_start3A_379 = tpu.memref_slice %arg5[%mul3A_372] : memref<2000000xf32, #tpu.memory_space<hbm>> -> memref<3200xf32, #tpu.memory_space<hbm>>
        tpu.enqueue_dma source(%dma_start3A_379 : memref<3200xf32, #tpu.memory_space<hbm>>) target(%arg12 : memref<3200xf32, #tpu.memory_space<vmem>>) target_semaphore(%run_scoped3A : memref<!tpu.dma_semaphore, #tpu.memory_space<semaphore_mem>>)
        %dma_wait3A = tpu.memref_slice %arg5[%mul3A_372] : memref<2000000xf32, #tpu.memory_space<hbm>> -> memref<3200xf32, #tpu.memory_space<hbm>>
        %dma_wait3A_380 = tpu.memref_slice %arg5[%mul3A_372] : memref<2000000xf32, #tpu.memory_space<hbm>> -> memref<3200xf32, #tpu.memory_space<hbm>>
        tpu.wait_dma2 semaphore(%run_scoped3A : memref<!tpu.dma_semaphore, #tpu.memory_space<semaphore_mem>>) src(%dma_wait3A_380 : memref<3200xf32, #tpu.memory_space<hbm>>) dst(%arg12 : memref<3200xf32, #tpu.memory_space<vmem>>)
        tpu.yield
      }) : () -> ()
      %scan3A = arith.constant 0 : i32
      %scan3A_375 = arith.constant 200 : i32
      %scan3A_376 = arith.addi %scan3A, %scan3A_375 : i32
      %scan3A_377 = arith.constant 1 : i32
      scf.for %scan3A_379 = %scan3A to %scan3A_376 step %scan3A_377  : i32 {
        %mul3A_380 = arith.constant 1 : i32
        %mul3A_381 = arith.muli %scan3A_379, %mul3A_380 : i32
        %add3A_382 = arith.constant 0 : i32
        %add3A_383 = arith.addi %add3A_382, %mul3A_381 : i32
        %mul3A_384 = arith.constant 16 : i32
        %mul3A_385 = arith.muli %add3A_383, %mul3A_384 : i32
        %get3A = arith.index_cast %mul3A_385 : i32 to index
        %get3A_386 = tpu.vector_load %arg9[%get3A] {strides = array<i32>} : memref<3200xi32, #tpu.memory_space<vmem>>, vector<16xi32>,
        %get3A_387 = vector.shape_cast %get3A_386 : vector<16xi32> to vector<16xi32>
        %sub3A_388 = vector.broadcast %mul3A_0 : i32 to vector<16xi32>
        %sub3A_389 = arith.subi %get3A_387, %sub3A_388 : vector<16xi32>
        %ge3A = arith.constant 0 : i32
        %ge3A_390 = vector.broadcast %ge3A : i32 to vector<16xi32>
        %ge3A_391 = arith.cmpi sge, %sub3A_389, %ge3A_390 : vector<16xi32>
        %lt3A = arith.constant 500000 : i32
        %lt3A_392 = vector.broadcast %lt3A : i32 to vector<16xi32>
        %lt3A_393 = arith.cmpi slt, %sub3A_389, %lt3A_392 : vector<16xi32>
        %and3A = arith.andi %ge3A_391, %lt3A_393 : vector<16xi1>
        %gt3A = arith.constant 0 : i32
        %gt3A_394 = vector.broadcast %gt3A : i32 to vector<16xi32>
        %gt3A_395 = arith.cmpi sgt, %sub3A_389, %gt3A_394 : vector<16xi32>
        %jit3A = arith.constant 0 : i32
        %broadcast_in_dim3A = vector.broadcast %jit3A : i32 to vector<16xi32>
        %select_n3A = arith.select %gt3A_395, %sub3A_389, %broadcast_in_dim3A : vector<16xi1>, vector<16xi32>
        %lt3A_396 = arith.constant 499999 : i32
        %lt3A_397 = vector.broadcast %lt3A_396 : i32 to vector<16xi32>
        %lt3A_398 = arith.cmpi slt, %select_n3A, %lt3A_397 : vector<16xi32>
        %jit3A_399 = arith.constant 499999 : i32
        %broadcast_in_dim3A_400 = vector.broadcast %jit3A_399 : i32 to vector<16xi32>
        %select_n3A_401 = arith.select %lt3A_398, %select_n3A, %broadcast_in_dim3A_400 : vector<16xi1>, vector<16xi32>
        %get3A_402 = arith.index_cast %mul3A_385 : i32 to index
        %get3A_403 = tpu.vector_load %arg10[%get3A_402] {strides = array<i32>} : memref<3200xf32, #tpu.memory_space<vmem>>, vector<16xf32>,
        %get3A_404 = vector.shape_cast %get3A_403 : vector<16xf32> to vector<16xf32>
        %jit3A_405 = arith.constant 0.000000e+00 : f32
        %broadcast_in_dim3A_406 = vector.broadcast %jit3A_405 : f32 to vector<16xf32>
        %select_n3A_407 = arith.select %and3A, %get3A_404, %broadcast_in_dim3A_406 : vector<16xi1>, vector<16xf32>
        %swap3A = arith.index_cast %mul3A_385 : i32 to index
        %swap3A_408 = tpu.vector_load %arg14[%swap3A] {strides = array<i32>} : memref<9600xi32, #tpu.memory_space<vmem>>, vector<16xi32>,
        %swap3A_409 = vector.shape_cast %swap3A_408 : vector<16xi32> to vector<16xi32>
        %swap3A_410 = vector.shape_cast %select_n3A_401 : vector<16xi32> to vector<16xi32>
        tpu.vector_store %arg14[%swap3A], %swap3A_410 {strides = array<i32>} : memref<9600xi32, #tpu.memory_space<vmem>>, vector<16xi32>,
        %add3A_411 = arith.constant 500000 : i32
        %add3A_412 = vector.broadcast %add3A_411 : i32 to vector<16xi32>
        %add3A_413 = arith.addi %select_n3A_401, %add3A_412 : vector<16xi32>
        %add3A_414 = arith.constant 3200 : i32
        %add3A_415 = arith.addi %add3A_414, %mul3A_385 : i32
        %swap3A_416 = arith.index_cast %add3A_415 : i32 to index
        %swap3A_417 = tpu.vector_load %arg14[%swap3A_416] {strides = array<i32>} : memref<9600xi32, #tpu.memory_space<vmem>>, vector<16xi32>,
        %swap3A_418 = vector.shape_cast %swap3A_417 : vector<16xi32> to vector<16xi32>
        %swap3A_419 = vector.shape_cast %add3A_413 : vector<16xi32> to vector<16xi32>
        tpu.vector_store %arg14[%swap3A_416], %swap3A_419 {strides = array<i32>} : memref<9600xi32, #tpu.memory_space<vmem>>, vector<16xi32>,
        %add3A_420 = arith.constant 1000000 : i32
        %add3A_421 = vector.broadcast %add3A_420 : i32 to vector<16xi32>
        %add3A_422 = arith.addi %select_n3A_401, %add3A_421 : vector<16xi32>
        %add3A_423 = arith.constant 6400 : i32
        %add3A_424 = arith.addi %add3A_423, %mul3A_385 : i32
        %swap3A_425 = arith.index_cast %add3A_424 : i32 to index
        %swap3A_426 = tpu.vector_load %arg14[%swap3A_425] {strides = array<i32>} : memref<9600xi32, #tpu.memory_space<vmem>>, vector<16xi32>,
        %swap3A_427 = vector.shape_cast %swap3A_426 : vector<16xi32> to vector<16xi32>
        %swap3A_428 = vector.shape_cast %add3A_422 : vector<16xi32> to vector<16xi32>
        tpu.vector_store %arg14[%swap3A_425], %swap3A_428 {strides = array<i32>} : memref<9600xi32, #tpu.memory_space<vmem>>, vector<16xi32>,
        %swap3A_429 = arith.index_cast %mul3A_385 : i32 to index
        %swap3A_430 = tpu.vector_load %arg13[%swap3A_429] {strides = array<i32>} : memref<9600xf32, #tpu.memory_space<vmem>>, vector<16xf32>,
        %swap3A_431 = vector.shape_cast %swap3A_430 : vector<16xf32> to vector<16xf32>
        %swap3A_432 = vector.shape_cast %select_n3A_407 : vector<16xf32> to vector<16xf32>
        tpu.vector_store %arg13[%swap3A_429], %swap3A_432 {strides = array<i32>} : memref<9600xf32, #tpu.memory_space<vmem>>, vector<16xf32>,
        %get3A_433 = arith.index_cast %mul3A_385 : i32 to index
        %get3A_434 = tpu.vector_load %arg11[%get3A_433] {strides = array<i32>} : memref<3200xf32, #tpu.memory_space<vmem>>, vector<16xf32>,
        %get3A_435 = vector.shape_cast %get3A_434 : vector<16xf32> to vector<16xf32>
        %mul3A_436 = arith.mulf %select_n3A_407, %get3A_435 : vector<16xf32>
        %add3A_437 = arith.constant 3200 : i32
        %add3A_438 = arith.addi %add3A_437, %mul3A_385 : i32
        %swap3A_439 = arith.index_cast %add3A_438 : i32 to index
        %swap3A_440 = tpu.vector_load %arg13[%swap3A_439] {strides = array<i32>} : memref<9600xf32, #tpu.memory_space<vmem>>, vector<16xf32>,
        %swap3A_441 = vector.shape_cast %swap3A_440 : vector<16xf32> to vector<16xf32>
        %swap3A_442 = vector.shape_cast %mul3A_436 : vector<16xf32> to vector<16xf32>
        tpu.vector_store %arg13[%swap3A_439], %swap3A_442 {strides = array<i32>} : memref<9600xf32, #tpu.memory_space<vmem>>, vector<16xf32>,
        %get3A_443 = arith.index_cast %mul3A_385 : i32 to index
        %get3A_444 = tpu.vector_load %arg12[%get3A_443] {strides = array<i32>} : memref<3200xf32, #tpu.memory_space<vmem>>, vector<16xf32>,
        %get3A_445 = vector.shape_cast %get3A_444 : vector<16xf32> to vector<16xf32>
        %mul3A_446 = arith.mulf %select_n3A_407, %get3A_445 : vector<16xf32>
        %add3A_447 = arith.constant 6400 : i32
        %add3A_448 = arith.addi %add3A_447, %mul3A_385 : i32
        %swap3A_449 = arith.index_cast %add3A_448 : i32 to index
        %swap3A_450 = tpu.vector_load %arg13[%swap3A_449] {strides = array<i32>} : memref<9600xf32, #tpu.memory_space<vmem>>, vector<16xf32>,
        %swap3A_451 = vector.shape_cast %swap3A_450 : vector<16xf32> to vector<16xf32>
        %swap3A_452 = vector.shape_cast %mul3A_446 : vector<16xf32> to vector<16xf32>
        tpu.vector_store %arg13[%swap3A_449], %swap3A_452 {strides = array<i32>} : memref<9600xf32, #tpu.memory_space<vmem>>, vector<16xf32>,
      }
      %scan3A_378 = arith.constant 200 : i32
      "tpu.region"() ({
        %run_scoped3A = tpu.sem_alloc : memref<!tpu.dma_semaphore, #tpu.memory_space<semaphore_mem>>
        %dma_start3A = arith.constant 0 : i32
        %dma_start3A_379 = tpu.memref_slice %arg8[%dma_start3A] : memref<1500000xf32, #tpu.memory_space<vmem_shared>> -> memref<1500000xf32, #tpu.memory_space<vmem_shared>>
        tpu.enqueue_indirect_dma source(%arg13 : memref<9600xf32, #tpu.memory_space<vmem>>) target(%dma_start3A_379 : memref<1500000xf32, #tpu.memory_space<vmem_shared>>) offsets(%arg14 : memref<9600xi32, #tpu.memory_space<vmem>>) semaphore(%run_scoped3A : memref<!tpu.dma_semaphore, #tpu.memory_space<semaphore_mem>>) {add = true}
        %dma_wait3A = arith.constant 0 : i32
        %dma_wait3A_380 = tpu.memref_slice %arg8[%dma_wait3A] : memref<1500000xf32, #tpu.memory_space<vmem_shared>> -> memref<1500000xf32, #tpu.memory_space<vmem_shared>>
        tpu.wait_indirect_dma semaphore(%run_scoped3A : memref<!tpu.dma_semaphore, #tpu.memory_space<semaphore_mem>>) src(%arg13 : memref<9600xf32, #tpu.memory_space<vmem>>) dst(%dma_wait3A_380 : memref<1500000xf32, #tpu.memory_space<vmem_shared>>)
        tpu.yield
      }) : () -> ()
    }
    %barrier3A_126 = arith.constant 0 : index
    tpu.barrier barrier_id(%barrier3A_126)
    %sub3A_127 = arith.constant 125 : i32
    %sub3A_128 = arith.subi %sub3A_127, %arg1 : i32
    %sub3A_129 = arith.constant 16 : i32
    %sub3A_130 = arith.constant 1 : i32
    %sub3A_131 = arith.subi %sub3A_129, %sub3A_130 : i32
    %add3A_132 = arith.addi %sub3A_128, %sub3A_131 : i32
    %div3A_133 = arith.constant 16 : i32
    %div3A_134 = arith.divsi %add3A_132, %div3A_133 : i32
    %while3A_135 = arith.constant 16 : i32
    %while3A_136 = arith.constant 0 : i32
    %while3A_137 = arith.subi %div3A_134, %while3A_136 : i32
    %while3A_138 = arith.addi %while3A_136, %while3A_137 : i32
    %while3A_139 = arith.constant 1 : i32
    %while3A_140 = arith.divsi %while3A_137, %while3A_139 : i32
    %while3A_141 = arith.muli %while3A_140, %while3A_139 : i32
    %while3A_142 = arith.addi %while3A_136, %while3A_141 : i32
    %while3A_143 = arith.constant 1 : i32
    scf.for %while3A_368 = %while3A_136 to %while3A_142 step %while3A_143  : i32 {
      %mul3A_369 = arith.muli %while3A_368, %while3A_135 : i32
      %add3A_370 = arith.addi %arg1, %mul3A_369 : i32
      %mul3A_371 = arith.constant 4000 : i32
      %mul3A_372 = arith.muli %add3A_370, %mul3A_371 : i32
      %add3A_373 = arith.constant 0 : i32
      %add3A_374 = arith.addi %add3A_373, %mul3A_372 : i32
      "tpu.region"() ({
        %run_scoped3A = tpu.sem_alloc : memref<!tpu.dma_semaphore, #tpu.memory_space<semaphore_mem>>
        %dma_start3A = tpu.memref_slice %arg8[%add3A_374] : memref<1500000xf32, #tpu.memory_space<vmem_shared>> -> memref<4000xf32, #tpu.memory_space<vmem_shared>>
        %dma_start3A_380 = tpu.memref_slice %arg8[%add3A_374] : memref<1500000xf32, #tpu.memory_space<vmem_shared>> -> memref<4000xf32, #tpu.memory_space<vmem_shared>>
        tpu.enqueue_dma source(%dma_start3A_380 : memref<4000xf32, #tpu.memory_space<vmem_shared>>) target(%arg15 : memref<4000xf32, #tpu.memory_space<vmem>>) target_semaphore(%run_scoped3A : memref<!tpu.dma_semaphore, #tpu.memory_space<semaphore_mem>>)
        %dma_wait3A = tpu.memref_slice %arg8[%add3A_374] : memref<1500000xf32, #tpu.memory_space<vmem_shared>> -> memref<4000xf32, #tpu.memory_space<vmem_shared>>
        %dma_wait3A_381 = tpu.memref_slice %arg8[%add3A_374] : memref<1500000xf32, #tpu.memory_space<vmem_shared>> -> memref<4000xf32, #tpu.memory_space<vmem_shared>>
        tpu.wait_dma2 semaphore(%run_scoped3A : memref<!tpu.dma_semaphore, #tpu.memory_space<semaphore_mem>>) src(%dma_wait3A_381 : memref<4000xf32, #tpu.memory_space<vmem_shared>>) dst(%arg15 : memref<4000xf32, #tpu.memory_space<vmem>>)
        tpu.yield
      }) : () -> ()
      %add3A_375 = arith.constant 3000000 : i32
      %add3A_376 = arith.addi %add3A_375, %mul3A_0 : i32
      %mul3A_377 = arith.constant 4000 : i32
      %mul3A_378 = arith.muli %add3A_370, %mul3A_377 : i32
      %add3A_379 = arith.addi %add3A_376, %mul3A_378 : i32
      "tpu.region"() ({
        %run_scoped3A = tpu.sem_alloc : memref<!tpu.dma_semaphore, #tpu.memory_space<semaphore_mem>>
        %dma_start3A = tpu.memref_slice %arg7[%add3A_379] : memref<12000000xf32, #tpu.memory_space<hbm>> -> memref<4000xf32, #tpu.memory_space<hbm>>
        %dma_start3A_380 = tpu.memref_slice %arg7[%add3A_379] : memref<12000000xf32, #tpu.memory_space<hbm>> -> memref<4000xf32, #tpu.memory_space<hbm>>
        tpu.enqueue_dma source(%arg15 : memref<4000xf32, #tpu.memory_space<vmem>>) target(%dma_start3A_380 : memref<4000xf32, #tpu.memory_space<hbm>>) target_semaphore(%run_scoped3A : memref<!tpu.dma_semaphore, #tpu.memory_space<semaphore_mem>>)
        %dma_wait3A = tpu.memref_slice %arg7[%add3A_379] : memref<12000000xf32, #tpu.memory_space<hbm>> -> memref<4000xf32, #tpu.memory_space<hbm>>
        %dma_wait3A_381 = tpu.memref_slice %arg7[%add3A_379] : memref<12000000xf32, #tpu.memory_space<hbm>> -> memref<4000xf32, #tpu.memory_space<hbm>>
        tpu.wait_dma2 semaphore(%run_scoped3A : memref<!tpu.dma_semaphore, #tpu.memory_space<semaphore_mem>>) src(%arg15 : memref<4000xf32, #tpu.memory_space<vmem>>) dst(%dma_wait3A_381 : memref<4000xf32, #tpu.memory_space<hbm>>)
        tpu.yield
      }) : () -> ()
    }
    %while3A_144 = arith.constant 1 : i32
    scf.for %while3A_368 = %while3A_142 to %while3A_138 step %while3A_144  : i32 {
      %mul3A_369 = arith.muli %while3A_368, %while3A_135 : i32
      %add3A_370 = arith.addi %arg1, %mul3A_369 : i32
      %mul3A_371 = arith.constant 4000 : i32
      %mul3A_372 = arith.muli %add3A_370, %mul3A_371 : i32
      %add3A_373 = arith.constant 0 : i32
      %add3A_374 = arith.addi %add3A_373, %mul3A_372 : i32
      "tpu.region"() ({
        %run_scoped3A = tpu.sem_alloc : memref<!tpu.dma_semaphore, #tpu.memory_space<semaphore_mem>>
        %dma_start3A = tpu.memref_slice %arg8[%add3A_374] : memref<1500000xf32, #tpu.memory_space<vmem_shared>> -> memref<4000xf32, #tpu.memory_space<vmem_shared>>
        %dma_start3A_380 = tpu.memref_slice %arg8[%add3A_374] : memref<1500000xf32, #tpu.memory_space<vmem_shared>> -> memref<4000xf32, #tpu.memory_space<vmem_shared>>
        tpu.enqueue_dma source(%dma_start3A_380 : memref<4000xf32, #tpu.memory_space<vmem_shared>>) target(%arg15 : memref<4000xf32, #tpu.memory_space<vmem>>) target_semaphore(%run_scoped3A : memref<!tpu.dma_semaphore, #tpu.memory_space<semaphore_mem>>)
        %dma_wait3A = tpu.memref_slice %arg8[%add3A_374] : memref<1500000xf32, #tpu.memory_space<vmem_shared>> -> memref<4000xf32, #tpu.memory_space<vmem_shared>>
        %dma_wait3A_381 = tpu.memref_slice %arg8[%add3A_374] : memref<1500000xf32, #tpu.memory_space<vmem_shared>> -> memref<4000xf32, #tpu.memory_space<vmem_shared>>
        tpu.wait_dma2 semaphore(%run_scoped3A : memref<!tpu.dma_semaphore, #tpu.memory_space<semaphore_mem>>) src(%dma_wait3A_381 : memref<4000xf32, #tpu.memory_space<vmem_shared>>) dst(%arg15 : memref<4000xf32, #tpu.memory_space<vmem>>)
        tpu.yield
      }) : () -> ()
      %add3A_375 = arith.constant 3000000 : i32
      %add3A_376 = arith.addi %add3A_375, %mul3A_0 : i32
      %mul3A_377 = arith.constant 4000 : i32
      %mul3A_378 = arith.muli %add3A_370, %mul3A_377 : i32
      %add3A_379 = arith.addi %add3A_376, %mul3A_378 : i32
      "tpu.region"() ({
        %run_scoped3A = tpu.sem_alloc : memref<!tpu.dma_semaphore, #tpu.memory_space<semaphore_mem>>
        %dma_start3A = tpu.memref_slice %arg7[%add3A_379] : memref<12000000xf32, #tpu.memory_space<hbm>> -> memref<4000xf32, #tpu.memory_space<hbm>>
        %dma_start3A_380 = tpu.memref_slice %arg7[%add3A_379] : memref<12000000xf32, #tpu.memory_space<hbm>> -> memref<4000xf32, #tpu.memory_space<hbm>>
        tpu.enqueue_dma source(%arg15 : memref<4000xf32, #tpu.memory_space<vmem>>) target(%dma_start3A_380 : memref<4000xf32, #tpu.memory_space<hbm>>) target_semaphore(%run_scoped3A : memref<!tpu.dma_semaphore, #tpu.memory_space<semaphore_mem>>)
        %dma_wait3A = tpu.memref_slice %arg7[%add3A_379] : memref<12000000xf32, #tpu.memory_space<hbm>> -> memref<4000xf32, #tpu.memory_space<hbm>>
        %dma_wait3A_381 = tpu.memref_slice %arg7[%add3A_379] : memref<12000000xf32, #tpu.memory_space<hbm>> -> memref<4000xf32, #tpu.memory_space<hbm>>
        tpu.wait_dma2 semaphore(%run_scoped3A : memref<!tpu.dma_semaphore, #tpu.memory_space<semaphore_mem>>) src(%arg15 : memref<4000xf32, #tpu.memory_space<vmem>>) dst(%dma_wait3A_381 : memref<4000xf32, #tpu.memory_space<hbm>>)
        tpu.yield
      }) : () -> ()
    }
    %sub3A_145 = arith.constant 125 : i32
    %sub3A_146 = arith.subi %sub3A_145, %arg1 : i32
    %sub3A_147 = arith.constant 16 : i32
    %sub3A_148 = arith.constant 1 : i32
    %sub3A_149 = arith.subi %sub3A_147, %sub3A_148 : i32
    %add3A_150 = arith.addi %sub3A_146, %sub3A_149 : i32
    %div3A_151 = arith.constant 16 : i32
    %div3A_152 = arith.divsi %add3A_150, %div3A_151 : i32
    %while3A_153 = arith.constant 16 : i32
    %while3A_154 = arith.constant 0 : i32
    %while3A_155 = arith.subi %div3A_152, %while3A_154 : i32
    %while3A_156 = arith.addi %while3A_154, %while3A_155 : i32
    %while3A_157 = arith.constant 1 : i32
    %while3A_158 = arith.divsi %while3A_155, %while3A_157 : i32
    %while3A_159 = arith.muli %while3A_158, %while3A_157 : i32
    %while3A_160 = arith.addi %while3A_154, %while3A_159 : i32
    %while3A_161 = arith.constant 1 : i32
    scf.for %while3A_368 = %while3A_154 to %while3A_160 step %while3A_161  : i32 {
      %mul3A_369 = arith.muli %while3A_368, %while3A_153 : i32
      %add3A_370 = arith.addi %arg1, %mul3A_369 : i32
      %mul3A_371 = arith.constant 4000 : i32
      %mul3A_372 = arith.muli %add3A_370, %mul3A_371 : i32
      %add3A_373 = arith.constant 500000 : i32
      %add3A_374 = arith.addi %add3A_373, %mul3A_372 : i32
      "tpu.region"() ({
        %run_scoped3A = tpu.sem_alloc : memref<!tpu.dma_semaphore, #tpu.memory_space<semaphore_mem>>
        %dma_start3A = tpu.memref_slice %arg8[%add3A_374] : memref<1500000xf32, #tpu.memory_space<vmem_shared>> -> memref<4000xf32, #tpu.memory_space<vmem_shared>>
        %dma_start3A_380 = tpu.memref_slice %arg8[%add3A_374] : memref<1500000xf32, #tpu.memory_space<vmem_shared>> -> memref<4000xf32, #tpu.memory_space<vmem_shared>>
        tpu.enqueue_dma source(%dma_start3A_380 : memref<4000xf32, #tpu.memory_space<vmem_shared>>) target(%arg15 : memref<4000xf32, #tpu.memory_space<vmem>>) target_semaphore(%run_scoped3A : memref<!tpu.dma_semaphore, #tpu.memory_space<semaphore_mem>>)
        %dma_wait3A = tpu.memref_slice %arg8[%add3A_374] : memref<1500000xf32, #tpu.memory_space<vmem_shared>> -> memref<4000xf32, #tpu.memory_space<vmem_shared>>
        %dma_wait3A_381 = tpu.memref_slice %arg8[%add3A_374] : memref<1500000xf32, #tpu.memory_space<vmem_shared>> -> memref<4000xf32, #tpu.memory_space<vmem_shared>>
        tpu.wait_dma2 semaphore(%run_scoped3A : memref<!tpu.dma_semaphore, #tpu.memory_space<semaphore_mem>>) src(%dma_wait3A_381 : memref<4000xf32, #tpu.memory_space<vmem_shared>>) dst(%arg15 : memref<4000xf32, #tpu.memory_space<vmem>>)
        tpu.yield
      }) : () -> ()
      %add3A_375 = arith.constant 4000000 : i32
      %add3A_376 = arith.addi %add3A_375, %mul3A_0 : i32
      %mul3A_377 = arith.constant 4000 : i32
      %mul3A_378 = arith.muli %add3A_370, %mul3A_377 : i32
      %add3A_379 = arith.addi %add3A_376, %mul3A_378 : i32
      "tpu.region"() ({
        %run_scoped3A = tpu.sem_alloc : memref<!tpu.dma_semaphore, #tpu.memory_space<semaphore_mem>>
        %dma_start3A = tpu.memref_slice %arg7[%add3A_379] : memref<12000000xf32, #tpu.memory_space<hbm>> -> memref<4000xf32, #tpu.memory_space<hbm>>
        %dma_start3A_380 = tpu.memref_slice %arg7[%add3A_379] : memref<12000000xf32, #tpu.memory_space<hbm>> -> memref<4000xf32, #tpu.memory_space<hbm>>
        tpu.enqueue_dma source(%arg15 : memref<4000xf32, #tpu.memory_space<vmem>>) target(%dma_start3A_380 : memref<4000xf32, #tpu.memory_space<hbm>>) target_semaphore(%run_scoped3A : memref<!tpu.dma_semaphore, #tpu.memory_space<semaphore_mem>>)
        %dma_wait3A = tpu.memref_slice %arg7[%add3A_379] : memref<12000000xf32, #tpu.memory_space<hbm>> -> memref<4000xf32, #tpu.memory_space<hbm>>
        %dma_wait3A_381 = tpu.memref_slice %arg7[%add3A_379] : memref<12000000xf32, #tpu.memory_space<hbm>> -> memref<4000xf32, #tpu.memory_space<hbm>>
        tpu.wait_dma2 semaphore(%run_scoped3A : memref<!tpu.dma_semaphore, #tpu.memory_space<semaphore_mem>>) src(%arg15 : memref<4000xf32, #tpu.memory_space<vmem>>) dst(%dma_wait3A_381 : memref<4000xf32, #tpu.memory_space<hbm>>)
        tpu.yield
      }) : () -> ()
    }
    %while3A_162 = arith.constant 1 : i32
    scf.for %while3A_368 = %while3A_160 to %while3A_156 step %while3A_162  : i32 {
      %mul3A_369 = arith.muli %while3A_368, %while3A_153 : i32
      %add3A_370 = arith.addi %arg1, %mul3A_369 : i32
      %mul3A_371 = arith.constant 4000 : i32
      %mul3A_372 = arith.muli %add3A_370, %mul3A_371 : i32
      %add3A_373 = arith.constant 500000 : i32
      %add3A_374 = arith.addi %add3A_373, %mul3A_372 : i32
      "tpu.region"() ({
        %run_scoped3A = tpu.sem_alloc : memref<!tpu.dma_semaphore, #tpu.memory_space<semaphore_mem>>
        %dma_start3A = tpu.memref_slice %arg8[%add3A_374] : memref<1500000xf32, #tpu.memory_space<vmem_shared>> -> memref<4000xf32, #tpu.memory_space<vmem_shared>>
        %dma_start3A_380 = tpu.memref_slice %arg8[%add3A_374] : memref<1500000xf32, #tpu.memory_space<vmem_shared>> -> memref<4000xf32, #tpu.memory_space<vmem_shared>>
        tpu.enqueue_dma source(%dma_start3A_380 : memref<4000xf32, #tpu.memory_space<vmem_shared>>) target(%arg15 : memref<4000xf32, #tpu.memory_space<vmem>>) target_semaphore(%run_scoped3A : memref<!tpu.dma_semaphore, #tpu.memory_space<semaphore_mem>>)
        %dma_wait3A = tpu.memref_slice %arg8[%add3A_374] : memref<1500000xf32, #tpu.memory_space<vmem_shared>> -> memref<4000xf32, #tpu.memory_space<vmem_shared>>
        %dma_wait3A_381 = tpu.memref_slice %arg8[%add3A_374] : memref<1500000xf32, #tpu.memory_space<vmem_shared>> -> memref<4000xf32, #tpu.memory_space<vmem_shared>>
        tpu.wait_dma2 semaphore(%run_scoped3A : memref<!tpu.dma_semaphore, #tpu.memory_space<semaphore_mem>>) src(%dma_wait3A_381 : memref<4000xf32, #tpu.memory_space<vmem_shared>>) dst(%arg15 : memref<4000xf32, #tpu.memory_space<vmem>>)
        tpu.yield
      }) : () -> ()
      %add3A_375 = arith.constant 4000000 : i32
      %add3A_376 = arith.addi %add3A_375, %mul3A_0 : i32
      %mul3A_377 = arith.constant 4000 : i32
      %mul3A_378 = arith.muli %add3A_370, %mul3A_377 : i32
      %add3A_379 = arith.addi %add3A_376, %mul3A_378 : i32
      "tpu.region"() ({
        %run_scoped3A = tpu.sem_alloc : memref<!tpu.dma_semaphore, #tpu.memory_space<semaphore_mem>>
        %dma_start3A = tpu.memref_slice %arg7[%add3A_379] : memref<12000000xf32, #tpu.memory_space<hbm>> -> memref<4000xf32, #tpu.memory_space<hbm>>
        %dma_start3A_380 = tpu.memref_slice %arg7[%add3A_379] : memref<12000000xf32, #tpu.memory_space<hbm>> -> memref<4000xf32, #tpu.memory_space<hbm>>
        tpu.enqueue_dma source(%arg15 : memref<4000xf32, #tpu.memory_space<vmem>>) target(%dma_start3A_380 : memref<4000xf32, #tpu.memory_space<hbm>>) target_semaphore(%run_scoped3A : memref<!tpu.dma_semaphore, #tpu.memory_space<semaphore_mem>>)
        %dma_wait3A = tpu.memref_slice %arg7[%add3A_379] : memref<12000000xf32, #tpu.memory_space<hbm>> -> memref<4000xf32, #tpu.memory_space<hbm>>
        %dma_wait3A_381 = tpu.memref_slice %arg7[%add3A_379] : memref<12000000xf32, #tpu.memory_space<hbm>> -> memref<4000xf32, #tpu.memory_space<hbm>>
        tpu.wait_dma2 semaphore(%run_scoped3A : memref<!tpu.dma_semaphore, #tpu.memory_space<semaphore_mem>>) src(%arg15 : memref<4000xf32, #tpu.memory_space<vmem>>) dst(%dma_wait3A_381 : memref<4000xf32, #tpu.memory_space<hbm>>)
        tpu.yield
      }) : () -> ()
    }
    %sub3A_163 = arith.constant 125 : i32
    %sub3A_164 = arith.subi %sub3A_163, %arg1 : i32
    %sub3A_165 = arith.constant 16 : i32
    %sub3A_166 = arith.constant 1 : i32
    %sub3A_167 = arith.subi %sub3A_165, %sub3A_166 : i32
    %add3A_168 = arith.addi %sub3A_164, %sub3A_167 : i32
    %div3A_169 = arith.constant 16 : i32
    %div3A_170 = arith.divsi %add3A_168, %div3A_169 : i32
    %while3A_171 = arith.constant 16 : i32
    %while3A_172 = arith.constant 0 : i32
    %while3A_173 = arith.subi %div3A_170, %while3A_172 : i32
    %while3A_174 = arith.addi %while3A_172, %while3A_173 : i32
    %while3A_175 = arith.constant 1 : i32
    %while3A_176 = arith.divsi %while3A_173, %while3A_175 : i32
    %while3A_177 = arith.muli %while3A_176, %while3A_175 : i32
    %while3A_178 = arith.addi %while3A_172, %while3A_177 : i32
    %while3A_179 = arith.constant 1 : i32
    scf.for %while3A_368 = %while3A_172 to %while3A_178 step %while3A_179  : i32 {
      %mul3A_369 = arith.muli %while3A_368, %while3A_171 : i32
      %add3A_370 = arith.addi %arg1, %mul3A_369 : i32
      %mul3A_371 = arith.constant 4000 : i32
      %mul3A_372 = arith.muli %add3A_370, %mul3A_371 : i32
      %add3A_373 = arith.constant 1000000 : i32
      %add3A_374 = arith.addi %add3A_373, %mul3A_372 : i32
      "tpu.region"() ({
        %run_scoped3A = tpu.sem_alloc : memref<!tpu.dma_semaphore, #tpu.memory_space<semaphore_mem>>
        %dma_start3A = tpu.memref_slice %arg8[%add3A_374] : memref<1500000xf32, #tpu.memory_space<vmem_shared>> -> memref<4000xf32, #tpu.memory_space<vmem_shared>>
        %dma_start3A_380 = tpu.memref_slice %arg8[%add3A_374] : memref<1500000xf32, #tpu.memory_space<vmem_shared>> -> memref<4000xf32, #tpu.memory_space<vmem_shared>>
        tpu.enqueue_dma source(%dma_start3A_380 : memref<4000xf32, #tpu.memory_space<vmem_shared>>) target(%arg15 : memref<4000xf32, #tpu.memory_space<vmem>>) target_semaphore(%run_scoped3A : memref<!tpu.dma_semaphore, #tpu.memory_space<semaphore_mem>>)
        %dma_wait3A = tpu.memref_slice %arg8[%add3A_374] : memref<1500000xf32, #tpu.memory_space<vmem_shared>> -> memref<4000xf32, #tpu.memory_space<vmem_shared>>
        %dma_wait3A_381 = tpu.memref_slice %arg8[%add3A_374] : memref<1500000xf32, #tpu.memory_space<vmem_shared>> -> memref<4000xf32, #tpu.memory_space<vmem_shared>>
        tpu.wait_dma2 semaphore(%run_scoped3A : memref<!tpu.dma_semaphore, #tpu.memory_space<semaphore_mem>>) src(%dma_wait3A_381 : memref<4000xf32, #tpu.memory_space<vmem_shared>>) dst(%arg15 : memref<4000xf32, #tpu.memory_space<vmem>>)
        tpu.yield
      }) : () -> ()
      %add3A_375 = arith.constant 5000000 : i32
      %add3A_376 = arith.addi %add3A_375, %mul3A_0 : i32
      %mul3A_377 = arith.constant 4000 : i32
      %mul3A_378 = arith.muli %add3A_370, %mul3A_377 : i32
      %add3A_379 = arith.addi %add3A_376, %mul3A_378 : i32
      "tpu.region"() ({
        %run_scoped3A = tpu.sem_alloc : memref<!tpu.dma_semaphore, #tpu.memory_space<semaphore_mem>>
        %dma_start3A = tpu.memref_slice %arg7[%add3A_379] : memref<12000000xf32, #tpu.memory_space<hbm>> -> memref<4000xf32, #tpu.memory_space<hbm>>
        %dma_start3A_380 = tpu.memref_slice %arg7[%add3A_379] : memref<12000000xf32, #tpu.memory_space<hbm>> -> memref<4000xf32, #tpu.memory_space<hbm>>
        tpu.enqueue_dma source(%arg15 : memref<4000xf32, #tpu.memory_space<vmem>>) target(%dma_start3A_380 : memref<4000xf32, #tpu.memory_space<hbm>>) target_semaphore(%run_scoped3A : memref<!tpu.dma_semaphore, #tpu.memory_space<semaphore_mem>>)
        %dma_wait3A = tpu.memref_slice %arg7[%add3A_379] : memref<12000000xf32, #tpu.memory_space<hbm>> -> memref<4000xf32, #tpu.memory_space<hbm>>
        %dma_wait3A_381 = tpu.memref_slice %arg7[%add3A_379] : memref<12000000xf32, #tpu.memory_space<hbm>> -> memref<4000xf32, #tpu.memory_space<hbm>>
        tpu.wait_dma2 semaphore(%run_scoped3A : memref<!tpu.dma_semaphore, #tpu.memory_space<semaphore_mem>>) src(%arg15 : memref<4000xf32, #tpu.memory_space<vmem>>) dst(%dma_wait3A_381 : memref<4000xf32, #tpu.memory_space<hbm>>)
        tpu.yield
      }) : () -> ()
    }
    %while3A_180 = arith.constant 1 : i32
    scf.for %while3A_368 = %while3A_178 to %while3A_174 step %while3A_180  : i32 {
      %mul3A_369 = arith.muli %while3A_368, %while3A_171 : i32
      %add3A_370 = arith.addi %arg1, %mul3A_369 : i32
      %mul3A_371 = arith.constant 4000 : i32
      %mul3A_372 = arith.muli %add3A_370, %mul3A_371 : i32
      %add3A_373 = arith.constant 1000000 : i32
      %add3A_374 = arith.addi %add3A_373, %mul3A_372 : i32
      "tpu.region"() ({
        %run_scoped3A = tpu.sem_alloc : memref<!tpu.dma_semaphore, #tpu.memory_space<semaphore_mem>>
        %dma_start3A = tpu.memref_slice %arg8[%add3A_374] : memref<1500000xf32, #tpu.memory_space<vmem_shared>> -> memref<4000xf32, #tpu.memory_space<vmem_shared>>
        %dma_start3A_380 = tpu.memref_slice %arg8[%add3A_374] : memref<1500000xf32, #tpu.memory_space<vmem_shared>> -> memref<4000xf32, #tpu.memory_space<vmem_shared>>
        tpu.enqueue_dma source(%dma_start3A_380 : memref<4000xf32, #tpu.memory_space<vmem_shared>>) target(%arg15 : memref<4000xf32, #tpu.memory_space<vmem>>) target_semaphore(%run_scoped3A : memref<!tpu.dma_semaphore, #tpu.memory_space<semaphore_mem>>)
        %dma_wait3A = tpu.memref_slice %arg8[%add3A_374] : memref<1500000xf32, #tpu.memory_space<vmem_shared>> -> memref<4000xf32, #tpu.memory_space<vmem_shared>>
        %dma_wait3A_381 = tpu.memref_slice %arg8[%add3A_374] : memref<1500000xf32, #tpu.memory_space<vmem_shared>> -> memref<4000xf32, #tpu.memory_space<vmem_shared>>
        tpu.wait_dma2 semaphore(%run_scoped3A : memref<!tpu.dma_semaphore, #tpu.memory_space<semaphore_mem>>) src(%dma_wait3A_381 : memref<4000xf32, #tpu.memory_space<vmem_shared>>) dst(%arg15 : memref<4000xf32, #tpu.memory_space<vmem>>)
        tpu.yield
      }) : () -> ()
      %add3A_375 = arith.constant 5000000 : i32
      %add3A_376 = arith.addi %add3A_375, %mul3A_0 : i32
      %mul3A_377 = arith.constant 4000 : i32
      %mul3A_378 = arith.muli %add3A_370, %mul3A_377 : i32
      %add3A_379 = arith.addi %add3A_376, %mul3A_378 : i32
      "tpu.region"() ({
        %run_scoped3A = tpu.sem_alloc : memref<!tpu.dma_semaphore, #tpu.memory_space<semaphore_mem>>
        %dma_start3A = tpu.memref_slice %arg7[%add3A_379] : memref<12000000xf32, #tpu.memory_space<hbm>> -> memref<4000xf32, #tpu.memory_space<hbm>>
        %dma_start3A_380 = tpu.memref_slice %arg7[%add3A_379] : memref<12000000xf32, #tpu.memory_space<hbm>> -> memref<4000xf32, #tpu.memory_space<hbm>>
        tpu.enqueue_dma source(%arg15 : memref<4000xf32, #tpu.memory_space<vmem>>) target(%dma_start3A_380 : memref<4000xf32, #tpu.memory_space<hbm>>) target_semaphore(%run_scoped3A : memref<!tpu.dma_semaphore, #tpu.memory_space<semaphore_mem>>)
        %dma_wait3A = tpu.memref_slice %arg7[%add3A_379] : memref<12000000xf32, #tpu.memory_space<hbm>> -> memref<4000xf32, #tpu.memory_space<hbm>>
        %dma_wait3A_381 = tpu.memref_slice %arg7[%add3A_379] : memref<12000000xf32, #tpu.memory_space<hbm>> -> memref<4000xf32, #tpu.memory_space<hbm>>
        tpu.wait_dma2 semaphore(%run_scoped3A : memref<!tpu.dma_semaphore, #tpu.memory_space<semaphore_mem>>) src(%arg15 : memref<4000xf32, #tpu.memory_space<vmem>>) dst(%dma_wait3A_381 : memref<4000xf32, #tpu.memory_space<hbm>>)
        tpu.yield
      }) : () -> ()
    }
    %barrier3A_181 = arith.constant 0 : index
    tpu.barrier barrier_id(%barrier3A_181)
    "tpu.region"() ({
      %run_scoped3A = tpu.sem_alloc : memref<!tpu.dma_semaphore, #tpu.memory_space<semaphore_mem>>
      tpu.enqueue_dma source(%arg6 : memref<4000xf32, #tpu.memory_space<hbm>>) target(%arg15 : memref<4000xf32, #tpu.memory_space<vmem>>) target_semaphore(%run_scoped3A : memref<!tpu.dma_semaphore, #tpu.memory_space<semaphore_mem>>)
      tpu.wait_dma2 semaphore(%run_scoped3A : memref<!tpu.dma_semaphore, #tpu.memory_space<semaphore_mem>>) src(%arg6 : memref<4000xf32, #tpu.memory_space<hbm>>) dst(%arg15 : memref<4000xf32, #tpu.memory_space<vmem>>)
      tpu.yield
    }) : () -> ()
    %sub3A_182 = arith.constant 375 : i32
    %sub3A_183 = arith.subi %sub3A_182, %arg1 : i32
    %sub3A_184 = arith.constant 16 : i32
    %sub3A_185 = arith.constant 1 : i32
    %sub3A_186 = arith.subi %sub3A_184, %sub3A_185 : i32
    %add3A_187 = arith.addi %sub3A_183, %sub3A_186 : i32
    %div3A_188 = arith.constant 16 : i32
    %div3A_189 = arith.divsi %add3A_187, %div3A_188 : i32
    %while3A_190 = arith.constant 16 : i32
    %while3A_191 = arith.constant 0 : i32
    %while3A_192 = arith.subi %div3A_189, %while3A_191 : i32
    %while3A_193 = arith.addi %while3A_191, %while3A_192 : i32
    %while3A_194 = arith.constant 1 : i32
    %while3A_195 = arith.divsi %while3A_192, %while3A_194 : i32
    %while3A_196 = arith.muli %while3A_195, %while3A_194 : i32
    %while3A_197 = arith.addi %while3A_191, %while3A_196 : i32
    %while3A_198 = arith.constant 1 : i32
    scf.for %while3A_368 = %while3A_191 to %while3A_197 step %while3A_198  : i32 {
      %mul3A_369 = arith.muli %while3A_368, %while3A_190 : i32
      %add3A_370 = arith.addi %arg1, %mul3A_369 : i32
      %mul3A_371 = arith.constant 4000 : i32
      %mul3A_372 = arith.muli %add3A_370, %mul3A_371 : i32
      "tpu.region"() ({
        %run_scoped3A = tpu.sem_alloc : memref<!tpu.dma_semaphore, #tpu.memory_space<semaphore_mem>>
        %dma_start3A = tpu.memref_slice %arg8[%mul3A_372] : memref<1500000xf32, #tpu.memory_space<vmem_shared>> -> memref<4000xf32, #tpu.memory_space<vmem_shared>>
        %dma_start3A_373 = tpu.memref_slice %arg8[%mul3A_372] : memref<1500000xf32, #tpu.memory_space<vmem_shared>> -> memref<4000xf32, #tpu.memory_space<vmem_shared>>
        tpu.enqueue_dma source(%arg15 : memref<4000xf32, #tpu.memory_space<vmem>>) target(%dma_start3A_373 : memref<4000xf32, #tpu.memory_space<vmem_shared>>) target_semaphore(%run_scoped3A : memref<!tpu.dma_semaphore, #tpu.memory_space<semaphore_mem>>)
        %dma_wait3A = tpu.memref_slice %arg8[%mul3A_372] : memref<1500000xf32, #tpu.memory_space<vmem_shared>> -> memref<4000xf32, #tpu.memory_space<vmem_shared>>
        %dma_wait3A_374 = tpu.memref_slice %arg8[%mul3A_372] : memref<1500000xf32, #tpu.memory_space<vmem_shared>> -> memref<4000xf32, #tpu.memory_space<vmem_shared>>
        tpu.wait_dma2 semaphore(%run_scoped3A : memref<!tpu.dma_semaphore, #tpu.memory_space<semaphore_mem>>) src(%arg15 : memref<4000xf32, #tpu.memory_space<vmem>>) dst(%dma_wait3A_374 : memref<4000xf32, #tpu.memory_space<vmem_shared>>)
        tpu.yield
      }) : () -> ()
    }
    %while3A_199 = arith.constant 1 : i32
    scf.for %while3A_368 = %while3A_197 to %while3A_193 step %while3A_199  : i32 {
      %mul3A_369 = arith.muli %while3A_368, %while3A_190 : i32
      %add3A_370 = arith.addi %arg1, %mul3A_369 : i32
      %mul3A_371 = arith.constant 4000 : i32
      %mul3A_372 = arith.muli %add3A_370, %mul3A_371 : i32
      "tpu.region"() ({
        %run_scoped3A = tpu.sem_alloc : memref<!tpu.dma_semaphore, #tpu.memory_space<semaphore_mem>>
        %dma_start3A = tpu.memref_slice %arg8[%mul3A_372] : memref<1500000xf32, #tpu.memory_space<vmem_shared>> -> memref<4000xf32, #tpu.memory_space<vmem_shared>>
        %dma_start3A_373 = tpu.memref_slice %arg8[%mul3A_372] : memref<1500000xf32, #tpu.memory_space<vmem_shared>> -> memref<4000xf32, #tpu.memory_space<vmem_shared>>
        tpu.enqueue_dma source(%arg15 : memref<4000xf32, #tpu.memory_space<vmem>>) target(%dma_start3A_373 : memref<4000xf32, #tpu.memory_space<vmem_shared>>) target_semaphore(%run_scoped3A : memref<!tpu.dma_semaphore, #tpu.memory_space<semaphore_mem>>)
        %dma_wait3A = tpu.memref_slice %arg8[%mul3A_372] : memref<1500000xf32, #tpu.memory_space<vmem_shared>> -> memref<4000xf32, #tpu.memory_space<vmem_shared>>
        %dma_wait3A_374 = tpu.memref_slice %arg8[%mul3A_372] : memref<1500000xf32, #tpu.memory_space<vmem_shared>> -> memref<4000xf32, #tpu.memory_space<vmem_shared>>
        tpu.wait_dma2 semaphore(%run_scoped3A : memref<!tpu.dma_semaphore, #tpu.memory_space<semaphore_mem>>) src(%arg15 : memref<4000xf32, #tpu.memory_space<vmem>>) dst(%dma_wait3A_374 : memref<4000xf32, #tpu.memory_space<vmem_shared>>)
        tpu.yield
      }) : () -> ()
    }
    %barrier3A_200 = arith.constant 0 : index
    tpu.barrier barrier_id(%barrier3A_200)
    %sub3A_201 = arith.constant 625 : i32
    %sub3A_202 = arith.subi %sub3A_201, %arg1 : i32
    %sub3A_203 = arith.constant 16 : i32
    %sub3A_204 = arith.constant 1 : i32
    %sub3A_205 = arith.subi %sub3A_203, %sub3A_204 : i32
    %add3A_206 = arith.addi %sub3A_202, %sub3A_205 : i32
    %div3A_207 = arith.constant 16 : i32
    %div3A_208 = arith.divsi %add3A_206, %div3A_207 : i32
    %while3A_209 = arith.constant 16 : i32
    %while3A_210 = arith.constant 0 : i32
    %while3A_211 = arith.subi %div3A_208, %while3A_210 : i32
    %while3A_212 = arith.addi %while3A_210, %while3A_211 : i32
    %while3A_213 = arith.constant 1 : i32
    %while3A_214 = arith.divsi %while3A_211, %while3A_213 : i32
    %while3A_215 = arith.muli %while3A_214, %while3A_213 : i32
    %while3A_216 = arith.addi %while3A_210, %while3A_215 : i32
    %while3A_217 = arith.constant 1 : i32
    scf.for %while3A_368 = %while3A_210 to %while3A_216 step %while3A_217  : i32 {
      %mul3A_369 = arith.muli %while3A_368, %while3A_209 : i32
      %add3A_370 = arith.addi %arg1, %mul3A_369 : i32
      %mul3A_371 = arith.constant 3200 : i32
      %mul3A_372 = arith.muli %add3A_370, %mul3A_371 : i32
      "tpu.region"() ({
        %run_scoped3A = tpu.sem_alloc : memref<!tpu.dma_semaphore, #tpu.memory_space<semaphore_mem>>
        %dma_start3A = tpu.memref_slice %arg2[%mul3A_372] : memref<2000000xi32, #tpu.memory_space<hbm>> -> memref<3200xi32, #tpu.memory_space<hbm>>
        %dma_start3A_379 = tpu.memref_slice %arg2[%mul3A_372] : memref<2000000xi32, #tpu.memory_space<hbm>> -> memref<3200xi32, #tpu.memory_space<hbm>>
        tpu.enqueue_dma source(%dma_start3A_379 : memref<3200xi32, #tpu.memory_space<hbm>>) target(%arg9 : memref<3200xi32, #tpu.memory_space<vmem>>) target_semaphore(%run_scoped3A : memref<!tpu.dma_semaphore, #tpu.memory_space<semaphore_mem>>)
        %dma_wait3A = tpu.memref_slice %arg2[%mul3A_372] : memref<2000000xi32, #tpu.memory_space<hbm>> -> memref<3200xi32, #tpu.memory_space<hbm>>
        %dma_wait3A_380 = tpu.memref_slice %arg2[%mul3A_372] : memref<2000000xi32, #tpu.memory_space<hbm>> -> memref<3200xi32, #tpu.memory_space<hbm>>
        tpu.wait_dma2 semaphore(%run_scoped3A : memref<!tpu.dma_semaphore, #tpu.memory_space<semaphore_mem>>) src(%dma_wait3A_380 : memref<3200xi32, #tpu.memory_space<hbm>>) dst(%arg9 : memref<3200xi32, #tpu.memory_space<vmem>>)
        tpu.yield
      }) : () -> ()
      %add3A_373 = arith.constant 4000000 : i32
      %add3A_374 = arith.addi %add3A_373, %mul3A_372 : i32
      "tpu.region"() ({
        %run_scoped3A = tpu.sem_alloc : memref<!tpu.dma_semaphore, #tpu.memory_space<semaphore_mem>>
        %dma_start3A = tpu.memref_slice %arg3[%add3A_374] : memref<8000000xf32, #tpu.memory_space<hbm>> -> memref<3200xf32, #tpu.memory_space<hbm>>
        %dma_start3A_379 = tpu.memref_slice %arg3[%add3A_374] : memref<8000000xf32, #tpu.memory_space<hbm>> -> memref<3200xf32, #tpu.memory_space<hbm>>
        tpu.enqueue_dma source(%dma_start3A_379 : memref<3200xf32, #tpu.memory_space<hbm>>) target(%arg10 : memref<3200xf32, #tpu.memory_space<vmem>>) target_semaphore(%run_scoped3A : memref<!tpu.dma_semaphore, #tpu.memory_space<semaphore_mem>>)
        %dma_wait3A = tpu.memref_slice %arg3[%add3A_374] : memref<8000000xf32, #tpu.memory_space<hbm>> -> memref<3200xf32, #tpu.memory_space<hbm>>
        %dma_wait3A_380 = tpu.memref_slice %arg3[%add3A_374] : memref<8000000xf32, #tpu.memory_space<hbm>> -> memref<3200xf32, #tpu.memory_space<hbm>>
        tpu.wait_dma2 semaphore(%run_scoped3A : memref<!tpu.dma_semaphore, #tpu.memory_space<semaphore_mem>>) src(%dma_wait3A_380 : memref<3200xf32, #tpu.memory_space<hbm>>) dst(%arg10 : memref<3200xf32, #tpu.memory_space<vmem>>)
        tpu.yield
      }) : () -> ()
      "tpu.region"() ({
        %run_scoped3A = tpu.sem_alloc : memref<!tpu.dma_semaphore, #tpu.memory_space<semaphore_mem>>
        %dma_start3A = tpu.memref_slice %arg4[%mul3A_372] : memref<2000000xf32, #tpu.memory_space<hbm>> -> memref<3200xf32, #tpu.memory_space<hbm>>
        %dma_start3A_379 = tpu.memref_slice %arg4[%mul3A_372] : memref<2000000xf32, #tpu.memory_space<hbm>> -> memref<3200xf32, #tpu.memory_space<hbm>>
        tpu.enqueue_dma source(%dma_start3A_379 : memref<3200xf32, #tpu.memory_space<hbm>>) target(%arg11 : memref<3200xf32, #tpu.memory_space<vmem>>) target_semaphore(%run_scoped3A : memref<!tpu.dma_semaphore, #tpu.memory_space<semaphore_mem>>)
        %dma_wait3A = tpu.memref_slice %arg4[%mul3A_372] : memref<2000000xf32, #tpu.memory_space<hbm>> -> memref<3200xf32, #tpu.memory_space<hbm>>
        %dma_wait3A_380 = tpu.memref_slice %arg4[%mul3A_372] : memref<2000000xf32, #tpu.memory_space<hbm>> -> memref<3200xf32, #tpu.memory_space<hbm>>
        tpu.wait_dma2 semaphore(%run_scoped3A : memref<!tpu.dma_semaphore, #tpu.memory_space<semaphore_mem>>) src(%dma_wait3A_380 : memref<3200xf32, #tpu.memory_space<hbm>>) dst(%arg11 : memref<3200xf32, #tpu.memory_space<vmem>>)
        tpu.yield
      }) : () -> ()
      "tpu.region"() ({
        %run_scoped3A = tpu.sem_alloc : memref<!tpu.dma_semaphore, #tpu.memory_space<semaphore_mem>>
        %dma_start3A = tpu.memref_slice %arg5[%mul3A_372] : memref<2000000xf32, #tpu.memory_space<hbm>> -> memref<3200xf32, #tpu.memory_space<hbm>>
        %dma_start3A_379 = tpu.memref_slice %arg5[%mul3A_372] : memref<2000000xf32, #tpu.memory_space<hbm>> -> memref<3200xf32, #tpu.memory_space<hbm>>
        tpu.enqueue_dma source(%dma_start3A_379 : memref<3200xf32, #tpu.memory_space<hbm>>) target(%arg12 : memref<3200xf32, #tpu.memory_space<vmem>>) target_semaphore(%run_scoped3A : memref<!tpu.dma_semaphore, #tpu.memory_space<semaphore_mem>>)
        %dma_wait3A = tpu.memref_slice %arg5[%mul3A_372] : memref<2000000xf32, #tpu.memory_space<hbm>> -> memref<3200xf32, #tpu.memory_space<hbm>>
        %dma_wait3A_380 = tpu.memref_slice %arg5[%mul3A_372] : memref<2000000xf32, #tpu.memory_space<hbm>> -> memref<3200xf32, #tpu.memory_space<hbm>>
        tpu.wait_dma2 semaphore(%run_scoped3A : memref<!tpu.dma_semaphore, #tpu.memory_space<semaphore_mem>>) src(%dma_wait3A_380 : memref<3200xf32, #tpu.memory_space<hbm>>) dst(%arg12 : memref<3200xf32, #tpu.memory_space<vmem>>)
        tpu.yield
      }) : () -> ()
      %scan3A = arith.constant 0 : i32
      %scan3A_375 = arith.constant 200 : i32
      %scan3A_376 = arith.addi %scan3A, %scan3A_375 : i32
      %scan3A_377 = arith.constant 1 : i32
      scf.for %scan3A_379 = %scan3A to %scan3A_376 step %scan3A_377  : i32 {
        %mul3A_380 = arith.constant 1 : i32
        %mul3A_381 = arith.muli %scan3A_379, %mul3A_380 : i32
        %add3A_382 = arith.constant 0 : i32
        %add3A_383 = arith.addi %add3A_382, %mul3A_381 : i32
        %mul3A_384 = arith.constant 16 : i32
        %mul3A_385 = arith.muli %add3A_383, %mul3A_384 : i32
        %get3A = arith.index_cast %mul3A_385 : i32 to index
        %get3A_386 = tpu.vector_load %arg9[%get3A] {strides = array<i32>} : memref<3200xi32, #tpu.memory_space<vmem>>, vector<16xi32>,
        %get3A_387 = vector.shape_cast %get3A_386 : vector<16xi32> to vector<16xi32>
        %sub3A_388 = vector.broadcast %mul3A_0 : i32 to vector<16xi32>
        %sub3A_389 = arith.subi %get3A_387, %sub3A_388 : vector<16xi32>
        %ge3A = arith.constant 0 : i32
        %ge3A_390 = vector.broadcast %ge3A : i32 to vector<16xi32>
        %ge3A_391 = arith.cmpi sge, %sub3A_389, %ge3A_390 : vector<16xi32>
        %lt3A = arith.constant 500000 : i32
        %lt3A_392 = vector.broadcast %lt3A : i32 to vector<16xi32>
        %lt3A_393 = arith.cmpi slt, %sub3A_389, %lt3A_392 : vector<16xi32>
        %and3A = arith.andi %ge3A_391, %lt3A_393 : vector<16xi1>
        %gt3A = arith.constant 0 : i32
        %gt3A_394 = vector.broadcast %gt3A : i32 to vector<16xi32>
        %gt3A_395 = arith.cmpi sgt, %sub3A_389, %gt3A_394 : vector<16xi32>
        %jit3A = arith.constant 0 : i32
        %broadcast_in_dim3A = vector.broadcast %jit3A : i32 to vector<16xi32>
        %select_n3A = arith.select %gt3A_395, %sub3A_389, %broadcast_in_dim3A : vector<16xi1>, vector<16xi32>
        %lt3A_396 = arith.constant 499999 : i32
        %lt3A_397 = vector.broadcast %lt3A_396 : i32 to vector<16xi32>
        %lt3A_398 = arith.cmpi slt, %select_n3A, %lt3A_397 : vector<16xi32>
        %jit3A_399 = arith.constant 499999 : i32
        %broadcast_in_dim3A_400 = vector.broadcast %jit3A_399 : i32 to vector<16xi32>
        %select_n3A_401 = arith.select %lt3A_398, %select_n3A, %broadcast_in_dim3A_400 : vector<16xi1>, vector<16xi32>
        %get3A_402 = arith.index_cast %mul3A_385 : i32 to index
        %get3A_403 = tpu.vector_load %arg10[%get3A_402] {strides = array<i32>} : memref<3200xf32, #tpu.memory_space<vmem>>, vector<16xf32>,
        %get3A_404 = vector.shape_cast %get3A_403 : vector<16xf32> to vector<16xf32>
        %jit3A_405 = arith.constant 0.000000e+00 : f32
        %broadcast_in_dim3A_406 = vector.broadcast %jit3A_405 : f32 to vector<16xf32>
        %select_n3A_407 = arith.select %and3A, %get3A_404, %broadcast_in_dim3A_406 : vector<16xi1>, vector<16xf32>
        %swap3A = arith.index_cast %mul3A_385 : i32 to index
        %swap3A_408 = tpu.vector_load %arg14[%swap3A] {strides = array<i32>} : memref<9600xi32, #tpu.memory_space<vmem>>, vector<16xi32>,
        %swap3A_409 = vector.shape_cast %swap3A_408 : vector<16xi32> to vector<16xi32>
        %swap3A_410 = vector.shape_cast %select_n3A_401 : vector<16xi32> to vector<16xi32>
        tpu.vector_store %arg14[%swap3A], %swap3A_410 {strides = array<i32>} : memref<9600xi32, #tpu.memory_space<vmem>>, vector<16xi32>,
        %add3A_411 = arith.constant 500000 : i32
        %add3A_412 = vector.broadcast %add3A_411 : i32 to vector<16xi32>
        %add3A_413 = arith.addi %select_n3A_401, %add3A_412 : vector<16xi32>
        %add3A_414 = arith.constant 3200 : i32
        %add3A_415 = arith.addi %add3A_414, %mul3A_385 : i32
        %swap3A_416 = arith.index_cast %add3A_415 : i32 to index
        %swap3A_417 = tpu.vector_load %arg14[%swap3A_416] {strides = array<i32>} : memref<9600xi32, #tpu.memory_space<vmem>>, vector<16xi32>,
        %swap3A_418 = vector.shape_cast %swap3A_417 : vector<16xi32> to vector<16xi32>
        %swap3A_419 = vector.shape_cast %add3A_413 : vector<16xi32> to vector<16xi32>
        tpu.vector_store %arg14[%swap3A_416], %swap3A_419 {strides = array<i32>} : memref<9600xi32, #tpu.memory_space<vmem>>, vector<16xi32>,
        %add3A_420 = arith.constant 1000000 : i32
        %add3A_421 = vector.broadcast %add3A_420 : i32 to vector<16xi32>
        %add3A_422 = arith.addi %select_n3A_401, %add3A_421 : vector<16xi32>
        %add3A_423 = arith.constant 6400 : i32
        %add3A_424 = arith.addi %add3A_423, %mul3A_385 : i32
        %swap3A_425 = arith.index_cast %add3A_424 : i32 to index
        %swap3A_426 = tpu.vector_load %arg14[%swap3A_425] {strides = array<i32>} : memref<9600xi32, #tpu.memory_space<vmem>>, vector<16xi32>,
        %swap3A_427 = vector.shape_cast %swap3A_426 : vector<16xi32> to vector<16xi32>
        %swap3A_428 = vector.shape_cast %add3A_422 : vector<16xi32> to vector<16xi32>
        tpu.vector_store %arg14[%swap3A_425], %swap3A_428 {strides = array<i32>} : memref<9600xi32, #tpu.memory_space<vmem>>, vector<16xi32>,
        %swap3A_429 = arith.index_cast %mul3A_385 : i32 to index
        %swap3A_430 = tpu.vector_load %arg13[%swap3A_429] {strides = array<i32>} : memref<9600xf32, #tpu.memory_space<vmem>>, vector<16xf32>,
        %swap3A_431 = vector.shape_cast %swap3A_430 : vector<16xf32> to vector<16xf32>
        %swap3A_432 = vector.shape_cast %select_n3A_407 : vector<16xf32> to vector<16xf32>
        tpu.vector_store %arg13[%swap3A_429], %swap3A_432 {strides = array<i32>} : memref<9600xf32, #tpu.memory_space<vmem>>, vector<16xf32>,
        %get3A_433 = arith.index_cast %mul3A_385 : i32 to index
        %get3A_434 = tpu.vector_load %arg11[%get3A_433] {strides = array<i32>} : memref<3200xf32, #tpu.memory_space<vmem>>, vector<16xf32>,
        %get3A_435 = vector.shape_cast %get3A_434 : vector<16xf32> to vector<16xf32>
        %mul3A_436 = arith.mulf %select_n3A_407, %get3A_435 : vector<16xf32>
        %add3A_437 = arith.constant 3200 : i32
        %add3A_438 = arith.addi %add3A_437, %mul3A_385 : i32
        %swap3A_439 = arith.index_cast %add3A_438 : i32 to index
        %swap3A_440 = tpu.vector_load %arg13[%swap3A_439] {strides = array<i32>} : memref<9600xf32, #tpu.memory_space<vmem>>, vector<16xf32>,
        %swap3A_441 = vector.shape_cast %swap3A_440 : vector<16xf32> to vector<16xf32>
        %swap3A_442 = vector.shape_cast %mul3A_436 : vector<16xf32> to vector<16xf32>
        tpu.vector_store %arg13[%swap3A_439], %swap3A_442 {strides = array<i32>} : memref<9600xf32, #tpu.memory_space<vmem>>, vector<16xf32>,
        %get3A_443 = arith.index_cast %mul3A_385 : i32 to index
        %get3A_444 = tpu.vector_load %arg12[%get3A_443] {strides = array<i32>} : memref<3200xf32, #tpu.memory_space<vmem>>, vector<16xf32>,
        %get3A_445 = vector.shape_cast %get3A_444 : vector<16xf32> to vector<16xf32>
        %mul3A_446 = arith.mulf %select_n3A_407, %get3A_445 : vector<16xf32>
        %add3A_447 = arith.constant 6400 : i32
        %add3A_448 = arith.addi %add3A_447, %mul3A_385 : i32
        %swap3A_449 = arith.index_cast %add3A_448 : i32 to index
        %swap3A_450 = tpu.vector_load %arg13[%swap3A_449] {strides = array<i32>} : memref<9600xf32, #tpu.memory_space<vmem>>, vector<16xf32>,
        %swap3A_451 = vector.shape_cast %swap3A_450 : vector<16xf32> to vector<16xf32>
        %swap3A_452 = vector.shape_cast %mul3A_446 : vector<16xf32> to vector<16xf32>
        tpu.vector_store %arg13[%swap3A_449], %swap3A_452 {strides = array<i32>} : memref<9600xf32, #tpu.memory_space<vmem>>, vector<16xf32>,
      }
      %scan3A_378 = arith.constant 200 : i32
      "tpu.region"() ({
        %run_scoped3A = tpu.sem_alloc : memref<!tpu.dma_semaphore, #tpu.memory_space<semaphore_mem>>
        %dma_start3A = arith.constant 0 : i32
        %dma_start3A_379 = tpu.memref_slice %arg8[%dma_start3A] : memref<1500000xf32, #tpu.memory_space<vmem_shared>> -> memref<1500000xf32, #tpu.memory_space<vmem_shared>>
        tpu.enqueue_indirect_dma source(%arg13 : memref<9600xf32, #tpu.memory_space<vmem>>) target(%dma_start3A_379 : memref<1500000xf32, #tpu.memory_space<vmem_shared>>) offsets(%arg14 : memref<9600xi32, #tpu.memory_space<vmem>>) semaphore(%run_scoped3A : memref<!tpu.dma_semaphore, #tpu.memory_space<semaphore_mem>>) {add = true}
        %dma_wait3A = arith.constant 0 : i32
        %dma_wait3A_380 = tpu.memref_slice %arg8[%dma_wait3A] : memref<1500000xf32, #tpu.memory_space<vmem_shared>> -> memref<1500000xf32, #tpu.memory_space<vmem_shared>>
        tpu.wait_indirect_dma semaphore(%run_scoped3A : memref<!tpu.dma_semaphore, #tpu.memory_space<semaphore_mem>>) src(%arg13 : memref<9600xf32, #tpu.memory_space<vmem>>) dst(%dma_wait3A_380 : memref<1500000xf32, #tpu.memory_space<vmem_shared>>)
        tpu.yield
      }) : () -> ()
    }
    %while3A_218 = arith.constant 1 : i32
    scf.for %while3A_368 = %while3A_216 to %while3A_212 step %while3A_218  : i32 {
      %mul3A_369 = arith.muli %while3A_368, %while3A_209 : i32
      %add3A_370 = arith.addi %arg1, %mul3A_369 : i32
      %mul3A_371 = arith.constant 3200 : i32
      %mul3A_372 = arith.muli %add3A_370, %mul3A_371 : i32
      "tpu.region"() ({
        %run_scoped3A = tpu.sem_alloc : memref<!tpu.dma_semaphore, #tpu.memory_space<semaphore_mem>>
        %dma_start3A = tpu.memref_slice %arg2[%mul3A_372] : memref<2000000xi32, #tpu.memory_space<hbm>> -> memref<3200xi32, #tpu.memory_space<hbm>>
        %dma_start3A_379 = tpu.memref_slice %arg2[%mul3A_372] : memref<2000000xi32, #tpu.memory_space<hbm>> -> memref<3200xi32, #tpu.memory_space<hbm>>
        tpu.enqueue_dma source(%dma_start3A_379 : memref<3200xi32, #tpu.memory_space<hbm>>) target(%arg9 : memref<3200xi32, #tpu.memory_space<vmem>>) target_semaphore(%run_scoped3A : memref<!tpu.dma_semaphore, #tpu.memory_space<semaphore_mem>>)
        %dma_wait3A = tpu.memref_slice %arg2[%mul3A_372] : memref<2000000xi32, #tpu.memory_space<hbm>> -> memref<3200xi32, #tpu.memory_space<hbm>>
        %dma_wait3A_380 = tpu.memref_slice %arg2[%mul3A_372] : memref<2000000xi32, #tpu.memory_space<hbm>> -> memref<3200xi32, #tpu.memory_space<hbm>>
        tpu.wait_dma2 semaphore(%run_scoped3A : memref<!tpu.dma_semaphore, #tpu.memory_space<semaphore_mem>>) src(%dma_wait3A_380 : memref<3200xi32, #tpu.memory_space<hbm>>) dst(%arg9 : memref<3200xi32, #tpu.memory_space<vmem>>)
        tpu.yield
      }) : () -> ()
      %add3A_373 = arith.constant 4000000 : i32
      %add3A_374 = arith.addi %add3A_373, %mul3A_372 : i32
      "tpu.region"() ({
        %run_scoped3A = tpu.sem_alloc : memref<!tpu.dma_semaphore, #tpu.memory_space<semaphore_mem>>
        %dma_start3A = tpu.memref_slice %arg3[%add3A_374] : memref<8000000xf32, #tpu.memory_space<hbm>> -> memref<3200xf32, #tpu.memory_space<hbm>>
        %dma_start3A_379 = tpu.memref_slice %arg3[%add3A_374] : memref<8000000xf32, #tpu.memory_space<hbm>> -> memref<3200xf32, #tpu.memory_space<hbm>>
        tpu.enqueue_dma source(%dma_start3A_379 : memref<3200xf32, #tpu.memory_space<hbm>>) target(%arg10 : memref<3200xf32, #tpu.memory_space<vmem>>) target_semaphore(%run_scoped3A : memref<!tpu.dma_semaphore, #tpu.memory_space<semaphore_mem>>)
        %dma_wait3A = tpu.memref_slice %arg3[%add3A_374] : memref<8000000xf32, #tpu.memory_space<hbm>> -> memref<3200xf32, #tpu.memory_space<hbm>>
        %dma_wait3A_380 = tpu.memref_slice %arg3[%add3A_374] : memref<8000000xf32, #tpu.memory_space<hbm>> -> memref<3200xf32, #tpu.memory_space<hbm>>
        tpu.wait_dma2 semaphore(%run_scoped3A : memref<!tpu.dma_semaphore, #tpu.memory_space<semaphore_mem>>) src(%dma_wait3A_380 : memref<3200xf32, #tpu.memory_space<hbm>>) dst(%arg10 : memref<3200xf32, #tpu.memory_space<vmem>>)
        tpu.yield
      }) : () -> ()
      "tpu.region"() ({
        %run_scoped3A = tpu.sem_alloc : memref<!tpu.dma_semaphore, #tpu.memory_space<semaphore_mem>>
        %dma_start3A = tpu.memref_slice %arg4[%mul3A_372] : memref<2000000xf32, #tpu.memory_space<hbm>> -> memref<3200xf32, #tpu.memory_space<hbm>>
        %dma_start3A_379 = tpu.memref_slice %arg4[%mul3A_372] : memref<2000000xf32, #tpu.memory_space<hbm>> -> memref<3200xf32, #tpu.memory_space<hbm>>
        tpu.enqueue_dma source(%dma_start3A_379 : memref<3200xf32, #tpu.memory_space<hbm>>) target(%arg11 : memref<3200xf32, #tpu.memory_space<vmem>>) target_semaphore(%run_scoped3A : memref<!tpu.dma_semaphore, #tpu.memory_space<semaphore_mem>>)
        %dma_wait3A = tpu.memref_slice %arg4[%mul3A_372] : memref<2000000xf32, #tpu.memory_space<hbm>> -> memref<3200xf32, #tpu.memory_space<hbm>>
        %dma_wait3A_380 = tpu.memref_slice %arg4[%mul3A_372] : memref<2000000xf32, #tpu.memory_space<hbm>> -> memref<3200xf32, #tpu.memory_space<hbm>>
        tpu.wait_dma2 semaphore(%run_scoped3A : memref<!tpu.dma_semaphore, #tpu.memory_space<semaphore_mem>>) src(%dma_wait3A_380 : memref<3200xf32, #tpu.memory_space<hbm>>) dst(%arg11 : memref<3200xf32, #tpu.memory_space<vmem>>)
        tpu.yield
      }) : () -> ()
      "tpu.region"() ({
        %run_scoped3A = tpu.sem_alloc : memref<!tpu.dma_semaphore, #tpu.memory_space<semaphore_mem>>
        %dma_start3A = tpu.memref_slice %arg5[%mul3A_372] : memref<2000000xf32, #tpu.memory_space<hbm>> -> memref<3200xf32, #tpu.memory_space<hbm>>
        %dma_start3A_379 = tpu.memref_slice %arg5[%mul3A_372] : memref<2000000xf32, #tpu.memory_space<hbm>> -> memref<3200xf32, #tpu.memory_space<hbm>>
        tpu.enqueue_dma source(%dma_start3A_379 : memref<3200xf32, #tpu.memory_space<hbm>>) target(%arg12 : memref<3200xf32, #tpu.memory_space<vmem>>) target_semaphore(%run_scoped3A : memref<!tpu.dma_semaphore, #tpu.memory_space<semaphore_mem>>)
        %dma_wait3A = tpu.memref_slice %arg5[%mul3A_372] : memref<2000000xf32, #tpu.memory_space<hbm>> -> memref<3200xf32, #tpu.memory_space<hbm>>
        %dma_wait3A_380 = tpu.memref_slice %arg5[%mul3A_372] : memref<2000000xf32, #tpu.memory_space<hbm>> -> memref<3200xf32, #tpu.memory_space<hbm>>
        tpu.wait_dma2 semaphore(%run_scoped3A : memref<!tpu.dma_semaphore, #tpu.memory_space<semaphore_mem>>) src(%dma_wait3A_380 : memref<3200xf32, #tpu.memory_space<hbm>>) dst(%arg12 : memref<3200xf32, #tpu.memory_space<vmem>>)
        tpu.yield
      }) : () -> ()
      %scan3A = arith.constant 0 : i32
      %scan3A_375 = arith.constant 200 : i32
      %scan3A_376 = arith.addi %scan3A, %scan3A_375 : i32
      %scan3A_377 = arith.constant 1 : i32
      scf.for %scan3A_379 = %scan3A to %scan3A_376 step %scan3A_377  : i32 {
        %mul3A_380 = arith.constant 1 : i32
        %mul3A_381 = arith.muli %scan3A_379, %mul3A_380 : i32
        %add3A_382 = arith.constant 0 : i32
        %add3A_383 = arith.addi %add3A_382, %mul3A_381 : i32
        %mul3A_384 = arith.constant 16 : i32
        %mul3A_385 = arith.muli %add3A_383, %mul3A_384 : i32
        %get3A = arith.index_cast %mul3A_385 : i32 to index
        %get3A_386 = tpu.vector_load %arg9[%get3A] {strides = array<i32>} : memref<3200xi32, #tpu.memory_space<vmem>>, vector<16xi32>,
        %get3A_387 = vector.shape_cast %get3A_386 : vector<16xi32> to vector<16xi32>
        %sub3A_388 = vector.broadcast %mul3A_0 : i32 to vector<16xi32>
        %sub3A_389 = arith.subi %get3A_387, %sub3A_388 : vector<16xi32>
        %ge3A = arith.constant 0 : i32
        %ge3A_390 = vector.broadcast %ge3A : i32 to vector<16xi32>
        %ge3A_391 = arith.cmpi sge, %sub3A_389, %ge3A_390 : vector<16xi32>
        %lt3A = arith.constant 500000 : i32
        %lt3A_392 = vector.broadcast %lt3A : i32 to vector<16xi32>
        %lt3A_393 = arith.cmpi slt, %sub3A_389, %lt3A_392 : vector<16xi32>
        %and3A = arith.andi %ge3A_391, %lt3A_393 : vector<16xi1>
        %gt3A = arith.constant 0 : i32
        %gt3A_394 = vector.broadcast %gt3A : i32 to vector<16xi32>
        %gt3A_395 = arith.cmpi sgt, %sub3A_389, %gt3A_394 : vector<16xi32>
        %jit3A = arith.constant 0 : i32
        %broadcast_in_dim3A = vector.broadcast %jit3A : i32 to vector<16xi32>
        %select_n3A = arith.select %gt3A_395, %sub3A_389, %broadcast_in_dim3A : vector<16xi1>, vector<16xi32>
        %lt3A_396 = arith.constant 499999 : i32
        %lt3A_397 = vector.broadcast %lt3A_396 : i32 to vector<16xi32>
        %lt3A_398 = arith.cmpi slt, %select_n3A, %lt3A_397 : vector<16xi32>
        %jit3A_399 = arith.constant 499999 : i32
        %broadcast_in_dim3A_400 = vector.broadcast %jit3A_399 : i32 to vector<16xi32>
        %select_n3A_401 = arith.select %lt3A_398, %select_n3A, %broadcast_in_dim3A_400 : vector<16xi1>, vector<16xi32>
        %get3A_402 = arith.index_cast %mul3A_385 : i32 to index
        %get3A_403 = tpu.vector_load %arg10[%get3A_402] {strides = array<i32>} : memref<3200xf32, #tpu.memory_space<vmem>>, vector<16xf32>,
        %get3A_404 = vector.shape_cast %get3A_403 : vector<16xf32> to vector<16xf32>
        %jit3A_405 = arith.constant 0.000000e+00 : f32
        %broadcast_in_dim3A_406 = vector.broadcast %jit3A_405 : f32 to vector<16xf32>
        %select_n3A_407 = arith.select %and3A, %get3A_404, %broadcast_in_dim3A_406 : vector<16xi1>, vector<16xf32>
        %swap3A = arith.index_cast %mul3A_385 : i32 to index
        %swap3A_408 = tpu.vector_load %arg14[%swap3A] {strides = array<i32>} : memref<9600xi32, #tpu.memory_space<vmem>>, vector<16xi32>,
        %swap3A_409 = vector.shape_cast %swap3A_408 : vector<16xi32> to vector<16xi32>
        %swap3A_410 = vector.shape_cast %select_n3A_401 : vector<16xi32> to vector<16xi32>
        tpu.vector_store %arg14[%swap3A], %swap3A_410 {strides = array<i32>} : memref<9600xi32, #tpu.memory_space<vmem>>, vector<16xi32>,
        %add3A_411 = arith.constant 500000 : i32
        %add3A_412 = vector.broadcast %add3A_411 : i32 to vector<16xi32>
        %add3A_413 = arith.addi %select_n3A_401, %add3A_412 : vector<16xi32>
        %add3A_414 = arith.constant 3200 : i32
        %add3A_415 = arith.addi %add3A_414, %mul3A_385 : i32
        %swap3A_416 = arith.index_cast %add3A_415 : i32 to index
        %swap3A_417 = tpu.vector_load %arg14[%swap3A_416] {strides = array<i32>} : memref<9600xi32, #tpu.memory_space<vmem>>, vector<16xi32>,
        %swap3A_418 = vector.shape_cast %swap3A_417 : vector<16xi32> to vector<16xi32>
        %swap3A_419 = vector.shape_cast %add3A_413 : vector<16xi32> to vector<16xi32>
        tpu.vector_store %arg14[%swap3A_416], %swap3A_419 {strides = array<i32>} : memref<9600xi32, #tpu.memory_space<vmem>>, vector<16xi32>,
        %add3A_420 = arith.constant 1000000 : i32
        %add3A_421 = vector.broadcast %add3A_420 : i32 to vector<16xi32>
        %add3A_422 = arith.addi %select_n3A_401, %add3A_421 : vector<16xi32>
        %add3A_423 = arith.constant 6400 : i32
        %add3A_424 = arith.addi %add3A_423, %mul3A_385 : i32
        %swap3A_425 = arith.index_cast %add3A_424 : i32 to index
        %swap3A_426 = tpu.vector_load %arg14[%swap3A_425] {strides = array<i32>} : memref<9600xi32, #tpu.memory_space<vmem>>, vector<16xi32>,
        %swap3A_427 = vector.shape_cast %swap3A_426 : vector<16xi32> to vector<16xi32>
        %swap3A_428 = vector.shape_cast %add3A_422 : vector<16xi32> to vector<16xi32>
        tpu.vector_store %arg14[%swap3A_425], %swap3A_428 {strides = array<i32>} : memref<9600xi32, #tpu.memory_space<vmem>>, vector<16xi32>,
        %swap3A_429 = arith.index_cast %mul3A_385 : i32 to index
        %swap3A_430 = tpu.vector_load %arg13[%swap3A_429] {strides = array<i32>} : memref<9600xf32, #tpu.memory_space<vmem>>, vector<16xf32>,
        %swap3A_431 = vector.shape_cast %swap3A_430 : vector<16xf32> to vector<16xf32>
        %swap3A_432 = vector.shape_cast %select_n3A_407 : vector<16xf32> to vector<16xf32>
        tpu.vector_store %arg13[%swap3A_429], %swap3A_432 {strides = array<i32>} : memref<9600xf32, #tpu.memory_space<vmem>>, vector<16xf32>,
        %get3A_433 = arith.index_cast %mul3A_385 : i32 to index
        %get3A_434 = tpu.vector_load %arg11[%get3A_433] {strides = array<i32>} : memref<3200xf32, #tpu.memory_space<vmem>>, vector<16xf32>,
        %get3A_435 = vector.shape_cast %get3A_434 : vector<16xf32> to vector<16xf32>
        %mul3A_436 = arith.mulf %select_n3A_407, %get3A_435 : vector<16xf32>
        %add3A_437 = arith.constant 3200 : i32
        %add3A_438 = arith.addi %add3A_437, %mul3A_385 : i32
        %swap3A_439 = arith.index_cast %add3A_438 : i32 to index
        %swap3A_440 = tpu.vector_load %arg13[%swap3A_439] {strides = array<i32>} : memref<9600xf32, #tpu.memory_space<vmem>>, vector<16xf32>,
        %swap3A_441 = vector.shape_cast %swap3A_440 : vector<16xf32> to vector<16xf32>
        %swap3A_442 = vector.shape_cast %mul3A_436 : vector<16xf32> to vector<16xf32>
        tpu.vector_store %arg13[%swap3A_439], %swap3A_442 {strides = array<i32>} : memref<9600xf32, #tpu.memory_space<vmem>>, vector<16xf32>,
        %get3A_443 = arith.index_cast %mul3A_385 : i32 to index
        %get3A_444 = tpu.vector_load %arg12[%get3A_443] {strides = array<i32>} : memref<3200xf32, #tpu.memory_space<vmem>>, vector<16xf32>,
        %get3A_445 = vector.shape_cast %get3A_444 : vector<16xf32> to vector<16xf32>
        %mul3A_446 = arith.mulf %select_n3A_407, %get3A_445 : vector<16xf32>
        %add3A_447 = arith.constant 6400 : i32
        %add3A_448 = arith.addi %add3A_447, %mul3A_385 : i32
        %swap3A_449 = arith.index_cast %add3A_448 : i32 to index
        %swap3A_450 = tpu.vector_load %arg13[%swap3A_449] {strides = array<i32>} : memref<9600xf32, #tpu.memory_space<vmem>>, vector<16xf32>,
        %swap3A_451 = vector.shape_cast %swap3A_450 : vector<16xf32> to vector<16xf32>
        %swap3A_452 = vector.shape_cast %mul3A_446 : vector<16xf32> to vector<16xf32>
        tpu.vector_store %arg13[%swap3A_449], %swap3A_452 {strides = array<i32>} : memref<9600xf32, #tpu.memory_space<vmem>>, vector<16xf32>,
      }
      %scan3A_378 = arith.constant 200 : i32
      "tpu.region"() ({
        %run_scoped3A = tpu.sem_alloc : memref<!tpu.dma_semaphore, #tpu.memory_space<semaphore_mem>>
        %dma_start3A = arith.constant 0 : i32
        %dma_start3A_379 = tpu.memref_slice %arg8[%dma_start3A] : memref<1500000xf32, #tpu.memory_space<vmem_shared>> -> memref<1500000xf32, #tpu.memory_space<vmem_shared>>
        tpu.enqueue_indirect_dma source(%arg13 : memref<9600xf32, #tpu.memory_space<vmem>>) target(%dma_start3A_379 : memref<1500000xf32, #tpu.memory_space<vmem_shared>>) offsets(%arg14 : memref<9600xi32, #tpu.memory_space<vmem>>) semaphore(%run_scoped3A : memref<!tpu.dma_semaphore, #tpu.memory_space<semaphore_mem>>) {add = true}
        %dma_wait3A = arith.constant 0 : i32
        %dma_wait3A_380 = tpu.memref_slice %arg8[%dma_wait3A] : memref<1500000xf32, #tpu.memory_space<vmem_shared>> -> memref<1500000xf32, #tpu.memory_space<vmem_shared>>
        tpu.wait_indirect_dma semaphore(%run_scoped3A : memref<!tpu.dma_semaphore, #tpu.memory_space<semaphore_mem>>) src(%arg13 : memref<9600xf32, #tpu.memory_space<vmem>>) dst(%dma_wait3A_380 : memref<1500000xf32, #tpu.memory_space<vmem_shared>>)
        tpu.yield
      }) : () -> ()
    }
    %barrier3A_219 = arith.constant 0 : index
    tpu.barrier barrier_id(%barrier3A_219)
    %sub3A_220 = arith.constant 125 : i32
    %sub3A_221 = arith.subi %sub3A_220, %arg1 : i32
    %sub3A_222 = arith.constant 16 : i32
    %sub3A_223 = arith.constant 1 : i32
    %sub3A_224 = arith.subi %sub3A_222, %sub3A_223 : i32
    %add3A_225 = arith.addi %sub3A_221, %sub3A_224 : i32
    %div3A_226 = arith.constant 16 : i32
    %div3A_227 = arith.divsi %add3A_225, %div3A_226 : i32
    %while3A_228 = arith.constant 16 : i32
    %while3A_229 = arith.constant 0 : i32
    %while3A_230 = arith.subi %div3A_227, %while3A_229 : i32
    %while3A_231 = arith.addi %while3A_229, %while3A_230 : i32
    %while3A_232 = arith.constant 1 : i32
    %while3A_233 = arith.divsi %while3A_230, %while3A_232 : i32
    %while3A_234 = arith.muli %while3A_233, %while3A_232 : i32
    %while3A_235 = arith.addi %while3A_229, %while3A_234 : i32
    %while3A_236 = arith.constant 1 : i32
    scf.for %while3A_368 = %while3A_229 to %while3A_235 step %while3A_236  : i32 {
      %mul3A_369 = arith.muli %while3A_368, %while3A_228 : i32
      %add3A_370 = arith.addi %arg1, %mul3A_369 : i32
      %mul3A_371 = arith.constant 4000 : i32
      %mul3A_372 = arith.muli %add3A_370, %mul3A_371 : i32
      %add3A_373 = arith.constant 0 : i32
      %add3A_374 = arith.addi %add3A_373, %mul3A_372 : i32
      "tpu.region"() ({
        %run_scoped3A = tpu.sem_alloc : memref<!tpu.dma_semaphore, #tpu.memory_space<semaphore_mem>>
        %dma_start3A = tpu.memref_slice %arg8[%add3A_374] : memref<1500000xf32, #tpu.memory_space<vmem_shared>> -> memref<4000xf32, #tpu.memory_space<vmem_shared>>
        %dma_start3A_380 = tpu.memref_slice %arg8[%add3A_374] : memref<1500000xf32, #tpu.memory_space<vmem_shared>> -> memref<4000xf32, #tpu.memory_space<vmem_shared>>
        tpu.enqueue_dma source(%dma_start3A_380 : memref<4000xf32, #tpu.memory_space<vmem_shared>>) target(%arg15 : memref<4000xf32, #tpu.memory_space<vmem>>) target_semaphore(%run_scoped3A : memref<!tpu.dma_semaphore, #tpu.memory_space<semaphore_mem>>)
        %dma_wait3A = tpu.memref_slice %arg8[%add3A_374] : memref<1500000xf32, #tpu.memory_space<vmem_shared>> -> memref<4000xf32, #tpu.memory_space<vmem_shared>>
        %dma_wait3A_381 = tpu.memref_slice %arg8[%add3A_374] : memref<1500000xf32, #tpu.memory_space<vmem_shared>> -> memref<4000xf32, #tpu.memory_space<vmem_shared>>
        tpu.wait_dma2 semaphore(%run_scoped3A : memref<!tpu.dma_semaphore, #tpu.memory_space<semaphore_mem>>) src(%dma_wait3A_381 : memref<4000xf32, #tpu.memory_space<vmem_shared>>) dst(%arg15 : memref<4000xf32, #tpu.memory_space<vmem>>)
        tpu.yield
      }) : () -> ()
      %add3A_375 = arith.constant 6000000 : i32
      %add3A_376 = arith.addi %add3A_375, %mul3A_0 : i32
      %mul3A_377 = arith.constant 4000 : i32
      %mul3A_378 = arith.muli %add3A_370, %mul3A_377 : i32
      %add3A_379 = arith.addi %add3A_376, %mul3A_378 : i32
      "tpu.region"() ({
        %run_scoped3A = tpu.sem_alloc : memref<!tpu.dma_semaphore, #tpu.memory_space<semaphore_mem>>
        %dma_start3A = tpu.memref_slice %arg7[%add3A_379] : memref<12000000xf32, #tpu.memory_space<hbm>> -> memref<4000xf32, #tpu.memory_space<hbm>>
        %dma_start3A_380 = tpu.memref_slice %arg7[%add3A_379] : memref<12000000xf32, #tpu.memory_space<hbm>> -> memref<4000xf32, #tpu.memory_space<hbm>>
        tpu.enqueue_dma source(%arg15 : memref<4000xf32, #tpu.memory_space<vmem>>) target(%dma_start3A_380 : memref<4000xf32, #tpu.memory_space<hbm>>) target_semaphore(%run_scoped3A : memref<!tpu.dma_semaphore, #tpu.memory_space<semaphore_mem>>)
        %dma_wait3A = tpu.memref_slice %arg7[%add3A_379] : memref<12000000xf32, #tpu.memory_space<hbm>> -> memref<4000xf32, #tpu.memory_space<hbm>>
        %dma_wait3A_381 = tpu.memref_slice %arg7[%add3A_379] : memref<12000000xf32, #tpu.memory_space<hbm>> -> memref<4000xf32, #tpu.memory_space<hbm>>
        tpu.wait_dma2 semaphore(%run_scoped3A : memref<!tpu.dma_semaphore, #tpu.memory_space<semaphore_mem>>) src(%arg15 : memref<4000xf32, #tpu.memory_space<vmem>>) dst(%dma_wait3A_381 : memref<4000xf32, #tpu.memory_space<hbm>>)
        tpu.yield
      }) : () -> ()
    }
    %while3A_237 = arith.constant 1 : i32
    scf.for %while3A_368 = %while3A_235 to %while3A_231 step %while3A_237  : i32 {
      %mul3A_369 = arith.muli %while3A_368, %while3A_228 : i32
      %add3A_370 = arith.addi %arg1, %mul3A_369 : i32
      %mul3A_371 = arith.constant 4000 : i32
      %mul3A_372 = arith.muli %add3A_370, %mul3A_371 : i32
      %add3A_373 = arith.constant 0 : i32
      %add3A_374 = arith.addi %add3A_373, %mul3A_372 : i32
      "tpu.region"() ({
        %run_scoped3A = tpu.sem_alloc : memref<!tpu.dma_semaphore, #tpu.memory_space<semaphore_mem>>
        %dma_start3A = tpu.memref_slice %arg8[%add3A_374] : memref<1500000xf32, #tpu.memory_space<vmem_shared>> -> memref<4000xf32, #tpu.memory_space<vmem_shared>>
        %dma_start3A_380 = tpu.memref_slice %arg8[%add3A_374] : memref<1500000xf32, #tpu.memory_space<vmem_shared>> -> memref<4000xf32, #tpu.memory_space<vmem_shared>>
        tpu.enqueue_dma source(%dma_start3A_380 : memref<4000xf32, #tpu.memory_space<vmem_shared>>) target(%arg15 : memref<4000xf32, #tpu.memory_space<vmem>>) target_semaphore(%run_scoped3A : memref<!tpu.dma_semaphore, #tpu.memory_space<semaphore_mem>>)
        %dma_wait3A = tpu.memref_slice %arg8[%add3A_374] : memref<1500000xf32, #tpu.memory_space<vmem_shared>> -> memref<4000xf32, #tpu.memory_space<vmem_shared>>
        %dma_wait3A_381 = tpu.memref_slice %arg8[%add3A_374] : memref<1500000xf32, #tpu.memory_space<vmem_shared>> -> memref<4000xf32, #tpu.memory_space<vmem_shared>>
        tpu.wait_dma2 semaphore(%run_scoped3A : memref<!tpu.dma_semaphore, #tpu.memory_space<semaphore_mem>>) src(%dma_wait3A_381 : memref<4000xf32, #tpu.memory_space<vmem_shared>>) dst(%arg15 : memref<4000xf32, #tpu.memory_space<vmem>>)
        tpu.yield
      }) : () -> ()
      %add3A_375 = arith.constant 6000000 : i32
      %add3A_376 = arith.addi %add3A_375, %mul3A_0 : i32
      %mul3A_377 = arith.constant 4000 : i32
      %mul3A_378 = arith.muli %add3A_370, %mul3A_377 : i32
      %add3A_379 = arith.addi %add3A_376, %mul3A_378 : i32
      "tpu.region"() ({
        %run_scoped3A = tpu.sem_alloc : memref<!tpu.dma_semaphore, #tpu.memory_space<semaphore_mem>>
        %dma_start3A = tpu.memref_slice %arg7[%add3A_379] : memref<12000000xf32, #tpu.memory_space<hbm>> -> memref<4000xf32, #tpu.memory_space<hbm>>
        %dma_start3A_380 = tpu.memref_slice %arg7[%add3A_379] : memref<12000000xf32, #tpu.memory_space<hbm>> -> memref<4000xf32, #tpu.memory_space<hbm>>
        tpu.enqueue_dma source(%arg15 : memref<4000xf32, #tpu.memory_space<vmem>>) target(%dma_start3A_380 : memref<4000xf32, #tpu.memory_space<hbm>>) target_semaphore(%run_scoped3A : memref<!tpu.dma_semaphore, #tpu.memory_space<semaphore_mem>>)
        %dma_wait3A = tpu.memref_slice %arg7[%add3A_379] : memref<12000000xf32, #tpu.memory_space<hbm>> -> memref<4000xf32, #tpu.memory_space<hbm>>
        %dma_wait3A_381 = tpu.memref_slice %arg7[%add3A_379] : memref<12000000xf32, #tpu.memory_space<hbm>> -> memref<4000xf32, #tpu.memory_space<hbm>>
        tpu.wait_dma2 semaphore(%run_scoped3A : memref<!tpu.dma_semaphore, #tpu.memory_space<semaphore_mem>>) src(%arg15 : memref<4000xf32, #tpu.memory_space<vmem>>) dst(%dma_wait3A_381 : memref<4000xf32, #tpu.memory_space<hbm>>)
        tpu.yield
      }) : () -> ()
    }
    %sub3A_238 = arith.constant 125 : i32
    %sub3A_239 = arith.subi %sub3A_238, %arg1 : i32
    %sub3A_240 = arith.constant 16 : i32
    %sub3A_241 = arith.constant 1 : i32
    %sub3A_242 = arith.subi %sub3A_240, %sub3A_241 : i32
    %add3A_243 = arith.addi %sub3A_239, %sub3A_242 : i32
    %div3A_244 = arith.constant 16 : i32
    %div3A_245 = arith.divsi %add3A_243, %div3A_244 : i32
    %while3A_246 = arith.constant 16 : i32
    %while3A_247 = arith.constant 0 : i32
    %while3A_248 = arith.subi %div3A_245, %while3A_247 : i32
    %while3A_249 = arith.addi %while3A_247, %while3A_248 : i32
    %while3A_250 = arith.constant 1 : i32
    %while3A_251 = arith.divsi %while3A_248, %while3A_250 : i32
    %while3A_252 = arith.muli %while3A_251, %while3A_250 : i32
    %while3A_253 = arith.addi %while3A_247, %while3A_252 : i32
    %while3A_254 = arith.constant 1 : i32
    scf.for %while3A_368 = %while3A_247 to %while3A_253 step %while3A_254  : i32 {
      %mul3A_369 = arith.muli %while3A_368, %while3A_246 : i32
      %add3A_370 = arith.addi %arg1, %mul3A_369 : i32
      %mul3A_371 = arith.constant 4000 : i32
      %mul3A_372 = arith.muli %add3A_370, %mul3A_371 : i32
      %add3A_373 = arith.constant 500000 : i32
      %add3A_374 = arith.addi %add3A_373, %mul3A_372 : i32
      "tpu.region"() ({
        %run_scoped3A = tpu.sem_alloc : memref<!tpu.dma_semaphore, #tpu.memory_space<semaphore_mem>>
        %dma_start3A = tpu.memref_slice %arg8[%add3A_374] : memref<1500000xf32, #tpu.memory_space<vmem_shared>> -> memref<4000xf32, #tpu.memory_space<vmem_shared>>
        %dma_start3A_380 = tpu.memref_slice %arg8[%add3A_374] : memref<1500000xf32, #tpu.memory_space<vmem_shared>> -> memref<4000xf32, #tpu.memory_space<vmem_shared>>
        tpu.enqueue_dma source(%dma_start3A_380 : memref<4000xf32, #tpu.memory_space<vmem_shared>>) target(%arg15 : memref<4000xf32, #tpu.memory_space<vmem>>) target_semaphore(%run_scoped3A : memref<!tpu.dma_semaphore, #tpu.memory_space<semaphore_mem>>)
        %dma_wait3A = tpu.memref_slice %arg8[%add3A_374] : memref<1500000xf32, #tpu.memory_space<vmem_shared>> -> memref<4000xf32, #tpu.memory_space<vmem_shared>>
        %dma_wait3A_381 = tpu.memref_slice %arg8[%add3A_374] : memref<1500000xf32, #tpu.memory_space<vmem_shared>> -> memref<4000xf32, #tpu.memory_space<vmem_shared>>
        tpu.wait_dma2 semaphore(%run_scoped3A : memref<!tpu.dma_semaphore, #tpu.memory_space<semaphore_mem>>) src(%dma_wait3A_381 : memref<4000xf32, #tpu.memory_space<vmem_shared>>) dst(%arg15 : memref<4000xf32, #tpu.memory_space<vmem>>)
        tpu.yield
      }) : () -> ()
      %add3A_375 = arith.constant 7000000 : i32
      %add3A_376 = arith.addi %add3A_375, %mul3A_0 : i32
      %mul3A_377 = arith.constant 4000 : i32
      %mul3A_378 = arith.muli %add3A_370, %mul3A_377 : i32
      %add3A_379 = arith.addi %add3A_376, %mul3A_378 : i32
      "tpu.region"() ({
        %run_scoped3A = tpu.sem_alloc : memref<!tpu.dma_semaphore, #tpu.memory_space<semaphore_mem>>
        %dma_start3A = tpu.memref_slice %arg7[%add3A_379] : memref<12000000xf32, #tpu.memory_space<hbm>> -> memref<4000xf32, #tpu.memory_space<hbm>>
        %dma_start3A_380 = tpu.memref_slice %arg7[%add3A_379] : memref<12000000xf32, #tpu.memory_space<hbm>> -> memref<4000xf32, #tpu.memory_space<hbm>>
        tpu.enqueue_dma source(%arg15 : memref<4000xf32, #tpu.memory_space<vmem>>) target(%dma_start3A_380 : memref<4000xf32, #tpu.memory_space<hbm>>) target_semaphore(%run_scoped3A : memref<!tpu.dma_semaphore, #tpu.memory_space<semaphore_mem>>)
        %dma_wait3A = tpu.memref_slice %arg7[%add3A_379] : memref<12000000xf32, #tpu.memory_space<hbm>> -> memref<4000xf32, #tpu.memory_space<hbm>>
        %dma_wait3A_381 = tpu.memref_slice %arg7[%add3A_379] : memref<12000000xf32, #tpu.memory_space<hbm>> -> memref<4000xf32, #tpu.memory_space<hbm>>
        tpu.wait_dma2 semaphore(%run_scoped3A : memref<!tpu.dma_semaphore, #tpu.memory_space<semaphore_mem>>) src(%arg15 : memref<4000xf32, #tpu.memory_space<vmem>>) dst(%dma_wait3A_381 : memref<4000xf32, #tpu.memory_space<hbm>>)
        tpu.yield
      }) : () -> ()
    }
    %while3A_255 = arith.constant 1 : i32
    scf.for %while3A_368 = %while3A_253 to %while3A_249 step %while3A_255  : i32 {
      %mul3A_369 = arith.muli %while3A_368, %while3A_246 : i32
      %add3A_370 = arith.addi %arg1, %mul3A_369 : i32
      %mul3A_371 = arith.constant 4000 : i32
      %mul3A_372 = arith.muli %add3A_370, %mul3A_371 : i32
      %add3A_373 = arith.constant 500000 : i32
      %add3A_374 = arith.addi %add3A_373, %mul3A_372 : i32
      "tpu.region"() ({
        %run_scoped3A = tpu.sem_alloc : memref<!tpu.dma_semaphore, #tpu.memory_space<semaphore_mem>>
        %dma_start3A = tpu.memref_slice %arg8[%add3A_374] : memref<1500000xf32, #tpu.memory_space<vmem_shared>> -> memref<4000xf32, #tpu.memory_space<vmem_shared>>
        %dma_start3A_380 = tpu.memref_slice %arg8[%add3A_374] : memref<1500000xf32, #tpu.memory_space<vmem_shared>> -> memref<4000xf32, #tpu.memory_space<vmem_shared>>
        tpu.enqueue_dma source(%dma_start3A_380 : memref<4000xf32, #tpu.memory_space<vmem_shared>>) target(%arg15 : memref<4000xf32, #tpu.memory_space<vmem>>) target_semaphore(%run_scoped3A : memref<!tpu.dma_semaphore, #tpu.memory_space<semaphore_mem>>)
        %dma_wait3A = tpu.memref_slice %arg8[%add3A_374] : memref<1500000xf32, #tpu.memory_space<vmem_shared>> -> memref<4000xf32, #tpu.memory_space<vmem_shared>>
        %dma_wait3A_381 = tpu.memref_slice %arg8[%add3A_374] : memref<1500000xf32, #tpu.memory_space<vmem_shared>> -> memref<4000xf32, #tpu.memory_space<vmem_shared>>
        tpu.wait_dma2 semaphore(%run_scoped3A : memref<!tpu.dma_semaphore, #tpu.memory_space<semaphore_mem>>) src(%dma_wait3A_381 : memref<4000xf32, #tpu.memory_space<vmem_shared>>) dst(%arg15 : memref<4000xf32, #tpu.memory_space<vmem>>)
        tpu.yield
      }) : () -> ()
      %add3A_375 = arith.constant 7000000 : i32
      %add3A_376 = arith.addi %add3A_375, %mul3A_0 : i32
      %mul3A_377 = arith.constant 4000 : i32
      %mul3A_378 = arith.muli %add3A_370, %mul3A_377 : i32
      %add3A_379 = arith.addi %add3A_376, %mul3A_378 : i32
      "tpu.region"() ({
        %run_scoped3A = tpu.sem_alloc : memref<!tpu.dma_semaphore, #tpu.memory_space<semaphore_mem>>
        %dma_start3A = tpu.memref_slice %arg7[%add3A_379] : memref<12000000xf32, #tpu.memory_space<hbm>> -> memref<4000xf32, #tpu.memory_space<hbm>>
        %dma_start3A_380 = tpu.memref_slice %arg7[%add3A_379] : memref<12000000xf32, #tpu.memory_space<hbm>> -> memref<4000xf32, #tpu.memory_space<hbm>>
        tpu.enqueue_dma source(%arg15 : memref<4000xf32, #tpu.memory_space<vmem>>) target(%dma_start3A_380 : memref<4000xf32, #tpu.memory_space<hbm>>) target_semaphore(%run_scoped3A : memref<!tpu.dma_semaphore, #tpu.memory_space<semaphore_mem>>)
        %dma_wait3A = tpu.memref_slice %arg7[%add3A_379] : memref<12000000xf32, #tpu.memory_space<hbm>> -> memref<4000xf32, #tpu.memory_space<hbm>>
        %dma_wait3A_381 = tpu.memref_slice %arg7[%add3A_379] : memref<12000000xf32, #tpu.memory_space<hbm>> -> memref<4000xf32, #tpu.memory_space<hbm>>
        tpu.wait_dma2 semaphore(%run_scoped3A : memref<!tpu.dma_semaphore, #tpu.memory_space<semaphore_mem>>) src(%arg15 : memref<4000xf32, #tpu.memory_space<vmem>>) dst(%dma_wait3A_381 : memref<4000xf32, #tpu.memory_space<hbm>>)
        tpu.yield
      }) : () -> ()
    }
    %sub3A_256 = arith.constant 125 : i32
    %sub3A_257 = arith.subi %sub3A_256, %arg1 : i32
    %sub3A_258 = arith.constant 16 : i32
    %sub3A_259 = arith.constant 1 : i32
    %sub3A_260 = arith.subi %sub3A_258, %sub3A_259 : i32
    %add3A_261 = arith.addi %sub3A_257, %sub3A_260 : i32
    %div3A_262 = arith.constant 16 : i32
    %div3A_263 = arith.divsi %add3A_261, %div3A_262 : i32
    %while3A_264 = arith.constant 16 : i32
    %while3A_265 = arith.constant 0 : i32
    %while3A_266 = arith.subi %div3A_263, %while3A_265 : i32
    %while3A_267 = arith.addi %while3A_265, %while3A_266 : i32
    %while3A_268 = arith.constant 1 : i32
    %while3A_269 = arith.divsi %while3A_266, %while3A_268 : i32
    %while3A_270 = arith.muli %while3A_269, %while3A_268 : i32
    %while3A_271 = arith.addi %while3A_265, %while3A_270 : i32
    %while3A_272 = arith.constant 1 : i32
    scf.for %while3A_368 = %while3A_265 to %while3A_271 step %while3A_272  : i32 {
      %mul3A_369 = arith.muli %while3A_368, %while3A_264 : i32
      %add3A_370 = arith.addi %arg1, %mul3A_369 : i32
      %mul3A_371 = arith.constant 4000 : i32
      %mul3A_372 = arith.muli %add3A_370, %mul3A_371 : i32
      %add3A_373 = arith.constant 1000000 : i32
      %add3A_374 = arith.addi %add3A_373, %mul3A_372 : i32
      "tpu.region"() ({
        %run_scoped3A = tpu.sem_alloc : memref<!tpu.dma_semaphore, #tpu.memory_space<semaphore_mem>>
        %dma_start3A = tpu.memref_slice %arg8[%add3A_374] : memref<1500000xf32, #tpu.memory_space<vmem_shared>> -> memref<4000xf32, #tpu.memory_space<vmem_shared>>
        %dma_start3A_380 = tpu.memref_slice %arg8[%add3A_374] : memref<1500000xf32, #tpu.memory_space<vmem_shared>> -> memref<4000xf32, #tpu.memory_space<vmem_shared>>
        tpu.enqueue_dma source(%dma_start3A_380 : memref<4000xf32, #tpu.memory_space<vmem_shared>>) target(%arg15 : memref<4000xf32, #tpu.memory_space<vmem>>) target_semaphore(%run_scoped3A : memref<!tpu.dma_semaphore, #tpu.memory_space<semaphore_mem>>)
        %dma_wait3A = tpu.memref_slice %arg8[%add3A_374] : memref<1500000xf32, #tpu.memory_space<vmem_shared>> -> memref<4000xf32, #tpu.memory_space<vmem_shared>>
        %dma_wait3A_381 = tpu.memref_slice %arg8[%add3A_374] : memref<1500000xf32, #tpu.memory_space<vmem_shared>> -> memref<4000xf32, #tpu.memory_space<vmem_shared>>
        tpu.wait_dma2 semaphore(%run_scoped3A : memref<!tpu.dma_semaphore, #tpu.memory_space<semaphore_mem>>) src(%dma_wait3A_381 : memref<4000xf32, #tpu.memory_space<vmem_shared>>) dst(%arg15 : memref<4000xf32, #tpu.memory_space<vmem>>)
        tpu.yield
      }) : () -> ()
      %add3A_375 = arith.constant 8000000 : i32
      %add3A_376 = arith.addi %add3A_375, %mul3A_0 : i32
      %mul3A_377 = arith.constant 4000 : i32
      %mul3A_378 = arith.muli %add3A_370, %mul3A_377 : i32
      %add3A_379 = arith.addi %add3A_376, %mul3A_378 : i32
      "tpu.region"() ({
        %run_scoped3A = tpu.sem_alloc : memref<!tpu.dma_semaphore, #tpu.memory_space<semaphore_mem>>
        %dma_start3A = tpu.memref_slice %arg7[%add3A_379] : memref<12000000xf32, #tpu.memory_space<hbm>> -> memref<4000xf32, #tpu.memory_space<hbm>>
        %dma_start3A_380 = tpu.memref_slice %arg7[%add3A_379] : memref<12000000xf32, #tpu.memory_space<hbm>> -> memref<4000xf32, #tpu.memory_space<hbm>>
        tpu.enqueue_dma source(%arg15 : memref<4000xf32, #tpu.memory_space<vmem>>) target(%dma_start3A_380 : memref<4000xf32, #tpu.memory_space<hbm>>) target_semaphore(%run_scoped3A : memref<!tpu.dma_semaphore, #tpu.memory_space<semaphore_mem>>)
        %dma_wait3A = tpu.memref_slice %arg7[%add3A_379] : memref<12000000xf32, #tpu.memory_space<hbm>> -> memref<4000xf32, #tpu.memory_space<hbm>>
        %dma_wait3A_381 = tpu.memref_slice %arg7[%add3A_379] : memref<12000000xf32, #tpu.memory_space<hbm>> -> memref<4000xf32, #tpu.memory_space<hbm>>
        tpu.wait_dma2 semaphore(%run_scoped3A : memref<!tpu.dma_semaphore, #tpu.memory_space<semaphore_mem>>) src(%arg15 : memref<4000xf32, #tpu.memory_space<vmem>>) dst(%dma_wait3A_381 : memref<4000xf32, #tpu.memory_space<hbm>>)
        tpu.yield
      }) : () -> ()
    }
    %while3A_273 = arith.constant 1 : i32
    scf.for %while3A_368 = %while3A_271 to %while3A_267 step %while3A_273  : i32 {
      %mul3A_369 = arith.muli %while3A_368, %while3A_264 : i32
      %add3A_370 = arith.addi %arg1, %mul3A_369 : i32
      %mul3A_371 = arith.constant 4000 : i32
      %mul3A_372 = arith.muli %add3A_370, %mul3A_371 : i32
      %add3A_373 = arith.constant 1000000 : i32
      %add3A_374 = arith.addi %add3A_373, %mul3A_372 : i32
      "tpu.region"() ({
        %run_scoped3A = tpu.sem_alloc : memref<!tpu.dma_semaphore, #tpu.memory_space<semaphore_mem>>
        %dma_start3A = tpu.memref_slice %arg8[%add3A_374] : memref<1500000xf32, #tpu.memory_space<vmem_shared>> -> memref<4000xf32, #tpu.memory_space<vmem_shared>>
        %dma_start3A_380 = tpu.memref_slice %arg8[%add3A_374] : memref<1500000xf32, #tpu.memory_space<vmem_shared>> -> memref<4000xf32, #tpu.memory_space<vmem_shared>>
        tpu.enqueue_dma source(%dma_start3A_380 : memref<4000xf32, #tpu.memory_space<vmem_shared>>) target(%arg15 : memref<4000xf32, #tpu.memory_space<vmem>>) target_semaphore(%run_scoped3A : memref<!tpu.dma_semaphore, #tpu.memory_space<semaphore_mem>>)
        %dma_wait3A = tpu.memref_slice %arg8[%add3A_374] : memref<1500000xf32, #tpu.memory_space<vmem_shared>> -> memref<4000xf32, #tpu.memory_space<vmem_shared>>
        %dma_wait3A_381 = tpu.memref_slice %arg8[%add3A_374] : memref<1500000xf32, #tpu.memory_space<vmem_shared>> -> memref<4000xf32, #tpu.memory_space<vmem_shared>>
        tpu.wait_dma2 semaphore(%run_scoped3A : memref<!tpu.dma_semaphore, #tpu.memory_space<semaphore_mem>>) src(%dma_wait3A_381 : memref<4000xf32, #tpu.memory_space<vmem_shared>>) dst(%arg15 : memref<4000xf32, #tpu.memory_space<vmem>>)
        tpu.yield
      }) : () -> ()
      %add3A_375 = arith.constant 8000000 : i32
      %add3A_376 = arith.addi %add3A_375, %mul3A_0 : i32
      %mul3A_377 = arith.constant 4000 : i32
      %mul3A_378 = arith.muli %add3A_370, %mul3A_377 : i32
      %add3A_379 = arith.addi %add3A_376, %mul3A_378 : i32
      "tpu.region"() ({
        %run_scoped3A = tpu.sem_alloc : memref<!tpu.dma_semaphore, #tpu.memory_space<semaphore_mem>>
        %dma_start3A = tpu.memref_slice %arg7[%add3A_379] : memref<12000000xf32, #tpu.memory_space<hbm>> -> memref<4000xf32, #tpu.memory_space<hbm>>
        %dma_start3A_380 = tpu.memref_slice %arg7[%add3A_379] : memref<12000000xf32, #tpu.memory_space<hbm>> -> memref<4000xf32, #tpu.memory_space<hbm>>
        tpu.enqueue_dma source(%arg15 : memref<4000xf32, #tpu.memory_space<vmem>>) target(%dma_start3A_380 : memref<4000xf32, #tpu.memory_space<hbm>>) target_semaphore(%run_scoped3A : memref<!tpu.dma_semaphore, #tpu.memory_space<semaphore_mem>>)
        %dma_wait3A = tpu.memref_slice %arg7[%add3A_379] : memref<12000000xf32, #tpu.memory_space<hbm>> -> memref<4000xf32, #tpu.memory_space<hbm>>
        %dma_wait3A_381 = tpu.memref_slice %arg7[%add3A_379] : memref<12000000xf32, #tpu.memory_space<hbm>> -> memref<4000xf32, #tpu.memory_space<hbm>>
        tpu.wait_dma2 semaphore(%run_scoped3A : memref<!tpu.dma_semaphore, #tpu.memory_space<semaphore_mem>>) src(%arg15 : memref<4000xf32, #tpu.memory_space<vmem>>) dst(%dma_wait3A_381 : memref<4000xf32, #tpu.memory_space<hbm>>)
        tpu.yield
      }) : () -> ()
    }
    %barrier3A_274 = arith.constant 0 : index
    tpu.barrier barrier_id(%barrier3A_274)
    "tpu.region"() ({
      %run_scoped3A = tpu.sem_alloc : memref<!tpu.dma_semaphore, #tpu.memory_space<semaphore_mem>>
      tpu.enqueue_dma source(%arg6 : memref<4000xf32, #tpu.memory_space<hbm>>) target(%arg15 : memref<4000xf32, #tpu.memory_space<vmem>>) target_semaphore(%run_scoped3A : memref<!tpu.dma_semaphore, #tpu.memory_space<semaphore_mem>>)
      tpu.wait_dma2 semaphore(%run_scoped3A : memref<!tpu.dma_semaphore, #tpu.memory_space<semaphore_mem>>) src(%arg6 : memref<4000xf32, #tpu.memory_space<hbm>>) dst(%arg15 : memref<4000xf32, #tpu.memory_space<vmem>>)
      tpu.yield
    }) : () -> ()
    %sub3A_275 = arith.constant 375 : i32
    %sub3A_276 = arith.subi %sub3A_275, %arg1 : i32
    %sub3A_277 = arith.constant 16 : i32
    %sub3A_278 = arith.constant 1 : i32
    %sub3A_279 = arith.subi %sub3A_277, %sub3A_278 : i32
    %add3A_280 = arith.addi %sub3A_276, %sub3A_279 : i32
    %div3A_281 = arith.constant 16 : i32
    %div3A_282 = arith.divsi %add3A_280, %div3A_281 : i32
    %while3A_283 = arith.constant 16 : i32
    %while3A_284 = arith.constant 0 : i32
    %while3A_285 = arith.subi %div3A_282, %while3A_284 : i32
    %while3A_286 = arith.addi %while3A_284, %while3A_285 : i32
    %while3A_287 = arith.constant 1 : i32
    %while3A_288 = arith.divsi %while3A_285, %while3A_287 : i32
    %while3A_289 = arith.muli %while3A_288, %while3A_287 : i32
    %while3A_290 = arith.addi %while3A_284, %while3A_289 : i32
    %while3A_291 = arith.constant 1 : i32
    scf.for %while3A_368 = %while3A_284 to %while3A_290 step %while3A_291  : i32 {
      %mul3A_369 = arith.muli %while3A_368, %while3A_283 : i32
      %add3A_370 = arith.addi %arg1, %mul3A_369 : i32
      %mul3A_371 = arith.constant 4000 : i32
      %mul3A_372 = arith.muli %add3A_370, %mul3A_371 : i32
      "tpu.region"() ({
        %run_scoped3A = tpu.sem_alloc : memref<!tpu.dma_semaphore, #tpu.memory_space<semaphore_mem>>
        %dma_start3A = tpu.memref_slice %arg8[%mul3A_372] : memref<1500000xf32, #tpu.memory_space<vmem_shared>> -> memref<4000xf32, #tpu.memory_space<vmem_shared>>
        %dma_start3A_373 = tpu.memref_slice %arg8[%mul3A_372] : memref<1500000xf32, #tpu.memory_space<vmem_shared>> -> memref<4000xf32, #tpu.memory_space<vmem_shared>>
        tpu.enqueue_dma source(%arg15 : memref<4000xf32, #tpu.memory_space<vmem>>) target(%dma_start3A_373 : memref<4000xf32, #tpu.memory_space<vmem_shared>>) target_semaphore(%run_scoped3A : memref<!tpu.dma_semaphore, #tpu.memory_space<semaphore_mem>>)
        %dma_wait3A = tpu.memref_slice %arg8[%mul3A_372] : memref<1500000xf32, #tpu.memory_space<vmem_shared>> -> memref<4000xf32, #tpu.memory_space<vmem_shared>>
        %dma_wait3A_374 = tpu.memref_slice %arg8[%mul3A_372] : memref<1500000xf32, #tpu.memory_space<vmem_shared>> -> memref<4000xf32, #tpu.memory_space<vmem_shared>>
        tpu.wait_dma2 semaphore(%run_scoped3A : memref<!tpu.dma_semaphore, #tpu.memory_space<semaphore_mem>>) src(%arg15 : memref<4000xf32, #tpu.memory_space<vmem>>) dst(%dma_wait3A_374 : memref<4000xf32, #tpu.memory_space<vmem_shared>>)
        tpu.yield
      }) : () -> ()
    }
    %while3A_292 = arith.constant 1 : i32
    scf.for %while3A_368 = %while3A_290 to %while3A_286 step %while3A_292  : i32 {
      %mul3A_369 = arith.muli %while3A_368, %while3A_283 : i32
      %add3A_370 = arith.addi %arg1, %mul3A_369 : i32
      %mul3A_371 = arith.constant 4000 : i32
      %mul3A_372 = arith.muli %add3A_370, %mul3A_371 : i32
      "tpu.region"() ({
        %run_scoped3A = tpu.sem_alloc : memref<!tpu.dma_semaphore, #tpu.memory_space<semaphore_mem>>
        %dma_start3A = tpu.memref_slice %arg8[%mul3A_372] : memref<1500000xf32, #tpu.memory_space<vmem_shared>> -> memref<4000xf32, #tpu.memory_space<vmem_shared>>
        %dma_start3A_373 = tpu.memref_slice %arg8[%mul3A_372] : memref<1500000xf32, #tpu.memory_space<vmem_shared>> -> memref<4000xf32, #tpu.memory_space<vmem_shared>>
        tpu.enqueue_dma source(%arg15 : memref<4000xf32, #tpu.memory_space<vmem>>) target(%dma_start3A_373 : memref<4000xf32, #tpu.memory_space<vmem_shared>>) target_semaphore(%run_scoped3A : memref<!tpu.dma_semaphore, #tpu.memory_space<semaphore_mem>>)
        %dma_wait3A = tpu.memref_slice %arg8[%mul3A_372] : memref<1500000xf32, #tpu.memory_space<vmem_shared>> -> memref<4000xf32, #tpu.memory_space<vmem_shared>>
        %dma_wait3A_374 = tpu.memref_slice %arg8[%mul3A_372] : memref<1500000xf32, #tpu.memory_space<vmem_shared>> -> memref<4000xf32, #tpu.memory_space<vmem_shared>>
        tpu.wait_dma2 semaphore(%run_scoped3A : memref<!tpu.dma_semaphore, #tpu.memory_space<semaphore_mem>>) src(%arg15 : memref<4000xf32, #tpu.memory_space<vmem>>) dst(%dma_wait3A_374 : memref<4000xf32, #tpu.memory_space<vmem_shared>>)
        tpu.yield
      }) : () -> ()
    }
    %barrier3A_293 = arith.constant 0 : index
    tpu.barrier barrier_id(%barrier3A_293)
    %sub3A_294 = arith.constant 625 : i32
    %sub3A_295 = arith.subi %sub3A_294, %arg1 : i32
    %sub3A_296 = arith.constant 16 : i32
    %sub3A_297 = arith.constant 1 : i32
    %sub3A_298 = arith.subi %sub3A_296, %sub3A_297 : i32
    %add3A_299 = arith.addi %sub3A_295, %sub3A_298 : i32
    %div3A_300 = arith.constant 16 : i32
    %div3A_301 = arith.divsi %add3A_299, %div3A_300 : i32
    %while3A_302 = arith.constant 16 : i32
    %while3A_303 = arith.constant 0 : i32
    %while3A_304 = arith.subi %div3A_301, %while3A_303 : i32
    %while3A_305 = arith.addi %while3A_303, %while3A_304 : i32
    %while3A_306 = arith.constant 1 : i32
    %while3A_307 = arith.divsi %while3A_304, %while3A_306 : i32
    %while3A_308 = arith.muli %while3A_307, %while3A_306 : i32
    %while3A_309 = arith.addi %while3A_303, %while3A_308 : i32
    %while3A_310 = arith.constant 1 : i32
    scf.for %while3A_368 = %while3A_303 to %while3A_309 step %while3A_310  : i32 {
      %mul3A_369 = arith.muli %while3A_368, %while3A_302 : i32
      %add3A_370 = arith.addi %arg1, %mul3A_369 : i32
      %mul3A_371 = arith.constant 3200 : i32
      %mul3A_372 = arith.muli %add3A_370, %mul3A_371 : i32
      "tpu.region"() ({
        %run_scoped3A = tpu.sem_alloc : memref<!tpu.dma_semaphore, #tpu.memory_space<semaphore_mem>>
        %dma_start3A = tpu.memref_slice %arg2[%mul3A_372] : memref<2000000xi32, #tpu.memory_space<hbm>> -> memref<3200xi32, #tpu.memory_space<hbm>>
        %dma_start3A_379 = tpu.memref_slice %arg2[%mul3A_372] : memref<2000000xi32, #tpu.memory_space<hbm>> -> memref<3200xi32, #tpu.memory_space<hbm>>
        tpu.enqueue_dma source(%dma_start3A_379 : memref<3200xi32, #tpu.memory_space<hbm>>) target(%arg9 : memref<3200xi32, #tpu.memory_space<vmem>>) target_semaphore(%run_scoped3A : memref<!tpu.dma_semaphore, #tpu.memory_space<semaphore_mem>>)
        %dma_wait3A = tpu.memref_slice %arg2[%mul3A_372] : memref<2000000xi32, #tpu.memory_space<hbm>> -> memref<3200xi32, #tpu.memory_space<hbm>>
        %dma_wait3A_380 = tpu.memref_slice %arg2[%mul3A_372] : memref<2000000xi32, #tpu.memory_space<hbm>> -> memref<3200xi32, #tpu.memory_space<hbm>>
        tpu.wait_dma2 semaphore(%run_scoped3A : memref<!tpu.dma_semaphore, #tpu.memory_space<semaphore_mem>>) src(%dma_wait3A_380 : memref<3200xi32, #tpu.memory_space<hbm>>) dst(%arg9 : memref<3200xi32, #tpu.memory_space<vmem>>)
        tpu.yield
      }) : () -> ()
      %add3A_373 = arith.constant 6000000 : i32
      %add3A_374 = arith.addi %add3A_373, %mul3A_372 : i32
      "tpu.region"() ({
        %run_scoped3A = tpu.sem_alloc : memref<!tpu.dma_semaphore, #tpu.memory_space<semaphore_mem>>
        %dma_start3A = tpu.memref_slice %arg3[%add3A_374] : memref<8000000xf32, #tpu.memory_space<hbm>> -> memref<3200xf32, #tpu.memory_space<hbm>>
        %dma_start3A_379 = tpu.memref_slice %arg3[%add3A_374] : memref<8000000xf32, #tpu.memory_space<hbm>> -> memref<3200xf32, #tpu.memory_space<hbm>>
        tpu.enqueue_dma source(%dma_start3A_379 : memref<3200xf32, #tpu.memory_space<hbm>>) target(%arg10 : memref<3200xf32, #tpu.memory_space<vmem>>) target_semaphore(%run_scoped3A : memref<!tpu.dma_semaphore, #tpu.memory_space<semaphore_mem>>)
        %dma_wait3A = tpu.memref_slice %arg3[%add3A_374] : memref<8000000xf32, #tpu.memory_space<hbm>> -> memref<3200xf32, #tpu.memory_space<hbm>>
        %dma_wait3A_380 = tpu.memref_slice %arg3[%add3A_374] : memref<8000000xf32, #tpu.memory_space<hbm>> -> memref<3200xf32, #tpu.memory_space<hbm>>
        tpu.wait_dma2 semaphore(%run_scoped3A : memref<!tpu.dma_semaphore, #tpu.memory_space<semaphore_mem>>) src(%dma_wait3A_380 : memref<3200xf32, #tpu.memory_space<hbm>>) dst(%arg10 : memref<3200xf32, #tpu.memory_space<vmem>>)
        tpu.yield
      }) : () -> ()
      "tpu.region"() ({
        %run_scoped3A = tpu.sem_alloc : memref<!tpu.dma_semaphore, #tpu.memory_space<semaphore_mem>>
        %dma_start3A = tpu.memref_slice %arg4[%mul3A_372] : memref<2000000xf32, #tpu.memory_space<hbm>> -> memref<3200xf32, #tpu.memory_space<hbm>>
        %dma_start3A_379 = tpu.memref_slice %arg4[%mul3A_372] : memref<2000000xf32, #tpu.memory_space<hbm>> -> memref<3200xf32, #tpu.memory_space<hbm>>
        tpu.enqueue_dma source(%dma_start3A_379 : memref<3200xf32, #tpu.memory_space<hbm>>) target(%arg11 : memref<3200xf32, #tpu.memory_space<vmem>>) target_semaphore(%run_scoped3A : memref<!tpu.dma_semaphore, #tpu.memory_space<semaphore_mem>>)
        %dma_wait3A = tpu.memref_slice %arg4[%mul3A_372] : memref<2000000xf32, #tpu.memory_space<hbm>> -> memref<3200xf32, #tpu.memory_space<hbm>>
        %dma_wait3A_380 = tpu.memref_slice %arg4[%mul3A_372] : memref<2000000xf32, #tpu.memory_space<hbm>> -> memref<3200xf32, #tpu.memory_space<hbm>>
        tpu.wait_dma2 semaphore(%run_scoped3A : memref<!tpu.dma_semaphore, #tpu.memory_space<semaphore_mem>>) src(%dma_wait3A_380 : memref<3200xf32, #tpu.memory_space<hbm>>) dst(%arg11 : memref<3200xf32, #tpu.memory_space<vmem>>)
        tpu.yield
      }) : () -> ()
      "tpu.region"() ({
        %run_scoped3A = tpu.sem_alloc : memref<!tpu.dma_semaphore, #tpu.memory_space<semaphore_mem>>
        %dma_start3A = tpu.memref_slice %arg5[%mul3A_372] : memref<2000000xf32, #tpu.memory_space<hbm>> -> memref<3200xf32, #tpu.memory_space<hbm>>
        %dma_start3A_379 = tpu.memref_slice %arg5[%mul3A_372] : memref<2000000xf32, #tpu.memory_space<hbm>> -> memref<3200xf32, #tpu.memory_space<hbm>>
        tpu.enqueue_dma source(%dma_start3A_379 : memref<3200xf32, #tpu.memory_space<hbm>>) target(%arg12 : memref<3200xf32, #tpu.memory_space<vmem>>) target_semaphore(%run_scoped3A : memref<!tpu.dma_semaphore, #tpu.memory_space<semaphore_mem>>)
        %dma_wait3A = tpu.memref_slice %arg5[%mul3A_372] : memref<2000000xf32, #tpu.memory_space<hbm>> -> memref<3200xf32, #tpu.memory_space<hbm>>
        %dma_wait3A_380 = tpu.memref_slice %arg5[%mul3A_372] : memref<2000000xf32, #tpu.memory_space<hbm>> -> memref<3200xf32, #tpu.memory_space<hbm>>
        tpu.wait_dma2 semaphore(%run_scoped3A : memref<!tpu.dma_semaphore, #tpu.memory_space<semaphore_mem>>) src(%dma_wait3A_380 : memref<3200xf32, #tpu.memory_space<hbm>>) dst(%arg12 : memref<3200xf32, #tpu.memory_space<vmem>>)
        tpu.yield
      }) : () -> ()
      %scan3A = arith.constant 0 : i32
      %scan3A_375 = arith.constant 200 : i32
      %scan3A_376 = arith.addi %scan3A, %scan3A_375 : i32
      %scan3A_377 = arith.constant 1 : i32
      scf.for %scan3A_379 = %scan3A to %scan3A_376 step %scan3A_377  : i32 {
        %mul3A_380 = arith.constant 1 : i32
        %mul3A_381 = arith.muli %scan3A_379, %mul3A_380 : i32
        %add3A_382 = arith.constant 0 : i32
        %add3A_383 = arith.addi %add3A_382, %mul3A_381 : i32
        %mul3A_384 = arith.constant 16 : i32
        %mul3A_385 = arith.muli %add3A_383, %mul3A_384 : i32
        %get3A = arith.index_cast %mul3A_385 : i32 to index
        %get3A_386 = tpu.vector_load %arg9[%get3A] {strides = array<i32>} : memref<3200xi32, #tpu.memory_space<vmem>>, vector<16xi32>,
        %get3A_387 = vector.shape_cast %get3A_386 : vector<16xi32> to vector<16xi32>
        %sub3A_388 = vector.broadcast %mul3A_0 : i32 to vector<16xi32>
        %sub3A_389 = arith.subi %get3A_387, %sub3A_388 : vector<16xi32>
        %ge3A = arith.constant 0 : i32
        %ge3A_390 = vector.broadcast %ge3A : i32 to vector<16xi32>
        %ge3A_391 = arith.cmpi sge, %sub3A_389, %ge3A_390 : vector<16xi32>
        %lt3A = arith.constant 500000 : i32
        %lt3A_392 = vector.broadcast %lt3A : i32 to vector<16xi32>
        %lt3A_393 = arith.cmpi slt, %sub3A_389, %lt3A_392 : vector<16xi32>
        %and3A = arith.andi %ge3A_391, %lt3A_393 : vector<16xi1>
        %gt3A = arith.constant 0 : i32
        %gt3A_394 = vector.broadcast %gt3A : i32 to vector<16xi32>
        %gt3A_395 = arith.cmpi sgt, %sub3A_389, %gt3A_394 : vector<16xi32>
        %jit3A = arith.constant 0 : i32
        %broadcast_in_dim3A = vector.broadcast %jit3A : i32 to vector<16xi32>
        %select_n3A = arith.select %gt3A_395, %sub3A_389, %broadcast_in_dim3A : vector<16xi1>, vector<16xi32>
        %lt3A_396 = arith.constant 499999 : i32
        %lt3A_397 = vector.broadcast %lt3A_396 : i32 to vector<16xi32>
        %lt3A_398 = arith.cmpi slt, %select_n3A, %lt3A_397 : vector<16xi32>
        %jit3A_399 = arith.constant 499999 : i32
        %broadcast_in_dim3A_400 = vector.broadcast %jit3A_399 : i32 to vector<16xi32>
        %select_n3A_401 = arith.select %lt3A_398, %select_n3A, %broadcast_in_dim3A_400 : vector<16xi1>, vector<16xi32>
        %get3A_402 = arith.index_cast %mul3A_385 : i32 to index
        %get3A_403 = tpu.vector_load %arg10[%get3A_402] {strides = array<i32>} : memref<3200xf32, #tpu.memory_space<vmem>>, vector<16xf32>,
        %get3A_404 = vector.shape_cast %get3A_403 : vector<16xf32> to vector<16xf32>
        %jit3A_405 = arith.constant 0.000000e+00 : f32
        %broadcast_in_dim3A_406 = vector.broadcast %jit3A_405 : f32 to vector<16xf32>
        %select_n3A_407 = arith.select %and3A, %get3A_404, %broadcast_in_dim3A_406 : vector<16xi1>, vector<16xf32>
        %swap3A = arith.index_cast %mul3A_385 : i32 to index
        %swap3A_408 = tpu.vector_load %arg14[%swap3A] {strides = array<i32>} : memref<9600xi32, #tpu.memory_space<vmem>>, vector<16xi32>,
        %swap3A_409 = vector.shape_cast %swap3A_408 : vector<16xi32> to vector<16xi32>
        %swap3A_410 = vector.shape_cast %select_n3A_401 : vector<16xi32> to vector<16xi32>
        tpu.vector_store %arg14[%swap3A], %swap3A_410 {strides = array<i32>} : memref<9600xi32, #tpu.memory_space<vmem>>, vector<16xi32>,
        %add3A_411 = arith.constant 500000 : i32
        %add3A_412 = vector.broadcast %add3A_411 : i32 to vector<16xi32>
        %add3A_413 = arith.addi %select_n3A_401, %add3A_412 : vector<16xi32>
        %add3A_414 = arith.constant 3200 : i32
        %add3A_415 = arith.addi %add3A_414, %mul3A_385 : i32
        %swap3A_416 = arith.index_cast %add3A_415 : i32 to index
        %swap3A_417 = tpu.vector_load %arg14[%swap3A_416] {strides = array<i32>} : memref<9600xi32, #tpu.memory_space<vmem>>, vector<16xi32>,
        %swap3A_418 = vector.shape_cast %swap3A_417 : vector<16xi32> to vector<16xi32>
        %swap3A_419 = vector.shape_cast %add3A_413 : vector<16xi32> to vector<16xi32>
        tpu.vector_store %arg14[%swap3A_416], %swap3A_419 {strides = array<i32>} : memref<9600xi32, #tpu.memory_space<vmem>>, vector<16xi32>,
        %add3A_420 = arith.constant 1000000 : i32
        %add3A_421 = vector.broadcast %add3A_420 : i32 to vector<16xi32>
        %add3A_422 = arith.addi %select_n3A_401, %add3A_421 : vector<16xi32>
        %add3A_423 = arith.constant 6400 : i32
        %add3A_424 = arith.addi %add3A_423, %mul3A_385 : i32
        %swap3A_425 = arith.index_cast %add3A_424 : i32 to index
        %swap3A_426 = tpu.vector_load %arg14[%swap3A_425] {strides = array<i32>} : memref<9600xi32, #tpu.memory_space<vmem>>, vector<16xi32>,
        %swap3A_427 = vector.shape_cast %swap3A_426 : vector<16xi32> to vector<16xi32>
        %swap3A_428 = vector.shape_cast %add3A_422 : vector<16xi32> to vector<16xi32>
        tpu.vector_store %arg14[%swap3A_425], %swap3A_428 {strides = array<i32>} : memref<9600xi32, #tpu.memory_space<vmem>>, vector<16xi32>,
        %swap3A_429 = arith.index_cast %mul3A_385 : i32 to index
        %swap3A_430 = tpu.vector_load %arg13[%swap3A_429] {strides = array<i32>} : memref<9600xf32, #tpu.memory_space<vmem>>, vector<16xf32>,
        %swap3A_431 = vector.shape_cast %swap3A_430 : vector<16xf32> to vector<16xf32>
        %swap3A_432 = vector.shape_cast %select_n3A_407 : vector<16xf32> to vector<16xf32>
        tpu.vector_store %arg13[%swap3A_429], %swap3A_432 {strides = array<i32>} : memref<9600xf32, #tpu.memory_space<vmem>>, vector<16xf32>,
        %get3A_433 = arith.index_cast %mul3A_385 : i32 to index
        %get3A_434 = tpu.vector_load %arg11[%get3A_433] {strides = array<i32>} : memref<3200xf32, #tpu.memory_space<vmem>>, vector<16xf32>,
        %get3A_435 = vector.shape_cast %get3A_434 : vector<16xf32> to vector<16xf32>
        %mul3A_436 = arith.mulf %select_n3A_407, %get3A_435 : vector<16xf32>
        %add3A_437 = arith.constant 3200 : i32
        %add3A_438 = arith.addi %add3A_437, %mul3A_385 : i32
        %swap3A_439 = arith.index_cast %add3A_438 : i32 to index
        %swap3A_440 = tpu.vector_load %arg13[%swap3A_439] {strides = array<i32>} : memref<9600xf32, #tpu.memory_space<vmem>>, vector<16xf32>,
        %swap3A_441 = vector.shape_cast %swap3A_440 : vector<16xf32> to vector<16xf32>
        %swap3A_442 = vector.shape_cast %mul3A_436 : vector<16xf32> to vector<16xf32>
        tpu.vector_store %arg13[%swap3A_439], %swap3A_442 {strides = array<i32>} : memref<9600xf32, #tpu.memory_space<vmem>>, vector<16xf32>,
        %get3A_443 = arith.index_cast %mul3A_385 : i32 to index
        %get3A_444 = tpu.vector_load %arg12[%get3A_443] {strides = array<i32>} : memref<3200xf32, #tpu.memory_space<vmem>>, vector<16xf32>,
        %get3A_445 = vector.shape_cast %get3A_444 : vector<16xf32> to vector<16xf32>
        %mul3A_446 = arith.mulf %select_n3A_407, %get3A_445 : vector<16xf32>
        %add3A_447 = arith.constant 6400 : i32
        %add3A_448 = arith.addi %add3A_447, %mul3A_385 : i32
        %swap3A_449 = arith.index_cast %add3A_448 : i32 to index
        %swap3A_450 = tpu.vector_load %arg13[%swap3A_449] {strides = array<i32>} : memref<9600xf32, #tpu.memory_space<vmem>>, vector<16xf32>,
        %swap3A_451 = vector.shape_cast %swap3A_450 : vector<16xf32> to vector<16xf32>
        %swap3A_452 = vector.shape_cast %mul3A_446 : vector<16xf32> to vector<16xf32>
        tpu.vector_store %arg13[%swap3A_449], %swap3A_452 {strides = array<i32>} : memref<9600xf32, #tpu.memory_space<vmem>>, vector<16xf32>,
      }
      %scan3A_378 = arith.constant 200 : i32
      "tpu.region"() ({
        %run_scoped3A = tpu.sem_alloc : memref<!tpu.dma_semaphore, #tpu.memory_space<semaphore_mem>>
        %dma_start3A = arith.constant 0 : i32
        %dma_start3A_379 = tpu.memref_slice %arg8[%dma_start3A] : memref<1500000xf32, #tpu.memory_space<vmem_shared>> -> memref<1500000xf32, #tpu.memory_space<vmem_shared>>
        tpu.enqueue_indirect_dma source(%arg13 : memref<9600xf32, #tpu.memory_space<vmem>>) target(%dma_start3A_379 : memref<1500000xf32, #tpu.memory_space<vmem_shared>>) offsets(%arg14 : memref<9600xi32, #tpu.memory_space<vmem>>) semaphore(%run_scoped3A : memref<!tpu.dma_semaphore, #tpu.memory_space<semaphore_mem>>) {add = true}
        %dma_wait3A = arith.constant 0 : i32
        %dma_wait3A_380 = tpu.memref_slice %arg8[%dma_wait3A] : memref<1500000xf32, #tpu.memory_space<vmem_shared>> -> memref<1500000xf32, #tpu.memory_space<vmem_shared>>
        tpu.wait_indirect_dma semaphore(%run_scoped3A : memref<!tpu.dma_semaphore, #tpu.memory_space<semaphore_mem>>) src(%arg13 : memref<9600xf32, #tpu.memory_space<vmem>>) dst(%dma_wait3A_380 : memref<1500000xf32, #tpu.memory_space<vmem_shared>>)
        tpu.yield
      }) : () -> ()
    }
    %while3A_311 = arith.constant 1 : i32
    scf.for %while3A_368 = %while3A_309 to %while3A_305 step %while3A_311  : i32 {
      %mul3A_369 = arith.muli %while3A_368, %while3A_302 : i32
      %add3A_370 = arith.addi %arg1, %mul3A_369 : i32
      %mul3A_371 = arith.constant 3200 : i32
      %mul3A_372 = arith.muli %add3A_370, %mul3A_371 : i32
      "tpu.region"() ({
        %run_scoped3A = tpu.sem_alloc : memref<!tpu.dma_semaphore, #tpu.memory_space<semaphore_mem>>
        %dma_start3A = tpu.memref_slice %arg2[%mul3A_372] : memref<2000000xi32, #tpu.memory_space<hbm>> -> memref<3200xi32, #tpu.memory_space<hbm>>
        %dma_start3A_379 = tpu.memref_slice %arg2[%mul3A_372] : memref<2000000xi32, #tpu.memory_space<hbm>> -> memref<3200xi32, #tpu.memory_space<hbm>>
        tpu.enqueue_dma source(%dma_start3A_379 : memref<3200xi32, #tpu.memory_space<hbm>>) target(%arg9 : memref<3200xi32, #tpu.memory_space<vmem>>) target_semaphore(%run_scoped3A : memref<!tpu.dma_semaphore, #tpu.memory_space<semaphore_mem>>)
        %dma_wait3A = tpu.memref_slice %arg2[%mul3A_372] : memref<2000000xi32, #tpu.memory_space<hbm>> -> memref<3200xi32, #tpu.memory_space<hbm>>
        %dma_wait3A_380 = tpu.memref_slice %arg2[%mul3A_372] : memref<2000000xi32, #tpu.memory_space<hbm>> -> memref<3200xi32, #tpu.memory_space<hbm>>
        tpu.wait_dma2 semaphore(%run_scoped3A : memref<!tpu.dma_semaphore, #tpu.memory_space<semaphore_mem>>) src(%dma_wait3A_380 : memref<3200xi32, #tpu.memory_space<hbm>>) dst(%arg9 : memref<3200xi32, #tpu.memory_space<vmem>>)
        tpu.yield
      }) : () -> ()
      %add3A_373 = arith.constant 6000000 : i32
      %add3A_374 = arith.addi %add3A_373, %mul3A_372 : i32
      "tpu.region"() ({
        %run_scoped3A = tpu.sem_alloc : memref<!tpu.dma_semaphore, #tpu.memory_space<semaphore_mem>>
        %dma_start3A = tpu.memref_slice %arg3[%add3A_374] : memref<8000000xf32, #tpu.memory_space<hbm>> -> memref<3200xf32, #tpu.memory_space<hbm>>
        %dma_start3A_379 = tpu.memref_slice %arg3[%add3A_374] : memref<8000000xf32, #tpu.memory_space<hbm>> -> memref<3200xf32, #tpu.memory_space<hbm>>
        tpu.enqueue_dma source(%dma_start3A_379 : memref<3200xf32, #tpu.memory_space<hbm>>) target(%arg10 : memref<3200xf32, #tpu.memory_space<vmem>>) target_semaphore(%run_scoped3A : memref<!tpu.dma_semaphore, #tpu.memory_space<semaphore_mem>>)
        %dma_wait3A = tpu.memref_slice %arg3[%add3A_374] : memref<8000000xf32, #tpu.memory_space<hbm>> -> memref<3200xf32, #tpu.memory_space<hbm>>
        %dma_wait3A_380 = tpu.memref_slice %arg3[%add3A_374] : memref<8000000xf32, #tpu.memory_space<hbm>> -> memref<3200xf32, #tpu.memory_space<hbm>>
        tpu.wait_dma2 semaphore(%run_scoped3A : memref<!tpu.dma_semaphore, #tpu.memory_space<semaphore_mem>>) src(%dma_wait3A_380 : memref<3200xf32, #tpu.memory_space<hbm>>) dst(%arg10 : memref<3200xf32, #tpu.memory_space<vmem>>)
        tpu.yield
      }) : () -> ()
      "tpu.region"() ({
        %run_scoped3A = tpu.sem_alloc : memref<!tpu.dma_semaphore, #tpu.memory_space<semaphore_mem>>
        %dma_start3A = tpu.memref_slice %arg4[%mul3A_372] : memref<2000000xf32, #tpu.memory_space<hbm>> -> memref<3200xf32, #tpu.memory_space<hbm>>
        %dma_start3A_379 = tpu.memref_slice %arg4[%mul3A_372] : memref<2000000xf32, #tpu.memory_space<hbm>> -> memref<3200xf32, #tpu.memory_space<hbm>>
        tpu.enqueue_dma source(%dma_start3A_379 : memref<3200xf32, #tpu.memory_space<hbm>>) target(%arg11 : memref<3200xf32, #tpu.memory_space<vmem>>) target_semaphore(%run_scoped3A : memref<!tpu.dma_semaphore, #tpu.memory_space<semaphore_mem>>)
        %dma_wait3A = tpu.memref_slice %arg4[%mul3A_372] : memref<2000000xf32, #tpu.memory_space<hbm>> -> memref<3200xf32, #tpu.memory_space<hbm>>
        %dma_wait3A_380 = tpu.memref_slice %arg4[%mul3A_372] : memref<2000000xf32, #tpu.memory_space<hbm>> -> memref<3200xf32, #tpu.memory_space<hbm>>
        tpu.wait_dma2 semaphore(%run_scoped3A : memref<!tpu.dma_semaphore, #tpu.memory_space<semaphore_mem>>) src(%dma_wait3A_380 : memref<3200xf32, #tpu.memory_space<hbm>>) dst(%arg11 : memref<3200xf32, #tpu.memory_space<vmem>>)
        tpu.yield
      }) : () -> ()
      "tpu.region"() ({
        %run_scoped3A = tpu.sem_alloc : memref<!tpu.dma_semaphore, #tpu.memory_space<semaphore_mem>>
        %dma_start3A = tpu.memref_slice %arg5[%mul3A_372] : memref<2000000xf32, #tpu.memory_space<hbm>> -> memref<3200xf32, #tpu.memory_space<hbm>>
        %dma_start3A_379 = tpu.memref_slice %arg5[%mul3A_372] : memref<2000000xf32, #tpu.memory_space<hbm>> -> memref<3200xf32, #tpu.memory_space<hbm>>
        tpu.enqueue_dma source(%dma_start3A_379 : memref<3200xf32, #tpu.memory_space<hbm>>) target(%arg12 : memref<3200xf32, #tpu.memory_space<vmem>>) target_semaphore(%run_scoped3A : memref<!tpu.dma_semaphore, #tpu.memory_space<semaphore_mem>>)
        %dma_wait3A = tpu.memref_slice %arg5[%mul3A_372] : memref<2000000xf32, #tpu.memory_space<hbm>> -> memref<3200xf32, #tpu.memory_space<hbm>>
        %dma_wait3A_380 = tpu.memref_slice %arg5[%mul3A_372] : memref<2000000xf32, #tpu.memory_space<hbm>> -> memref<3200xf32, #tpu.memory_space<hbm>>
        tpu.wait_dma2 semaphore(%run_scoped3A : memref<!tpu.dma_semaphore, #tpu.memory_space<semaphore_mem>>) src(%dma_wait3A_380 : memref<3200xf32, #tpu.memory_space<hbm>>) dst(%arg12 : memref<3200xf32, #tpu.memory_space<vmem>>)
        tpu.yield
      }) : () -> ()
      %scan3A = arith.constant 0 : i32
      %scan3A_375 = arith.constant 200 : i32
      %scan3A_376 = arith.addi %scan3A, %scan3A_375 : i32
      %scan3A_377 = arith.constant 1 : i32
      scf.for %scan3A_379 = %scan3A to %scan3A_376 step %scan3A_377  : i32 {
        %mul3A_380 = arith.constant 1 : i32
        %mul3A_381 = arith.muli %scan3A_379, %mul3A_380 : i32
        %add3A_382 = arith.constant 0 : i32
        %add3A_383 = arith.addi %add3A_382, %mul3A_381 : i32
        %mul3A_384 = arith.constant 16 : i32
        %mul3A_385 = arith.muli %add3A_383, %mul3A_384 : i32
        %get3A = arith.index_cast %mul3A_385 : i32 to index
        %get3A_386 = tpu.vector_load %arg9[%get3A] {strides = array<i32>} : memref<3200xi32, #tpu.memory_space<vmem>>, vector<16xi32>,
        %get3A_387 = vector.shape_cast %get3A_386 : vector<16xi32> to vector<16xi32>
        %sub3A_388 = vector.broadcast %mul3A_0 : i32 to vector<16xi32>
        %sub3A_389 = arith.subi %get3A_387, %sub3A_388 : vector<16xi32>
        %ge3A = arith.constant 0 : i32
        %ge3A_390 = vector.broadcast %ge3A : i32 to vector<16xi32>
        %ge3A_391 = arith.cmpi sge, %sub3A_389, %ge3A_390 : vector<16xi32>
        %lt3A = arith.constant 500000 : i32
        %lt3A_392 = vector.broadcast %lt3A : i32 to vector<16xi32>
        %lt3A_393 = arith.cmpi slt, %sub3A_389, %lt3A_392 : vector<16xi32>
        %and3A = arith.andi %ge3A_391, %lt3A_393 : vector<16xi1>
        %gt3A = arith.constant 0 : i32
        %gt3A_394 = vector.broadcast %gt3A : i32 to vector<16xi32>
        %gt3A_395 = arith.cmpi sgt, %sub3A_389, %gt3A_394 : vector<16xi32>
        %jit3A = arith.constant 0 : i32
        %broadcast_in_dim3A = vector.broadcast %jit3A : i32 to vector<16xi32>
        %select_n3A = arith.select %gt3A_395, %sub3A_389, %broadcast_in_dim3A : vector<16xi1>, vector<16xi32>
        %lt3A_396 = arith.constant 499999 : i32
        %lt3A_397 = vector.broadcast %lt3A_396 : i32 to vector<16xi32>
        %lt3A_398 = arith.cmpi slt, %select_n3A, %lt3A_397 : vector<16xi32>
        %jit3A_399 = arith.constant 499999 : i32
        %broadcast_in_dim3A_400 = vector.broadcast %jit3A_399 : i32 to vector<16xi32>
        %select_n3A_401 = arith.select %lt3A_398, %select_n3A, %broadcast_in_dim3A_400 : vector<16xi1>, vector<16xi32>
        %get3A_402 = arith.index_cast %mul3A_385 : i32 to index
        %get3A_403 = tpu.vector_load %arg10[%get3A_402] {strides = array<i32>} : memref<3200xf32, #tpu.memory_space<vmem>>, vector<16xf32>,
        %get3A_404 = vector.shape_cast %get3A_403 : vector<16xf32> to vector<16xf32>
        %jit3A_405 = arith.constant 0.000000e+00 : f32
        %broadcast_in_dim3A_406 = vector.broadcast %jit3A_405 : f32 to vector<16xf32>
        %select_n3A_407 = arith.select %and3A, %get3A_404, %broadcast_in_dim3A_406 : vector<16xi1>, vector<16xf32>
        %swap3A = arith.index_cast %mul3A_385 : i32 to index
        %swap3A_408 = tpu.vector_load %arg14[%swap3A] {strides = array<i32>} : memref<9600xi32, #tpu.memory_space<vmem>>, vector<16xi32>,
        %swap3A_409 = vector.shape_cast %swap3A_408 : vector<16xi32> to vector<16xi32>
        %swap3A_410 = vector.shape_cast %select_n3A_401 : vector<16xi32> to vector<16xi32>
        tpu.vector_store %arg14[%swap3A], %swap3A_410 {strides = array<i32>} : memref<9600xi32, #tpu.memory_space<vmem>>, vector<16xi32>,
        %add3A_411 = arith.constant 500000 : i32
        %add3A_412 = vector.broadcast %add3A_411 : i32 to vector<16xi32>
        %add3A_413 = arith.addi %select_n3A_401, %add3A_412 : vector<16xi32>
        %add3A_414 = arith.constant 3200 : i32
        %add3A_415 = arith.addi %add3A_414, %mul3A_385 : i32
        %swap3A_416 = arith.index_cast %add3A_415 : i32 to index
        %swap3A_417 = tpu.vector_load %arg14[%swap3A_416] {strides = array<i32>} : memref<9600xi32, #tpu.memory_space<vmem>>, vector<16xi32>,
        %swap3A_418 = vector.shape_cast %swap3A_417 : vector<16xi32> to vector<16xi32>
        %swap3A_419 = vector.shape_cast %add3A_413 : vector<16xi32> to vector<16xi32>
        tpu.vector_store %arg14[%swap3A_416], %swap3A_419 {strides = array<i32>} : memref<9600xi32, #tpu.memory_space<vmem>>, vector<16xi32>,
        %add3A_420 = arith.constant 1000000 : i32
        %add3A_421 = vector.broadcast %add3A_420 : i32 to vector<16xi32>
        %add3A_422 = arith.addi %select_n3A_401, %add3A_421 : vector<16xi32>
        %add3A_423 = arith.constant 6400 : i32
        %add3A_424 = arith.addi %add3A_423, %mul3A_385 : i32
        %swap3A_425 = arith.index_cast %add3A_424 : i32 to index
        %swap3A_426 = tpu.vector_load %arg14[%swap3A_425] {strides = array<i32>} : memref<9600xi32, #tpu.memory_space<vmem>>, vector<16xi32>,
        %swap3A_427 = vector.shape_cast %swap3A_426 : vector<16xi32> to vector<16xi32>
        %swap3A_428 = vector.shape_cast %add3A_422 : vector<16xi32> to vector<16xi32>
        tpu.vector_store %arg14[%swap3A_425], %swap3A_428 {strides = array<i32>} : memref<9600xi32, #tpu.memory_space<vmem>>, vector<16xi32>,
        %swap3A_429 = arith.index_cast %mul3A_385 : i32 to index
        %swap3A_430 = tpu.vector_load %arg13[%swap3A_429] {strides = array<i32>} : memref<9600xf32, #tpu.memory_space<vmem>>, vector<16xf32>,
        %swap3A_431 = vector.shape_cast %swap3A_430 : vector<16xf32> to vector<16xf32>
        %swap3A_432 = vector.shape_cast %select_n3A_407 : vector<16xf32> to vector<16xf32>
        tpu.vector_store %arg13[%swap3A_429], %swap3A_432 {strides = array<i32>} : memref<9600xf32, #tpu.memory_space<vmem>>, vector<16xf32>,
        %get3A_433 = arith.index_cast %mul3A_385 : i32 to index
        %get3A_434 = tpu.vector_load %arg11[%get3A_433] {strides = array<i32>} : memref<3200xf32, #tpu.memory_space<vmem>>, vector<16xf32>,
        %get3A_435 = vector.shape_cast %get3A_434 : vector<16xf32> to vector<16xf32>
        %mul3A_436 = arith.mulf %select_n3A_407, %get3A_435 : vector<16xf32>
        %add3A_437 = arith.constant 3200 : i32
        %add3A_438 = arith.addi %add3A_437, %mul3A_385 : i32
        %swap3A_439 = arith.index_cast %add3A_438 : i32 to index
        %swap3A_440 = tpu.vector_load %arg13[%swap3A_439] {strides = array<i32>} : memref<9600xf32, #tpu.memory_space<vmem>>, vector<16xf32>,
        %swap3A_441 = vector.shape_cast %swap3A_440 : vector<16xf32> to vector<16xf32>
        %swap3A_442 = vector.shape_cast %mul3A_436 : vector<16xf32> to vector<16xf32>
        tpu.vector_store %arg13[%swap3A_439], %swap3A_442 {strides = array<i32>} : memref<9600xf32, #tpu.memory_space<vmem>>, vector<16xf32>,
        %get3A_443 = arith.index_cast %mul3A_385 : i32 to index
        %get3A_444 = tpu.vector_load %arg12[%get3A_443] {strides = array<i32>} : memref<3200xf32, #tpu.memory_space<vmem>>, vector<16xf32>,
        %get3A_445 = vector.shape_cast %get3A_444 : vector<16xf32> to vector<16xf32>
        %mul3A_446 = arith.mulf %select_n3A_407, %get3A_445 : vector<16xf32>
        %add3A_447 = arith.constant 6400 : i32
        %add3A_448 = arith.addi %add3A_447, %mul3A_385 : i32
        %swap3A_449 = arith.index_cast %add3A_448 : i32 to index
        %swap3A_450 = tpu.vector_load %arg13[%swap3A_449] {strides = array<i32>} : memref<9600xf32, #tpu.memory_space<vmem>>, vector<16xf32>,
        %swap3A_451 = vector.shape_cast %swap3A_450 : vector<16xf32> to vector<16xf32>
        %swap3A_452 = vector.shape_cast %mul3A_446 : vector<16xf32> to vector<16xf32>
        tpu.vector_store %arg13[%swap3A_449], %swap3A_452 {strides = array<i32>} : memref<9600xf32, #tpu.memory_space<vmem>>, vector<16xf32>,
      }
      %scan3A_378 = arith.constant 200 : i32
      "tpu.region"() ({
        %run_scoped3A = tpu.sem_alloc : memref<!tpu.dma_semaphore, #tpu.memory_space<semaphore_mem>>
        %dma_start3A = arith.constant 0 : i32
        %dma_start3A_379 = tpu.memref_slice %arg8[%dma_start3A] : memref<1500000xf32, #tpu.memory_space<vmem_shared>> -> memref<1500000xf32, #tpu.memory_space<vmem_shared>>
        tpu.enqueue_indirect_dma source(%arg13 : memref<9600xf32, #tpu.memory_space<vmem>>) target(%dma_start3A_379 : memref<1500000xf32, #tpu.memory_space<vmem_shared>>) offsets(%arg14 : memref<9600xi32, #tpu.memory_space<vmem>>) semaphore(%run_scoped3A : memref<!tpu.dma_semaphore, #tpu.memory_space<semaphore_mem>>) {add = true}
        %dma_wait3A = arith.constant 0 : i32
        %dma_wait3A_380 = tpu.memref_slice %arg8[%dma_wait3A] : memref<1500000xf32, #tpu.memory_space<vmem_shared>> -> memref<1500000xf32, #tpu.memory_space<vmem_shared>>
        tpu.wait_indirect_dma semaphore(%run_scoped3A : memref<!tpu.dma_semaphore, #tpu.memory_space<semaphore_mem>>) src(%arg13 : memref<9600xf32, #tpu.memory_space<vmem>>) dst(%dma_wait3A_380 : memref<1500000xf32, #tpu.memory_space<vmem_shared>>)
        tpu.yield
      }) : () -> ()
    }
    %barrier3A_312 = arith.constant 0 : index
    tpu.barrier barrier_id(%barrier3A_312)
    %sub3A_313 = arith.constant 125 : i32
    %sub3A_314 = arith.subi %sub3A_313, %arg1 : i32
    %sub3A_315 = arith.constant 16 : i32
    %sub3A_316 = arith.constant 1 : i32
    %sub3A_317 = arith.subi %sub3A_315, %sub3A_316 : i32
    %add3A_318 = arith.addi %sub3A_314, %sub3A_317 : i32
    %div3A_319 = arith.constant 16 : i32
    %div3A_320 = arith.divsi %add3A_318, %div3A_319 : i32
    %while3A_321 = arith.constant 16 : i32
    %while3A_322 = arith.constant 0 : i32
    %while3A_323 = arith.subi %div3A_320, %while3A_322 : i32
    %while3A_324 = arith.addi %while3A_322, %while3A_323 : i32
    %while3A_325 = arith.constant 1 : i32
    %while3A_326 = arith.divsi %while3A_323, %while3A_325 : i32
    %while3A_327 = arith.muli %while3A_326, %while3A_325 : i32
    %while3A_328 = arith.addi %while3A_322, %while3A_327 : i32
    %while3A_329 = arith.constant 1 : i32
    scf.for %while3A_368 = %while3A_322 to %while3A_328 step %while3A_329  : i32 {
      %mul3A_369 = arith.muli %while3A_368, %while3A_321 : i32
      %add3A_370 = arith.addi %arg1, %mul3A_369 : i32
      %mul3A_371 = arith.constant 4000 : i32
      %mul3A_372 = arith.muli %add3A_370, %mul3A_371 : i32
      %add3A_373 = arith.constant 0 : i32
      %add3A_374 = arith.addi %add3A_373, %mul3A_372 : i32
      "tpu.region"() ({
        %run_scoped3A = tpu.sem_alloc : memref<!tpu.dma_semaphore, #tpu.memory_space<semaphore_mem>>
        %dma_start3A = tpu.memref_slice %arg8[%add3A_374] : memref<1500000xf32, #tpu.memory_space<vmem_shared>> -> memref<4000xf32, #tpu.memory_space<vmem_shared>>
        %dma_start3A_380 = tpu.memref_slice %arg8[%add3A_374] : memref<1500000xf32, #tpu.memory_space<vmem_shared>> -> memref<4000xf32, #tpu.memory_space<vmem_shared>>
        tpu.enqueue_dma source(%dma_start3A_380 : memref<4000xf32, #tpu.memory_space<vmem_shared>>) target(%arg15 : memref<4000xf32, #tpu.memory_space<vmem>>) target_semaphore(%run_scoped3A : memref<!tpu.dma_semaphore, #tpu.memory_space<semaphore_mem>>)
        %dma_wait3A = tpu.memref_slice %arg8[%add3A_374] : memref<1500000xf32, #tpu.memory_space<vmem_shared>> -> memref<4000xf32, #tpu.memory_space<vmem_shared>>
        %dma_wait3A_381 = tpu.memref_slice %arg8[%add3A_374] : memref<1500000xf32, #tpu.memory_space<vmem_shared>> -> memref<4000xf32, #tpu.memory_space<vmem_shared>>
        tpu.wait_dma2 semaphore(%run_scoped3A : memref<!tpu.dma_semaphore, #tpu.memory_space<semaphore_mem>>) src(%dma_wait3A_381 : memref<4000xf32, #tpu.memory_space<vmem_shared>>) dst(%arg15 : memref<4000xf32, #tpu.memory_space<vmem>>)
        tpu.yield
      }) : () -> ()
      %add3A_375 = arith.constant 9000000 : i32
      %add3A_376 = arith.addi %add3A_375, %mul3A_0 : i32
      %mul3A_377 = arith.constant 4000 : i32
      %mul3A_378 = arith.muli %add3A_370, %mul3A_377 : i32
      %add3A_379 = arith.addi %add3A_376, %mul3A_378 : i32
      "tpu.region"() ({
        %run_scoped3A = tpu.sem_alloc : memref<!tpu.dma_semaphore, #tpu.memory_space<semaphore_mem>>
        %dma_start3A = tpu.memref_slice %arg7[%add3A_379] : memref<12000000xf32, #tpu.memory_space<hbm>> -> memref<4000xf32, #tpu.memory_space<hbm>>
        %dma_start3A_380 = tpu.memref_slice %arg7[%add3A_379] : memref<12000000xf32, #tpu.memory_space<hbm>> -> memref<4000xf32, #tpu.memory_space<hbm>>
        tpu.enqueue_dma source(%arg15 : memref<4000xf32, #tpu.memory_space<vmem>>) target(%dma_start3A_380 : memref<4000xf32, #tpu.memory_space<hbm>>) target_semaphore(%run_scoped3A : memref<!tpu.dma_semaphore, #tpu.memory_space<semaphore_mem>>)
        %dma_wait3A = tpu.memref_slice %arg7[%add3A_379] : memref<12000000xf32, #tpu.memory_space<hbm>> -> memref<4000xf32, #tpu.memory_space<hbm>>
        %dma_wait3A_381 = tpu.memref_slice %arg7[%add3A_379] : memref<12000000xf32, #tpu.memory_space<hbm>> -> memref<4000xf32, #tpu.memory_space<hbm>>
        tpu.wait_dma2 semaphore(%run_scoped3A : memref<!tpu.dma_semaphore, #tpu.memory_space<semaphore_mem>>) src(%arg15 : memref<4000xf32, #tpu.memory_space<vmem>>) dst(%dma_wait3A_381 : memref<4000xf32, #tpu.memory_space<hbm>>)
        tpu.yield
      }) : () -> ()
    }
    %while3A_330 = arith.constant 1 : i32
    scf.for %while3A_368 = %while3A_328 to %while3A_324 step %while3A_330  : i32 {
      %mul3A_369 = arith.muli %while3A_368, %while3A_321 : i32
      %add3A_370 = arith.addi %arg1, %mul3A_369 : i32
      %mul3A_371 = arith.constant 4000 : i32
      %mul3A_372 = arith.muli %add3A_370, %mul3A_371 : i32
      %add3A_373 = arith.constant 0 : i32
      %add3A_374 = arith.addi %add3A_373, %mul3A_372 : i32
      "tpu.region"() ({
        %run_scoped3A = tpu.sem_alloc : memref<!tpu.dma_semaphore, #tpu.memory_space<semaphore_mem>>
        %dma_start3A = tpu.memref_slice %arg8[%add3A_374] : memref<1500000xf32, #tpu.memory_space<vmem_shared>> -> memref<4000xf32, #tpu.memory_space<vmem_shared>>
        %dma_start3A_380 = tpu.memref_slice %arg8[%add3A_374] : memref<1500000xf32, #tpu.memory_space<vmem_shared>> -> memref<4000xf32, #tpu.memory_space<vmem_shared>>
        tpu.enqueue_dma source(%dma_start3A_380 : memref<4000xf32, #tpu.memory_space<vmem_shared>>) target(%arg15 : memref<4000xf32, #tpu.memory_space<vmem>>) target_semaphore(%run_scoped3A : memref<!tpu.dma_semaphore, #tpu.memory_space<semaphore_mem>>)
        %dma_wait3A = tpu.memref_slice %arg8[%add3A_374] : memref<1500000xf32, #tpu.memory_space<vmem_shared>> -> memref<4000xf32, #tpu.memory_space<vmem_shared>>
        %dma_wait3A_381 = tpu.memref_slice %arg8[%add3A_374] : memref<1500000xf32, #tpu.memory_space<vmem_shared>> -> memref<4000xf32, #tpu.memory_space<vmem_shared>>
        tpu.wait_dma2 semaphore(%run_scoped3A : memref<!tpu.dma_semaphore, #tpu.memory_space<semaphore_mem>>) src(%dma_wait3A_381 : memref<4000xf32, #tpu.memory_space<vmem_shared>>) dst(%arg15 : memref<4000xf32, #tpu.memory_space<vmem>>)
        tpu.yield
      }) : () -> ()
      %add3A_375 = arith.constant 9000000 : i32
      %add3A_376 = arith.addi %add3A_375, %mul3A_0 : i32
      %mul3A_377 = arith.constant 4000 : i32
      %mul3A_378 = arith.muli %add3A_370, %mul3A_377 : i32
      %add3A_379 = arith.addi %add3A_376, %mul3A_378 : i32
      "tpu.region"() ({
        %run_scoped3A = tpu.sem_alloc : memref<!tpu.dma_semaphore, #tpu.memory_space<semaphore_mem>>
        %dma_start3A = tpu.memref_slice %arg7[%add3A_379] : memref<12000000xf32, #tpu.memory_space<hbm>> -> memref<4000xf32, #tpu.memory_space<hbm>>
        %dma_start3A_380 = tpu.memref_slice %arg7[%add3A_379] : memref<12000000xf32, #tpu.memory_space<hbm>> -> memref<4000xf32, #tpu.memory_space<hbm>>
        tpu.enqueue_dma source(%arg15 : memref<4000xf32, #tpu.memory_space<vmem>>) target(%dma_start3A_380 : memref<4000xf32, #tpu.memory_space<hbm>>) target_semaphore(%run_scoped3A : memref<!tpu.dma_semaphore, #tpu.memory_space<semaphore_mem>>)
        %dma_wait3A = tpu.memref_slice %arg7[%add3A_379] : memref<12000000xf32, #tpu.memory_space<hbm>> -> memref<4000xf32, #tpu.memory_space<hbm>>
        %dma_wait3A_381 = tpu.memref_slice %arg7[%add3A_379] : memref<12000000xf32, #tpu.memory_space<hbm>> -> memref<4000xf32, #tpu.memory_space<hbm>>
        tpu.wait_dma2 semaphore(%run_scoped3A : memref<!tpu.dma_semaphore, #tpu.memory_space<semaphore_mem>>) src(%arg15 : memref<4000xf32, #tpu.memory_space<vmem>>) dst(%dma_wait3A_381 : memref<4000xf32, #tpu.memory_space<hbm>>)
        tpu.yield
      }) : () -> ()
    }
    %sub3A_331 = arith.constant 125 : i32
    %sub3A_332 = arith.subi %sub3A_331, %arg1 : i32
    %sub3A_333 = arith.constant 16 : i32
    %sub3A_334 = arith.constant 1 : i32
    %sub3A_335 = arith.subi %sub3A_333, %sub3A_334 : i32
    %add3A_336 = arith.addi %sub3A_332, %sub3A_335 : i32
    %div3A_337 = arith.constant 16 : i32
    %div3A_338 = arith.divsi %add3A_336, %div3A_337 : i32
    %while3A_339 = arith.constant 16 : i32
    %while3A_340 = arith.constant 0 : i32
    %while3A_341 = arith.subi %div3A_338, %while3A_340 : i32
    %while3A_342 = arith.addi %while3A_340, %while3A_341 : i32
    %while3A_343 = arith.constant 1 : i32
    %while3A_344 = arith.divsi %while3A_341, %while3A_343 : i32
    %while3A_345 = arith.muli %while3A_344, %while3A_343 : i32
    %while3A_346 = arith.addi %while3A_340, %while3A_345 : i32
    %while3A_347 = arith.constant 1 : i32
    scf.for %while3A_368 = %while3A_340 to %while3A_346 step %while3A_347  : i32 {
      %mul3A_369 = arith.muli %while3A_368, %while3A_339 : i32
      %add3A_370 = arith.addi %arg1, %mul3A_369 : i32
      %mul3A_371 = arith.constant 4000 : i32
      %mul3A_372 = arith.muli %add3A_370, %mul3A_371 : i32
      %add3A_373 = arith.constant 500000 : i32
      %add3A_374 = arith.addi %add3A_373, %mul3A_372 : i32
      "tpu.region"() ({
        %run_scoped3A = tpu.sem_alloc : memref<!tpu.dma_semaphore, #tpu.memory_space<semaphore_mem>>
        %dma_start3A = tpu.memref_slice %arg8[%add3A_374] : memref<1500000xf32, #tpu.memory_space<vmem_shared>> -> memref<4000xf32, #tpu.memory_space<vmem_shared>>
        %dma_start3A_380 = tpu.memref_slice %arg8[%add3A_374] : memref<1500000xf32, #tpu.memory_space<vmem_shared>> -> memref<4000xf32, #tpu.memory_space<vmem_shared>>
        tpu.enqueue_dma source(%dma_start3A_380 : memref<4000xf32, #tpu.memory_space<vmem_shared>>) target(%arg15 : memref<4000xf32, #tpu.memory_space<vmem>>) target_semaphore(%run_scoped3A : memref<!tpu.dma_semaphore, #tpu.memory_space<semaphore_mem>>)
        %dma_wait3A = tpu.memref_slice %arg8[%add3A_374] : memref<1500000xf32, #tpu.memory_space<vmem_shared>> -> memref<4000xf32, #tpu.memory_space<vmem_shared>>
        %dma_wait3A_381 = tpu.memref_slice %arg8[%add3A_374] : memref<1500000xf32, #tpu.memory_space<vmem_shared>> -> memref<4000xf32, #tpu.memory_space<vmem_shared>>
        tpu.wait_dma2 semaphore(%run_scoped3A : memref<!tpu.dma_semaphore, #tpu.memory_space<semaphore_mem>>) src(%dma_wait3A_381 : memref<4000xf32, #tpu.memory_space<vmem_shared>>) dst(%arg15 : memref<4000xf32, #tpu.memory_space<vmem>>)
        tpu.yield
      }) : () -> ()
      %add3A_375 = arith.constant 10000000 : i32
      %add3A_376 = arith.addi %add3A_375, %mul3A_0 : i32
      %mul3A_377 = arith.constant 4000 : i32
      %mul3A_378 = arith.muli %add3A_370, %mul3A_377 : i32
      %add3A_379 = arith.addi %add3A_376, %mul3A_378 : i32
      "tpu.region"() ({
        %run_scoped3A = tpu.sem_alloc : memref<!tpu.dma_semaphore, #tpu.memory_space<semaphore_mem>>
        %dma_start3A = tpu.memref_slice %arg7[%add3A_379] : memref<12000000xf32, #tpu.memory_space<hbm>> -> memref<4000xf32, #tpu.memory_space<hbm>>
        %dma_start3A_380 = tpu.memref_slice %arg7[%add3A_379] : memref<12000000xf32, #tpu.memory_space<hbm>> -> memref<4000xf32, #tpu.memory_space<hbm>>
        tpu.enqueue_dma source(%arg15 : memref<4000xf32, #tpu.memory_space<vmem>>) target(%dma_start3A_380 : memref<4000xf32, #tpu.memory_space<hbm>>) target_semaphore(%run_scoped3A : memref<!tpu.dma_semaphore, #tpu.memory_space<semaphore_mem>>)
        %dma_wait3A = tpu.memref_slice %arg7[%add3A_379] : memref<12000000xf32, #tpu.memory_space<hbm>> -> memref<4000xf32, #tpu.memory_space<hbm>>
        %dma_wait3A_381 = tpu.memref_slice %arg7[%add3A_379] : memref<12000000xf32, #tpu.memory_space<hbm>> -> memref<4000xf32, #tpu.memory_space<hbm>>
        tpu.wait_dma2 semaphore(%run_scoped3A : memref<!tpu.dma_semaphore, #tpu.memory_space<semaphore_mem>>) src(%arg15 : memref<4000xf32, #tpu.memory_space<vmem>>) dst(%dma_wait3A_381 : memref<4000xf32, #tpu.memory_space<hbm>>)
        tpu.yield
      }) : () -> ()
    }
    %while3A_348 = arith.constant 1 : i32
    scf.for %while3A_368 = %while3A_346 to %while3A_342 step %while3A_348  : i32 {
      %mul3A_369 = arith.muli %while3A_368, %while3A_339 : i32
      %add3A_370 = arith.addi %arg1, %mul3A_369 : i32
      %mul3A_371 = arith.constant 4000 : i32
      %mul3A_372 = arith.muli %add3A_370, %mul3A_371 : i32
      %add3A_373 = arith.constant 500000 : i32
      %add3A_374 = arith.addi %add3A_373, %mul3A_372 : i32
      "tpu.region"() ({
        %run_scoped3A = tpu.sem_alloc : memref<!tpu.dma_semaphore, #tpu.memory_space<semaphore_mem>>
        %dma_start3A = tpu.memref_slice %arg8[%add3A_374] : memref<1500000xf32, #tpu.memory_space<vmem_shared>> -> memref<4000xf32, #tpu.memory_space<vmem_shared>>
        %dma_start3A_380 = tpu.memref_slice %arg8[%add3A_374] : memref<1500000xf32, #tpu.memory_space<vmem_shared>> -> memref<4000xf32, #tpu.memory_space<vmem_shared>>
        tpu.enqueue_dma source(%dma_start3A_380 : memref<4000xf32, #tpu.memory_space<vmem_shared>>) target(%arg15 : memref<4000xf32, #tpu.memory_space<vmem>>) target_semaphore(%run_scoped3A : memref<!tpu.dma_semaphore, #tpu.memory_space<semaphore_mem>>)
        %dma_wait3A = tpu.memref_slice %arg8[%add3A_374] : memref<1500000xf32, #tpu.memory_space<vmem_shared>> -> memref<4000xf32, #tpu.memory_space<vmem_shared>>
        %dma_wait3A_381 = tpu.memref_slice %arg8[%add3A_374] : memref<1500000xf32, #tpu.memory_space<vmem_shared>> -> memref<4000xf32, #tpu.memory_space<vmem_shared>>
        tpu.wait_dma2 semaphore(%run_scoped3A : memref<!tpu.dma_semaphore, #tpu.memory_space<semaphore_mem>>) src(%dma_wait3A_381 : memref<4000xf32, #tpu.memory_space<vmem_shared>>) dst(%arg15 : memref<4000xf32, #tpu.memory_space<vmem>>)
        tpu.yield
      }) : () -> ()
      %add3A_375 = arith.constant 10000000 : i32
      %add3A_376 = arith.addi %add3A_375, %mul3A_0 : i32
      %mul3A_377 = arith.constant 4000 : i32
      %mul3A_378 = arith.muli %add3A_370, %mul3A_377 : i32
      %add3A_379 = arith.addi %add3A_376, %mul3A_378 : i32
      "tpu.region"() ({
        %run_scoped3A = tpu.sem_alloc : memref<!tpu.dma_semaphore, #tpu.memory_space<semaphore_mem>>
        %dma_start3A = tpu.memref_slice %arg7[%add3A_379] : memref<12000000xf32, #tpu.memory_space<hbm>> -> memref<4000xf32, #tpu.memory_space<hbm>>
        %dma_start3A_380 = tpu.memref_slice %arg7[%add3A_379] : memref<12000000xf32, #tpu.memory_space<hbm>> -> memref<4000xf32, #tpu.memory_space<hbm>>
        tpu.enqueue_dma source(%arg15 : memref<4000xf32, #tpu.memory_space<vmem>>) target(%dma_start3A_380 : memref<4000xf32, #tpu.memory_space<hbm>>) target_semaphore(%run_scoped3A : memref<!tpu.dma_semaphore, #tpu.memory_space<semaphore_mem>>)
        %dma_wait3A = tpu.memref_slice %arg7[%add3A_379] : memref<12000000xf32, #tpu.memory_space<hbm>> -> memref<4000xf32, #tpu.memory_space<hbm>>
        %dma_wait3A_381 = tpu.memref_slice %arg7[%add3A_379] : memref<12000000xf32, #tpu.memory_space<hbm>> -> memref<4000xf32, #tpu.memory_space<hbm>>
        tpu.wait_dma2 semaphore(%run_scoped3A : memref<!tpu.dma_semaphore, #tpu.memory_space<semaphore_mem>>) src(%arg15 : memref<4000xf32, #tpu.memory_space<vmem>>) dst(%dma_wait3A_381 : memref<4000xf32, #tpu.memory_space<hbm>>)
        tpu.yield
      }) : () -> ()
    }
    %sub3A_349 = arith.constant 125 : i32
    %sub3A_350 = arith.subi %sub3A_349, %arg1 : i32
    %sub3A_351 = arith.constant 16 : i32
    %sub3A_352 = arith.constant 1 : i32
    %sub3A_353 = arith.subi %sub3A_351, %sub3A_352 : i32
    %add3A_354 = arith.addi %sub3A_350, %sub3A_353 : i32
    %div3A_355 = arith.constant 16 : i32
    %div3A_356 = arith.divsi %add3A_354, %div3A_355 : i32
    %while3A_357 = arith.constant 16 : i32
    %while3A_358 = arith.constant 0 : i32
    %while3A_359 = arith.subi %div3A_356, %while3A_358 : i32
    %while3A_360 = arith.addi %while3A_358, %while3A_359 : i32
    %while3A_361 = arith.constant 1 : i32
    %while3A_362 = arith.divsi %while3A_359, %while3A_361 : i32
    %while3A_363 = arith.muli %while3A_362, %while3A_361 : i32
    %while3A_364 = arith.addi %while3A_358, %while3A_363 : i32
    %while3A_365 = arith.constant 1 : i32
    scf.for %while3A_368 = %while3A_358 to %while3A_364 step %while3A_365  : i32 {
      %mul3A_369 = arith.muli %while3A_368, %while3A_357 : i32
      %add3A_370 = arith.addi %arg1, %mul3A_369 : i32
      %mul3A_371 = arith.constant 4000 : i32
      %mul3A_372 = arith.muli %add3A_370, %mul3A_371 : i32
      %add3A_373 = arith.constant 1000000 : i32
      %add3A_374 = arith.addi %add3A_373, %mul3A_372 : i32
      "tpu.region"() ({
        %run_scoped3A = tpu.sem_alloc : memref<!tpu.dma_semaphore, #tpu.memory_space<semaphore_mem>>
        %dma_start3A = tpu.memref_slice %arg8[%add3A_374] : memref<1500000xf32, #tpu.memory_space<vmem_shared>> -> memref<4000xf32, #tpu.memory_space<vmem_shared>>
        %dma_start3A_380 = tpu.memref_slice %arg8[%add3A_374] : memref<1500000xf32, #tpu.memory_space<vmem_shared>> -> memref<4000xf32, #tpu.memory_space<vmem_shared>>
        tpu.enqueue_dma source(%dma_start3A_380 : memref<4000xf32, #tpu.memory_space<vmem_shared>>) target(%arg15 : memref<4000xf32, #tpu.memory_space<vmem>>) target_semaphore(%run_scoped3A : memref<!tpu.dma_semaphore, #tpu.memory_space<semaphore_mem>>)
        %dma_wait3A = tpu.memref_slice %arg8[%add3A_374] : memref<1500000xf32, #tpu.memory_space<vmem_shared>> -> memref<4000xf32, #tpu.memory_space<vmem_shared>>
        %dma_wait3A_381 = tpu.memref_slice %arg8[%add3A_374] : memref<1500000xf32, #tpu.memory_space<vmem_shared>> -> memref<4000xf32, #tpu.memory_space<vmem_shared>>
        tpu.wait_dma2 semaphore(%run_scoped3A : memref<!tpu.dma_semaphore, #tpu.memory_space<semaphore_mem>>) src(%dma_wait3A_381 : memref<4000xf32, #tpu.memory_space<vmem_shared>>) dst(%arg15 : memref<4000xf32, #tpu.memory_space<vmem>>)
        tpu.yield
      }) : () -> ()
      %add3A_375 = arith.constant 11000000 : i32
      %add3A_376 = arith.addi %add3A_375, %mul3A_0 : i32
      %mul3A_377 = arith.constant 4000 : i32
      %mul3A_378 = arith.muli %add3A_370, %mul3A_377 : i32
      %add3A_379 = arith.addi %add3A_376, %mul3A_378 : i32
      "tpu.region"() ({
        %run_scoped3A = tpu.sem_alloc : memref<!tpu.dma_semaphore, #tpu.memory_space<semaphore_mem>>
        %dma_start3A = tpu.memref_slice %arg7[%add3A_379] : memref<12000000xf32, #tpu.memory_space<hbm>> -> memref<4000xf32, #tpu.memory_space<hbm>>
        %dma_start3A_380 = tpu.memref_slice %arg7[%add3A_379] : memref<12000000xf32, #tpu.memory_space<hbm>> -> memref<4000xf32, #tpu.memory_space<hbm>>
        tpu.enqueue_dma source(%arg15 : memref<4000xf32, #tpu.memory_space<vmem>>) target(%dma_start3A_380 : memref<4000xf32, #tpu.memory_space<hbm>>) target_semaphore(%run_scoped3A : memref<!tpu.dma_semaphore, #tpu.memory_space<semaphore_mem>>)
        %dma_wait3A = tpu.memref_slice %arg7[%add3A_379] : memref<12000000xf32, #tpu.memory_space<hbm>> -> memref<4000xf32, #tpu.memory_space<hbm>>
        %dma_wait3A_381 = tpu.memref_slice %arg7[%add3A_379] : memref<12000000xf32, #tpu.memory_space<hbm>> -> memref<4000xf32, #tpu.memory_space<hbm>>
        tpu.wait_dma2 semaphore(%run_scoped3A : memref<!tpu.dma_semaphore, #tpu.memory_space<semaphore_mem>>) src(%arg15 : memref<4000xf32, #tpu.memory_space<vmem>>) dst(%dma_wait3A_381 : memref<4000xf32, #tpu.memory_space<hbm>>)
        tpu.yield
      }) : () -> ()
    }
    %while3A_366 = arith.constant 1 : i32
    scf.for %while3A_368 = %while3A_364 to %while3A_360 step %while3A_366  : i32 {
      %mul3A_369 = arith.muli %while3A_368, %while3A_357 : i32
      %add3A_370 = arith.addi %arg1, %mul3A_369 : i32
      %mul3A_371 = arith.constant 4000 : i32
      %mul3A_372 = arith.muli %add3A_370, %mul3A_371 : i32
      %add3A_373 = arith.constant 1000000 : i32
      %add3A_374 = arith.addi %add3A_373, %mul3A_372 : i32
      "tpu.region"() ({
        %run_scoped3A = tpu.sem_alloc : memref<!tpu.dma_semaphore, #tpu.memory_space<semaphore_mem>>
        %dma_start3A = tpu.memref_slice %arg8[%add3A_374] : memref<1500000xf32, #tpu.memory_space<vmem_shared>> -> memref<4000xf32, #tpu.memory_space<vmem_shared>>
        %dma_start3A_380 = tpu.memref_slice %arg8[%add3A_374] : memref<1500000xf32, #tpu.memory_space<vmem_shared>> -> memref<4000xf32, #tpu.memory_space<vmem_shared>>
        tpu.enqueue_dma source(%dma_start3A_380 : memref<4000xf32, #tpu.memory_space<vmem_shared>>) target(%arg15 : memref<4000xf32, #tpu.memory_space<vmem>>) target_semaphore(%run_scoped3A : memref<!tpu.dma_semaphore, #tpu.memory_space<semaphore_mem>>)
        %dma_wait3A = tpu.memref_slice %arg8[%add3A_374] : memref<1500000xf32, #tpu.memory_space<vmem_shared>> -> memref<4000xf32, #tpu.memory_space<vmem_shared>>
        %dma_wait3A_381 = tpu.memref_slice %arg8[%add3A_374] : memref<1500000xf32, #tpu.memory_space<vmem_shared>> -> memref<4000xf32, #tpu.memory_space<vmem_shared>>
        tpu.wait_dma2 semaphore(%run_scoped3A : memref<!tpu.dma_semaphore, #tpu.memory_space<semaphore_mem>>) src(%dma_wait3A_381 : memref<4000xf32, #tpu.memory_space<vmem_shared>>) dst(%arg15 : memref<4000xf32, #tpu.memory_space<vmem>>)
        tpu.yield
      }) : () -> ()
      %add3A_375 = arith.constant 11000000 : i32
      %add3A_376 = arith.addi %add3A_375, %mul3A_0 : i32
      %mul3A_377 = arith.constant 4000 : i32
      %mul3A_378 = arith.muli %add3A_370, %mul3A_377 : i32
      %add3A_379 = arith.addi %add3A_376, %mul3A_378 : i32
      "tpu.region"() ({
        %run_scoped3A = tpu.sem_alloc : memref<!tpu.dma_semaphore, #tpu.memory_space<semaphore_mem>>
        %dma_start3A = tpu.memref_slice %arg7[%add3A_379] : memref<12000000xf32, #tpu.memory_space<hbm>> -> memref<4000xf32, #tpu.memory_space<hbm>>
        %dma_start3A_380 = tpu.memref_slice %arg7[%add3A_379] : memref<12000000xf32, #tpu.memory_space<hbm>> -> memref<4000xf32, #tpu.memory_space<hbm>>
        tpu.enqueue_dma source(%arg15 : memref<4000xf32, #tpu.memory_space<vmem>>) target(%dma_start3A_380 : memref<4000xf32, #tpu.memory_space<hbm>>) target_semaphore(%run_scoped3A : memref<!tpu.dma_semaphore, #tpu.memory_space<semaphore_mem>>)
        %dma_wait3A = tpu.memref_slice %arg7[%add3A_379] : memref<12000000xf32, #tpu.memory_space<hbm>> -> memref<4000xf32, #tpu.memory_space<hbm>>
        %dma_wait3A_381 = tpu.memref_slice %arg7[%add3A_379] : memref<12000000xf32, #tpu.memory_space<hbm>> -> memref<4000xf32, #tpu.memory_space<hbm>>
        tpu.wait_dma2 semaphore(%run_scoped3A : memref<!tpu.dma_semaphore, #tpu.memory_space<semaphore_mem>>) src(%arg15 : memref<4000xf32, #tpu.memory_space<vmem>>) dst(%dma_wait3A_381 : memref<4000xf32, #tpu.memory_space<hbm>>)
        tpu.yield
      }) : () -> ()
    }
    %barrier3A_367 = arith.constant 0 : index
    tpu.barrier barrier_id(%barrier3A_367)
    return
  }
}

#map = affine_map<(d0, d1) -> (0)>
module attributes {stable_mosaic.version = 14 : i64} {
  func.func @_count_body(%arg0: i32, %arg1: i32, %arg2: memref<2000000xi32, #tpu.memory_space<hbm>>, %arg3: memref<4000xf32, #tpu.memory_space<hbm>>, %arg4: memref<1000000xf32, #tpu.memory_space<hbm>>, %arg5: memref<500000xf32, #tpu.memory_space<vmem_shared>>, %arg6: memref<20000xi32, #tpu.memory_space<vmem>>, %arg7: memref<20000xf32, #tpu.memory_space<vmem>>, %arg8: memref<20000xi32, #tpu.memory_space<vmem>>, %arg9: memref<4000xf32, #tpu.memory_space<vmem>>) attributes {dimension_semantics = [#tpu.dimension_semantics<core_parallel>, #tpu.dimension_semantics<subcore_parallel>], iteration_bounds = array<i64: 2, 16>, scalar_prefetch = 0 : i64, scratch_operands = 5 : i64, tpu.core_type = #tpu.core_type<sc_vector_subcore>, window_params = [{transform_indices = #map}, {transform_indices = #map}, {transform_indices = #map}]} {
    %mul3A = arith.constant 500000 : i32
    %mul3A_0 = arith.muli %arg0, %mul3A : i32
    "tpu.region"() ({
      %run_scoped3A = tpu.sem_alloc : memref<!tpu.dma_semaphore, #tpu.memory_space<semaphore_mem>>
      tpu.enqueue_dma source(%arg3 : memref<4000xf32, #tpu.memory_space<hbm>>) target(%arg9 : memref<4000xf32, #tpu.memory_space<vmem>>) target_semaphore(%run_scoped3A : memref<!tpu.dma_semaphore, #tpu.memory_space<semaphore_mem>>)
      tpu.wait_dma2 semaphore(%run_scoped3A : memref<!tpu.dma_semaphore, #tpu.memory_space<semaphore_mem>>) src(%arg3 : memref<4000xf32, #tpu.memory_space<hbm>>) dst(%arg9 : memref<4000xf32, #tpu.memory_space<vmem>>)
      tpu.yield
    }) : () -> ()
    %sub3A = arith.constant 125 : i32
    %sub3A_1 = arith.subi %sub3A, %arg1 : i32
    %sub3A_2 = arith.constant 16 : i32
    %sub3A_3 = arith.constant 1 : i32
    %sub3A_4 = arith.subi %sub3A_2, %sub3A_3 : i32
    %add3A = arith.addi %sub3A_1, %sub3A_4 : i32
    %div3A = arith.constant 16 : i32
    %div3A_5 = arith.divsi %add3A, %div3A : i32
    %while3A = arith.constant 16 : i32
    %while3A_6 = arith.constant 0 : i32
    %while3A_7 = arith.subi %div3A_5, %while3A_6 : i32
    %while3A_8 = arith.addi %while3A_6, %while3A_7 : i32
    %while3A_9 = arith.constant 1 : i32
    %while3A_10 = arith.divsi %while3A_7, %while3A_9 : i32
    %while3A_11 = arith.muli %while3A_10, %while3A_9 : i32
    %while3A_12 = arith.addi %while3A_6, %while3A_11 : i32
    %while3A_13 = arith.constant 1 : i32
    scf.for %while3A_52 = %while3A_6 to %while3A_12 step %while3A_13  : i32 {
      %mul3A_53 = arith.muli %while3A_52, %while3A : i32
      %add3A_54 = arith.addi %arg1, %mul3A_53 : i32
      %mul3A_55 = arith.constant 4000 : i32
      %mul3A_56 = arith.muli %add3A_54, %mul3A_55 : i32
      "tpu.region"() ({
        %run_scoped3A = tpu.sem_alloc : memref<!tpu.dma_semaphore, #tpu.memory_space<semaphore_mem>>
        %dma_start3A = tpu.memref_slice %arg5[%mul3A_56] : memref<500000xf32, #tpu.memory_space<vmem_shared>> -> memref<4000xf32, #tpu.memory_space<vmem_shared>>
        %dma_start3A_57 = tpu.memref_slice %arg5[%mul3A_56] : memref<500000xf32, #tpu.memory_space<vmem_shared>> -> memref<4000xf32, #tpu.memory_space<vmem_shared>>
        tpu.enqueue_dma source(%arg9 : memref<4000xf32, #tpu.memory_space<vmem>>) target(%dma_start3A_57 : memref<4000xf32, #tpu.memory_space<vmem_shared>>) target_semaphore(%run_scoped3A : memref<!tpu.dma_semaphore, #tpu.memory_space<semaphore_mem>>)
        %dma_wait3A = tpu.memref_slice %arg5[%mul3A_56] : memref<500000xf32, #tpu.memory_space<vmem_shared>> -> memref<4000xf32, #tpu.memory_space<vmem_shared>>
        %dma_wait3A_58 = tpu.memref_slice %arg5[%mul3A_56] : memref<500000xf32, #tpu.memory_space<vmem_shared>> -> memref<4000xf32, #tpu.memory_space<vmem_shared>>
        tpu.wait_dma2 semaphore(%run_scoped3A : memref<!tpu.dma_semaphore, #tpu.memory_space<semaphore_mem>>) src(%arg9 : memref<4000xf32, #tpu.memory_space<vmem>>) dst(%dma_wait3A_58 : memref<4000xf32, #tpu.memory_space<vmem_shared>>)
        tpu.yield
      }) : () -> ()
    }
    %while3A_14 = arith.constant 1 : i32
    scf.for %while3A_52 = %while3A_12 to %while3A_8 step %while3A_14  : i32 {
      %mul3A_53 = arith.muli %while3A_52, %while3A : i32
      %add3A_54 = arith.addi %arg1, %mul3A_53 : i32
      %mul3A_55 = arith.constant 4000 : i32
      %mul3A_56 = arith.muli %add3A_54, %mul3A_55 : i32
      "tpu.region"() ({
        %run_scoped3A = tpu.sem_alloc : memref<!tpu.dma_semaphore, #tpu.memory_space<semaphore_mem>>
        %dma_start3A = tpu.memref_slice %arg5[%mul3A_56] : memref<500000xf32, #tpu.memory_space<vmem_shared>> -> memref<4000xf32, #tpu.memory_space<vmem_shared>>
        %dma_start3A_57 = tpu.memref_slice %arg5[%mul3A_56] : memref<500000xf32, #tpu.memory_space<vmem_shared>> -> memref<4000xf32, #tpu.memory_space<vmem_shared>>
        tpu.enqueue_dma source(%arg9 : memref<4000xf32, #tpu.memory_space<vmem>>) target(%dma_start3A_57 : memref<4000xf32, #tpu.memory_space<vmem_shared>>) target_semaphore(%run_scoped3A : memref<!tpu.dma_semaphore, #tpu.memory_space<semaphore_mem>>)
        %dma_wait3A = tpu.memref_slice %arg5[%mul3A_56] : memref<500000xf32, #tpu.memory_space<vmem_shared>> -> memref<4000xf32, #tpu.memory_space<vmem_shared>>
        %dma_wait3A_58 = tpu.memref_slice %arg5[%mul3A_56] : memref<500000xf32, #tpu.memory_space<vmem_shared>> -> memref<4000xf32, #tpu.memory_space<vmem_shared>>
        tpu.wait_dma2 semaphore(%run_scoped3A : memref<!tpu.dma_semaphore, #tpu.memory_space<semaphore_mem>>) src(%arg9 : memref<4000xf32, #tpu.memory_space<vmem>>) dst(%dma_wait3A_58 : memref<4000xf32, #tpu.memory_space<vmem_shared>>)
        tpu.yield
      }) : () -> ()
    }
    %barrier3A = arith.constant 0 : index
    tpu.barrier barrier_id(%barrier3A)
    %sub3A_15 = arith.constant 100 : i32
    %sub3A_16 = arith.subi %sub3A_15, %arg1 : i32
    %sub3A_17 = arith.constant 16 : i32
    %sub3A_18 = arith.constant 1 : i32
    %sub3A_19 = arith.subi %sub3A_17, %sub3A_18 : i32
    %add3A_20 = arith.addi %sub3A_16, %sub3A_19 : i32
    %div3A_21 = arith.constant 16 : i32
    %div3A_22 = arith.divsi %add3A_20, %div3A_21 : i32
    %while3A_23 = arith.constant 16 : i32
    %while3A_24 = arith.constant 0 : i32
    %while3A_25 = arith.subi %div3A_22, %while3A_24 : i32
    %while3A_26 = arith.addi %while3A_24, %while3A_25 : i32
    %while3A_27 = arith.constant 1 : i32
    %while3A_28 = arith.divsi %while3A_25, %while3A_27 : i32
    %while3A_29 = arith.muli %while3A_28, %while3A_27 : i32
    %while3A_30 = arith.addi %while3A_24, %while3A_29 : i32
    %while3A_31 = arith.constant 1 : i32
    scf.for %while3A_52 = %while3A_24 to %while3A_30 step %while3A_31  : i32 {
      %mul3A_53 = arith.muli %while3A_52, %while3A_23 : i32
      %add3A_54 = arith.addi %arg1, %mul3A_53 : i32
      %mul3A_55 = arith.constant 20000 : i32
      %mul3A_56 = arith.muli %add3A_54, %mul3A_55 : i32
      "tpu.region"() ({
        %run_scoped3A = tpu.sem_alloc : memref<!tpu.dma_semaphore, #tpu.memory_space<semaphore_mem>>
        %dma_start3A = tpu.memref_slice %arg2[%mul3A_56] : memref<2000000xi32, #tpu.memory_space<hbm>> -> memref<20000xi32, #tpu.memory_space<hbm>>
        %dma_start3A_61 = tpu.memref_slice %arg2[%mul3A_56] : memref<2000000xi32, #tpu.memory_space<hbm>> -> memref<20000xi32, #tpu.memory_space<hbm>>
        tpu.enqueue_dma source(%dma_start3A_61 : memref<20000xi32, #tpu.memory_space<hbm>>) target(%arg6 : memref<20000xi32, #tpu.memory_space<vmem>>) target_semaphore(%run_scoped3A : memref<!tpu.dma_semaphore, #tpu.memory_space<semaphore_mem>>)
        %dma_wait3A = tpu.memref_slice %arg2[%mul3A_56] : memref<2000000xi32, #tpu.memory_space<hbm>> -> memref<20000xi32, #tpu.memory_space<hbm>>
        %dma_wait3A_62 = tpu.memref_slice %arg2[%mul3A_56] : memref<2000000xi32, #tpu.memory_space<hbm>> -> memref<20000xi32, #tpu.memory_space<hbm>>
        tpu.wait_dma2 semaphore(%run_scoped3A : memref<!tpu.dma_semaphore, #tpu.memory_space<semaphore_mem>>) src(%dma_wait3A_62 : memref<20000xi32, #tpu.memory_space<hbm>>) dst(%arg6 : memref<20000xi32, #tpu.memory_space<vmem>>)
        tpu.yield
      }) : () -> ()
      %scan3A = arith.constant 0 : i32
      %scan3A_57 = arith.constant 1250 : i32
      %scan3A_58 = arith.addi %scan3A, %scan3A_57 : i32
      %scan3A_59 = arith.constant 1 : i32
      scf.for %scan3A_61 = %scan3A to %scan3A_58 step %scan3A_59  : i32 {
        %mul3A_62 = arith.constant 1 : i32
        %mul3A_63 = arith.muli %scan3A_61, %mul3A_62 : i32
        %add3A_64 = arith.constant 0 : i32
        %add3A_65 = arith.addi %add3A_64, %mul3A_63 : i32
        %mul3A_66 = arith.constant 16 : i32
        %mul3A_67 = arith.muli %add3A_65, %mul3A_66 : i32
        %get3A = arith.index_cast %mul3A_67 : i32 to index
        %get3A_68 = tpu.vector_load %arg6[%get3A] {strides = array<i32>} : memref<20000xi32, #tpu.memory_space<vmem>>, vector<16xi32>,
        %get3A_69 = vector.shape_cast %get3A_68 : vector<16xi32> to vector<16xi32>
        %sub3A_70 = vector.broadcast %mul3A_0 : i32 to vector<16xi32>
        %sub3A_71 = arith.subi %get3A_69, %sub3A_70 : vector<16xi32>
        %ge3A = arith.constant 0 : i32
        %ge3A_72 = vector.broadcast %ge3A : i32 to vector<16xi32>
        %ge3A_73 = arith.cmpi sge, %sub3A_71, %ge3A_72 : vector<16xi32>
        %lt3A = arith.constant 500000 : i32
        %lt3A_74 = vector.broadcast %lt3A : i32 to vector<16xi32>
        %lt3A_75 = arith.cmpi slt, %sub3A_71, %lt3A_74 : vector<16xi32>
        %and3A = arith.andi %ge3A_73, %lt3A_75 : vector<16xi1>
        %gt3A = arith.constant 0 : i32
        %gt3A_76 = vector.broadcast %gt3A : i32 to vector<16xi32>
        %gt3A_77 = arith.cmpi sgt, %sub3A_71, %gt3A_76 : vector<16xi32>
        %jit3A = arith.constant 0 : i32
        %broadcast_in_dim3A = vector.broadcast %jit3A : i32 to vector<16xi32>
        %select_n3A = arith.select %gt3A_77, %sub3A_71, %broadcast_in_dim3A : vector<16xi1>, vector<16xi32>
        %lt3A_78 = arith.constant 499999 : i32
        %lt3A_79 = vector.broadcast %lt3A_78 : i32 to vector<16xi32>
        %lt3A_80 = arith.cmpi slt, %select_n3A, %lt3A_79 : vector<16xi32>
        %jit3A_81 = arith.constant 499999 : i32
        %broadcast_in_dim3A_82 = vector.broadcast %jit3A_81 : i32 to vector<16xi32>
        %select_n3A_83 = arith.select %lt3A_80, %select_n3A, %broadcast_in_dim3A_82 : vector<16xi1>, vector<16xi32>
        %swap3A = arith.index_cast %mul3A_67 : i32 to index
        %swap3A_84 = tpu.vector_load %arg8[%swap3A] {strides = array<i32>} : memref<20000xi32, #tpu.memory_space<vmem>>, vector<16xi32>,
        %swap3A_85 = vector.shape_cast %swap3A_84 : vector<16xi32> to vector<16xi32>
        %swap3A_86 = vector.shape_cast %select_n3A_83 : vector<16xi32> to vector<16xi32>
        tpu.vector_store %arg8[%swap3A], %swap3A_86 {strides = array<i32>} : memref<20000xi32, #tpu.memory_space<vmem>>, vector<16xi32>,
        %jit3A_87 = arith.constant 1.000000e+00 : f32
        %jit3A_88 = arith.constant 0.000000e+00 : f32
        %broadcast_in_dim3A_89 = vector.broadcast %jit3A_87 : f32 to vector<16xf32>
        %broadcast_in_dim3A_90 = vector.broadcast %jit3A_88 : f32 to vector<16xf32>
        %select_n3A_91 = arith.select %and3A, %broadcast_in_dim3A_89, %broadcast_in_dim3A_90 : vector<16xi1>, vector<16xf32>
        %swap3A_92 = arith.index_cast %mul3A_67 : i32 to index
        %swap3A_93 = tpu.vector_load %arg7[%swap3A_92] {strides = array<i32>} : memref<20000xf32, #tpu.memory_space<vmem>>, vector<16xf32>,
        %swap3A_94 = vector.shape_cast %swap3A_93 : vector<16xf32> to vector<16xf32>
        %swap3A_95 = vector.shape_cast %select_n3A_91 : vector<16xf32> to vector<16xf32>
        tpu.vector_store %arg7[%swap3A_92], %swap3A_95 {strides = array<i32>} : memref<20000xf32, #tpu.memory_space<vmem>>, vector<16xf32>,
      }
      %scan3A_60 = arith.constant 1250 : i32
      "tpu.region"() ({
        %run_scoped3A = tpu.sem_alloc : memref<!tpu.dma_semaphore, #tpu.memory_space<semaphore_mem>>
        %dma_start3A = arith.constant 0 : i32
        %dma_start3A_61 = tpu.memref_slice %arg5[%dma_start3A] : memref<500000xf32, #tpu.memory_space<vmem_shared>> -> memref<500000xf32, #tpu.memory_space<vmem_shared>>
        tpu.enqueue_indirect_dma source(%arg7 : memref<20000xf32, #tpu.memory_space<vmem>>) target(%dma_start3A_61 : memref<500000xf32, #tpu.memory_space<vmem_shared>>) offsets(%arg8 : memref<20000xi32, #tpu.memory_space<vmem>>) semaphore(%run_scoped3A : memref<!tpu.dma_semaphore, #tpu.memory_space<semaphore_mem>>) {add = true}
        %dma_wait3A = arith.constant 0 : i32
        %dma_wait3A_62 = tpu.memref_slice %arg5[%dma_wait3A] : memref<500000xf32, #tpu.memory_space<vmem_shared>> -> memref<500000xf32, #tpu.memory_space<vmem_shared>>
        tpu.wait_indirect_dma semaphore(%run_scoped3A : memref<!tpu.dma_semaphore, #tpu.memory_space<semaphore_mem>>) src(%arg7 : memref<20000xf32, #tpu.memory_space<vmem>>) dst(%dma_wait3A_62 : memref<500000xf32, #tpu.memory_space<vmem_shared>>)
        tpu.yield
      }) : () -> ()
    }
    %while3A_32 = arith.constant 1 : i32
    scf.for %while3A_52 = %while3A_30 to %while3A_26 step %while3A_32  : i32 {
      %mul3A_53 = arith.muli %while3A_52, %while3A_23 : i32
      %add3A_54 = arith.addi %arg1, %mul3A_53 : i32
      %mul3A_55 = arith.constant 20000 : i32
      %mul3A_56 = arith.muli %add3A_54, %mul3A_55 : i32
      "tpu.region"() ({
        %run_scoped3A = tpu.sem_alloc : memref<!tpu.dma_semaphore, #tpu.memory_space<semaphore_mem>>
        %dma_start3A = tpu.memref_slice %arg2[%mul3A_56] : memref<2000000xi32, #tpu.memory_space<hbm>> -> memref<20000xi32, #tpu.memory_space<hbm>>
        %dma_start3A_61 = tpu.memref_slice %arg2[%mul3A_56] : memref<2000000xi32, #tpu.memory_space<hbm>> -> memref<20000xi32, #tpu.memory_space<hbm>>
        tpu.enqueue_dma source(%dma_start3A_61 : memref<20000xi32, #tpu.memory_space<hbm>>) target(%arg6 : memref<20000xi32, #tpu.memory_space<vmem>>) target_semaphore(%run_scoped3A : memref<!tpu.dma_semaphore, #tpu.memory_space<semaphore_mem>>)
        %dma_wait3A = tpu.memref_slice %arg2[%mul3A_56] : memref<2000000xi32, #tpu.memory_space<hbm>> -> memref<20000xi32, #tpu.memory_space<hbm>>
        %dma_wait3A_62 = tpu.memref_slice %arg2[%mul3A_56] : memref<2000000xi32, #tpu.memory_space<hbm>> -> memref<20000xi32, #tpu.memory_space<hbm>>
        tpu.wait_dma2 semaphore(%run_scoped3A : memref<!tpu.dma_semaphore, #tpu.memory_space<semaphore_mem>>) src(%dma_wait3A_62 : memref<20000xi32, #tpu.memory_space<hbm>>) dst(%arg6 : memref<20000xi32, #tpu.memory_space<vmem>>)
        tpu.yield
      }) : () -> ()
      %scan3A = arith.constant 0 : i32
      %scan3A_57 = arith.constant 1250 : i32
      %scan3A_58 = arith.addi %scan3A, %scan3A_57 : i32
      %scan3A_59 = arith.constant 1 : i32
      scf.for %scan3A_61 = %scan3A to %scan3A_58 step %scan3A_59  : i32 {
        %mul3A_62 = arith.constant 1 : i32
        %mul3A_63 = arith.muli %scan3A_61, %mul3A_62 : i32
        %add3A_64 = arith.constant 0 : i32
        %add3A_65 = arith.addi %add3A_64, %mul3A_63 : i32
        %mul3A_66 = arith.constant 16 : i32
        %mul3A_67 = arith.muli %add3A_65, %mul3A_66 : i32
        %get3A = arith.index_cast %mul3A_67 : i32 to index
        %get3A_68 = tpu.vector_load %arg6[%get3A] {strides = array<i32>} : memref<20000xi32, #tpu.memory_space<vmem>>, vector<16xi32>,
        %get3A_69 = vector.shape_cast %get3A_68 : vector<16xi32> to vector<16xi32>
        %sub3A_70 = vector.broadcast %mul3A_0 : i32 to vector<16xi32>
        %sub3A_71 = arith.subi %get3A_69, %sub3A_70 : vector<16xi32>
        %ge3A = arith.constant 0 : i32
        %ge3A_72 = vector.broadcast %ge3A : i32 to vector<16xi32>
        %ge3A_73 = arith.cmpi sge, %sub3A_71, %ge3A_72 : vector<16xi32>
        %lt3A = arith.constant 500000 : i32
        %lt3A_74 = vector.broadcast %lt3A : i32 to vector<16xi32>
        %lt3A_75 = arith.cmpi slt, %sub3A_71, %lt3A_74 : vector<16xi32>
        %and3A = arith.andi %ge3A_73, %lt3A_75 : vector<16xi1>
        %gt3A = arith.constant 0 : i32
        %gt3A_76 = vector.broadcast %gt3A : i32 to vector<16xi32>
        %gt3A_77 = arith.cmpi sgt, %sub3A_71, %gt3A_76 : vector<16xi32>
        %jit3A = arith.constant 0 : i32
        %broadcast_in_dim3A = vector.broadcast %jit3A : i32 to vector<16xi32>
        %select_n3A = arith.select %gt3A_77, %sub3A_71, %broadcast_in_dim3A : vector<16xi1>, vector<16xi32>
        %lt3A_78 = arith.constant 499999 : i32
        %lt3A_79 = vector.broadcast %lt3A_78 : i32 to vector<16xi32>
        %lt3A_80 = arith.cmpi slt, %select_n3A, %lt3A_79 : vector<16xi32>
        %jit3A_81 = arith.constant 499999 : i32
        %broadcast_in_dim3A_82 = vector.broadcast %jit3A_81 : i32 to vector<16xi32>
        %select_n3A_83 = arith.select %lt3A_80, %select_n3A, %broadcast_in_dim3A_82 : vector<16xi1>, vector<16xi32>
        %swap3A = arith.index_cast %mul3A_67 : i32 to index
        %swap3A_84 = tpu.vector_load %arg8[%swap3A] {strides = array<i32>} : memref<20000xi32, #tpu.memory_space<vmem>>, vector<16xi32>,
        %swap3A_85 = vector.shape_cast %swap3A_84 : vector<16xi32> to vector<16xi32>
        %swap3A_86 = vector.shape_cast %select_n3A_83 : vector<16xi32> to vector<16xi32>
        tpu.vector_store %arg8[%swap3A], %swap3A_86 {strides = array<i32>} : memref<20000xi32, #tpu.memory_space<vmem>>, vector<16xi32>,
        %jit3A_87 = arith.constant 1.000000e+00 : f32
        %jit3A_88 = arith.constant 0.000000e+00 : f32
        %broadcast_in_dim3A_89 = vector.broadcast %jit3A_87 : f32 to vector<16xf32>
        %broadcast_in_dim3A_90 = vector.broadcast %jit3A_88 : f32 to vector<16xf32>
        %select_n3A_91 = arith.select %and3A, %broadcast_in_dim3A_89, %broadcast_in_dim3A_90 : vector<16xi1>, vector<16xf32>
        %swap3A_92 = arith.index_cast %mul3A_67 : i32 to index
        %swap3A_93 = tpu.vector_load %arg7[%swap3A_92] {strides = array<i32>} : memref<20000xf32, #tpu.memory_space<vmem>>, vector<16xf32>,
        %swap3A_94 = vector.shape_cast %swap3A_93 : vector<16xf32> to vector<16xf32>
        %swap3A_95 = vector.shape_cast %select_n3A_91 : vector<16xf32> to vector<16xf32>
        tpu.vector_store %arg7[%swap3A_92], %swap3A_95 {strides = array<i32>} : memref<20000xf32, #tpu.memory_space<vmem>>, vector<16xf32>,
      }
      %scan3A_60 = arith.constant 1250 : i32
      "tpu.region"() ({
        %run_scoped3A = tpu.sem_alloc : memref<!tpu.dma_semaphore, #tpu.memory_space<semaphore_mem>>
        %dma_start3A = arith.constant 0 : i32
        %dma_start3A_61 = tpu.memref_slice %arg5[%dma_start3A] : memref<500000xf32, #tpu.memory_space<vmem_shared>> -> memref<500000xf32, #tpu.memory_space<vmem_shared>>
        tpu.enqueue_indirect_dma source(%arg7 : memref<20000xf32, #tpu.memory_space<vmem>>) target(%dma_start3A_61 : memref<500000xf32, #tpu.memory_space<vmem_shared>>) offsets(%arg8 : memref<20000xi32, #tpu.memory_space<vmem>>) semaphore(%run_scoped3A : memref<!tpu.dma_semaphore, #tpu.memory_space<semaphore_mem>>) {add = true}
        %dma_wait3A = arith.constant 0 : i32
        %dma_wait3A_62 = tpu.memref_slice %arg5[%dma_wait3A] : memref<500000xf32, #tpu.memory_space<vmem_shared>> -> memref<500000xf32, #tpu.memory_space<vmem_shared>>
        tpu.wait_indirect_dma semaphore(%run_scoped3A : memref<!tpu.dma_semaphore, #tpu.memory_space<semaphore_mem>>) src(%arg7 : memref<20000xf32, #tpu.memory_space<vmem>>) dst(%dma_wait3A_62 : memref<500000xf32, #tpu.memory_space<vmem_shared>>)
        tpu.yield
      }) : () -> ()
    }
    %barrier3A_33 = arith.constant 0 : index
    tpu.barrier barrier_id(%barrier3A_33)
    %sub3A_34 = arith.constant 125 : i32
    %sub3A_35 = arith.subi %sub3A_34, %arg1 : i32
    %sub3A_36 = arith.constant 16 : i32
    %sub3A_37 = arith.constant 1 : i32
    %sub3A_38 = arith.subi %sub3A_36, %sub3A_37 : i32
    %add3A_39 = arith.addi %sub3A_35, %sub3A_38 : i32
    %div3A_40 = arith.constant 16 : i32
    %div3A_41 = arith.divsi %add3A_39, %div3A_40 : i32
    %while3A_42 = arith.constant 16 : i32
    %while3A_43 = arith.constant 0 : i32
    %while3A_44 = arith.subi %div3A_41, %while3A_43 : i32
    %while3A_45 = arith.addi %while3A_43, %while3A_44 : i32
    %while3A_46 = arith.constant 1 : i32
    %while3A_47 = arith.divsi %while3A_44, %while3A_46 : i32
    %while3A_48 = arith.muli %while3A_47, %while3A_46 : i32
    %while3A_49 = arith.addi %while3A_43, %while3A_48 : i32
    %while3A_50 = arith.constant 1 : i32
    scf.for %while3A_52 = %while3A_43 to %while3A_49 step %while3A_50  : i32 {
      %mul3A_53 = arith.muli %while3A_52, %while3A_42 : i32
      %add3A_54 = arith.addi %arg1, %mul3A_53 : i32
      %mul3A_55 = arith.constant 4000 : i32
      %mul3A_56 = arith.muli %add3A_54, %mul3A_55 : i32
      "tpu.region"() ({
        %run_scoped3A = tpu.sem_alloc : memref<!tpu.dma_semaphore, #tpu.memory_space<semaphore_mem>>
        %dma_start3A = tpu.memref_slice %arg5[%mul3A_56] : memref<500000xf32, #tpu.memory_space<vmem_shared>> -> memref<4000xf32, #tpu.memory_space<vmem_shared>>
        %dma_start3A_60 = tpu.memref_slice %arg5[%mul3A_56] : memref<500000xf32, #tpu.memory_space<vmem_shared>> -> memref<4000xf32, #tpu.memory_space<vmem_shared>>
        tpu.enqueue_dma source(%dma_start3A_60 : memref<4000xf32, #tpu.memory_space<vmem_shared>>) target(%arg9 : memref<4000xf32, #tpu.memory_space<vmem>>) target_semaphore(%run_scoped3A : memref<!tpu.dma_semaphore, #tpu.memory_space<semaphore_mem>>)
        %dma_wait3A = tpu.memref_slice %arg5[%mul3A_56] : memref<500000xf32, #tpu.memory_space<vmem_shared>> -> memref<4000xf32, #tpu.memory_space<vmem_shared>>
        %dma_wait3A_61 = tpu.memref_slice %arg5[%mul3A_56] : memref<500000xf32, #tpu.memory_space<vmem_shared>> -> memref<4000xf32, #tpu.memory_space<vmem_shared>>
        tpu.wait_dma2 semaphore(%run_scoped3A : memref<!tpu.dma_semaphore, #tpu.memory_space<semaphore_mem>>) src(%dma_wait3A_61 : memref<4000xf32, #tpu.memory_space<vmem_shared>>) dst(%arg9 : memref<4000xf32, #tpu.memory_space<vmem>>)
        tpu.yield
      }) : () -> ()
      %mul3A_57 = arith.constant 4000 : i32
      %mul3A_58 = arith.muli %add3A_54, %mul3A_57 : i32
      %add3A_59 = arith.addi %mul3A_0, %mul3A_58 : i32
      "tpu.region"() ({
        %run_scoped3A = tpu.sem_alloc : memref<!tpu.dma_semaphore, #tpu.memory_space<semaphore_mem>>
        %dma_start3A = tpu.memref_slice %arg4[%add3A_59] : memref<1000000xf32, #tpu.memory_space<hbm>> -> memref<4000xf32, #tpu.memory_space<hbm>>
        %dma_start3A_60 = tpu.memref_slice %arg4[%add3A_59] : memref<1000000xf32, #tpu.memory_space<hbm>> -> memref<4000xf32, #tpu.memory_space<hbm>>
        tpu.enqueue_dma source(%arg9 : memref<4000xf32, #tpu.memory_space<vmem>>) target(%dma_start3A_60 : memref<4000xf32, #tpu.memory_space<hbm>>) target_semaphore(%run_scoped3A : memref<!tpu.dma_semaphore, #tpu.memory_space<semaphore_mem>>)
        %dma_wait3A = tpu.memref_slice %arg4[%add3A_59] : memref<1000000xf32, #tpu.memory_space<hbm>> -> memref<4000xf32, #tpu.memory_space<hbm>>
        %dma_wait3A_61 = tpu.memref_slice %arg4[%add3A_59] : memref<1000000xf32, #tpu.memory_space<hbm>> -> memref<4000xf32, #tpu.memory_space<hbm>>
        tpu.wait_dma2 semaphore(%run_scoped3A : memref<!tpu.dma_semaphore, #tpu.memory_space<semaphore_mem>>) src(%arg9 : memref<4000xf32, #tpu.memory_space<vmem>>) dst(%dma_wait3A_61 : memref<4000xf32, #tpu.memory_space<hbm>>)
        tpu.yield
      }) : () -> ()
    }
    %while3A_51 = arith.constant 1 : i32
    scf.for %while3A_52 = %while3A_49 to %while3A_45 step %while3A_51  : i32 {
      %mul3A_53 = arith.muli %while3A_52, %while3A_42 : i32
      %add3A_54 = arith.addi %arg1, %mul3A_53 : i32
      %mul3A_55 = arith.constant 4000 : i32
      %mul3A_56 = arith.muli %add3A_54, %mul3A_55 : i32
      "tpu.region"() ({
        %run_scoped3A = tpu.sem_alloc : memref<!tpu.dma_semaphore, #tpu.memory_space<semaphore_mem>>
        %dma_start3A = tpu.memref_slice %arg5[%mul3A_56] : memref<500000xf32, #tpu.memory_space<vmem_shared>> -> memref<4000xf32, #tpu.memory_space<vmem_shared>>
        %dma_start3A_60 = tpu.memref_slice %arg5[%mul3A_56] : memref<500000xf32, #tpu.memory_space<vmem_shared>> -> memref<4000xf32, #tpu.memory_space<vmem_shared>>
        tpu.enqueue_dma source(%dma_start3A_60 : memref<4000xf32, #tpu.memory_space<vmem_shared>>) target(%arg9 : memref<4000xf32, #tpu.memory_space<vmem>>) target_semaphore(%run_scoped3A : memref<!tpu.dma_semaphore, #tpu.memory_space<semaphore_mem>>)
        %dma_wait3A = tpu.memref_slice %arg5[%mul3A_56] : memref<500000xf32, #tpu.memory_space<vmem_shared>> -> memref<4000xf32, #tpu.memory_space<vmem_shared>>
        %dma_wait3A_61 = tpu.memref_slice %arg5[%mul3A_56] : memref<500000xf32, #tpu.memory_space<vmem_shared>> -> memref<4000xf32, #tpu.memory_space<vmem_shared>>
        tpu.wait_dma2 semaphore(%run_scoped3A : memref<!tpu.dma_semaphore, #tpu.memory_space<semaphore_mem>>) src(%dma_wait3A_61 : memref<4000xf32, #tpu.memory_space<vmem_shared>>) dst(%arg9 : memref<4000xf32, #tpu.memory_space<vmem>>)
        tpu.yield
      }) : () -> ()
      %mul3A_57 = arith.constant 4000 : i32
      %mul3A_58 = arith.muli %add3A_54, %mul3A_57 : i32
      %add3A_59 = arith.addi %mul3A_0, %mul3A_58 : i32
      "tpu.region"() ({
        %run_scoped3A = tpu.sem_alloc : memref<!tpu.dma_semaphore, #tpu.memory_space<semaphore_mem>>
        %dma_start3A = tpu.memref_slice %arg4[%add3A_59] : memref<1000000xf32, #tpu.memory_space<hbm>> -> memref<4000xf32, #tpu.memory_space<hbm>>
        %dma_start3A_60 = tpu.memref_slice %arg4[%add3A_59] : memref<1000000xf32, #tpu.memory_space<hbm>> -> memref<4000xf32, #tpu.memory_space<hbm>>
        tpu.enqueue_dma source(%arg9 : memref<4000xf32, #tpu.memory_space<vmem>>) target(%dma_start3A_60 : memref<4000xf32, #tpu.memory_space<hbm>>) target_semaphore(%run_scoped3A : memref<!tpu.dma_semaphore, #tpu.memory_space<semaphore_mem>>)
        %dma_wait3A = tpu.memref_slice %arg4[%add3A_59] : memref<1000000xf32, #tpu.memory_space<hbm>> -> memref<4000xf32, #tpu.memory_space<hbm>>
        %dma_wait3A_61 = tpu.memref_slice %arg4[%add3A_59] : memref<1000000xf32, #tpu.memory_space<hbm>> -> memref<4000xf32, #tpu.memory_space<hbm>>
        tpu.wait_dma2 semaphore(%run_scoped3A : memref<!tpu.dma_semaphore, #tpu.memory_space<semaphore_mem>>) src(%arg9 : memref<4000xf32, #tpu.memory_space<vmem>>) dst(%dma_wait3A_61 : memref<4000xf32, #tpu.memory_space<hbm>>)
        tpu.yield
      }) : () -> ()
    }
    return
  }
}

#map = affine_map<(d0, d1) -> (0)>
module attributes {stable_mosaic.version = 14 : i64} {
  func.func @_gather_body(%arg0: i32, %arg1: i32, %arg2: memref<12000000xf32, #tpu.memory_space<hbm>>, %arg3: memref<1000000xf32, #tpu.memory_space<hbm>>, %arg4: memref<500000xi32, #tpu.memory_space<hbm>>, %arg5: memref<96xf32, #tpu.memory_space<hbm>>, %arg6: memref<2000000xf32, #tpu.memory_space<hbm>>, %arg7: memref<2000000xf32, #tpu.memory_space<hbm>>, %arg8: memref<2000000xf32, #tpu.memory_space<hbm>>, %arg9: memref<800xi32, #tpu.memory_space<vmem>>, %arg10: memref<800xi32, #tpu.memory_space<vmem>>, %arg11: memref<800xf32, #tpu.memory_space<vmem>>, %arg12: memref<800xf32, #tpu.memory_space<vmem>>, %arg13: memref<800xf32, #tpu.memory_space<vmem>>, %arg14: memref<96xf32, #tpu.memory_space<vmem>>, %arg15: memref<!tpu.dma_semaphore, #tpu.memory_space<semaphore_mem>>) attributes {dimension_semantics = [#tpu.dimension_semantics<core_parallel>, #tpu.dimension_semantics<subcore_parallel>], iteration_bounds = array<i64: 2, 16>, scalar_prefetch = 0 : i64, scratch_operands = 7 : i64, tpu.core_type = #tpu.core_type<sc_vector_subcore>, window_params = [{transform_indices = #map}, {transform_indices = #map}, {transform_indices = #map}, {transform_indices = #map}, {transform_indices = #map}, {transform_indices = #map}, {transform_indices = #map}]} {
    %mul3A = arith.constant 2 : i32
    %mul3A_0 = arith.muli %arg1, %mul3A : i32
    %add3A = arith.addi %mul3A_0, %arg0 : i32
    "tpu.region"() ({
      %run_scoped3A = tpu.sem_alloc : memref<!tpu.dma_semaphore, #tpu.memory_space<semaphore_mem>>
      tpu.enqueue_dma source(%arg5 : memref<96xf32, #tpu.memory_space<hbm>>) target(%arg14 : memref<96xf32, #tpu.memory_space<vmem>>) target_semaphore(%run_scoped3A : memref<!tpu.dma_semaphore, #tpu.memory_space<semaphore_mem>>)
      tpu.wait_dma2 semaphore(%run_scoped3A : memref<!tpu.dma_semaphore, #tpu.memory_space<semaphore_mem>>) src(%arg5 : memref<96xf32, #tpu.memory_space<hbm>>) dst(%arg14 : memref<96xf32, #tpu.memory_space<vmem>>)
      tpu.yield
    }) : () -> ()
    %get3A = arith.constant 0 : index
    %get3A_1 = tpu.vector_load %arg14[%get3A] {strides = array<i32>} : memref<96xf32, #tpu.memory_space<vmem>>, vector<16xf32>,
    %get3A_2 = vector.shape_cast %get3A_1 : vector<16xf32> to vector<16xf32>
    %get3A_3 = arith.constant 16 : index
    %get3A_4 = tpu.vector_load %arg14[%get3A_3] {strides = array<i32>} : memref<96xf32, #tpu.memory_space<vmem>>, vector<16xf32>,
    %get3A_5 = vector.shape_cast %get3A_4 : vector<16xf32> to vector<16xf32>
    %get3A_6 = arith.constant 32 : index
    %get3A_7 = tpu.vector_load %arg14[%get3A_6] {strides = array<i32>} : memref<96xf32, #tpu.memory_space<vmem>>, vector<16xf32>,
    %get3A_8 = vector.shape_cast %get3A_7 : vector<16xf32> to vector<16xf32>
    %get3A_9 = arith.constant 48 : index
    %get3A_10 = tpu.vector_load %arg14[%get3A_9] {strides = array<i32>} : memref<96xf32, #tpu.memory_space<vmem>>, vector<16xf32>,
    %get3A_11 = vector.shape_cast %get3A_10 : vector<16xf32> to vector<16xf32>
    %get3A_12 = arith.constant 64 : index
    %get3A_13 = tpu.vector_load %arg14[%get3A_12] {strides = array<i32>} : memref<96xf32, #tpu.memory_space<vmem>>, vector<16xf32>,
    %get3A_14 = vector.shape_cast %get3A_13 : vector<16xf32> to vector<16xf32>
    %get3A_15 = arith.constant 80 : index
    %get3A_16 = tpu.vector_load %arg14[%get3A_15] {strides = array<i32>} : memref<96xf32, #tpu.memory_space<vmem>>, vector<16xf32>,
    %get3A_17 = vector.shape_cast %get3A_16 : vector<16xf32> to vector<16xf32>
    %sub3A = arith.constant 625 : i32
    %sub3A_18 = arith.subi %sub3A, %add3A : i32
    %sub3A_19 = arith.constant 32 : i32
    %sub3A_20 = arith.constant 1 : i32
    %sub3A_21 = arith.subi %sub3A_19, %sub3A_20 : i32
    %add3A_22 = arith.addi %sub3A_18, %sub3A_21 : i32
    %div3A = arith.constant 32 : i32
    %div3A_23 = arith.divsi %add3A_22, %div3A : i32
    %while3A = arith.constant 32 : i32
    %while3A_24 = arith.constant 0 : i32
    %while3A_25 = arith.subi %div3A_23, %while3A_24 : i32
    %while3A_26 = arith.addi %while3A_24, %while3A_25 : i32
    %while3A_27 = arith.constant 1 : i32
    %while3A_28 = arith.divsi %while3A_25, %while3A_27 : i32
    %while3A_29 = arith.muli %while3A_28, %while3A_27 : i32
    %while3A_30 = arith.addi %while3A_24, %while3A_29 : i32
    %while3A_31 = arith.constant 1 : i32
    scf.for %while3A_33 = %while3A_24 to %while3A_30 step %while3A_31  : i32 {
      %mul3A_34 = arith.muli %while3A_33, %while3A : i32
      %add3A_35 = arith.addi %add3A, %mul3A_34 : i32
      %mul3A_36 = arith.constant 800 : i32
      %mul3A_37 = arith.muli %add3A_35, %mul3A_36 : i32
      "tpu.region"() ({
        %run_scoped3A = tpu.sem_alloc : memref<!tpu.dma_semaphore, #tpu.memory_space<semaphore_mem>>
        %dma_start3A_236 = tpu.memref_slice %arg4[%mul3A_37] : memref<500000xi32, #tpu.memory_space<hbm>> -> memref<800xi32, #tpu.memory_space<hbm>>
        %dma_start3A_237 = tpu.memref_slice %arg4[%mul3A_37] : memref<500000xi32, #tpu.memory_space<hbm>> -> memref<800xi32, #tpu.memory_space<hbm>>
        tpu.enqueue_dma source(%dma_start3A_237 : memref<800xi32, #tpu.memory_space<hbm>>) target(%arg9 : memref<800xi32, #tpu.memory_space<vmem>>) target_semaphore(%run_scoped3A : memref<!tpu.dma_semaphore, #tpu.memory_space<semaphore_mem>>)
        %dma_wait3A_238 = tpu.memref_slice %arg4[%mul3A_37] : memref<500000xi32, #tpu.memory_space<hbm>> -> memref<800xi32, #tpu.memory_space<hbm>>
        %dma_wait3A_239 = tpu.memref_slice %arg4[%mul3A_37] : memref<500000xi32, #tpu.memory_space<hbm>> -> memref<800xi32, #tpu.memory_space<hbm>>
        tpu.wait_dma2 semaphore(%run_scoped3A : memref<!tpu.dma_semaphore, #tpu.memory_space<semaphore_mem>>) src(%dma_wait3A_239 : memref<800xi32, #tpu.memory_space<hbm>>) dst(%arg9 : memref<800xi32, #tpu.memory_space<vmem>>)
        tpu.yield
      }) : () -> ()
      %dma_start3A = arith.constant 0 : i32
      %dma_start3A_38 = tpu.memref_slice %arg3[%dma_start3A] : memref<1000000xf32, #tpu.memory_space<hbm>> -> memref<1000000xf32, #tpu.memory_space<hbm>>
      tpu.enqueue_indirect_dma source(%dma_start3A_38 : memref<1000000xf32, #tpu.memory_space<hbm>>) target(%arg11 : memref<800xf32, #tpu.memory_space<vmem>>) offsets(%arg9 : memref<800xi32, #tpu.memory_space<vmem>>) semaphore(%arg15 : memref<!tpu.dma_semaphore, #tpu.memory_space<semaphore_mem>>)
      %dma_wait3A = arith.constant 0 : i32
      %dma_wait3A_39 = tpu.memref_slice %arg3[%dma_wait3A] : memref<1000000xf32, #tpu.memory_space<hbm>> -> memref<1000000xf32, #tpu.memory_space<hbm>>
      tpu.wait_indirect_dma semaphore(%arg15 : memref<!tpu.dma_semaphore, #tpu.memory_space<semaphore_mem>>) src(%dma_wait3A_39 : memref<1000000xf32, #tpu.memory_space<hbm>>) dst(%arg11 : memref<800xf32, #tpu.memory_space<vmem>>)
      %scan3A = arith.constant 0 : i32
      %scan3A_40 = arith.constant 50 : i32
      %scan3A_41 = arith.addi %scan3A, %scan3A_40 : i32
      %scan3A_42 = arith.constant 1 : i32
      scf.for %scan3A_236 = %scan3A to %scan3A_41 step %scan3A_42  : i32 {
        %mul3A_237 = arith.constant 1 : i32
        %mul3A_238 = arith.muli %scan3A_236, %mul3A_237 : i32
        %add3A_239 = arith.constant 0 : i32
        %add3A_240 = arith.addi %add3A_239, %mul3A_238 : i32
        %mul3A_241 = arith.constant 16 : i32
        %mul3A_242 = arith.muli %add3A_240, %mul3A_241 : i32
        %get3A_243 = arith.index_cast %mul3A_242 : i32 to index
        %get3A_244 = tpu.vector_load %arg11[%get3A_243] {strides = array<i32>} : memref<800xf32, #tpu.memory_space<vmem>>, vector<16xf32>,
        %get3A_245 = vector.shape_cast %get3A_244 : vector<16xf32> to vector<16xf32>
        %max3A = arith.constant 1.000000e+00 : f32
        %max3A_246 = vector.broadcast %max3A : f32 to vector<16xf32>
        %max3A_247 = arith.maximumf %get3A_245, %max3A_246 : vector<16xf32>
        %div3A_248 = arith.constant 1.000000e+00 : f32
        %div3A_249 = vector.broadcast %div3A_248 : f32 to vector<16xf32>
        %div3A_250 = arith.divf %div3A_249, %max3A_247 : vector<16xf32>
        %swap3A = arith.index_cast %mul3A_242 : i32 to index
        %swap3A_251 = tpu.vector_load %arg12[%swap3A] {strides = array<i32>} : memref<800xf32, #tpu.memory_space<vmem>>, vector<16xf32>,
        %swap3A_252 = vector.shape_cast %swap3A_251 : vector<16xf32> to vector<16xf32>
        %swap3A_253 = vector.shape_cast %div3A_250 : vector<16xf32> to vector<16xf32>
        tpu.vector_store %arg12[%swap3A], %swap3A_253 {strides = array<i32>} : memref<800xf32, #tpu.memory_space<vmem>>, vector<16xf32>,
      }
      %scan3A_43 = arith.constant 50 : i32
      %scan3A_44 = arith.constant 0 : i32
      %scan3A_45 = arith.constant 50 : i32
      %scan3A_46 = arith.addi %scan3A_44, %scan3A_45 : i32
      %scan3A_47 = arith.constant 1 : i32
      scf.for %scan3A_236 = %scan3A_44 to %scan3A_46 step %scan3A_47  : i32 {
        %mul3A_237 = arith.constant 1 : i32
        %mul3A_238 = arith.muli %scan3A_236, %mul3A_237 : i32
        %add3A_239 = arith.constant 0 : i32
        %add3A_240 = arith.addi %add3A_239, %mul3A_238 : i32
        %mul3A_241 = arith.constant 16 : i32
        %mul3A_242 = arith.muli %add3A_240, %mul3A_241 : i32
        %get3A_243 = arith.index_cast %mul3A_242 : i32 to index
        %get3A_244 = tpu.vector_load %arg9[%get3A_243] {strides = array<i32>} : memref<800xi32, #tpu.memory_space<vmem>>, vector<16xi32>,
        %get3A_245 = vector.shape_cast %get3A_244 : vector<16xi32> to vector<16xi32>
        %add3A_246 = arith.constant 0 : i32
        %add3A_247 = vector.broadcast %add3A_246 : i32 to vector<16xi32>
        %add3A_248 = arith.addi %get3A_245, %add3A_247 : vector<16xi32>
        %swap3A = arith.index_cast %mul3A_242 : i32 to index
        %swap3A_249 = tpu.vector_load %arg10[%swap3A] {strides = array<i32>} : memref<800xi32, #tpu.memory_space<vmem>>, vector<16xi32>,
        %swap3A_250 = vector.shape_cast %swap3A_249 : vector<16xi32> to vector<16xi32>
        %swap3A_251 = vector.shape_cast %add3A_248 : vector<16xi32> to vector<16xi32>
        tpu.vector_store %arg10[%swap3A], %swap3A_251 {strides = array<i32>} : memref<800xi32, #tpu.memory_space<vmem>>, vector<16xi32>,
      }
      %scan3A_48 = arith.constant 50 : i32
      %dma_start3A_49 = arith.constant 0 : i32
      %dma_start3A_50 = tpu.memref_slice %arg2[%dma_start3A_49] : memref<12000000xf32, #tpu.memory_space<hbm>> -> memref<12000000xf32, #tpu.memory_space<hbm>>
      tpu.enqueue_indirect_dma source(%dma_start3A_50 : memref<12000000xf32, #tpu.memory_space<hbm>>) target(%arg11 : memref<800xf32, #tpu.memory_space<vmem>>) offsets(%arg10 : memref<800xi32, #tpu.memory_space<vmem>>) semaphore(%arg15 : memref<!tpu.dma_semaphore, #tpu.memory_space<semaphore_mem>>)
      %dma_wait3A_51 = arith.constant 0 : i32
      %dma_wait3A_52 = tpu.memref_slice %arg2[%dma_wait3A_51] : memref<12000000xf32, #tpu.memory_space<hbm>> -> memref<12000000xf32, #tpu.memory_space<hbm>>
      tpu.wait_indirect_dma semaphore(%arg15 : memref<!tpu.dma_semaphore, #tpu.memory_space<semaphore_mem>>) src(%dma_wait3A_52 : memref<12000000xf32, #tpu.memory_space<hbm>>) dst(%arg11 : memref<800xf32, #tpu.memory_space<vmem>>)
      %scan3A_53 = arith.constant 0 : i32
      %scan3A_54 = arith.constant 50 : i32
      %scan3A_55 = arith.addi %scan3A_53, %scan3A_54 : i32
      %scan3A_56 = arith.constant 1 : i32
      scf.for %scan3A_236 = %scan3A_53 to %scan3A_55 step %scan3A_56  : i32 {
        %mul3A_237 = arith.constant 1 : i32
        %mul3A_238 = arith.muli %scan3A_236, %mul3A_237 : i32
        %add3A_239 = arith.constant 0 : i32
        %add3A_240 = arith.addi %add3A_239, %mul3A_238 : i32
        %mul3A_241 = arith.constant 16 : i32
        %mul3A_242 = arith.muli %add3A_240, %mul3A_241 : i32
        %get3A_243 = arith.index_cast %mul3A_242 : i32 to index
        %get3A_244 = tpu.vector_load %arg11[%get3A_243] {strides = array<i32>} : memref<800xf32, #tpu.memory_space<vmem>>, vector<16xf32>,
        %get3A_245 = vector.shape_cast %get3A_244 : vector<16xf32> to vector<16xf32>
        %get3A_246 = arith.index_cast %mul3A_242 : i32 to index
        %get3A_247 = tpu.vector_load %arg12[%get3A_246] {strides = array<i32>} : memref<800xf32, #tpu.memory_space<vmem>>, vector<16xf32>,
        %get3A_248 = vector.shape_cast %get3A_247 : vector<16xf32> to vector<16xf32>
        %mul3A_249 = arith.mulf %get3A_245, %get3A_248 : vector<16xf32>
        %mul3A_250 = arith.mulf %mul3A_249, %get3A_2 : vector<16xf32>
        %add3A_251 = arith.addf %mul3A_250, %get3A_5 : vector<16xf32>
        %swap3A = arith.index_cast %mul3A_242 : i32 to index
        %swap3A_252 = tpu.vector_load %arg13[%swap3A] {strides = array<i32>} : memref<800xf32, #tpu.memory_space<vmem>>, vector<16xf32>,
        %swap3A_253 = vector.shape_cast %swap3A_252 : vector<16xf32> to vector<16xf32>
        %swap3A_254 = vector.shape_cast %add3A_251 : vector<16xf32> to vector<16xf32>
        tpu.vector_store %arg13[%swap3A], %swap3A_254 {strides = array<i32>} : memref<800xf32, #tpu.memory_space<vmem>>, vector<16xf32>,
      }
      %scan3A_57 = arith.constant 50 : i32
      %add3A_58 = arith.constant 0 : i32
      %add3A_59 = arith.addi %add3A_58, %mul3A_37 : i32
      "tpu.region"() ({
        %run_scoped3A = tpu.sem_alloc : memref<!tpu.dma_semaphore, #tpu.memory_space<semaphore_mem>>
        %dma_start3A_236 = tpu.memref_slice %arg6[%add3A_59] : memref<2000000xf32, #tpu.memory_space<hbm>> -> memref<800xf32, #tpu.memory_space<hbm>>
        %dma_start3A_237 = tpu.memref_slice %arg6[%add3A_59] : memref<2000000xf32, #tpu.memory_space<hbm>> -> memref<800xf32, #tpu.memory_space<hbm>>
        tpu.enqueue_dma source(%arg13 : memref<800xf32, #tpu.memory_space<vmem>>) target(%dma_start3A_237 : memref<800xf32, #tpu.memory_space<hbm>>) target_semaphore(%run_scoped3A : memref<!tpu.dma_semaphore, #tpu.memory_space<semaphore_mem>>)
        %dma_wait3A_238 = tpu.memref_slice %arg6[%add3A_59] : memref<2000000xf32, #tpu.memory_space<hbm>> -> memref<800xf32, #tpu.memory_space<hbm>>
        %dma_wait3A_239 = tpu.memref_slice %arg6[%add3A_59] : memref<2000000xf32, #tpu.memory_space<hbm>> -> memref<800xf32, #tpu.memory_space<hbm>>
        tpu.wait_dma2 semaphore(%run_scoped3A : memref<!tpu.dma_semaphore, #tpu.memory_space<semaphore_mem>>) src(%arg13 : memref<800xf32, #tpu.memory_space<vmem>>) dst(%dma_wait3A_239 : memref<800xf32, #tpu.memory_space<hbm>>)
        tpu.yield
      }) : () -> ()
      %scan3A_60 = arith.constant 0 : i32
      %scan3A_61 = arith.constant 50 : i32
      %scan3A_62 = arith.addi %scan3A_60, %scan3A_61 : i32
      %scan3A_63 = arith.constant 1 : i32
      scf.for %scan3A_236 = %scan3A_60 to %scan3A_62 step %scan3A_63  : i32 {
        %mul3A_237 = arith.constant 1 : i32
        %mul3A_238 = arith.muli %scan3A_236, %mul3A_237 : i32
        %add3A_239 = arith.constant 0 : i32
        %add3A_240 = arith.addi %add3A_239, %mul3A_238 : i32
        %mul3A_241 = arith.constant 16 : i32
        %mul3A_242 = arith.muli %add3A_240, %mul3A_241 : i32
        %get3A_243 = arith.index_cast %mul3A_242 : i32 to index
        %get3A_244 = tpu.vector_load %arg9[%get3A_243] {strides = array<i32>} : memref<800xi32, #tpu.memory_space<vmem>>, vector<16xi32>,
        %get3A_245 = vector.shape_cast %get3A_244 : vector<16xi32> to vector<16xi32>
        %add3A_246 = arith.constant 1000000 : i32
        %add3A_247 = vector.broadcast %add3A_246 : i32 to vector<16xi32>
        %add3A_248 = arith.addi %get3A_245, %add3A_247 : vector<16xi32>
        %swap3A = arith.index_cast %mul3A_242 : i32 to index
        %swap3A_249 = tpu.vector_load %arg10[%swap3A] {strides = array<i32>} : memref<800xi32, #tpu.memory_space<vmem>>, vector<16xi32>,
        %swap3A_250 = vector.shape_cast %swap3A_249 : vector<16xi32> to vector<16xi32>
        %swap3A_251 = vector.shape_cast %add3A_248 : vector<16xi32> to vector<16xi32>
        tpu.vector_store %arg10[%swap3A], %swap3A_251 {strides = array<i32>} : memref<800xi32, #tpu.memory_space<vmem>>, vector<16xi32>,
      }
      %scan3A_64 = arith.constant 50 : i32
      %dma_start3A_65 = arith.constant 0 : i32
      %dma_start3A_66 = tpu.memref_slice %arg2[%dma_start3A_65] : memref<12000000xf32, #tpu.memory_space<hbm>> -> memref<12000000xf32, #tpu.memory_space<hbm>>
      tpu.enqueue_indirect_dma source(%dma_start3A_66 : memref<12000000xf32, #tpu.memory_space<hbm>>) target(%arg11 : memref<800xf32, #tpu.memory_space<vmem>>) offsets(%arg10 : memref<800xi32, #tpu.memory_space<vmem>>) semaphore(%arg15 : memref<!tpu.dma_semaphore, #tpu.memory_space<semaphore_mem>>)
      %dma_wait3A_67 = arith.constant 0 : i32
      %dma_wait3A_68 = tpu.memref_slice %arg2[%dma_wait3A_67] : memref<12000000xf32, #tpu.memory_space<hbm>> -> memref<12000000xf32, #tpu.memory_space<hbm>>
      tpu.wait_indirect_dma semaphore(%arg15 : memref<!tpu.dma_semaphore, #tpu.memory_space<semaphore_mem>>) src(%dma_wait3A_68 : memref<12000000xf32, #tpu.memory_space<hbm>>) dst(%arg11 : memref<800xf32, #tpu.memory_space<vmem>>)
      %scan3A_69 = arith.constant 0 : i32
      %scan3A_70 = arith.constant 50 : i32
      %scan3A_71 = arith.addi %scan3A_69, %scan3A_70 : i32
      %scan3A_72 = arith.constant 1 : i32
      scf.for %scan3A_236 = %scan3A_69 to %scan3A_71 step %scan3A_72  : i32 {
        %mul3A_237 = arith.constant 1 : i32
        %mul3A_238 = arith.muli %scan3A_236, %mul3A_237 : i32
        %add3A_239 = arith.constant 0 : i32
        %add3A_240 = arith.addi %add3A_239, %mul3A_238 : i32
        %mul3A_241 = arith.constant 16 : i32
        %mul3A_242 = arith.muli %add3A_240, %mul3A_241 : i32
        %get3A_243 = arith.index_cast %mul3A_242 : i32 to index
        %get3A_244 = tpu.vector_load %arg11[%get3A_243] {strides = array<i32>} : memref<800xf32, #tpu.memory_space<vmem>>, vector<16xf32>,
        %get3A_245 = vector.shape_cast %get3A_244 : vector<16xf32> to vector<16xf32>
        %get3A_246 = arith.index_cast %mul3A_242 : i32 to index
        %get3A_247 = tpu.vector_load %arg12[%get3A_246] {strides = array<i32>} : memref<800xf32, #tpu.memory_space<vmem>>, vector<16xf32>,
        %get3A_248 = vector.shape_cast %get3A_247 : vector<16xf32> to vector<16xf32>
        %mul3A_249 = arith.mulf %get3A_245, %get3A_248 : vector<16xf32>
        %mul3A_250 = arith.mulf %mul3A_249, %get3A_8 : vector<16xf32>
        %add3A_251 = arith.addf %mul3A_250, %get3A_11 : vector<16xf32>
        %swap3A = arith.index_cast %mul3A_242 : i32 to index
        %swap3A_252 = tpu.vector_load %arg13[%swap3A] {strides = array<i32>} : memref<800xf32, #tpu.memory_space<vmem>>, vector<16xf32>,
        %swap3A_253 = vector.shape_cast %swap3A_252 : vector<16xf32> to vector<16xf32>
        %swap3A_254 = vector.shape_cast %add3A_251 : vector<16xf32> to vector<16xf32>
        tpu.vector_store %arg13[%swap3A], %swap3A_254 {strides = array<i32>} : memref<800xf32, #tpu.memory_space<vmem>>, vector<16xf32>,
      }
      %scan3A_73 = arith.constant 50 : i32
      %add3A_74 = arith.constant 0 : i32
      %add3A_75 = arith.addi %add3A_74, %mul3A_37 : i32
      "tpu.region"() ({
        %run_scoped3A = tpu.sem_alloc : memref<!tpu.dma_semaphore, #tpu.memory_space<semaphore_mem>>
        %dma_start3A_236 = tpu.memref_slice %arg7[%add3A_75] : memref<2000000xf32, #tpu.memory_space<hbm>> -> memref<800xf32, #tpu.memory_space<hbm>>
        %dma_start3A_237 = tpu.memref_slice %arg7[%add3A_75] : memref<2000000xf32, #tpu.memory_space<hbm>> -> memref<800xf32, #tpu.memory_space<hbm>>
        tpu.enqueue_dma source(%arg13 : memref<800xf32, #tpu.memory_space<vmem>>) target(%dma_start3A_237 : memref<800xf32, #tpu.memory_space<hbm>>) target_semaphore(%run_scoped3A : memref<!tpu.dma_semaphore, #tpu.memory_space<semaphore_mem>>)
        %dma_wait3A_238 = tpu.memref_slice %arg7[%add3A_75] : memref<2000000xf32, #tpu.memory_space<hbm>> -> memref<800xf32, #tpu.memory_space<hbm>>
        %dma_wait3A_239 = tpu.memref_slice %arg7[%add3A_75] : memref<2000000xf32, #tpu.memory_space<hbm>> -> memref<800xf32, #tpu.memory_space<hbm>>
        tpu.wait_dma2 semaphore(%run_scoped3A : memref<!tpu.dma_semaphore, #tpu.memory_space<semaphore_mem>>) src(%arg13 : memref<800xf32, #tpu.memory_space<vmem>>) dst(%dma_wait3A_239 : memref<800xf32, #tpu.memory_space<hbm>>)
        tpu.yield
      }) : () -> ()
      %scan3A_76 = arith.constant 0 : i32
      %scan3A_77 = arith.constant 50 : i32
      %scan3A_78 = arith.addi %scan3A_76, %scan3A_77 : i32
      %scan3A_79 = arith.constant 1 : i32
      scf.for %scan3A_236 = %scan3A_76 to %scan3A_78 step %scan3A_79  : i32 {
        %mul3A_237 = arith.constant 1 : i32
        %mul3A_238 = arith.muli %scan3A_236, %mul3A_237 : i32
        %add3A_239 = arith.constant 0 : i32
        %add3A_240 = arith.addi %add3A_239, %mul3A_238 : i32
        %mul3A_241 = arith.constant 16 : i32
        %mul3A_242 = arith.muli %add3A_240, %mul3A_241 : i32
        %get3A_243 = arith.index_cast %mul3A_242 : i32 to index
        %get3A_244 = tpu.vector_load %arg9[%get3A_243] {strides = array<i32>} : memref<800xi32, #tpu.memory_space<vmem>>, vector<16xi32>,
        %get3A_245 = vector.shape_cast %get3A_244 : vector<16xi32> to vector<16xi32>
        %add3A_246 = arith.constant 2000000 : i32
        %add3A_247 = vector.broadcast %add3A_246 : i32 to vector<16xi32>
        %add3A_248 = arith.addi %get3A_245, %add3A_247 : vector<16xi32>
        %swap3A = arith.index_cast %mul3A_242 : i32 to index
        %swap3A_249 = tpu.vector_load %arg10[%swap3A] {strides = array<i32>} : memref<800xi32, #tpu.memory_space<vmem>>, vector<16xi32>,
        %swap3A_250 = vector.shape_cast %swap3A_249 : vector<16xi32> to vector<16xi32>
        %swap3A_251 = vector.shape_cast %add3A_248 : vector<16xi32> to vector<16xi32>
        tpu.vector_store %arg10[%swap3A], %swap3A_251 {strides = array<i32>} : memref<800xi32, #tpu.memory_space<vmem>>, vector<16xi32>,
      }
      %scan3A_80 = arith.constant 50 : i32
      %dma_start3A_81 = arith.constant 0 : i32
      %dma_start3A_82 = tpu.memref_slice %arg2[%dma_start3A_81] : memref<12000000xf32, #tpu.memory_space<hbm>> -> memref<12000000xf32, #tpu.memory_space<hbm>>
      tpu.enqueue_indirect_dma source(%dma_start3A_82 : memref<12000000xf32, #tpu.memory_space<hbm>>) target(%arg11 : memref<800xf32, #tpu.memory_space<vmem>>) offsets(%arg10 : memref<800xi32, #tpu.memory_space<vmem>>) semaphore(%arg15 : memref<!tpu.dma_semaphore, #tpu.memory_space<semaphore_mem>>)
      %dma_wait3A_83 = arith.constant 0 : i32
      %dma_wait3A_84 = tpu.memref_slice %arg2[%dma_wait3A_83] : memref<12000000xf32, #tpu.memory_space<hbm>> -> memref<12000000xf32, #tpu.memory_space<hbm>>
      tpu.wait_indirect_dma semaphore(%arg15 : memref<!tpu.dma_semaphore, #tpu.memory_space<semaphore_mem>>) src(%dma_wait3A_84 : memref<12000000xf32, #tpu.memory_space<hbm>>) dst(%arg11 : memref<800xf32, #tpu.memory_space<vmem>>)
      %scan3A_85 = arith.constant 0 : i32
      %scan3A_86 = arith.constant 50 : i32
      %scan3A_87 = arith.addi %scan3A_85, %scan3A_86 : i32
      %scan3A_88 = arith.constant 1 : i32
      scf.for %scan3A_236 = %scan3A_85 to %scan3A_87 step %scan3A_88  : i32 {
        %mul3A_237 = arith.constant 1 : i32
        %mul3A_238 = arith.muli %scan3A_236, %mul3A_237 : i32
        %add3A_239 = arith.constant 0 : i32
        %add3A_240 = arith.addi %add3A_239, %mul3A_238 : i32
        %mul3A_241 = arith.constant 16 : i32
        %mul3A_242 = arith.muli %add3A_240, %mul3A_241 : i32
        %get3A_243 = arith.index_cast %mul3A_242 : i32 to index
        %get3A_244 = tpu.vector_load %arg11[%get3A_243] {strides = array<i32>} : memref<800xf32, #tpu.memory_space<vmem>>, vector<16xf32>,
        %get3A_245 = vector.shape_cast %get3A_244 : vector<16xf32> to vector<16xf32>
        %get3A_246 = arith.index_cast %mul3A_242 : i32 to index
        %get3A_247 = tpu.vector_load %arg12[%get3A_246] {strides = array<i32>} : memref<800xf32, #tpu.memory_space<vmem>>, vector<16xf32>,
        %get3A_248 = vector.shape_cast %get3A_247 : vector<16xf32> to vector<16xf32>
        %mul3A_249 = arith.mulf %get3A_245, %get3A_248 : vector<16xf32>
        %mul3A_250 = arith.mulf %mul3A_249, %get3A_14 : vector<16xf32>
        %add3A_251 = arith.addf %mul3A_250, %get3A_17 : vector<16xf32>
        %swap3A = arith.index_cast %mul3A_242 : i32 to index
        %swap3A_252 = tpu.vector_load %arg13[%swap3A] {strides = array<i32>} : memref<800xf32, #tpu.memory_space<vmem>>, vector<16xf32>,
        %swap3A_253 = vector.shape_cast %swap3A_252 : vector<16xf32> to vector<16xf32>
        %swap3A_254 = vector.shape_cast %add3A_251 : vector<16xf32> to vector<16xf32>
        tpu.vector_store %arg13[%swap3A], %swap3A_254 {strides = array<i32>} : memref<800xf32, #tpu.memory_space<vmem>>, vector<16xf32>,
      }
      %scan3A_89 = arith.constant 50 : i32
      %add3A_90 = arith.constant 0 : i32
      %add3A_91 = arith.addi %add3A_90, %mul3A_37 : i32
      "tpu.region"() ({
        %run_scoped3A = tpu.sem_alloc : memref<!tpu.dma_semaphore, #tpu.memory_space<semaphore_mem>>
        %dma_start3A_236 = tpu.memref_slice %arg8[%add3A_91] : memref<2000000xf32, #tpu.memory_space<hbm>> -> memref<800xf32, #tpu.memory_space<hbm>>
        %dma_start3A_237 = tpu.memref_slice %arg8[%add3A_91] : memref<2000000xf32, #tpu.memory_space<hbm>> -> memref<800xf32, #tpu.memory_space<hbm>>
        tpu.enqueue_dma source(%arg13 : memref<800xf32, #tpu.memory_space<vmem>>) target(%dma_start3A_237 : memref<800xf32, #tpu.memory_space<hbm>>) target_semaphore(%run_scoped3A : memref<!tpu.dma_semaphore, #tpu.memory_space<semaphore_mem>>)
        %dma_wait3A_238 = tpu.memref_slice %arg8[%add3A_91] : memref<2000000xf32, #tpu.memory_space<hbm>> -> memref<800xf32, #tpu.memory_space<hbm>>
        %dma_wait3A_239 = tpu.memref_slice %arg8[%add3A_91] : memref<2000000xf32, #tpu.memory_space<hbm>> -> memref<800xf32, #tpu.memory_space<hbm>>
        tpu.wait_dma2 semaphore(%run_scoped3A : memref<!tpu.dma_semaphore, #tpu.memory_space<semaphore_mem>>) src(%arg13 : memref<800xf32, #tpu.memory_space<vmem>>) dst(%dma_wait3A_239 : memref<800xf32, #tpu.memory_space<hbm>>)
        tpu.yield
      }) : () -> ()
      %scan3A_92 = arith.constant 0 : i32
      %scan3A_93 = arith.constant 50 : i32
      %scan3A_94 = arith.addi %scan3A_92, %scan3A_93 : i32
      %scan3A_95 = arith.constant 1 : i32
      scf.for %scan3A_236 = %scan3A_92 to %scan3A_94 step %scan3A_95  : i32 {
        %mul3A_237 = arith.constant 1 : i32
        %mul3A_238 = arith.muli %scan3A_236, %mul3A_237 : i32
        %add3A_239 = arith.constant 0 : i32
        %add3A_240 = arith.addi %add3A_239, %mul3A_238 : i32
        %mul3A_241 = arith.constant 16 : i32
        %mul3A_242 = arith.muli %add3A_240, %mul3A_241 : i32
        %get3A_243 = arith.index_cast %mul3A_242 : i32 to index
        %get3A_244 = tpu.vector_load %arg9[%get3A_243] {strides = array<i32>} : memref<800xi32, #tpu.memory_space<vmem>>, vector<16xi32>,
        %get3A_245 = vector.shape_cast %get3A_244 : vector<16xi32> to vector<16xi32>
        %add3A_246 = arith.constant 3000000 : i32
        %add3A_247 = vector.broadcast %add3A_246 : i32 to vector<16xi32>
        %add3A_248 = arith.addi %get3A_245, %add3A_247 : vector<16xi32>
        %swap3A = arith.index_cast %mul3A_242 : i32 to index
        %swap3A_249 = tpu.vector_load %arg10[%swap3A] {strides = array<i32>} : memref<800xi32, #tpu.memory_space<vmem>>, vector<16xi32>,
        %swap3A_250 = vector.shape_cast %swap3A_249 : vector<16xi32> to vector<16xi32>
        %swap3A_251 = vector.shape_cast %add3A_248 : vector<16xi32> to vector<16xi32>
        tpu.vector_store %arg10[%swap3A], %swap3A_251 {strides = array<i32>} : memref<800xi32, #tpu.memory_space<vmem>>, vector<16xi32>,
      }
      %scan3A_96 = arith.constant 50 : i32
      %dma_start3A_97 = arith.constant 0 : i32
      %dma_start3A_98 = tpu.memref_slice %arg2[%dma_start3A_97] : memref<12000000xf32, #tpu.memory_space<hbm>> -> memref<12000000xf32, #tpu.memory_space<hbm>>
      tpu.enqueue_indirect_dma source(%dma_start3A_98 : memref<12000000xf32, #tpu.memory_space<hbm>>) target(%arg11 : memref<800xf32, #tpu.memory_space<vmem>>) offsets(%arg10 : memref<800xi32, #tpu.memory_space<vmem>>) semaphore(%arg15 : memref<!tpu.dma_semaphore, #tpu.memory_space<semaphore_mem>>)
      %dma_wait3A_99 = arith.constant 0 : i32
      %dma_wait3A_100 = tpu.memref_slice %arg2[%dma_wait3A_99] : memref<12000000xf32, #tpu.memory_space<hbm>> -> memref<12000000xf32, #tpu.memory_space<hbm>>
      tpu.wait_indirect_dma semaphore(%arg15 : memref<!tpu.dma_semaphore, #tpu.memory_space<semaphore_mem>>) src(%dma_wait3A_100 : memref<12000000xf32, #tpu.memory_space<hbm>>) dst(%arg11 : memref<800xf32, #tpu.memory_space<vmem>>)
      %scan3A_101 = arith.constant 0 : i32
      %scan3A_102 = arith.constant 50 : i32
      %scan3A_103 = arith.addi %scan3A_101, %scan3A_102 : i32
      %scan3A_104 = arith.constant 1 : i32
      scf.for %scan3A_236 = %scan3A_101 to %scan3A_103 step %scan3A_104  : i32 {
        %mul3A_237 = arith.constant 1 : i32
        %mul3A_238 = arith.muli %scan3A_236, %mul3A_237 : i32
        %add3A_239 = arith.constant 0 : i32
        %add3A_240 = arith.addi %add3A_239, %mul3A_238 : i32
        %mul3A_241 = arith.constant 16 : i32
        %mul3A_242 = arith.muli %add3A_240, %mul3A_241 : i32
        %get3A_243 = arith.index_cast %mul3A_242 : i32 to index
        %get3A_244 = tpu.vector_load %arg11[%get3A_243] {strides = array<i32>} : memref<800xf32, #tpu.memory_space<vmem>>, vector<16xf32>,
        %get3A_245 = vector.shape_cast %get3A_244 : vector<16xf32> to vector<16xf32>
        %get3A_246 = arith.index_cast %mul3A_242 : i32 to index
        %get3A_247 = tpu.vector_load %arg12[%get3A_246] {strides = array<i32>} : memref<800xf32, #tpu.memory_space<vmem>>, vector<16xf32>,
        %get3A_248 = vector.shape_cast %get3A_247 : vector<16xf32> to vector<16xf32>
        %mul3A_249 = arith.mulf %get3A_245, %get3A_248 : vector<16xf32>
        %mul3A_250 = arith.mulf %mul3A_249, %get3A_2 : vector<16xf32>
        %add3A_251 = arith.addf %mul3A_250, %get3A_5 : vector<16xf32>
        %swap3A = arith.index_cast %mul3A_242 : i32 to index
        %swap3A_252 = tpu.vector_load %arg13[%swap3A] {strides = array<i32>} : memref<800xf32, #tpu.memory_space<vmem>>, vector<16xf32>,
        %swap3A_253 = vector.shape_cast %swap3A_252 : vector<16xf32> to vector<16xf32>
        %swap3A_254 = vector.shape_cast %add3A_251 : vector<16xf32> to vector<16xf32>
        tpu.vector_store %arg13[%swap3A], %swap3A_254 {strides = array<i32>} : memref<800xf32, #tpu.memory_space<vmem>>, vector<16xf32>,
      }
      %scan3A_105 = arith.constant 50 : i32
      %add3A_106 = arith.constant 500000 : i32
      %add3A_107 = arith.addi %add3A_106, %mul3A_37 : i32
      "tpu.region"() ({
        %run_scoped3A = tpu.sem_alloc : memref<!tpu.dma_semaphore, #tpu.memory_space<semaphore_mem>>
        %dma_start3A_236 = tpu.memref_slice %arg6[%add3A_107] : memref<2000000xf32, #tpu.memory_space<hbm>> -> memref<800xf32, #tpu.memory_space<hbm>>
        %dma_start3A_237 = tpu.memref_slice %arg6[%add3A_107] : memref<2000000xf32, #tpu.memory_space<hbm>> -> memref<800xf32, #tpu.memory_space<hbm>>
        tpu.enqueue_dma source(%arg13 : memref<800xf32, #tpu.memory_space<vmem>>) target(%dma_start3A_237 : memref<800xf32, #tpu.memory_space<hbm>>) target_semaphore(%run_scoped3A : memref<!tpu.dma_semaphore, #tpu.memory_space<semaphore_mem>>)
        %dma_wait3A_238 = tpu.memref_slice %arg6[%add3A_107] : memref<2000000xf32, #tpu.memory_space<hbm>> -> memref<800xf32, #tpu.memory_space<hbm>>
        %dma_wait3A_239 = tpu.memref_slice %arg6[%add3A_107] : memref<2000000xf32, #tpu.memory_space<hbm>> -> memref<800xf32, #tpu.memory_space<hbm>>
        tpu.wait_dma2 semaphore(%run_scoped3A : memref<!tpu.dma_semaphore, #tpu.memory_space<semaphore_mem>>) src(%arg13 : memref<800xf32, #tpu.memory_space<vmem>>) dst(%dma_wait3A_239 : memref<800xf32, #tpu.memory_space<hbm>>)
        tpu.yield
      }) : () -> ()
      %scan3A_108 = arith.constant 0 : i32
      %scan3A_109 = arith.constant 50 : i32
      %scan3A_110 = arith.addi %scan3A_108, %scan3A_109 : i32
      %scan3A_111 = arith.constant 1 : i32
      scf.for %scan3A_236 = %scan3A_108 to %scan3A_110 step %scan3A_111  : i32 {
        %mul3A_237 = arith.constant 1 : i32
        %mul3A_238 = arith.muli %scan3A_236, %mul3A_237 : i32
        %add3A_239 = arith.constant 0 : i32
        %add3A_240 = arith.addi %add3A_239, %mul3A_238 : i32
        %mul3A_241 = arith.constant 16 : i32
        %mul3A_242 = arith.muli %add3A_240, %mul3A_241 : i32
        %get3A_243 = arith.index_cast %mul3A_242 : i32 to index
        %get3A_244 = tpu.vector_load %arg9[%get3A_243] {strides = array<i32>} : memref<800xi32, #tpu.memory_space<vmem>>, vector<16xi32>,
        %get3A_245 = vector.shape_cast %get3A_244 : vector<16xi32> to vector<16xi32>
        %add3A_246 = arith.constant 4000000 : i32
        %add3A_247 = vector.broadcast %add3A_246 : i32 to vector<16xi32>
        %add3A_248 = arith.addi %get3A_245, %add3A_247 : vector<16xi32>
        %swap3A = arith.index_cast %mul3A_242 : i32 to index
        %swap3A_249 = tpu.vector_load %arg10[%swap3A] {strides = array<i32>} : memref<800xi32, #tpu.memory_space<vmem>>, vector<16xi32>,
        %swap3A_250 = vector.shape_cast %swap3A_249 : vector<16xi32> to vector<16xi32>
        %swap3A_251 = vector.shape_cast %add3A_248 : vector<16xi32> to vector<16xi32>
        tpu.vector_store %arg10[%swap3A], %swap3A_251 {strides = array<i32>} : memref<800xi32, #tpu.memory_space<vmem>>, vector<16xi32>,
      }
      %scan3A_112 = arith.constant 50 : i32
      %dma_start3A_113 = arith.constant 0 : i32
      %dma_start3A_114 = tpu.memref_slice %arg2[%dma_start3A_113] : memref<12000000xf32, #tpu.memory_space<hbm>> -> memref<12000000xf32, #tpu.memory_space<hbm>>
      tpu.enqueue_indirect_dma source(%dma_start3A_114 : memref<12000000xf32, #tpu.memory_space<hbm>>) target(%arg11 : memref<800xf32, #tpu.memory_space<vmem>>) offsets(%arg10 : memref<800xi32, #tpu.memory_space<vmem>>) semaphore(%arg15 : memref<!tpu.dma_semaphore, #tpu.memory_space<semaphore_mem>>)
      %dma_wait3A_115 = arith.constant 0 : i32
      %dma_wait3A_116 = tpu.memref_slice %arg2[%dma_wait3A_115] : memref<12000000xf32, #tpu.memory_space<hbm>> -> memref<12000000xf32, #tpu.memory_space<hbm>>
      tpu.wait_indirect_dma semaphore(%arg15 : memref<!tpu.dma_semaphore, #tpu.memory_space<semaphore_mem>>) src(%dma_wait3A_116 : memref<12000000xf32, #tpu.memory_space<hbm>>) dst(%arg11 : memref<800xf32, #tpu.memory_space<vmem>>)
      %scan3A_117 = arith.constant 0 : i32
      %scan3A_118 = arith.constant 50 : i32
      %scan3A_119 = arith.addi %scan3A_117, %scan3A_118 : i32
      %scan3A_120 = arith.constant 1 : i32
      scf.for %scan3A_236 = %scan3A_117 to %scan3A_119 step %scan3A_120  : i32 {
        %mul3A_237 = arith.constant 1 : i32
        %mul3A_238 = arith.muli %scan3A_236, %mul3A_237 : i32
        %add3A_239 = arith.constant 0 : i32
        %add3A_240 = arith.addi %add3A_239, %mul3A_238 : i32
        %mul3A_241 = arith.constant 16 : i32
        %mul3A_242 = arith.muli %add3A_240, %mul3A_241 : i32
        %get3A_243 = arith.index_cast %mul3A_242 : i32 to index
        %get3A_244 = tpu.vector_load %arg11[%get3A_243] {strides = array<i32>} : memref<800xf32, #tpu.memory_space<vmem>>, vector<16xf32>,
        %get3A_245 = vector.shape_cast %get3A_244 : vector<16xf32> to vector<16xf32>
        %get3A_246 = arith.index_cast %mul3A_242 : i32 to index
        %get3A_247 = tpu.vector_load %arg12[%get3A_246] {strides = array<i32>} : memref<800xf32, #tpu.memory_space<vmem>>, vector<16xf32>,
        %get3A_248 = vector.shape_cast %get3A_247 : vector<16xf32> to vector<16xf32>
        %mul3A_249 = arith.mulf %get3A_245, %get3A_248 : vector<16xf32>
        %mul3A_250 = arith.mulf %mul3A_249, %get3A_8 : vector<16xf32>
        %add3A_251 = arith.addf %mul3A_250, %get3A_11 : vector<16xf32>
        %swap3A = arith.index_cast %mul3A_242 : i32 to index
        %swap3A_252 = tpu.vector_load %arg13[%swap3A] {strides = array<i32>} : memref<800xf32, #tpu.memory_space<vmem>>, vector<16xf32>,
        %swap3A_253 = vector.shape_cast %swap3A_252 : vector<16xf32> to vector<16xf32>
        %swap3A_254 = vector.shape_cast %add3A_251 : vector<16xf32> to vector<16xf32>
        tpu.vector_store %arg13[%swap3A], %swap3A_254 {strides = array<i32>} : memref<800xf32, #tpu.memory_space<vmem>>, vector<16xf32>,
      }
      %scan3A_121 = arith.constant 50 : i32
      %add3A_122 = arith.constant 500000 : i32
      %add3A_123 = arith.addi %add3A_122, %mul3A_37 : i32
      "tpu.region"() ({
        %run_scoped3A = tpu.sem_alloc : memref<!tpu.dma_semaphore, #tpu.memory_space<semaphore_mem>>
        %dma_start3A_236 = tpu.memref_slice %arg7[%add3A_123] : memref<2000000xf32, #tpu.memory_space<hbm>> -> memref<800xf32, #tpu.memory_space<hbm>>
        %dma_start3A_237 = tpu.memref_slice %arg7[%add3A_123] : memref<2000000xf32, #tpu.memory_space<hbm>> -> memref<800xf32, #tpu.memory_space<hbm>>
        tpu.enqueue_dma source(%arg13 : memref<800xf32, #tpu.memory_space<vmem>>) target(%dma_start3A_237 : memref<800xf32, #tpu.memory_space<hbm>>) target_semaphore(%run_scoped3A : memref<!tpu.dma_semaphore, #tpu.memory_space<semaphore_mem>>)
        %dma_wait3A_238 = tpu.memref_slice %arg7[%add3A_123] : memref<2000000xf32, #tpu.memory_space<hbm>> -> memref<800xf32, #tpu.memory_space<hbm>>
        %dma_wait3A_239 = tpu.memref_slice %arg7[%add3A_123] : memref<2000000xf32, #tpu.memory_space<hbm>> -> memref<800xf32, #tpu.memory_space<hbm>>
        tpu.wait_dma2 semaphore(%run_scoped3A : memref<!tpu.dma_semaphore, #tpu.memory_space<semaphore_mem>>) src(%arg13 : memref<800xf32, #tpu.memory_space<vmem>>) dst(%dma_wait3A_239 : memref<800xf32, #tpu.memory_space<hbm>>)
        tpu.yield
      }) : () -> ()
      %scan3A_124 = arith.constant 0 : i32
      %scan3A_125 = arith.constant 50 : i32
      %scan3A_126 = arith.addi %scan3A_124, %scan3A_125 : i32
      %scan3A_127 = arith.constant 1 : i32
      scf.for %scan3A_236 = %scan3A_124 to %scan3A_126 step %scan3A_127  : i32 {
        %mul3A_237 = arith.constant 1 : i32
        %mul3A_238 = arith.muli %scan3A_236, %mul3A_237 : i32
        %add3A_239 = arith.constant 0 : i32
        %add3A_240 = arith.addi %add3A_239, %mul3A_238 : i32
        %mul3A_241 = arith.constant 16 : i32
        %mul3A_242 = arith.muli %add3A_240, %mul3A_241 : i32
        %get3A_243 = arith.index_cast %mul3A_242 : i32 to index
        %get3A_244 = tpu.vector_load %arg9[%get3A_243] {strides = array<i32>} : memref<800xi32, #tpu.memory_space<vmem>>, vector<16xi32>,
        %get3A_245 = vector.shape_cast %get3A_244 : vector<16xi32> to vector<16xi32>
        %add3A_246 = arith.constant 5000000 : i32
        %add3A_247 = vector.broadcast %add3A_246 : i32 to vector<16xi32>
        %add3A_248 = arith.addi %get3A_245, %add3A_247 : vector<16xi32>
        %swap3A = arith.index_cast %mul3A_242 : i32 to index
        %swap3A_249 = tpu.vector_load %arg10[%swap3A] {strides = array<i32>} : memref<800xi32, #tpu.memory_space<vmem>>, vector<16xi32>,
        %swap3A_250 = vector.shape_cast %swap3A_249 : vector<16xi32> to vector<16xi32>
        %swap3A_251 = vector.shape_cast %add3A_248 : vector<16xi32> to vector<16xi32>
        tpu.vector_store %arg10[%swap3A], %swap3A_251 {strides = array<i32>} : memref<800xi32, #tpu.memory_space<vmem>>, vector<16xi32>,
      }
      %scan3A_128 = arith.constant 50 : i32
      %dma_start3A_129 = arith.constant 0 : i32
      %dma_start3A_130 = tpu.memref_slice %arg2[%dma_start3A_129] : memref<12000000xf32, #tpu.memory_space<hbm>> -> memref<12000000xf32, #tpu.memory_space<hbm>>
      tpu.enqueue_indirect_dma source(%dma_start3A_130 : memref<12000000xf32, #tpu.memory_space<hbm>>) target(%arg11 : memref<800xf32, #tpu.memory_space<vmem>>) offsets(%arg10 : memref<800xi32, #tpu.memory_space<vmem>>) semaphore(%arg15 : memref<!tpu.dma_semaphore, #tpu.memory_space<semaphore_mem>>)
      %dma_wait3A_131 = arith.constant 0 : i32
      %dma_wait3A_132 = tpu.memref_slice %arg2[%dma_wait3A_131] : memref<12000000xf32, #tpu.memory_space<hbm>> -> memref<12000000xf32, #tpu.memory_space<hbm>>
      tpu.wait_indirect_dma semaphore(%arg15 : memref<!tpu.dma_semaphore, #tpu.memory_space<semaphore_mem>>) src(%dma_wait3A_132 : memref<12000000xf32, #tpu.memory_space<hbm>>) dst(%arg11 : memref<800xf32, #tpu.memory_space<vmem>>)
      %scan3A_133 = arith.constant 0 : i32
      %scan3A_134 = arith.constant 50 : i32
      %scan3A_135 = arith.addi %scan3A_133, %scan3A_134 : i32
      %scan3A_136 = arith.constant 1 : i32
      scf.for %scan3A_236 = %scan3A_133 to %scan3A_135 step %scan3A_136  : i32 {
        %mul3A_237 = arith.constant 1 : i32
        %mul3A_238 = arith.muli %scan3A_236, %mul3A_237 : i32
        %add3A_239 = arith.constant 0 : i32
        %add3A_240 = arith.addi %add3A_239, %mul3A_238 : i32
        %mul3A_241 = arith.constant 16 : i32
        %mul3A_242 = arith.muli %add3A_240, %mul3A_241 : i32
        %get3A_243 = arith.index_cast %mul3A_242 : i32 to index
        %get3A_244 = tpu.vector_load %arg11[%get3A_243] {strides = array<i32>} : memref<800xf32, #tpu.memory_space<vmem>>, vector<16xf32>,
        %get3A_245 = vector.shape_cast %get3A_244 : vector<16xf32> to vector<16xf32>
        %get3A_246 = arith.index_cast %mul3A_242 : i32 to index
        %get3A_247 = tpu.vector_load %arg12[%get3A_246] {strides = array<i32>} : memref<800xf32, #tpu.memory_space<vmem>>, vector<16xf32>,
        %get3A_248 = vector.shape_cast %get3A_247 : vector<16xf32> to vector<16xf32>
        %mul3A_249 = arith.mulf %get3A_245, %get3A_248 : vector<16xf32>
        %mul3A_250 = arith.mulf %mul3A_249, %get3A_14 : vector<16xf32>
        %add3A_251 = arith.addf %mul3A_250, %get3A_17 : vector<16xf32>
        %swap3A = arith.index_cast %mul3A_242 : i32 to index
        %swap3A_252 = tpu.vector_load %arg13[%swap3A] {strides = array<i32>} : memref<800xf32, #tpu.memory_space<vmem>>, vector<16xf32>,
        %swap3A_253 = vector.shape_cast %swap3A_252 : vector<16xf32> to vector<16xf32>
        %swap3A_254 = vector.shape_cast %add3A_251 : vector<16xf32> to vector<16xf32>
        tpu.vector_store %arg13[%swap3A], %swap3A_254 {strides = array<i32>} : memref<800xf32, #tpu.memory_space<vmem>>, vector<16xf32>,
      }
      %scan3A_137 = arith.constant 50 : i32
      %add3A_138 = arith.constant 500000 : i32
      %add3A_139 = arith.addi %add3A_138, %mul3A_37 : i32
      "tpu.region"() ({
        %run_scoped3A = tpu.sem_alloc : memref<!tpu.dma_semaphore, #tpu.memory_space<semaphore_mem>>
        %dma_start3A_236 = tpu.memref_slice %arg8[%add3A_139] : memref<2000000xf32, #tpu.memory_space<hbm>> -> memref<800xf32, #tpu.memory_space<hbm>>
        %dma_start3A_237 = tpu.memref_slice %arg8[%add3A_139] : memref<2000000xf32, #tpu.memory_space<hbm>> -> memref<800xf32, #tpu.memory_space<hbm>>
        tpu.enqueue_dma source(%arg13 : memref<800xf32, #tpu.memory_space<vmem>>) target(%dma_start3A_237 : memref<800xf32, #tpu.memory_space<hbm>>) target_semaphore(%run_scoped3A : memref<!tpu.dma_semaphore, #tpu.memory_space<semaphore_mem>>)
        %dma_wait3A_238 = tpu.memref_slice %arg8[%add3A_139] : memref<2000000xf32, #tpu.memory_space<hbm>> -> memref<800xf32, #tpu.memory_space<hbm>>
        %dma_wait3A_239 = tpu.memref_slice %arg8[%add3A_139] : memref<2000000xf32, #tpu.memory_space<hbm>> -> memref<800xf32, #tpu.memory_space<hbm>>
        tpu.wait_dma2 semaphore(%run_scoped3A : memref<!tpu.dma_semaphore, #tpu.memory_space<semaphore_mem>>) src(%arg13 : memref<800xf32, #tpu.memory_space<vmem>>) dst(%dma_wait3A_239 : memref<800xf32, #tpu.memory_space<hbm>>)
        tpu.yield
      }) : () -> ()
      %scan3A_140 = arith.constant 0 : i32
      %scan3A_141 = arith.constant 50 : i32
      %scan3A_142 = arith.addi %scan3A_140, %scan3A_141 : i32
      %scan3A_143 = arith.constant 1 : i32
      scf.for %scan3A_236 = %scan3A_140 to %scan3A_142 step %scan3A_143  : i32 {
        %mul3A_237 = arith.constant 1 : i32
        %mul3A_238 = arith.muli %scan3A_236, %mul3A_237 : i32
        %add3A_239 = arith.constant 0 : i32
        %add3A_240 = arith.addi %add3A_239, %mul3A_238 : i32
        %mul3A_241 = arith.constant 16 : i32
        %mul3A_242 = arith.muli %add3A_240, %mul3A_241 : i32
        %get3A_243 = arith.index_cast %mul3A_242 : i32 to index
        %get3A_244 = tpu.vector_load %arg9[%get3A_243] {strides = array<i32>} : memref<800xi32, #tpu.memory_space<vmem>>, vector<16xi32>,
        %get3A_245 = vector.shape_cast %get3A_244 : vector<16xi32> to vector<16xi32>
        %add3A_246 = arith.constant 6000000 : i32
        %add3A_247 = vector.broadcast %add3A_246 : i32 to vector<16xi32>
        %add3A_248 = arith.addi %get3A_245, %add3A_247 : vector<16xi32>
        %swap3A = arith.index_cast %mul3A_242 : i32 to index
        %swap3A_249 = tpu.vector_load %arg10[%swap3A] {strides = array<i32>} : memref<800xi32, #tpu.memory_space<vmem>>, vector<16xi32>,
        %swap3A_250 = vector.shape_cast %swap3A_249 : vector<16xi32> to vector<16xi32>
        %swap3A_251 = vector.shape_cast %add3A_248 : vector<16xi32> to vector<16xi32>
        tpu.vector_store %arg10[%swap3A], %swap3A_251 {strides = array<i32>} : memref<800xi32, #tpu.memory_space<vmem>>, vector<16xi32>,
      }
      %scan3A_144 = arith.constant 50 : i32
      %dma_start3A_145 = arith.constant 0 : i32
      %dma_start3A_146 = tpu.memref_slice %arg2[%dma_start3A_145] : memref<12000000xf32, #tpu.memory_space<hbm>> -> memref<12000000xf32, #tpu.memory_space<hbm>>
      tpu.enqueue_indirect_dma source(%dma_start3A_146 : memref<12000000xf32, #tpu.memory_space<hbm>>) target(%arg11 : memref<800xf32, #tpu.memory_space<vmem>>) offsets(%arg10 : memref<800xi32, #tpu.memory_space<vmem>>) semaphore(%arg15 : memref<!tpu.dma_semaphore, #tpu.memory_space<semaphore_mem>>)
      %dma_wait3A_147 = arith.constant 0 : i32
      %dma_wait3A_148 = tpu.memref_slice %arg2[%dma_wait3A_147] : memref<12000000xf32, #tpu.memory_space<hbm>> -> memref<12000000xf32, #tpu.memory_space<hbm>>
      tpu.wait_indirect_dma semaphore(%arg15 : memref<!tpu.dma_semaphore, #tpu.memory_space<semaphore_mem>>) src(%dma_wait3A_148 : memref<12000000xf32, #tpu.memory_space<hbm>>) dst(%arg11 : memref<800xf32, #tpu.memory_space<vmem>>)
      %scan3A_149 = arith.constant 0 : i32
      %scan3A_150 = arith.constant 50 : i32
      %scan3A_151 = arith.addi %scan3A_149, %scan3A_150 : i32
      %scan3A_152 = arith.constant 1 : i32
      scf.for %scan3A_236 = %scan3A_149 to %scan3A_151 step %scan3A_152  : i32 {
        %mul3A_237 = arith.constant 1 : i32
        %mul3A_238 = arith.muli %scan3A_236, %mul3A_237 : i32
        %add3A_239 = arith.constant 0 : i32
        %add3A_240 = arith.addi %add3A_239, %mul3A_238 : i32
        %mul3A_241 = arith.constant 16 : i32
        %mul3A_242 = arith.muli %add3A_240, %mul3A_241 : i32
        %get3A_243 = arith.index_cast %mul3A_242 : i32 to index
        %get3A_244 = tpu.vector_load %arg11[%get3A_243] {strides = array<i32>} : memref<800xf32, #tpu.memory_space<vmem>>, vector<16xf32>,
        %get3A_245 = vector.shape_cast %get3A_244 : vector<16xf32> to vector<16xf32>
        %get3A_246 = arith.index_cast %mul3A_242 : i32 to index
        %get3A_247 = tpu.vector_load %arg12[%get3A_246] {strides = array<i32>} : memref<800xf32, #tpu.memory_space<vmem>>, vector<16xf32>,
        %get3A_248 = vector.shape_cast %get3A_247 : vector<16xf32> to vector<16xf32>
        %mul3A_249 = arith.mulf %get3A_245, %get3A_248 : vector<16xf32>
        %mul3A_250 = arith.mulf %mul3A_249, %get3A_2 : vector<16xf32>
        %add3A_251 = arith.addf %mul3A_250, %get3A_5 : vector<16xf32>
        %swap3A = arith.index_cast %mul3A_242 : i32 to index
        %swap3A_252 = tpu.vector_load %arg13[%swap3A] {strides = array<i32>} : memref<800xf32, #tpu.memory_space<vmem>>, vector<16xf32>,
        %swap3A_253 = vector.shape_cast %swap3A_252 : vector<16xf32> to vector<16xf32>
        %swap3A_254 = vector.shape_cast %add3A_251 : vector<16xf32> to vector<16xf32>
        tpu.vector_store %arg13[%swap3A], %swap3A_254 {strides = array<i32>} : memref<800xf32, #tpu.memory_space<vmem>>, vector<16xf32>,
      }
      %scan3A_153 = arith.constant 50 : i32
      %add3A_154 = arith.constant 1000000 : i32
      %add3A_155 = arith.addi %add3A_154, %mul3A_37 : i32
      "tpu.region"() ({
        %run_scoped3A = tpu.sem_alloc : memref<!tpu.dma_semaphore, #tpu.memory_space<semaphore_mem>>
        %dma_start3A_236 = tpu.memref_slice %arg6[%add3A_155] : memref<2000000xf32, #tpu.memory_space<hbm>> -> memref<800xf32, #tpu.memory_space<hbm>>
        %dma_start3A_237 = tpu.memref_slice %arg6[%add3A_155] : memref<2000000xf32, #tpu.memory_space<hbm>> -> memref<800xf32, #tpu.memory_space<hbm>>
        tpu.enqueue_dma source(%arg13 : memref<800xf32, #tpu.memory_space<vmem>>) target(%dma_start3A_237 : memref<800xf32, #tpu.memory_space<hbm>>) target_semaphore(%run_scoped3A : memref<!tpu.dma_semaphore, #tpu.memory_space<semaphore_mem>>)
        %dma_wait3A_238 = tpu.memref_slice %arg6[%add3A_155] : memref<2000000xf32, #tpu.memory_space<hbm>> -> memref<800xf32, #tpu.memory_space<hbm>>
        %dma_wait3A_239 = tpu.memref_slice %arg6[%add3A_155] : memref<2000000xf32, #tpu.memory_space<hbm>> -> memref<800xf32, #tpu.memory_space<hbm>>
        tpu.wait_dma2 semaphore(%run_scoped3A : memref<!tpu.dma_semaphore, #tpu.memory_space<semaphore_mem>>) src(%arg13 : memref<800xf32, #tpu.memory_space<vmem>>) dst(%dma_wait3A_239 : memref<800xf32, #tpu.memory_space<hbm>>)
        tpu.yield
      }) : () -> ()
      %scan3A_156 = arith.constant 0 : i32
      %scan3A_157 = arith.constant 50 : i32
      %scan3A_158 = arith.addi %scan3A_156, %scan3A_157 : i32
      %scan3A_159 = arith.constant 1 : i32
      scf.for %scan3A_236 = %scan3A_156 to %scan3A_158 step %scan3A_159  : i32 {
        %mul3A_237 = arith.constant 1 : i32
        %mul3A_238 = arith.muli %scan3A_236, %mul3A_237 : i32
        %add3A_239 = arith.constant 0 : i32
        %add3A_240 = arith.addi %add3A_239, %mul3A_238 : i32
        %mul3A_241 = arith.constant 16 : i32
        %mul3A_242 = arith.muli %add3A_240, %mul3A_241 : i32
        %get3A_243 = arith.index_cast %mul3A_242 : i32 to index
        %get3A_244 = tpu.vector_load %arg9[%get3A_243] {strides = array<i32>} : memref<800xi32, #tpu.memory_space<vmem>>, vector<16xi32>,
        %get3A_245 = vector.shape_cast %get3A_244 : vector<16xi32> to vector<16xi32>
        %add3A_246 = arith.constant 7000000 : i32
        %add3A_247 = vector.broadcast %add3A_246 : i32 to vector<16xi32>
        %add3A_248 = arith.addi %get3A_245, %add3A_247 : vector<16xi32>
        %swap3A = arith.index_cast %mul3A_242 : i32 to index
        %swap3A_249 = tpu.vector_load %arg10[%swap3A] {strides = array<i32>} : memref<800xi32, #tpu.memory_space<vmem>>, vector<16xi32>,
        %swap3A_250 = vector.shape_cast %swap3A_249 : vector<16xi32> to vector<16xi32>
        %swap3A_251 = vector.shape_cast %add3A_248 : vector<16xi32> to vector<16xi32>
        tpu.vector_store %arg10[%swap3A], %swap3A_251 {strides = array<i32>} : memref<800xi32, #tpu.memory_space<vmem>>, vector<16xi32>,
      }
      %scan3A_160 = arith.constant 50 : i32
      %dma_start3A_161 = arith.constant 0 : i32
      %dma_start3A_162 = tpu.memref_slice %arg2[%dma_start3A_161] : memref<12000000xf32, #tpu.memory_space<hbm>> -> memref<12000000xf32, #tpu.memory_space<hbm>>
      tpu.enqueue_indirect_dma source(%dma_start3A_162 : memref<12000000xf32, #tpu.memory_space<hbm>>) target(%arg11 : memref<800xf32, #tpu.memory_space<vmem>>) offsets(%arg10 : memref<800xi32, #tpu.memory_space<vmem>>) semaphore(%arg15 : memref<!tpu.dma_semaphore, #tpu.memory_space<semaphore_mem>>)
      %dma_wait3A_163 = arith.constant 0 : i32
      %dma_wait3A_164 = tpu.memref_slice %arg2[%dma_wait3A_163] : memref<12000000xf32, #tpu.memory_space<hbm>> -> memref<12000000xf32, #tpu.memory_space<hbm>>
      tpu.wait_indirect_dma semaphore(%arg15 : memref<!tpu.dma_semaphore, #tpu.memory_space<semaphore_mem>>) src(%dma_wait3A_164 : memref<12000000xf32, #tpu.memory_space<hbm>>) dst(%arg11 : memref<800xf32, #tpu.memory_space<vmem>>)
      %scan3A_165 = arith.constant 0 : i32
      %scan3A_166 = arith.constant 50 : i32
      %scan3A_167 = arith.addi %scan3A_165, %scan3A_166 : i32
      %scan3A_168 = arith.constant 1 : i32
      scf.for %scan3A_236 = %scan3A_165 to %scan3A_167 step %scan3A_168  : i32 {
        %mul3A_237 = arith.constant 1 : i32
        %mul3A_238 = arith.muli %scan3A_236, %mul3A_237 : i32
        %add3A_239 = arith.constant 0 : i32
        %add3A_240 = arith.addi %add3A_239, %mul3A_238 : i32
        %mul3A_241 = arith.constant 16 : i32
        %mul3A_242 = arith.muli %add3A_240, %mul3A_241 : i32
        %get3A_243 = arith.index_cast %mul3A_242 : i32 to index
        %get3A_244 = tpu.vector_load %arg11[%get3A_243] {strides = array<i32>} : memref<800xf32, #tpu.memory_space<vmem>>, vector<16xf32>,
        %get3A_245 = vector.shape_cast %get3A_244 : vector<16xf32> to vector<16xf32>
        %get3A_246 = arith.index_cast %mul3A_242 : i32 to index
        %get3A_247 = tpu.vector_load %arg12[%get3A_246] {strides = array<i32>} : memref<800xf32, #tpu.memory_space<vmem>>, vector<16xf32>,
        %get3A_248 = vector.shape_cast %get3A_247 : vector<16xf32> to vector<16xf32>
        %mul3A_249 = arith.mulf %get3A_245, %get3A_248 : vector<16xf32>
        %mul3A_250 = arith.mulf %mul3A_249, %get3A_8 : vector<16xf32>
        %add3A_251 = arith.addf %mul3A_250, %get3A_11 : vector<16xf32>
        %swap3A = arith.index_cast %mul3A_242 : i32 to index
        %swap3A_252 = tpu.vector_load %arg13[%swap3A] {strides = array<i32>} : memref<800xf32, #tpu.memory_space<vmem>>, vector<16xf32>,
        %swap3A_253 = vector.shape_cast %swap3A_252 : vector<16xf32> to vector<16xf32>
        %swap3A_254 = vector.shape_cast %add3A_251 : vector<16xf32> to vector<16xf32>
        tpu.vector_store %arg13[%swap3A], %swap3A_254 {strides = array<i32>} : memref<800xf32, #tpu.memory_space<vmem>>, vector<16xf32>,
      }
      %scan3A_169 = arith.constant 50 : i32
      %add3A_170 = arith.constant 1000000 : i32
      %add3A_171 = arith.addi %add3A_170, %mul3A_37 : i32
      "tpu.region"() ({
        %run_scoped3A = tpu.sem_alloc : memref<!tpu.dma_semaphore, #tpu.memory_space<semaphore_mem>>
        %dma_start3A_236 = tpu.memref_slice %arg7[%add3A_171] : memref<2000000xf32, #tpu.memory_space<hbm>> -> memref<800xf32, #tpu.memory_space<hbm>>
        %dma_start3A_237 = tpu.memref_slice %arg7[%add3A_171] : memref<2000000xf32, #tpu.memory_space<hbm>> -> memref<800xf32, #tpu.memory_space<hbm>>
        tpu.enqueue_dma source(%arg13 : memref<800xf32, #tpu.memory_space<vmem>>) target(%dma_start3A_237 : memref<800xf32, #tpu.memory_space<hbm>>) target_semaphore(%run_scoped3A : memref<!tpu.dma_semaphore, #tpu.memory_space<semaphore_mem>>)
        %dma_wait3A_238 = tpu.memref_slice %arg7[%add3A_171] : memref<2000000xf32, #tpu.memory_space<hbm>> -> memref<800xf32, #tpu.memory_space<hbm>>
        %dma_wait3A_239 = tpu.memref_slice %arg7[%add3A_171] : memref<2000000xf32, #tpu.memory_space<hbm>> -> memref<800xf32, #tpu.memory_space<hbm>>
        tpu.wait_dma2 semaphore(%run_scoped3A : memref<!tpu.dma_semaphore, #tpu.memory_space<semaphore_mem>>) src(%arg13 : memref<800xf32, #tpu.memory_space<vmem>>) dst(%dma_wait3A_239 : memref<800xf32, #tpu.memory_space<hbm>>)
        tpu.yield
      }) : () -> ()
      %scan3A_172 = arith.constant 0 : i32
      %scan3A_173 = arith.constant 50 : i32
      %scan3A_174 = arith.addi %scan3A_172, %scan3A_173 : i32
      %scan3A_175 = arith.constant 1 : i32
      scf.for %scan3A_236 = %scan3A_172 to %scan3A_174 step %scan3A_175  : i32 {
        %mul3A_237 = arith.constant 1 : i32
        %mul3A_238 = arith.muli %scan3A_236, %mul3A_237 : i32
        %add3A_239 = arith.constant 0 : i32
        %add3A_240 = arith.addi %add3A_239, %mul3A_238 : i32
        %mul3A_241 = arith.constant 16 : i32
        %mul3A_242 = arith.muli %add3A_240, %mul3A_241 : i32
        %get3A_243 = arith.index_cast %mul3A_242 : i32 to index
        %get3A_244 = tpu.vector_load %arg9[%get3A_243] {strides = array<i32>} : memref<800xi32, #tpu.memory_space<vmem>>, vector<16xi32>,
        %get3A_245 = vector.shape_cast %get3A_244 : vector<16xi32> to vector<16xi32>
        %add3A_246 = arith.constant 8000000 : i32
        %add3A_247 = vector.broadcast %add3A_246 : i32 to vector<16xi32>
        %add3A_248 = arith.addi %get3A_245, %add3A_247 : vector<16xi32>
        %swap3A = arith.index_cast %mul3A_242 : i32 to index
        %swap3A_249 = tpu.vector_load %arg10[%swap3A] {strides = array<i32>} : memref<800xi32, #tpu.memory_space<vmem>>, vector<16xi32>,
        %swap3A_250 = vector.shape_cast %swap3A_249 : vector<16xi32> to vector<16xi32>
        %swap3A_251 = vector.shape_cast %add3A_248 : vector<16xi32> to vector<16xi32>
        tpu.vector_store %arg10[%swap3A], %swap3A_251 {strides = array<i32>} : memref<800xi32, #tpu.memory_space<vmem>>, vector<16xi32>,
      }
      %scan3A_176 = arith.constant 50 : i32
      %dma_start3A_177 = arith.constant 0 : i32
      %dma_start3A_178 = tpu.memref_slice %arg2[%dma_start3A_177] : memref<12000000xf32, #tpu.memory_space<hbm>> -> memref<12000000xf32, #tpu.memory_space<hbm>>
      tpu.enqueue_indirect_dma source(%dma_start3A_178 : memref<12000000xf32, #tpu.memory_space<hbm>>) target(%arg11 : memref<800xf32, #tpu.memory_space<vmem>>) offsets(%arg10 : memref<800xi32, #tpu.memory_space<vmem>>) semaphore(%arg15 : memref<!tpu.dma_semaphore, #tpu.memory_space<semaphore_mem>>)
      %dma_wait3A_179 = arith.constant 0 : i32
      %dma_wait3A_180 = tpu.memref_slice %arg2[%dma_wait3A_179] : memref<12000000xf32, #tpu.memory_space<hbm>> -> memref<12000000xf32, #tpu.memory_space<hbm>>
      tpu.wait_indirect_dma semaphore(%arg15 : memref<!tpu.dma_semaphore, #tpu.memory_space<semaphore_mem>>) src(%dma_wait3A_180 : memref<12000000xf32, #tpu.memory_space<hbm>>) dst(%arg11 : memref<800xf32, #tpu.memory_space<vmem>>)
      %scan3A_181 = arith.constant 0 : i32
      %scan3A_182 = arith.constant 50 : i32
      %scan3A_183 = arith.addi %scan3A_181, %scan3A_182 : i32
      %scan3A_184 = arith.constant 1 : i32
      scf.for %scan3A_236 = %scan3A_181 to %scan3A_183 step %scan3A_184  : i32 {
        %mul3A_237 = arith.constant 1 : i32
        %mul3A_238 = arith.muli %scan3A_236, %mul3A_237 : i32
        %add3A_239 = arith.constant 0 : i32
        %add3A_240 = arith.addi %add3A_239, %mul3A_238 : i32
        %mul3A_241 = arith.constant 16 : i32
        %mul3A_242 = arith.muli %add3A_240, %mul3A_241 : i32
        %get3A_243 = arith.index_cast %mul3A_242 : i32 to index
        %get3A_244 = tpu.vector_load %arg11[%get3A_243] {strides = array<i32>} : memref<800xf32, #tpu.memory_space<vmem>>, vector<16xf32>,
        %get3A_245 = vector.shape_cast %get3A_244 : vector<16xf32> to vector<16xf32>
        %get3A_246 = arith.index_cast %mul3A_242 : i32 to index
        %get3A_247 = tpu.vector_load %arg12[%get3A_246] {strides = array<i32>} : memref<800xf32, #tpu.memory_space<vmem>>, vector<16xf32>,
        %get3A_248 = vector.shape_cast %get3A_247 : vector<16xf32> to vector<16xf32>
        %mul3A_249 = arith.mulf %get3A_245, %get3A_248 : vector<16xf32>
        %mul3A_250 = arith.mulf %mul3A_249, %get3A_14 : vector<16xf32>
        %add3A_251 = arith.addf %mul3A_250, %get3A_17 : vector<16xf32>
        %swap3A = arith.index_cast %mul3A_242 : i32 to index
        %swap3A_252 = tpu.vector_load %arg13[%swap3A] {strides = array<i32>} : memref<800xf32, #tpu.memory_space<vmem>>, vector<16xf32>,
        %swap3A_253 = vector.shape_cast %swap3A_252 : vector<16xf32> to vector<16xf32>
        %swap3A_254 = vector.shape_cast %add3A_251 : vector<16xf32> to vector<16xf32>
        tpu.vector_store %arg13[%swap3A], %swap3A_254 {strides = array<i32>} : memref<800xf32, #tpu.memory_space<vmem>>, vector<16xf32>,
      }
      %scan3A_185 = arith.constant 50 : i32
      %add3A_186 = arith.constant 1000000 : i32
      %add3A_187 = arith.addi %add3A_186, %mul3A_37 : i32
      "tpu.region"() ({
        %run_scoped3A = tpu.sem_alloc : memref<!tpu.dma_semaphore, #tpu.memory_space<semaphore_mem>>
        %dma_start3A_236 = tpu.memref_slice %arg8[%add3A_187] : memref<2000000xf32, #tpu.memory_space<hbm>> -> memref<800xf32, #tpu.memory_space<hbm>>
        %dma_start3A_237 = tpu.memref_slice %arg8[%add3A_187] : memref<2000000xf32, #tpu.memory_space<hbm>> -> memref<800xf32, #tpu.memory_space<hbm>>
        tpu.enqueue_dma source(%arg13 : memref<800xf32, #tpu.memory_space<vmem>>) target(%dma_start3A_237 : memref<800xf32, #tpu.memory_space<hbm>>) target_semaphore(%run_scoped3A : memref<!tpu.dma_semaphore, #tpu.memory_space<semaphore_mem>>)
        %dma_wait3A_238 = tpu.memref_slice %arg8[%add3A_187] : memref<2000000xf32, #tpu.memory_space<hbm>> -> memref<800xf32, #tpu.memory_space<hbm>>
        %dma_wait3A_239 = tpu.memref_slice %arg8[%add3A_187] : memref<2000000xf32, #tpu.memory_space<hbm>> -> memref<800xf32, #tpu.memory_space<hbm>>
        tpu.wait_dma2 semaphore(%run_scoped3A : memref<!tpu.dma_semaphore, #tpu.memory_space<semaphore_mem>>) src(%arg13 : memref<800xf32, #tpu.memory_space<vmem>>) dst(%dma_wait3A_239 : memref<800xf32, #tpu.memory_space<hbm>>)
        tpu.yield
      }) : () -> ()
      %scan3A_188 = arith.constant 0 : i32
      %scan3A_189 = arith.constant 50 : i32
      %scan3A_190 = arith.addi %scan3A_188, %scan3A_189 : i32
      %scan3A_191 = arith.constant 1 : i32
      scf.for %scan3A_236 = %scan3A_188 to %scan3A_190 step %scan3A_191  : i32 {
        %mul3A_237 = arith.constant 1 : i32
        %mul3A_238 = arith.muli %scan3A_236, %mul3A_237 : i32
        %add3A_239 = arith.constant 0 : i32
        %add3A_240 = arith.addi %add3A_239, %mul3A_238 : i32
        %mul3A_241 = arith.constant 16 : i32
        %mul3A_242 = arith.muli %add3A_240, %mul3A_241 : i32
        %get3A_243 = arith.index_cast %mul3A_242 : i32 to index
        %get3A_244 = tpu.vector_load %arg9[%get3A_243] {strides = array<i32>} : memref<800xi32, #tpu.memory_space<vmem>>, vector<16xi32>,
        %get3A_245 = vector.shape_cast %get3A_244 : vector<16xi32> to vector<16xi32>
        %add3A_246 = arith.constant 9000000 : i32
        %add3A_247 = vector.broadcast %add3A_246 : i32 to vector<16xi32>
        %add3A_248 = arith.addi %get3A_245, %add3A_247 : vector<16xi32>
        %swap3A = arith.index_cast %mul3A_242 : i32 to index
        %swap3A_249 = tpu.vector_load %arg10[%swap3A] {strides = array<i32>} : memref<800xi32, #tpu.memory_space<vmem>>, vector<16xi32>,
        %swap3A_250 = vector.shape_cast %swap3A_249 : vector<16xi32> to vector<16xi32>
        %swap3A_251 = vector.shape_cast %add3A_248 : vector<16xi32> to vector<16xi32>
        tpu.vector_store %arg10[%swap3A], %swap3A_251 {strides = array<i32>} : memref<800xi32, #tpu.memory_space<vmem>>, vector<16xi32>,
      }
      %scan3A_192 = arith.constant 50 : i32
      %dma_start3A_193 = arith.constant 0 : i32
      %dma_start3A_194 = tpu.memref_slice %arg2[%dma_start3A_193] : memref<12000000xf32, #tpu.memory_space<hbm>> -> memref<12000000xf32, #tpu.memory_space<hbm>>
      tpu.enqueue_indirect_dma source(%dma_start3A_194 : memref<12000000xf32, #tpu.memory_space<hbm>>) target(%arg11 : memref<800xf32, #tpu.memory_space<vmem>>) offsets(%arg10 : memref<800xi32, #tpu.memory_space<vmem>>) semaphore(%arg15 : memref<!tpu.dma_semaphore, #tpu.memory_space<semaphore_mem>>)
      %dma_wait3A_195 = arith.constant 0 : i32
      %dma_wait3A_196 = tpu.memref_slice %arg2[%dma_wait3A_195] : memref<12000000xf32, #tpu.memory_space<hbm>> -> memref<12000000xf32, #tpu.memory_space<hbm>>
      tpu.wait_indirect_dma semaphore(%arg15 : memref<!tpu.dma_semaphore, #tpu.memory_space<semaphore_mem>>) src(%dma_wait3A_196 : memref<12000000xf32, #tpu.memory_space<hbm>>) dst(%arg11 : memref<800xf32, #tpu.memory_space<vmem>>)
      %scan3A_197 = arith.constant 0 : i32
      %scan3A_198 = arith.constant 50 : i32
      %scan3A_199 = arith.addi %scan3A_197, %scan3A_198 : i32
      %scan3A_200 = arith.constant 1 : i32
      scf.for %scan3A_236 = %scan3A_197 to %scan3A_199 step %scan3A_200  : i32 {
        %mul3A_237 = arith.constant 1 : i32
        %mul3A_238 = arith.muli %scan3A_236, %mul3A_237 : i32
        %add3A_239 = arith.constant 0 : i32
        %add3A_240 = arith.addi %add3A_239, %mul3A_238 : i32
        %mul3A_241 = arith.constant 16 : i32
        %mul3A_242 = arith.muli %add3A_240, %mul3A_241 : i32
        %get3A_243 = arith.index_cast %mul3A_242 : i32 to index
        %get3A_244 = tpu.vector_load %arg11[%get3A_243] {strides = array<i32>} : memref<800xf32, #tpu.memory_space<vmem>>, vector<16xf32>,
        %get3A_245 = vector.shape_cast %get3A_244 : vector<16xf32> to vector<16xf32>
        %get3A_246 = arith.index_cast %mul3A_242 : i32 to index
        %get3A_247 = tpu.vector_load %arg12[%get3A_246] {strides = array<i32>} : memref<800xf32, #tpu.memory_space<vmem>>, vector<16xf32>,
        %get3A_248 = vector.shape_cast %get3A_247 : vector<16xf32> to vector<16xf32>
        %mul3A_249 = arith.mulf %get3A_245, %get3A_248 : vector<16xf32>
        %mul3A_250 = arith.mulf %mul3A_249, %get3A_2 : vector<16xf32>
        %add3A_251 = arith.addf %mul3A_250, %get3A_5 : vector<16xf32>
        %swap3A = arith.index_cast %mul3A_242 : i32 to index
        %swap3A_252 = tpu.vector_load %arg13[%swap3A] {strides = array<i32>} : memref<800xf32, #tpu.memory_space<vmem>>, vector<16xf32>,
        %swap3A_253 = vector.shape_cast %swap3A_252 : vector<16xf32> to vector<16xf32>
        %swap3A_254 = vector.shape_cast %add3A_251 : vector<16xf32> to vector<16xf32>
        tpu.vector_store %arg13[%swap3A], %swap3A_254 {strides = array<i32>} : memref<800xf32, #tpu.memory_space<vmem>>, vector<16xf32>,
      }
      %scan3A_201 = arith.constant 50 : i32
      %add3A_202 = arith.constant 1500000 : i32
      %add3A_203 = arith.addi %add3A_202, %mul3A_37 : i32
      "tpu.region"() ({
        %run_scoped3A = tpu.sem_alloc : memref<!tpu.dma_semaphore, #tpu.memory_space<semaphore_mem>>
        %dma_start3A_236 = tpu.memref_slice %arg6[%add3A_203] : memref<2000000xf32, #tpu.memory_space<hbm>> -> memref<800xf32, #tpu.memory_space<hbm>>
        %dma_start3A_237 = tpu.memref_slice %arg6[%add3A_203] : memref<2000000xf32, #tpu.memory_space<hbm>> -> memref<800xf32, #tpu.memory_space<hbm>>
        tpu.enqueue_dma source(%arg13 : memref<800xf32, #tpu.memory_space<vmem>>) target(%dma_start3A_237 : memref<800xf32, #tpu.memory_space<hbm>>) target_semaphore(%run_scoped3A : memref<!tpu.dma_semaphore, #tpu.memory_space<semaphore_mem>>)
        %dma_wait3A_238 = tpu.memref_slice %arg6[%add3A_203] : memref<2000000xf32, #tpu.memory_space<hbm>> -> memref<800xf32, #tpu.memory_space<hbm>>
        %dma_wait3A_239 = tpu.memref_slice %arg6[%add3A_203] : memref<2000000xf32, #tpu.memory_space<hbm>> -> memref<800xf32, #tpu.memory_space<hbm>>
        tpu.wait_dma2 semaphore(%run_scoped3A : memref<!tpu.dma_semaphore, #tpu.memory_space<semaphore_mem>>) src(%arg13 : memref<800xf32, #tpu.memory_space<vmem>>) dst(%dma_wait3A_239 : memref<800xf32, #tpu.memory_space<hbm>>)
        tpu.yield
      }) : () -> ()
      %scan3A_204 = arith.constant 0 : i32
      %scan3A_205 = arith.constant 50 : i32
      %scan3A_206 = arith.addi %scan3A_204, %scan3A_205 : i32
      %scan3A_207 = arith.constant 1 : i32
      scf.for %scan3A_236 = %scan3A_204 to %scan3A_206 step %scan3A_207  : i32 {
        %mul3A_237 = arith.constant 1 : i32
        %mul3A_238 = arith.muli %scan3A_236, %mul3A_237 : i32
        %add3A_239 = arith.constant 0 : i32
        %add3A_240 = arith.addi %add3A_239, %mul3A_238 : i32
        %mul3A_241 = arith.constant 16 : i32
        %mul3A_242 = arith.muli %add3A_240, %mul3A_241 : i32
        %get3A_243 = arith.index_cast %mul3A_242 : i32 to index
        %get3A_244 = tpu.vector_load %arg9[%get3A_243] {strides = array<i32>} : memref<800xi32, #tpu.memory_space<vmem>>, vector<16xi32>,
        %get3A_245 = vector.shape_cast %get3A_244 : vector<16xi32> to vector<16xi32>
        %add3A_246 = arith.constant 10000000 : i32
        %add3A_247 = vector.broadcast %add3A_246 : i32 to vector<16xi32>
        %add3A_248 = arith.addi %get3A_245, %add3A_247 : vector<16xi32>
        %swap3A = arith.index_cast %mul3A_242 : i32 to index
        %swap3A_249 = tpu.vector_load %arg10[%swap3A] {strides = array<i32>} : memref<800xi32, #tpu.memory_space<vmem>>, vector<16xi32>,
        %swap3A_250 = vector.shape_cast %swap3A_249 : vector<16xi32> to vector<16xi32>
        %swap3A_251 = vector.shape_cast %add3A_248 : vector<16xi32> to vector<16xi32>
        tpu.vector_store %arg10[%swap3A], %swap3A_251 {strides = array<i32>} : memref<800xi32, #tpu.memory_space<vmem>>, vector<16xi32>,
      }
      %scan3A_208 = arith.constant 50 : i32
      %dma_start3A_209 = arith.constant 0 : i32
      %dma_start3A_210 = tpu.memref_slice %arg2[%dma_start3A_209] : memref<12000000xf32, #tpu.memory_space<hbm>> -> memref<12000000xf32, #tpu.memory_space<hbm>>
      tpu.enqueue_indirect_dma source(%dma_start3A_210 : memref<12000000xf32, #tpu.memory_space<hbm>>) target(%arg11 : memref<800xf32, #tpu.memory_space<vmem>>) offsets(%arg10 : memref<800xi32, #tpu.memory_space<vmem>>) semaphore(%arg15 : memref<!tpu.dma_semaphore, #tpu.memory_space<semaphore_mem>>)
      %dma_wait3A_211 = arith.constant 0 : i32
      %dma_wait3A_212 = tpu.memref_slice %arg2[%dma_wait3A_211] : memref<12000000xf32, #tpu.memory_space<hbm>> -> memref<12000000xf32, #tpu.memory_space<hbm>>
      tpu.wait_indirect_dma semaphore(%arg15 : memref<!tpu.dma_semaphore, #tpu.memory_space<semaphore_mem>>) src(%dma_wait3A_212 : memref<12000000xf32, #tpu.memory_space<hbm>>) dst(%arg11 : memref<800xf32, #tpu.memory_space<vmem>>)
      %scan3A_213 = arith.constant 0 : i32
      %scan3A_214 = arith.constant 50 : i32
      %scan3A_215 = arith.addi %scan3A_213, %scan3A_214 : i32
      %scan3A_216 = arith.constant 1 : i32
      scf.for %scan3A_236 = %scan3A_213 to %scan3A_215 step %scan3A_216  : i32 {
        %mul3A_237 = arith.constant 1 : i32
        %mul3A_238 = arith.muli %scan3A_236, %mul3A_237 : i32
        %add3A_239 = arith.constant 0 : i32
        %add3A_240 = arith.addi %add3A_239, %mul3A_238 : i32
        %mul3A_241 = arith.constant 16 : i32
        %mul3A_242 = arith.muli %add3A_240, %mul3A_241 : i32
        %get3A_243 = arith.index_cast %mul3A_242 : i32 to index
        %get3A_244 = tpu.vector_load %arg11[%get3A_243] {strides = array<i32>} : memref<800xf32, #tpu.memory_space<vmem>>, vector<16xf32>,
        %get3A_245 = vector.shape_cast %get3A_244 : vector<16xf32> to vector<16xf32>
        %get3A_246 = arith.index_cast %mul3A_242 : i32 to index
        %get3A_247 = tpu.vector_load %arg12[%get3A_246] {strides = array<i32>} : memref<800xf32, #tpu.memory_space<vmem>>, vector<16xf32>,
        %get3A_248 = vector.shape_cast %get3A_247 : vector<16xf32> to vector<16xf32>
        %mul3A_249 = arith.mulf %get3A_245, %get3A_248 : vector<16xf32>
        %mul3A_250 = arith.mulf %mul3A_249, %get3A_8 : vector<16xf32>
        %add3A_251 = arith.addf %mul3A_250, %get3A_11 : vector<16xf32>
        %swap3A = arith.index_cast %mul3A_242 : i32 to index
        %swap3A_252 = tpu.vector_load %arg13[%swap3A] {strides = array<i32>} : memref<800xf32, #tpu.memory_space<vmem>>, vector<16xf32>,
        %swap3A_253 = vector.shape_cast %swap3A_252 : vector<16xf32> to vector<16xf32>
        %swap3A_254 = vector.shape_cast %add3A_251 : vector<16xf32> to vector<16xf32>
        tpu.vector_store %arg13[%swap3A], %swap3A_254 {strides = array<i32>} : memref<800xf32, #tpu.memory_space<vmem>>, vector<16xf32>,
      }
      %scan3A_217 = arith.constant 50 : i32
      %add3A_218 = arith.constant 1500000 : i32
      %add3A_219 = arith.addi %add3A_218, %mul3A_37 : i32
      "tpu.region"() ({
        %run_scoped3A = tpu.sem_alloc : memref<!tpu.dma_semaphore, #tpu.memory_space<semaphore_mem>>
        %dma_start3A_236 = tpu.memref_slice %arg7[%add3A_219] : memref<2000000xf32, #tpu.memory_space<hbm>> -> memref<800xf32, #tpu.memory_space<hbm>>
        %dma_start3A_237 = tpu.memref_slice %arg7[%add3A_219] : memref<2000000xf32, #tpu.memory_space<hbm>> -> memref<800xf32, #tpu.memory_space<hbm>>
        tpu.enqueue_dma source(%arg13 : memref<800xf32, #tpu.memory_space<vmem>>) target(%dma_start3A_237 : memref<800xf32, #tpu.memory_space<hbm>>) target_semaphore(%run_scoped3A : memref<!tpu.dma_semaphore, #tpu.memory_space<semaphore_mem>>)
        %dma_wait3A_238 = tpu.memref_slice %arg7[%add3A_219] : memref<2000000xf32, #tpu.memory_space<hbm>> -> memref<800xf32, #tpu.memory_space<hbm>>
        %dma_wait3A_239 = tpu.memref_slice %arg7[%add3A_219] : memref<2000000xf32, #tpu.memory_space<hbm>> -> memref<800xf32, #tpu.memory_space<hbm>>
        tpu.wait_dma2 semaphore(%run_scoped3A : memref<!tpu.dma_semaphore, #tpu.memory_space<semaphore_mem>>) src(%arg13 : memref<800xf32, #tpu.memory_space<vmem>>) dst(%dma_wait3A_239 : memref<800xf32, #tpu.memory_space<hbm>>)
        tpu.yield
      }) : () -> ()
      %scan3A_220 = arith.constant 0 : i32
      %scan3A_221 = arith.constant 50 : i32
      %scan3A_222 = arith.addi %scan3A_220, %scan3A_221 : i32
      %scan3A_223 = arith.constant 1 : i32
      scf.for %scan3A_236 = %scan3A_220 to %scan3A_222 step %scan3A_223  : i32 {
        %mul3A_237 = arith.constant 1 : i32
        %mul3A_238 = arith.muli %scan3A_236, %mul3A_237 : i32
        %add3A_239 = arith.constant 0 : i32
        %add3A_240 = arith.addi %add3A_239, %mul3A_238 : i32
        %mul3A_241 = arith.constant 16 : i32
        %mul3A_242 = arith.muli %add3A_240, %mul3A_241 : i32
        %get3A_243 = arith.index_cast %mul3A_242 : i32 to index
        %get3A_244 = tpu.vector_load %arg9[%get3A_243] {strides = array<i32>} : memref<800xi32, #tpu.memory_space<vmem>>, vector<16xi32>,
        %get3A_245 = vector.shape_cast %get3A_244 : vector<16xi32> to vector<16xi32>
        %add3A_246 = arith.constant 11000000 : i32
        %add3A_247 = vector.broadcast %add3A_246 : i32 to vector<16xi32>
        %add3A_248 = arith.addi %get3A_245, %add3A_247 : vector<16xi32>
        %swap3A = arith.index_cast %mul3A_242 : i32 to index
        %swap3A_249 = tpu.vector_load %arg10[%swap3A] {strides = array<i32>} : memref<800xi32, #tpu.memory_space<vmem>>, vector<16xi32>,
        %swap3A_250 = vector.shape_cast %swap3A_249 : vector<16xi32> to vector<16xi32>
        %swap3A_251 = vector.shape_cast %add3A_248 : vector<16xi32> to vector<16xi32>
        tpu.vector_store %arg10[%swap3A], %swap3A_251 {strides = array<i32>} : memref<800xi32, #tpu.memory_space<vmem>>, vector<16xi32>,
      }
      %scan3A_224 = arith.constant 50 : i32
      %dma_start3A_225 = arith.constant 0 : i32
      %dma_start3A_226 = tpu.memref_slice %arg2[%dma_start3A_225] : memref<12000000xf32, #tpu.memory_space<hbm>> -> memref<12000000xf32, #tpu.memory_space<hbm>>
      tpu.enqueue_indirect_dma source(%dma_start3A_226 : memref<12000000xf32, #tpu.memory_space<hbm>>) target(%arg11 : memref<800xf32, #tpu.memory_space<vmem>>) offsets(%arg10 : memref<800xi32, #tpu.memory_space<vmem>>) semaphore(%arg15 : memref<!tpu.dma_semaphore, #tpu.memory_space<semaphore_mem>>)
      %dma_wait3A_227 = arith.constant 0 : i32
      %dma_wait3A_228 = tpu.memref_slice %arg2[%dma_wait3A_227] : memref<12000000xf32, #tpu.memory_space<hbm>> -> memref<12000000xf32, #tpu.memory_space<hbm>>
      tpu.wait_indirect_dma semaphore(%arg15 : memref<!tpu.dma_semaphore, #tpu.memory_space<semaphore_mem>>) src(%dma_wait3A_228 : memref<12000000xf32, #tpu.memory_space<hbm>>) dst(%arg11 : memref<800xf32, #tpu.memory_space<vmem>>)
      %scan3A_229 = arith.constant 0 : i32
      %scan3A_230 = arith.constant 50 : i32
      %scan3A_231 = arith.addi %scan3A_229, %scan3A_230 : i32
      %scan3A_232 = arith.constant 1 : i32
      scf.for %scan3A_236 = %scan3A_229 to %scan3A_231 step %scan3A_232  : i32 {
        %mul3A_237 = arith.constant 1 : i32
        %mul3A_238 = arith.muli %scan3A_236, %mul3A_237 : i32
        %add3A_239 = arith.constant 0 : i32
        %add3A_240 = arith.addi %add3A_239, %mul3A_238 : i32
        %mul3A_241 = arith.constant 16 : i32
        %mul3A_242 = arith.muli %add3A_240, %mul3A_241 : i32
        %get3A_243 = arith.index_cast %mul3A_242 : i32 to index
        %get3A_244 = tpu.vector_load %arg11[%get3A_243] {strides = array<i32>} : memref<800xf32, #tpu.memory_space<vmem>>, vector<16xf32>,
        %get3A_245 = vector.shape_cast %get3A_244 : vector<16xf32> to vector<16xf32>
        %get3A_246 = arith.index_cast %mul3A_242 : i32 to index
        %get3A_247 = tpu.vector_load %arg12[%get3A_246] {strides = array<i32>} : memref<800xf32, #tpu.memory_space<vmem>>, vector<16xf32>,
        %get3A_248 = vector.shape_cast %get3A_247 : vector<16xf32> to vector<16xf32>
        %mul3A_249 = arith.mulf %get3A_245, %get3A_248 : vector<16xf32>
        %mul3A_250 = arith.mulf %mul3A_249, %get3A_14 : vector<16xf32>
        %add3A_251 = arith.addf %mul3A_250, %get3A_17 : vector<16xf32>
        %swap3A = arith.index_cast %mul3A_242 : i32 to index
        %swap3A_252 = tpu.vector_load %arg13[%swap3A] {strides = array<i32>} : memref<800xf32, #tpu.memory_space<vmem>>, vector<16xf32>,
        %swap3A_253 = vector.shape_cast %swap3A_252 : vector<16xf32> to vector<16xf32>
        %swap3A_254 = vector.shape_cast %add3A_251 : vector<16xf32> to vector<16xf32>
        tpu.vector_store %arg13[%swap3A], %swap3A_254 {strides = array<i32>} : memref<800xf32, #tpu.memory_space<vmem>>, vector<16xf32>,
      }
      %scan3A_233 = arith.constant 50 : i32
      %add3A_234 = arith.constant 1500000 : i32
      %add3A_235 = arith.addi %add3A_234, %mul3A_37 : i32
      "tpu.region"() ({
        %run_scoped3A = tpu.sem_alloc : memref<!tpu.dma_semaphore, #tpu.memory_space<semaphore_mem>>
        %dma_start3A_236 = tpu.memref_slice %arg8[%add3A_235] : memref<2000000xf32, #tpu.memory_space<hbm>> -> memref<800xf32, #tpu.memory_space<hbm>>
        %dma_start3A_237 = tpu.memref_slice %arg8[%add3A_235] : memref<2000000xf32, #tpu.memory_space<hbm>> -> memref<800xf32, #tpu.memory_space<hbm>>
        tpu.enqueue_dma source(%arg13 : memref<800xf32, #tpu.memory_space<vmem>>) target(%dma_start3A_237 : memref<800xf32, #tpu.memory_space<hbm>>) target_semaphore(%run_scoped3A : memref<!tpu.dma_semaphore, #tpu.memory_space<semaphore_mem>>)
        %dma_wait3A_238 = tpu.memref_slice %arg8[%add3A_235] : memref<2000000xf32, #tpu.memory_space<hbm>> -> memref<800xf32, #tpu.memory_space<hbm>>
        %dma_wait3A_239 = tpu.memref_slice %arg8[%add3A_235] : memref<2000000xf32, #tpu.memory_space<hbm>> -> memref<800xf32, #tpu.memory_space<hbm>>
        tpu.wait_dma2 semaphore(%run_scoped3A : memref<!tpu.dma_semaphore, #tpu.memory_space<semaphore_mem>>) src(%arg13 : memref<800xf32, #tpu.memory_space<vmem>>) dst(%dma_wait3A_239 : memref<800xf32, #tpu.memory_space<hbm>>)
        tpu.yield
      }) : () -> ()
    }
    %while3A_32 = arith.constant 1 : i32
    scf.for %while3A_33 = %while3A_30 to %while3A_26 step %while3A_32  : i32 {
      %mul3A_34 = arith.muli %while3A_33, %while3A : i32
      %add3A_35 = arith.addi %add3A, %mul3A_34 : i32
      %mul3A_36 = arith.constant 800 : i32
      %mul3A_37 = arith.muli %add3A_35, %mul3A_36 : i32
      "tpu.region"() ({
        %run_scoped3A = tpu.sem_alloc : memref<!tpu.dma_semaphore, #tpu.memory_space<semaphore_mem>>
        %dma_start3A_236 = tpu.memref_slice %arg4[%mul3A_37] : memref<500000xi32, #tpu.memory_space<hbm>> -> memref<800xi32, #tpu.memory_space<hbm>>
        %dma_start3A_237 = tpu.memref_slice %arg4[%mul3A_37] : memref<500000xi32, #tpu.memory_space<hbm>> -> memref<800xi32, #tpu.memory_space<hbm>>
        tpu.enqueue_dma source(%dma_start3A_237 : memref<800xi32, #tpu.memory_space<hbm>>) target(%arg9 : memref<800xi32, #tpu.memory_space<vmem>>) target_semaphore(%run_scoped3A : memref<!tpu.dma_semaphore, #tpu.memory_space<semaphore_mem>>)
        %dma_wait3A_238 = tpu.memref_slice %arg4[%mul3A_37] : memref<500000xi32, #tpu.memory_space<hbm>> -> memref<800xi32, #tpu.memory_space<hbm>>
        %dma_wait3A_239 = tpu.memref_slice %arg4[%mul3A_37] : memref<500000xi32, #tpu.memory_space<hbm>> -> memref<800xi32, #tpu.memory_space<hbm>>
        tpu.wait_dma2 semaphore(%run_scoped3A : memref<!tpu.dma_semaphore, #tpu.memory_space<semaphore_mem>>) src(%dma_wait3A_239 : memref<800xi32, #tpu.memory_space<hbm>>) dst(%arg9 : memref<800xi32, #tpu.memory_space<vmem>>)
        tpu.yield
      }) : () -> ()
      %dma_start3A = arith.constant 0 : i32
      %dma_start3A_38 = tpu.memref_slice %arg3[%dma_start3A] : memref<1000000xf32, #tpu.memory_space<hbm>> -> memref<1000000xf32, #tpu.memory_space<hbm>>
      tpu.enqueue_indirect_dma source(%dma_start3A_38 : memref<1000000xf32, #tpu.memory_space<hbm>>) target(%arg11 : memref<800xf32, #tpu.memory_space<vmem>>) offsets(%arg9 : memref<800xi32, #tpu.memory_space<vmem>>) semaphore(%arg15 : memref<!tpu.dma_semaphore, #tpu.memory_space<semaphore_mem>>)
      %dma_wait3A = arith.constant 0 : i32
      %dma_wait3A_39 = tpu.memref_slice %arg3[%dma_wait3A] : memref<1000000xf32, #tpu.memory_space<hbm>> -> memref<1000000xf32, #tpu.memory_space<hbm>>
      tpu.wait_indirect_dma semaphore(%arg15 : memref<!tpu.dma_semaphore, #tpu.memory_space<semaphore_mem>>) src(%dma_wait3A_39 : memref<1000000xf32, #tpu.memory_space<hbm>>) dst(%arg11 : memref<800xf32, #tpu.memory_space<vmem>>)
      %scan3A = arith.constant 0 : i32
      %scan3A_40 = arith.constant 50 : i32
      %scan3A_41 = arith.addi %scan3A, %scan3A_40 : i32
      %scan3A_42 = arith.constant 1 : i32
      scf.for %scan3A_236 = %scan3A to %scan3A_41 step %scan3A_42  : i32 {
        %mul3A_237 = arith.constant 1 : i32
        %mul3A_238 = arith.muli %scan3A_236, %mul3A_237 : i32
        %add3A_239 = arith.constant 0 : i32
        %add3A_240 = arith.addi %add3A_239, %mul3A_238 : i32
        %mul3A_241 = arith.constant 16 : i32
        %mul3A_242 = arith.muli %add3A_240, %mul3A_241 : i32
        %get3A_243 = arith.index_cast %mul3A_242 : i32 to index
        %get3A_244 = tpu.vector_load %arg11[%get3A_243] {strides = array<i32>} : memref<800xf32, #tpu.memory_space<vmem>>, vector<16xf32>,
        %get3A_245 = vector.shape_cast %get3A_244 : vector<16xf32> to vector<16xf32>
        %max3A = arith.constant 1.000000e+00 : f32
        %max3A_246 = vector.broadcast %max3A : f32 to vector<16xf32>
        %max3A_247 = arith.maximumf %get3A_245, %max3A_246 : vector<16xf32>
        %div3A_248 = arith.constant 1.000000e+00 : f32
        %div3A_249 = vector.broadcast %div3A_248 : f32 to vector<16xf32>
        %div3A_250 = arith.divf %div3A_249, %max3A_247 : vector<16xf32>
        %swap3A = arith.index_cast %mul3A_242 : i32 to index
        %swap3A_251 = tpu.vector_load %arg12[%swap3A] {strides = array<i32>} : memref<800xf32, #tpu.memory_space<vmem>>, vector<16xf32>,
        %swap3A_252 = vector.shape_cast %swap3A_251 : vector<16xf32> to vector<16xf32>
        %swap3A_253 = vector.shape_cast %div3A_250 : vector<16xf32> to vector<16xf32>
        tpu.vector_store %arg12[%swap3A], %swap3A_253 {strides = array<i32>} : memref<800xf32, #tpu.memory_space<vmem>>, vector<16xf32>,
      }
      %scan3A_43 = arith.constant 50 : i32
      %scan3A_44 = arith.constant 0 : i32
      %scan3A_45 = arith.constant 50 : i32
      %scan3A_46 = arith.addi %scan3A_44, %scan3A_45 : i32
      %scan3A_47 = arith.constant 1 : i32
      scf.for %scan3A_236 = %scan3A_44 to %scan3A_46 step %scan3A_47  : i32 {
        %mul3A_237 = arith.constant 1 : i32
        %mul3A_238 = arith.muli %scan3A_236, %mul3A_237 : i32
        %add3A_239 = arith.constant 0 : i32
        %add3A_240 = arith.addi %add3A_239, %mul3A_238 : i32
        %mul3A_241 = arith.constant 16 : i32
        %mul3A_242 = arith.muli %add3A_240, %mul3A_241 : i32
        %get3A_243 = arith.index_cast %mul3A_242 : i32 to index
        %get3A_244 = tpu.vector_load %arg9[%get3A_243] {strides = array<i32>} : memref<800xi32, #tpu.memory_space<vmem>>, vector<16xi32>,
        %get3A_245 = vector.shape_cast %get3A_244 : vector<16xi32> to vector<16xi32>
        %add3A_246 = arith.constant 0 : i32
        %add3A_247 = vector.broadcast %add3A_246 : i32 to vector<16xi32>
        %add3A_248 = arith.addi %get3A_245, %add3A_247 : vector<16xi32>
        %swap3A = arith.index_cast %mul3A_242 : i32 to index
        %swap3A_249 = tpu.vector_load %arg10[%swap3A] {strides = array<i32>} : memref<800xi32, #tpu.memory_space<vmem>>, vector<16xi32>,
        %swap3A_250 = vector.shape_cast %swap3A_249 : vector<16xi32> to vector<16xi32>
        %swap3A_251 = vector.shape_cast %add3A_248 : vector<16xi32> to vector<16xi32>
        tpu.vector_store %arg10[%swap3A], %swap3A_251 {strides = array<i32>} : memref<800xi32, #tpu.memory_space<vmem>>, vector<16xi32>,
      }
      %scan3A_48 = arith.constant 50 : i32
      %dma_start3A_49 = arith.constant 0 : i32
      %dma_start3A_50 = tpu.memref_slice %arg2[%dma_start3A_49] : memref<12000000xf32, #tpu.memory_space<hbm>> -> memref<12000000xf32, #tpu.memory_space<hbm>>
      tpu.enqueue_indirect_dma source(%dma_start3A_50 : memref<12000000xf32, #tpu.memory_space<hbm>>) target(%arg11 : memref<800xf32, #tpu.memory_space<vmem>>) offsets(%arg10 : memref<800xi32, #tpu.memory_space<vmem>>) semaphore(%arg15 : memref<!tpu.dma_semaphore, #tpu.memory_space<semaphore_mem>>)
      %dma_wait3A_51 = arith.constant 0 : i32
      %dma_wait3A_52 = tpu.memref_slice %arg2[%dma_wait3A_51] : memref<12000000xf32, #tpu.memory_space<hbm>> -> memref<12000000xf32, #tpu.memory_space<hbm>>
      tpu.wait_indirect_dma semaphore(%arg15 : memref<!tpu.dma_semaphore, #tpu.memory_space<semaphore_mem>>) src(%dma_wait3A_52 : memref<12000000xf32, #tpu.memory_space<hbm>>) dst(%arg11 : memref<800xf32, #tpu.memory_space<vmem>>)
      %scan3A_53 = arith.constant 0 : i32
      %scan3A_54 = arith.constant 50 : i32
      %scan3A_55 = arith.addi %scan3A_53, %scan3A_54 : i32
      %scan3A_56 = arith.constant 1 : i32
      scf.for %scan3A_236 = %scan3A_53 to %scan3A_55 step %scan3A_56  : i32 {
        %mul3A_237 = arith.constant 1 : i32
        %mul3A_238 = arith.muli %scan3A_236, %mul3A_237 : i32
        %add3A_239 = arith.constant 0 : i32
        %add3A_240 = arith.addi %add3A_239, %mul3A_238 : i32
        %mul3A_241 = arith.constant 16 : i32
        %mul3A_242 = arith.muli %add3A_240, %mul3A_241 : i32
        %get3A_243 = arith.index_cast %mul3A_242 : i32 to index
        %get3A_244 = tpu.vector_load %arg11[%get3A_243] {strides = array<i32>} : memref<800xf32, #tpu.memory_space<vmem>>, vector<16xf32>,
        %get3A_245 = vector.shape_cast %get3A_244 : vector<16xf32> to vector<16xf32>
        %get3A_246 = arith.index_cast %mul3A_242 : i32 to index
        %get3A_247 = tpu.vector_load %arg12[%get3A_246] {strides = array<i32>} : memref<800xf32, #tpu.memory_space<vmem>>, vector<16xf32>,
        %get3A_248 = vector.shape_cast %get3A_247 : vector<16xf32> to vector<16xf32>
        %mul3A_249 = arith.mulf %get3A_245, %get3A_248 : vector<16xf32>
        %mul3A_250 = arith.mulf %mul3A_249, %get3A_2 : vector<16xf32>
        %add3A_251 = arith.addf %mul3A_250, %get3A_5 : vector<16xf32>
        %swap3A = arith.index_cast %mul3A_242 : i32 to index
        %swap3A_252 = tpu.vector_load %arg13[%swap3A] {strides = array<i32>} : memref<800xf32, #tpu.memory_space<vmem>>, vector<16xf32>,
        %swap3A_253 = vector.shape_cast %swap3A_252 : vector<16xf32> to vector<16xf32>
        %swap3A_254 = vector.shape_cast %add3A_251 : vector<16xf32> to vector<16xf32>
        tpu.vector_store %arg13[%swap3A], %swap3A_254 {strides = array<i32>} : memref<800xf32, #tpu.memory_space<vmem>>, vector<16xf32>,
      }
      %scan3A_57 = arith.constant 50 : i32
      %add3A_58 = arith.constant 0 : i32
      %add3A_59 = arith.addi %add3A_58, %mul3A_37 : i32
      "tpu.region"() ({
        %run_scoped3A = tpu.sem_alloc : memref<!tpu.dma_semaphore, #tpu.memory_space<semaphore_mem>>
        %dma_start3A_236 = tpu.memref_slice %arg6[%add3A_59] : memref<2000000xf32, #tpu.memory_space<hbm>> -> memref<800xf32, #tpu.memory_space<hbm>>
        %dma_start3A_237 = tpu.memref_slice %arg6[%add3A_59] : memref<2000000xf32, #tpu.memory_space<hbm>> -> memref<800xf32, #tpu.memory_space<hbm>>
        tpu.enqueue_dma source(%arg13 : memref<800xf32, #tpu.memory_space<vmem>>) target(%dma_start3A_237 : memref<800xf32, #tpu.memory_space<hbm>>) target_semaphore(%run_scoped3A : memref<!tpu.dma_semaphore, #tpu.memory_space<semaphore_mem>>)
        %dma_wait3A_238 = tpu.memref_slice %arg6[%add3A_59] : memref<2000000xf32, #tpu.memory_space<hbm>> -> memref<800xf32, #tpu.memory_space<hbm>>
        %dma_wait3A_239 = tpu.memref_slice %arg6[%add3A_59] : memref<2000000xf32, #tpu.memory_space<hbm>> -> memref<800xf32, #tpu.memory_space<hbm>>
        tpu.wait_dma2 semaphore(%run_scoped3A : memref<!tpu.dma_semaphore, #tpu.memory_space<semaphore_mem>>) src(%arg13 : memref<800xf32, #tpu.memory_space<vmem>>) dst(%dma_wait3A_239 : memref<800xf32, #tpu.memory_space<hbm>>)
        tpu.yield
      }) : () -> ()
      %scan3A_60 = arith.constant 0 : i32
      %scan3A_61 = arith.constant 50 : i32
      %scan3A_62 = arith.addi %scan3A_60, %scan3A_61 : i32
      %scan3A_63 = arith.constant 1 : i32
      scf.for %scan3A_236 = %scan3A_60 to %scan3A_62 step %scan3A_63  : i32 {
        %mul3A_237 = arith.constant 1 : i32
        %mul3A_238 = arith.muli %scan3A_236, %mul3A_237 : i32
        %add3A_239 = arith.constant 0 : i32
        %add3A_240 = arith.addi %add3A_239, %mul3A_238 : i32
        %mul3A_241 = arith.constant 16 : i32
        %mul3A_242 = arith.muli %add3A_240, %mul3A_241 : i32
        %get3A_243 = arith.index_cast %mul3A_242 : i32 to index
        %get3A_244 = tpu.vector_load %arg9[%get3A_243] {strides = array<i32>} : memref<800xi32, #tpu.memory_space<vmem>>, vector<16xi32>,
        %get3A_245 = vector.shape_cast %get3A_244 : vector<16xi32> to vector<16xi32>
        %add3A_246 = arith.constant 1000000 : i32
        %add3A_247 = vector.broadcast %add3A_246 : i32 to vector<16xi32>
        %add3A_248 = arith.addi %get3A_245, %add3A_247 : vector<16xi32>
        %swap3A = arith.index_cast %mul3A_242 : i32 to index
        %swap3A_249 = tpu.vector_load %arg10[%swap3A] {strides = array<i32>} : memref<800xi32, #tpu.memory_space<vmem>>, vector<16xi32>,
        %swap3A_250 = vector.shape_cast %swap3A_249 : vector<16xi32> to vector<16xi32>
        %swap3A_251 = vector.shape_cast %add3A_248 : vector<16xi32> to vector<16xi32>
        tpu.vector_store %arg10[%swap3A], %swap3A_251 {strides = array<i32>} : memref<800xi32, #tpu.memory_space<vmem>>, vector<16xi32>,
      }
      %scan3A_64 = arith.constant 50 : i32
      %dma_start3A_65 = arith.constant 0 : i32
      %dma_start3A_66 = tpu.memref_slice %arg2[%dma_start3A_65] : memref<12000000xf32, #tpu.memory_space<hbm>> -> memref<12000000xf32, #tpu.memory_space<hbm>>
      tpu.enqueue_indirect_dma source(%dma_start3A_66 : memref<12000000xf32, #tpu.memory_space<hbm>>) target(%arg11 : memref<800xf32, #tpu.memory_space<vmem>>) offsets(%arg10 : memref<800xi32, #tpu.memory_space<vmem>>) semaphore(%arg15 : memref<!tpu.dma_semaphore, #tpu.memory_space<semaphore_mem>>)
      %dma_wait3A_67 = arith.constant 0 : i32
      %dma_wait3A_68 = tpu.memref_slice %arg2[%dma_wait3A_67] : memref<12000000xf32, #tpu.memory_space<hbm>> -> memref<12000000xf32, #tpu.memory_space<hbm>>
      tpu.wait_indirect_dma semaphore(%arg15 : memref<!tpu.dma_semaphore, #tpu.memory_space<semaphore_mem>>) src(%dma_wait3A_68 : memref<12000000xf32, #tpu.memory_space<hbm>>) dst(%arg11 : memref<800xf32, #tpu.memory_space<vmem>>)
      %scan3A_69 = arith.constant 0 : i32
      %scan3A_70 = arith.constant 50 : i32
      %scan3A_71 = arith.addi %scan3A_69, %scan3A_70 : i32
      %scan3A_72 = arith.constant 1 : i32
      scf.for %scan3A_236 = %scan3A_69 to %scan3A_71 step %scan3A_72  : i32 {
        %mul3A_237 = arith.constant 1 : i32
        %mul3A_238 = arith.muli %scan3A_236, %mul3A_237 : i32
        %add3A_239 = arith.constant 0 : i32
        %add3A_240 = arith.addi %add3A_239, %mul3A_238 : i32
        %mul3A_241 = arith.constant 16 : i32
        %mul3A_242 = arith.muli %add3A_240, %mul3A_241 : i32
        %get3A_243 = arith.index_cast %mul3A_242 : i32 to index
        %get3A_244 = tpu.vector_load %arg11[%get3A_243] {strides = array<i32>} : memref<800xf32, #tpu.memory_space<vmem>>, vector<16xf32>,
        %get3A_245 = vector.shape_cast %get3A_244 : vector<16xf32> to vector<16xf32>
        %get3A_246 = arith.index_cast %mul3A_242 : i32 to index
        %get3A_247 = tpu.vector_load %arg12[%get3A_246] {strides = array<i32>} : memref<800xf32, #tpu.memory_space<vmem>>, vector<16xf32>,
        %get3A_248 = vector.shape_cast %get3A_247 : vector<16xf32> to vector<16xf32>
        %mul3A_249 = arith.mulf %get3A_245, %get3A_248 : vector<16xf32>
        %mul3A_250 = arith.mulf %mul3A_249, %get3A_8 : vector<16xf32>
        %add3A_251 = arith.addf %mul3A_250, %get3A_11 : vector<16xf32>
        %swap3A = arith.index_cast %mul3A_242 : i32 to index
        %swap3A_252 = tpu.vector_load %arg13[%swap3A] {strides = array<i32>} : memref<800xf32, #tpu.memory_space<vmem>>, vector<16xf32>,
        %swap3A_253 = vector.shape_cast %swap3A_252 : vector<16xf32> to vector<16xf32>
        %swap3A_254 = vector.shape_cast %add3A_251 : vector<16xf32> to vector<16xf32>
        tpu.vector_store %arg13[%swap3A], %swap3A_254 {strides = array<i32>} : memref<800xf32, #tpu.memory_space<vmem>>, vector<16xf32>,
      }
      %scan3A_73 = arith.constant 50 : i32
      %add3A_74 = arith.constant 0 : i32
      %add3A_75 = arith.addi %add3A_74, %mul3A_37 : i32
      "tpu.region"() ({
        %run_scoped3A = tpu.sem_alloc : memref<!tpu.dma_semaphore, #tpu.memory_space<semaphore_mem>>
        %dma_start3A_236 = tpu.memref_slice %arg7[%add3A_75] : memref<2000000xf32, #tpu.memory_space<hbm>> -> memref<800xf32, #tpu.memory_space<hbm>>
        %dma_start3A_237 = tpu.memref_slice %arg7[%add3A_75] : memref<2000000xf32, #tpu.memory_space<hbm>> -> memref<800xf32, #tpu.memory_space<hbm>>
        tpu.enqueue_dma source(%arg13 : memref<800xf32, #tpu.memory_space<vmem>>) target(%dma_start3A_237 : memref<800xf32, #tpu.memory_space<hbm>>) target_semaphore(%run_scoped3A : memref<!tpu.dma_semaphore, #tpu.memory_space<semaphore_mem>>)
        %dma_wait3A_238 = tpu.memref_slice %arg7[%add3A_75] : memref<2000000xf32, #tpu.memory_space<hbm>> -> memref<800xf32, #tpu.memory_space<hbm>>
        %dma_wait3A_239 = tpu.memref_slice %arg7[%add3A_75] : memref<2000000xf32, #tpu.memory_space<hbm>> -> memref<800xf32, #tpu.memory_space<hbm>>
        tpu.wait_dma2 semaphore(%run_scoped3A : memref<!tpu.dma_semaphore, #tpu.memory_space<semaphore_mem>>) src(%arg13 : memref<800xf32, #tpu.memory_space<vmem>>) dst(%dma_wait3A_239 : memref<800xf32, #tpu.memory_space<hbm>>)
        tpu.yield
      }) : () -> ()
      %scan3A_76 = arith.constant 0 : i32
      %scan3A_77 = arith.constant 50 : i32
      %scan3A_78 = arith.addi %scan3A_76, %scan3A_77 : i32
      %scan3A_79 = arith.constant 1 : i32
      scf.for %scan3A_236 = %scan3A_76 to %scan3A_78 step %scan3A_79  : i32 {
        %mul3A_237 = arith.constant 1 : i32
        %mul3A_238 = arith.muli %scan3A_236, %mul3A_237 : i32
        %add3A_239 = arith.constant 0 : i32
        %add3A_240 = arith.addi %add3A_239, %mul3A_238 : i32
        %mul3A_241 = arith.constant 16 : i32
        %mul3A_242 = arith.muli %add3A_240, %mul3A_241 : i32
        %get3A_243 = arith.index_cast %mul3A_242 : i32 to index
        %get3A_244 = tpu.vector_load %arg9[%get3A_243] {strides = array<i32>} : memref<800xi32, #tpu.memory_space<vmem>>, vector<16xi32>,
        %get3A_245 = vector.shape_cast %get3A_244 : vector<16xi32> to vector<16xi32>
        %add3A_246 = arith.constant 2000000 : i32
        %add3A_247 = vector.broadcast %add3A_246 : i32 to vector<16xi32>
        %add3A_248 = arith.addi %get3A_245, %add3A_247 : vector<16xi32>
        %swap3A = arith.index_cast %mul3A_242 : i32 to index
        %swap3A_249 = tpu.vector_load %arg10[%swap3A] {strides = array<i32>} : memref<800xi32, #tpu.memory_space<vmem>>, vector<16xi32>,
        %swap3A_250 = vector.shape_cast %swap3A_249 : vector<16xi32> to vector<16xi32>
        %swap3A_251 = vector.shape_cast %add3A_248 : vector<16xi32> to vector<16xi32>
        tpu.vector_store %arg10[%swap3A], %swap3A_251 {strides = array<i32>} : memref<800xi32, #tpu.memory_space<vmem>>, vector<16xi32>,
      }
      %scan3A_80 = arith.constant 50 : i32
      %dma_start3A_81 = arith.constant 0 : i32
      %dma_start3A_82 = tpu.memref_slice %arg2[%dma_start3A_81] : memref<12000000xf32, #tpu.memory_space<hbm>> -> memref<12000000xf32, #tpu.memory_space<hbm>>
      tpu.enqueue_indirect_dma source(%dma_start3A_82 : memref<12000000xf32, #tpu.memory_space<hbm>>) target(%arg11 : memref<800xf32, #tpu.memory_space<vmem>>) offsets(%arg10 : memref<800xi32, #tpu.memory_space<vmem>>) semaphore(%arg15 : memref<!tpu.dma_semaphore, #tpu.memory_space<semaphore_mem>>)
      %dma_wait3A_83 = arith.constant 0 : i32
      %dma_wait3A_84 = tpu.memref_slice %arg2[%dma_wait3A_83] : memref<12000000xf32, #tpu.memory_space<hbm>> -> memref<12000000xf32, #tpu.memory_space<hbm>>
      tpu.wait_indirect_dma semaphore(%arg15 : memref<!tpu.dma_semaphore, #tpu.memory_space<semaphore_mem>>) src(%dma_wait3A_84 : memref<12000000xf32, #tpu.memory_space<hbm>>) dst(%arg11 : memref<800xf32, #tpu.memory_space<vmem>>)
      %scan3A_85 = arith.constant 0 : i32
      %scan3A_86 = arith.constant 50 : i32
      %scan3A_87 = arith.addi %scan3A_85, %scan3A_86 : i32
      %scan3A_88 = arith.constant 1 : i32
      scf.for %scan3A_236 = %scan3A_85 to %scan3A_87 step %scan3A_88  : i32 {
        %mul3A_237 = arith.constant 1 : i32
        %mul3A_238 = arith.muli %scan3A_236, %mul3A_237 : i32
        %add3A_239 = arith.constant 0 : i32
        %add3A_240 = arith.addi %add3A_239, %mul3A_238 : i32
        %mul3A_241 = arith.constant 16 : i32
        %mul3A_242 = arith.muli %add3A_240, %mul3A_241 : i32
        %get3A_243 = arith.index_cast %mul3A_242 : i32 to index
        %get3A_244 = tpu.vector_load %arg11[%get3A_243] {strides = array<i32>} : memref<800xf32, #tpu.memory_space<vmem>>, vector<16xf32>,
        %get3A_245 = vector.shape_cast %get3A_244 : vector<16xf32> to vector<16xf32>
        %get3A_246 = arith.index_cast %mul3A_242 : i32 to index
        %get3A_247 = tpu.vector_load %arg12[%get3A_246] {strides = array<i32>} : memref<800xf32, #tpu.memory_space<vmem>>, vector<16xf32>,
        %get3A_248 = vector.shape_cast %get3A_247 : vector<16xf32> to vector<16xf32>
        %mul3A_249 = arith.mulf %get3A_245, %get3A_248 : vector<16xf32>
        %mul3A_250 = arith.mulf %mul3A_249, %get3A_14 : vector<16xf32>
        %add3A_251 = arith.addf %mul3A_250, %get3A_17 : vector<16xf32>
        %swap3A = arith.index_cast %mul3A_242 : i32 to index
        %swap3A_252 = tpu.vector_load %arg13[%swap3A] {strides = array<i32>} : memref<800xf32, #tpu.memory_space<vmem>>, vector<16xf32>,
        %swap3A_253 = vector.shape_cast %swap3A_252 : vector<16xf32> to vector<16xf32>
        %swap3A_254 = vector.shape_cast %add3A_251 : vector<16xf32> to vector<16xf32>
        tpu.vector_store %arg13[%swap3A], %swap3A_254 {strides = array<i32>} : memref<800xf32, #tpu.memory_space<vmem>>, vector<16xf32>,
      }
      %scan3A_89 = arith.constant 50 : i32
      %add3A_90 = arith.constant 0 : i32
      %add3A_91 = arith.addi %add3A_90, %mul3A_37 : i32
      "tpu.region"() ({
        %run_scoped3A = tpu.sem_alloc : memref<!tpu.dma_semaphore, #tpu.memory_space<semaphore_mem>>
        %dma_start3A_236 = tpu.memref_slice %arg8[%add3A_91] : memref<2000000xf32, #tpu.memory_space<hbm>> -> memref<800xf32, #tpu.memory_space<hbm>>
        %dma_start3A_237 = tpu.memref_slice %arg8[%add3A_91] : memref<2000000xf32, #tpu.memory_space<hbm>> -> memref<800xf32, #tpu.memory_space<hbm>>
        tpu.enqueue_dma source(%arg13 : memref<800xf32, #tpu.memory_space<vmem>>) target(%dma_start3A_237 : memref<800xf32, #tpu.memory_space<hbm>>) target_semaphore(%run_scoped3A : memref<!tpu.dma_semaphore, #tpu.memory_space<semaphore_mem>>)
        %dma_wait3A_238 = tpu.memref_slice %arg8[%add3A_91] : memref<2000000xf32, #tpu.memory_space<hbm>> -> memref<800xf32, #tpu.memory_space<hbm>>
        %dma_wait3A_239 = tpu.memref_slice %arg8[%add3A_91] : memref<2000000xf32, #tpu.memory_space<hbm>> -> memref<800xf32, #tpu.memory_space<hbm>>
        tpu.wait_dma2 semaphore(%run_scoped3A : memref<!tpu.dma_semaphore, #tpu.memory_space<semaphore_mem>>) src(%arg13 : memref<800xf32, #tpu.memory_space<vmem>>) dst(%dma_wait3A_239 : memref<800xf32, #tpu.memory_space<hbm>>)
        tpu.yield
      }) : () -> ()
      %scan3A_92 = arith.constant 0 : i32
      %scan3A_93 = arith.constant 50 : i32
      %scan3A_94 = arith.addi %scan3A_92, %scan3A_93 : i32
      %scan3A_95 = arith.constant 1 : i32
      scf.for %scan3A_236 = %scan3A_92 to %scan3A_94 step %scan3A_95  : i32 {
        %mul3A_237 = arith.constant 1 : i32
        %mul3A_238 = arith.muli %scan3A_236, %mul3A_237 : i32
        %add3A_239 = arith.constant 0 : i32
        %add3A_240 = arith.addi %add3A_239, %mul3A_238 : i32
        %mul3A_241 = arith.constant 16 : i32
        %mul3A_242 = arith.muli %add3A_240, %mul3A_241 : i32
        %get3A_243 = arith.index_cast %mul3A_242 : i32 to index
        %get3A_244 = tpu.vector_load %arg9[%get3A_243] {strides = array<i32>} : memref<800xi32, #tpu.memory_space<vmem>>, vector<16xi32>,
        %get3A_245 = vector.shape_cast %get3A_244 : vector<16xi32> to vector<16xi32>
        %add3A_246 = arith.constant 3000000 : i32
        %add3A_247 = vector.broadcast %add3A_246 : i32 to vector<16xi32>
        %add3A_248 = arith.addi %get3A_245, %add3A_247 : vector<16xi32>
        %swap3A = arith.index_cast %mul3A_242 : i32 to index
        %swap3A_249 = tpu.vector_load %arg10[%swap3A] {strides = array<i32>} : memref<800xi32, #tpu.memory_space<vmem>>, vector<16xi32>,
        %swap3A_250 = vector.shape_cast %swap3A_249 : vector<16xi32> to vector<16xi32>
        %swap3A_251 = vector.shape_cast %add3A_248 : vector<16xi32> to vector<16xi32>
        tpu.vector_store %arg10[%swap3A], %swap3A_251 {strides = array<i32>} : memref<800xi32, #tpu.memory_space<vmem>>, vector<16xi32>,
      }
      %scan3A_96 = arith.constant 50 : i32
      %dma_start3A_97 = arith.constant 0 : i32
      %dma_start3A_98 = tpu.memref_slice %arg2[%dma_start3A_97] : memref<12000000xf32, #tpu.memory_space<hbm>> -> memref<12000000xf32, #tpu.memory_space<hbm>>
      tpu.enqueue_indirect_dma source(%dma_start3A_98 : memref<12000000xf32, #tpu.memory_space<hbm>>) target(%arg11 : memref<800xf32, #tpu.memory_space<vmem>>) offsets(%arg10 : memref<800xi32, #tpu.memory_space<vmem>>) semaphore(%arg15 : memref<!tpu.dma_semaphore, #tpu.memory_space<semaphore_mem>>)
      %dma_wait3A_99 = arith.constant 0 : i32
      %dma_wait3A_100 = tpu.memref_slice %arg2[%dma_wait3A_99] : memref<12000000xf32, #tpu.memory_space<hbm>> -> memref<12000000xf32, #tpu.memory_space<hbm>>
      tpu.wait_indirect_dma semaphore(%arg15 : memref<!tpu.dma_semaphore, #tpu.memory_space<semaphore_mem>>) src(%dma_wait3A_100 : memref<12000000xf32, #tpu.memory_space<hbm>>) dst(%arg11 : memref<800xf32, #tpu.memory_space<vmem>>)
      %scan3A_101 = arith.constant 0 : i32
      %scan3A_102 = arith.constant 50 : i32
      %scan3A_103 = arith.addi %scan3A_101, %scan3A_102 : i32
      %scan3A_104 = arith.constant 1 : i32
      scf.for %scan3A_236 = %scan3A_101 to %scan3A_103 step %scan3A_104  : i32 {
        %mul3A_237 = arith.constant 1 : i32
        %mul3A_238 = arith.muli %scan3A_236, %mul3A_237 : i32
        %add3A_239 = arith.constant 0 : i32
        %add3A_240 = arith.addi %add3A_239, %mul3A_238 : i32
        %mul3A_241 = arith.constant 16 : i32
        %mul3A_242 = arith.muli %add3A_240, %mul3A_241 : i32
        %get3A_243 = arith.index_cast %mul3A_242 : i32 to index
        %get3A_244 = tpu.vector_load %arg11[%get3A_243] {strides = array<i32>} : memref<800xf32, #tpu.memory_space<vmem>>, vector<16xf32>,
        %get3A_245 = vector.shape_cast %get3A_244 : vector<16xf32> to vector<16xf32>
        %get3A_246 = arith.index_cast %mul3A_242 : i32 to index
        %get3A_247 = tpu.vector_load %arg12[%get3A_246] {strides = array<i32>} : memref<800xf32, #tpu.memory_space<vmem>>, vector<16xf32>,
        %get3A_248 = vector.shape_cast %get3A_247 : vector<16xf32> to vector<16xf32>
        %mul3A_249 = arith.mulf %get3A_245, %get3A_248 : vector<16xf32>
        %mul3A_250 = arith.mulf %mul3A_249, %get3A_2 : vector<16xf32>
        %add3A_251 = arith.addf %mul3A_250, %get3A_5 : vector<16xf32>
        %swap3A = arith.index_cast %mul3A_242 : i32 to index
        %swap3A_252 = tpu.vector_load %arg13[%swap3A] {strides = array<i32>} : memref<800xf32, #tpu.memory_space<vmem>>, vector<16xf32>,
        %swap3A_253 = vector.shape_cast %swap3A_252 : vector<16xf32> to vector<16xf32>
        %swap3A_254 = vector.shape_cast %add3A_251 : vector<16xf32> to vector<16xf32>
        tpu.vector_store %arg13[%swap3A], %swap3A_254 {strides = array<i32>} : memref<800xf32, #tpu.memory_space<vmem>>, vector<16xf32>,
      }
      %scan3A_105 = arith.constant 50 : i32
      %add3A_106 = arith.constant 500000 : i32
      %add3A_107 = arith.addi %add3A_106, %mul3A_37 : i32
      "tpu.region"() ({
        %run_scoped3A = tpu.sem_alloc : memref<!tpu.dma_semaphore, #tpu.memory_space<semaphore_mem>>
        %dma_start3A_236 = tpu.memref_slice %arg6[%add3A_107] : memref<2000000xf32, #tpu.memory_space<hbm>> -> memref<800xf32, #tpu.memory_space<hbm>>
        %dma_start3A_237 = tpu.memref_slice %arg6[%add3A_107] : memref<2000000xf32, #tpu.memory_space<hbm>> -> memref<800xf32, #tpu.memory_space<hbm>>
        tpu.enqueue_dma source(%arg13 : memref<800xf32, #tpu.memory_space<vmem>>) target(%dma_start3A_237 : memref<800xf32, #tpu.memory_space<hbm>>) target_semaphore(%run_scoped3A : memref<!tpu.dma_semaphore, #tpu.memory_space<semaphore_mem>>)
        %dma_wait3A_238 = tpu.memref_slice %arg6[%add3A_107] : memref<2000000xf32, #tpu.memory_space<hbm>> -> memref<800xf32, #tpu.memory_space<hbm>>
        %dma_wait3A_239 = tpu.memref_slice %arg6[%add3A_107] : memref<2000000xf32, #tpu.memory_space<hbm>> -> memref<800xf32, #tpu.memory_space<hbm>>
        tpu.wait_dma2 semaphore(%run_scoped3A : memref<!tpu.dma_semaphore, #tpu.memory_space<semaphore_mem>>) src(%arg13 : memref<800xf32, #tpu.memory_space<vmem>>) dst(%dma_wait3A_239 : memref<800xf32, #tpu.memory_space<hbm>>)
        tpu.yield
      }) : () -> ()
      %scan3A_108 = arith.constant 0 : i32
      %scan3A_109 = arith.constant 50 : i32
      %scan3A_110 = arith.addi %scan3A_108, %scan3A_109 : i32
      %scan3A_111 = arith.constant 1 : i32
      scf.for %scan3A_236 = %scan3A_108 to %scan3A_110 step %scan3A_111  : i32 {
        %mul3A_237 = arith.constant 1 : i32
        %mul3A_238 = arith.muli %scan3A_236, %mul3A_237 : i32
        %add3A_239 = arith.constant 0 : i32
        %add3A_240 = arith.addi %add3A_239, %mul3A_238 : i32
        %mul3A_241 = arith.constant 16 : i32
        %mul3A_242 = arith.muli %add3A_240, %mul3A_241 : i32
        %get3A_243 = arith.index_cast %mul3A_242 : i32 to index
        %get3A_244 = tpu.vector_load %arg9[%get3A_243] {strides = array<i32>} : memref<800xi32, #tpu.memory_space<vmem>>, vector<16xi32>,
        %get3A_245 = vector.shape_cast %get3A_244 : vector<16xi32> to vector<16xi32>
        %add3A_246 = arith.constant 4000000 : i32
        %add3A_247 = vector.broadcast %add3A_246 : i32 to vector<16xi32>
        %add3A_248 = arith.addi %get3A_245, %add3A_247 : vector<16xi32>
        %swap3A = arith.index_cast %mul3A_242 : i32 to index
        %swap3A_249 = tpu.vector_load %arg10[%swap3A] {strides = array<i32>} : memref<800xi32, #tpu.memory_space<vmem>>, vector<16xi32>,
        %swap3A_250 = vector.shape_cast %swap3A_249 : vector<16xi32> to vector<16xi32>
        %swap3A_251 = vector.shape_cast %add3A_248 : vector<16xi32> to vector<16xi32>
        tpu.vector_store %arg10[%swap3A], %swap3A_251 {strides = array<i32>} : memref<800xi32, #tpu.memory_space<vmem>>, vector<16xi32>,
      }
      %scan3A_112 = arith.constant 50 : i32
      %dma_start3A_113 = arith.constant 0 : i32
      %dma_start3A_114 = tpu.memref_slice %arg2[%dma_start3A_113] : memref<12000000xf32, #tpu.memory_space<hbm>> -> memref<12000000xf32, #tpu.memory_space<hbm>>
      tpu.enqueue_indirect_dma source(%dma_start3A_114 : memref<12000000xf32, #tpu.memory_space<hbm>>) target(%arg11 : memref<800xf32, #tpu.memory_space<vmem>>) offsets(%arg10 : memref<800xi32, #tpu.memory_space<vmem>>) semaphore(%arg15 : memref<!tpu.dma_semaphore, #tpu.memory_space<semaphore_mem>>)
      %dma_wait3A_115 = arith.constant 0 : i32
      %dma_wait3A_116 = tpu.memref_slice %arg2[%dma_wait3A_115] : memref<12000000xf32, #tpu.memory_space<hbm>> -> memref<12000000xf32, #tpu.memory_space<hbm>>
      tpu.wait_indirect_dma semaphore(%arg15 : memref<!tpu.dma_semaphore, #tpu.memory_space<semaphore_mem>>) src(%dma_wait3A_116 : memref<12000000xf32, #tpu.memory_space<hbm>>) dst(%arg11 : memref<800xf32, #tpu.memory_space<vmem>>)
      %scan3A_117 = arith.constant 0 : i32
      %scan3A_118 = arith.constant 50 : i32
      %scan3A_119 = arith.addi %scan3A_117, %scan3A_118 : i32
      %scan3A_120 = arith.constant 1 : i32
      scf.for %scan3A_236 = %scan3A_117 to %scan3A_119 step %scan3A_120  : i32 {
        %mul3A_237 = arith.constant 1 : i32
        %mul3A_238 = arith.muli %scan3A_236, %mul3A_237 : i32
        %add3A_239 = arith.constant 0 : i32
        %add3A_240 = arith.addi %add3A_239, %mul3A_238 : i32
        %mul3A_241 = arith.constant 16 : i32
        %mul3A_242 = arith.muli %add3A_240, %mul3A_241 : i32
        %get3A_243 = arith.index_cast %mul3A_242 : i32 to index
        %get3A_244 = tpu.vector_load %arg11[%get3A_243] {strides = array<i32>} : memref<800xf32, #tpu.memory_space<vmem>>, vector<16xf32>,
        %get3A_245 = vector.shape_cast %get3A_244 : vector<16xf32> to vector<16xf32>
        %get3A_246 = arith.index_cast %mul3A_242 : i32 to index
        %get3A_247 = tpu.vector_load %arg12[%get3A_246] {strides = array<i32>} : memref<800xf32, #tpu.memory_space<vmem>>, vector<16xf32>,
        %get3A_248 = vector.shape_cast %get3A_247 : vector<16xf32> to vector<16xf32>
        %mul3A_249 = arith.mulf %get3A_245, %get3A_248 : vector<16xf32>
        %mul3A_250 = arith.mulf %mul3A_249, %get3A_8 : vector<16xf32>
        %add3A_251 = arith.addf %mul3A_250, %get3A_11 : vector<16xf32>
        %swap3A = arith.index_cast %mul3A_242 : i32 to index
        %swap3A_252 = tpu.vector_load %arg13[%swap3A] {strides = array<i32>} : memref<800xf32, #tpu.memory_space<vmem>>, vector<16xf32>,
        %swap3A_253 = vector.shape_cast %swap3A_252 : vector<16xf32> to vector<16xf32>
        %swap3A_254 = vector.shape_cast %add3A_251 : vector<16xf32> to vector<16xf32>
        tpu.vector_store %arg13[%swap3A], %swap3A_254 {strides = array<i32>} : memref<800xf32, #tpu.memory_space<vmem>>, vector<16xf32>,
      }
      %scan3A_121 = arith.constant 50 : i32
      %add3A_122 = arith.constant 500000 : i32
      %add3A_123 = arith.addi %add3A_122, %mul3A_37 : i32
      "tpu.region"() ({
        %run_scoped3A = tpu.sem_alloc : memref<!tpu.dma_semaphore, #tpu.memory_space<semaphore_mem>>
        %dma_start3A_236 = tpu.memref_slice %arg7[%add3A_123] : memref<2000000xf32, #tpu.memory_space<hbm>> -> memref<800xf32, #tpu.memory_space<hbm>>
        %dma_start3A_237 = tpu.memref_slice %arg7[%add3A_123] : memref<2000000xf32, #tpu.memory_space<hbm>> -> memref<800xf32, #tpu.memory_space<hbm>>
        tpu.enqueue_dma source(%arg13 : memref<800xf32, #tpu.memory_space<vmem>>) target(%dma_start3A_237 : memref<800xf32, #tpu.memory_space<hbm>>) target_semaphore(%run_scoped3A : memref<!tpu.dma_semaphore, #tpu.memory_space<semaphore_mem>>)
        %dma_wait3A_238 = tpu.memref_slice %arg7[%add3A_123] : memref<2000000xf32, #tpu.memory_space<hbm>> -> memref<800xf32, #tpu.memory_space<hbm>>
        %dma_wait3A_239 = tpu.memref_slice %arg7[%add3A_123] : memref<2000000xf32, #tpu.memory_space<hbm>> -> memref<800xf32, #tpu.memory_space<hbm>>
        tpu.wait_dma2 semaphore(%run_scoped3A : memref<!tpu.dma_semaphore, #tpu.memory_space<semaphore_mem>>) src(%arg13 : memref<800xf32, #tpu.memory_space<vmem>>) dst(%dma_wait3A_239 : memref<800xf32, #tpu.memory_space<hbm>>)
        tpu.yield
      }) : () -> ()
      %scan3A_124 = arith.constant 0 : i32
      %scan3A_125 = arith.constant 50 : i32
      %scan3A_126 = arith.addi %scan3A_124, %scan3A_125 : i32
      %scan3A_127 = arith.constant 1 : i32
      scf.for %scan3A_236 = %scan3A_124 to %scan3A_126 step %scan3A_127  : i32 {
        %mul3A_237 = arith.constant 1 : i32
        %mul3A_238 = arith.muli %scan3A_236, %mul3A_237 : i32
        %add3A_239 = arith.constant 0 : i32
        %add3A_240 = arith.addi %add3A_239, %mul3A_238 : i32
        %mul3A_241 = arith.constant 16 : i32
        %mul3A_242 = arith.muli %add3A_240, %mul3A_241 : i32
        %get3A_243 = arith.index_cast %mul3A_242 : i32 to index
        %get3A_244 = tpu.vector_load %arg9[%get3A_243] {strides = array<i32>} : memref<800xi32, #tpu.memory_space<vmem>>, vector<16xi32>,
        %get3A_245 = vector.shape_cast %get3A_244 : vector<16xi32> to vector<16xi32>
        %add3A_246 = arith.constant 5000000 : i32
        %add3A_247 = vector.broadcast %add3A_246 : i32 to vector<16xi32>
        %add3A_248 = arith.addi %get3A_245, %add3A_247 : vector<16xi32>
        %swap3A = arith.index_cast %mul3A_242 : i32 to index
        %swap3A_249 = tpu.vector_load %arg10[%swap3A] {strides = array<i32>} : memref<800xi32, #tpu.memory_space<vmem>>, vector<16xi32>,
        %swap3A_250 = vector.shape_cast %swap3A_249 : vector<16xi32> to vector<16xi32>
        %swap3A_251 = vector.shape_cast %add3A_248 : vector<16xi32> to vector<16xi32>
        tpu.vector_store %arg10[%swap3A], %swap3A_251 {strides = array<i32>} : memref<800xi32, #tpu.memory_space<vmem>>, vector<16xi32>,
      }
      %scan3A_128 = arith.constant 50 : i32
      %dma_start3A_129 = arith.constant 0 : i32
      %dma_start3A_130 = tpu.memref_slice %arg2[%dma_start3A_129] : memref<12000000xf32, #tpu.memory_space<hbm>> -> memref<12000000xf32, #tpu.memory_space<hbm>>
      tpu.enqueue_indirect_dma source(%dma_start3A_130 : memref<12000000xf32, #tpu.memory_space<hbm>>) target(%arg11 : memref<800xf32, #tpu.memory_space<vmem>>) offsets(%arg10 : memref<800xi32, #tpu.memory_space<vmem>>) semaphore(%arg15 : memref<!tpu.dma_semaphore, #tpu.memory_space<semaphore_mem>>)
      %dma_wait3A_131 = arith.constant 0 : i32
      %dma_wait3A_132 = tpu.memref_slice %arg2[%dma_wait3A_131] : memref<12000000xf32, #tpu.memory_space<hbm>> -> memref<12000000xf32, #tpu.memory_space<hbm>>
      tpu.wait_indirect_dma semaphore(%arg15 : memref<!tpu.dma_semaphore, #tpu.memory_space<semaphore_mem>>) src(%dma_wait3A_132 : memref<12000000xf32, #tpu.memory_space<hbm>>) dst(%arg11 : memref<800xf32, #tpu.memory_space<vmem>>)
      %scan3A_133 = arith.constant 0 : i32
      %scan3A_134 = arith.constant 50 : i32
      %scan3A_135 = arith.addi %scan3A_133, %scan3A_134 : i32
      %scan3A_136 = arith.constant 1 : i32
      scf.for %scan3A_236 = %scan3A_133 to %scan3A_135 step %scan3A_136  : i32 {
        %mul3A_237 = arith.constant 1 : i32
        %mul3A_238 = arith.muli %scan3A_236, %mul3A_237 : i32
        %add3A_239 = arith.constant 0 : i32
        %add3A_240 = arith.addi %add3A_239, %mul3A_238 : i32
        %mul3A_241 = arith.constant 16 : i32
        %mul3A_242 = arith.muli %add3A_240, %mul3A_241 : i32
        %get3A_243 = arith.index_cast %mul3A_242 : i32 to index
        %get3A_244 = tpu.vector_load %arg11[%get3A_243] {strides = array<i32>} : memref<800xf32, #tpu.memory_space<vmem>>, vector<16xf32>,
        %get3A_245 = vector.shape_cast %get3A_244 : vector<16xf32> to vector<16xf32>
        %get3A_246 = arith.index_cast %mul3A_242 : i32 to index
        %get3A_247 = tpu.vector_load %arg12[%get3A_246] {strides = array<i32>} : memref<800xf32, #tpu.memory_space<vmem>>, vector<16xf32>,
        %get3A_248 = vector.shape_cast %get3A_247 : vector<16xf32> to vector<16xf32>
        %mul3A_249 = arith.mulf %get3A_245, %get3A_248 : vector<16xf32>
        %mul3A_250 = arith.mulf %mul3A_249, %get3A_14 : vector<16xf32>
        %add3A_251 = arith.addf %mul3A_250, %get3A_17 : vector<16xf32>
        %swap3A = arith.index_cast %mul3A_242 : i32 to index
        %swap3A_252 = tpu.vector_load %arg13[%swap3A] {strides = array<i32>} : memref<800xf32, #tpu.memory_space<vmem>>, vector<16xf32>,
        %swap3A_253 = vector.shape_cast %swap3A_252 : vector<16xf32> to vector<16xf32>
        %swap3A_254 = vector.shape_cast %add3A_251 : vector<16xf32> to vector<16xf32>
        tpu.vector_store %arg13[%swap3A], %swap3A_254 {strides = array<i32>} : memref<800xf32, #tpu.memory_space<vmem>>, vector<16xf32>,
      }
      %scan3A_137 = arith.constant 50 : i32
      %add3A_138 = arith.constant 500000 : i32
      %add3A_139 = arith.addi %add3A_138, %mul3A_37 : i32
      "tpu.region"() ({
        %run_scoped3A = tpu.sem_alloc : memref<!tpu.dma_semaphore, #tpu.memory_space<semaphore_mem>>
        %dma_start3A_236 = tpu.memref_slice %arg8[%add3A_139] : memref<2000000xf32, #tpu.memory_space<hbm>> -> memref<800xf32, #tpu.memory_space<hbm>>
        %dma_start3A_237 = tpu.memref_slice %arg8[%add3A_139] : memref<2000000xf32, #tpu.memory_space<hbm>> -> memref<800xf32, #tpu.memory_space<hbm>>
        tpu.enqueue_dma source(%arg13 : memref<800xf32, #tpu.memory_space<vmem>>) target(%dma_start3A_237 : memref<800xf32, #tpu.memory_space<hbm>>) target_semaphore(%run_scoped3A : memref<!tpu.dma_semaphore, #tpu.memory_space<semaphore_mem>>)
        %dma_wait3A_238 = tpu.memref_slice %arg8[%add3A_139] : memref<2000000xf32, #tpu.memory_space<hbm>> -> memref<800xf32, #tpu.memory_space<hbm>>
        %dma_wait3A_239 = tpu.memref_slice %arg8[%add3A_139] : memref<2000000xf32, #tpu.memory_space<hbm>> -> memref<800xf32, #tpu.memory_space<hbm>>
        tpu.wait_dma2 semaphore(%run_scoped3A : memref<!tpu.dma_semaphore, #tpu.memory_space<semaphore_mem>>) src(%arg13 : memref<800xf32, #tpu.memory_space<vmem>>) dst(%dma_wait3A_239 : memref<800xf32, #tpu.memory_space<hbm>>)
        tpu.yield
      }) : () -> ()
      %scan3A_140 = arith.constant 0 : i32
      %scan3A_141 = arith.constant 50 : i32
      %scan3A_142 = arith.addi %scan3A_140, %scan3A_141 : i32
      %scan3A_143 = arith.constant 1 : i32
      scf.for %scan3A_236 = %scan3A_140 to %scan3A_142 step %scan3A_143  : i32 {
        %mul3A_237 = arith.constant 1 : i32
        %mul3A_238 = arith.muli %scan3A_236, %mul3A_237 : i32
        %add3A_239 = arith.constant 0 : i32
        %add3A_240 = arith.addi %add3A_239, %mul3A_238 : i32
        %mul3A_241 = arith.constant 16 : i32
        %mul3A_242 = arith.muli %add3A_240, %mul3A_241 : i32
        %get3A_243 = arith.index_cast %mul3A_242 : i32 to index
        %get3A_244 = tpu.vector_load %arg9[%get3A_243] {strides = array<i32>} : memref<800xi32, #tpu.memory_space<vmem>>, vector<16xi32>,
        %get3A_245 = vector.shape_cast %get3A_244 : vector<16xi32> to vector<16xi32>
        %add3A_246 = arith.constant 6000000 : i32
        %add3A_247 = vector.broadcast %add3A_246 : i32 to vector<16xi32>
        %add3A_248 = arith.addi %get3A_245, %add3A_247 : vector<16xi32>
        %swap3A = arith.index_cast %mul3A_242 : i32 to index
        %swap3A_249 = tpu.vector_load %arg10[%swap3A] {strides = array<i32>} : memref<800xi32, #tpu.memory_space<vmem>>, vector<16xi32>,
        %swap3A_250 = vector.shape_cast %swap3A_249 : vector<16xi32> to vector<16xi32>
        %swap3A_251 = vector.shape_cast %add3A_248 : vector<16xi32> to vector<16xi32>
        tpu.vector_store %arg10[%swap3A], %swap3A_251 {strides = array<i32>} : memref<800xi32, #tpu.memory_space<vmem>>, vector<16xi32>,
      }
      %scan3A_144 = arith.constant 50 : i32
      %dma_start3A_145 = arith.constant 0 : i32
      %dma_start3A_146 = tpu.memref_slice %arg2[%dma_start3A_145] : memref<12000000xf32, #tpu.memory_space<hbm>> -> memref<12000000xf32, #tpu.memory_space<hbm>>
      tpu.enqueue_indirect_dma source(%dma_start3A_146 : memref<12000000xf32, #tpu.memory_space<hbm>>) target(%arg11 : memref<800xf32, #tpu.memory_space<vmem>>) offsets(%arg10 : memref<800xi32, #tpu.memory_space<vmem>>) semaphore(%arg15 : memref<!tpu.dma_semaphore, #tpu.memory_space<semaphore_mem>>)
      %dma_wait3A_147 = arith.constant 0 : i32
      %dma_wait3A_148 = tpu.memref_slice %arg2[%dma_wait3A_147] : memref<12000000xf32, #tpu.memory_space<hbm>> -> memref<12000000xf32, #tpu.memory_space<hbm>>
      tpu.wait_indirect_dma semaphore(%arg15 : memref<!tpu.dma_semaphore, #tpu.memory_space<semaphore_mem>>) src(%dma_wait3A_148 : memref<12000000xf32, #tpu.memory_space<hbm>>) dst(%arg11 : memref<800xf32, #tpu.memory_space<vmem>>)
      %scan3A_149 = arith.constant 0 : i32
      %scan3A_150 = arith.constant 50 : i32
      %scan3A_151 = arith.addi %scan3A_149, %scan3A_150 : i32
      %scan3A_152 = arith.constant 1 : i32
      scf.for %scan3A_236 = %scan3A_149 to %scan3A_151 step %scan3A_152  : i32 {
        %mul3A_237 = arith.constant 1 : i32
        %mul3A_238 = arith.muli %scan3A_236, %mul3A_237 : i32
        %add3A_239 = arith.constant 0 : i32
        %add3A_240 = arith.addi %add3A_239, %mul3A_238 : i32
        %mul3A_241 = arith.constant 16 : i32
        %mul3A_242 = arith.muli %add3A_240, %mul3A_241 : i32
        %get3A_243 = arith.index_cast %mul3A_242 : i32 to index
        %get3A_244 = tpu.vector_load %arg11[%get3A_243] {strides = array<i32>} : memref<800xf32, #tpu.memory_space<vmem>>, vector<16xf32>,
        %get3A_245 = vector.shape_cast %get3A_244 : vector<16xf32> to vector<16xf32>
        %get3A_246 = arith.index_cast %mul3A_242 : i32 to index
        %get3A_247 = tpu.vector_load %arg12[%get3A_246] {strides = array<i32>} : memref<800xf32, #tpu.memory_space<vmem>>, vector<16xf32>,
        %get3A_248 = vector.shape_cast %get3A_247 : vector<16xf32> to vector<16xf32>
        %mul3A_249 = arith.mulf %get3A_245, %get3A_248 : vector<16xf32>
        %mul3A_250 = arith.mulf %mul3A_249, %get3A_2 : vector<16xf32>
        %add3A_251 = arith.addf %mul3A_250, %get3A_5 : vector<16xf32>
        %swap3A = arith.index_cast %mul3A_242 : i32 to index
        %swap3A_252 = tpu.vector_load %arg13[%swap3A] {strides = array<i32>} : memref<800xf32, #tpu.memory_space<vmem>>, vector<16xf32>,
        %swap3A_253 = vector.shape_cast %swap3A_252 : vector<16xf32> to vector<16xf32>
        %swap3A_254 = vector.shape_cast %add3A_251 : vector<16xf32> to vector<16xf32>
        tpu.vector_store %arg13[%swap3A], %swap3A_254 {strides = array<i32>} : memref<800xf32, #tpu.memory_space<vmem>>, vector<16xf32>,
      }
      %scan3A_153 = arith.constant 50 : i32
      %add3A_154 = arith.constant 1000000 : i32
      %add3A_155 = arith.addi %add3A_154, %mul3A_37 : i32
      "tpu.region"() ({
        %run_scoped3A = tpu.sem_alloc : memref<!tpu.dma_semaphore, #tpu.memory_space<semaphore_mem>>
        %dma_start3A_236 = tpu.memref_slice %arg6[%add3A_155] : memref<2000000xf32, #tpu.memory_space<hbm>> -> memref<800xf32, #tpu.memory_space<hbm>>
        %dma_start3A_237 = tpu.memref_slice %arg6[%add3A_155] : memref<2000000xf32, #tpu.memory_space<hbm>> -> memref<800xf32, #tpu.memory_space<hbm>>
        tpu.enqueue_dma source(%arg13 : memref<800xf32, #tpu.memory_space<vmem>>) target(%dma_start3A_237 : memref<800xf32, #tpu.memory_space<hbm>>) target_semaphore(%run_scoped3A : memref<!tpu.dma_semaphore, #tpu.memory_space<semaphore_mem>>)
        %dma_wait3A_238 = tpu.memref_slice %arg6[%add3A_155] : memref<2000000xf32, #tpu.memory_space<hbm>> -> memref<800xf32, #tpu.memory_space<hbm>>
        %dma_wait3A_239 = tpu.memref_slice %arg6[%add3A_155] : memref<2000000xf32, #tpu.memory_space<hbm>> -> memref<800xf32, #tpu.memory_space<hbm>>
        tpu.wait_dma2 semaphore(%run_scoped3A : memref<!tpu.dma_semaphore, #tpu.memory_space<semaphore_mem>>) src(%arg13 : memref<800xf32, #tpu.memory_space<vmem>>) dst(%dma_wait3A_239 : memref<800xf32, #tpu.memory_space<hbm>>)
        tpu.yield
      }) : () -> ()
      %scan3A_156 = arith.constant 0 : i32
      %scan3A_157 = arith.constant 50 : i32
      %scan3A_158 = arith.addi %scan3A_156, %scan3A_157 : i32
      %scan3A_159 = arith.constant 1 : i32
      scf.for %scan3A_236 = %scan3A_156 to %scan3A_158 step %scan3A_159  : i32 {
        %mul3A_237 = arith.constant 1 : i32
        %mul3A_238 = arith.muli %scan3A_236, %mul3A_237 : i32
        %add3A_239 = arith.constant 0 : i32
        %add3A_240 = arith.addi %add3A_239, %mul3A_238 : i32
        %mul3A_241 = arith.constant 16 : i32
        %mul3A_242 = arith.muli %add3A_240, %mul3A_241 : i32
        %get3A_243 = arith.index_cast %mul3A_242 : i32 to index
        %get3A_244 = tpu.vector_load %arg9[%get3A_243] {strides = array<i32>} : memref<800xi32, #tpu.memory_space<vmem>>, vector<16xi32>,
        %get3A_245 = vector.shape_cast %get3A_244 : vector<16xi32> to vector<16xi32>
        %add3A_246 = arith.constant 7000000 : i32
        %add3A_247 = vector.broadcast %add3A_246 : i32 to vector<16xi32>
        %add3A_248 = arith.addi %get3A_245, %add3A_247 : vector<16xi32>
        %swap3A = arith.index_cast %mul3A_242 : i32 to index
        %swap3A_249 = tpu.vector_load %arg10[%swap3A] {strides = array<i32>} : memref<800xi32, #tpu.memory_space<vmem>>, vector<16xi32>,
        %swap3A_250 = vector.shape_cast %swap3A_249 : vector<16xi32> to vector<16xi32>
        %swap3A_251 = vector.shape_cast %add3A_248 : vector<16xi32> to vector<16xi32>
        tpu.vector_store %arg10[%swap3A], %swap3A_251 {strides = array<i32>} : memref<800xi32, #tpu.memory_space<vmem>>, vector<16xi32>,
      }
      %scan3A_160 = arith.constant 50 : i32
      %dma_start3A_161 = arith.constant 0 : i32
      %dma_start3A_162 = tpu.memref_slice %arg2[%dma_start3A_161] : memref<12000000xf32, #tpu.memory_space<hbm>> -> memref<12000000xf32, #tpu.memory_space<hbm>>
      tpu.enqueue_indirect_dma source(%dma_start3A_162 : memref<12000000xf32, #tpu.memory_space<hbm>>) target(%arg11 : memref<800xf32, #tpu.memory_space<vmem>>) offsets(%arg10 : memref<800xi32, #tpu.memory_space<vmem>>) semaphore(%arg15 : memref<!tpu.dma_semaphore, #tpu.memory_space<semaphore_mem>>)
      %dma_wait3A_163 = arith.constant 0 : i32
      %dma_wait3A_164 = tpu.memref_slice %arg2[%dma_wait3A_163] : memref<12000000xf32, #tpu.memory_space<hbm>> -> memref<12000000xf32, #tpu.memory_space<hbm>>
      tpu.wait_indirect_dma semaphore(%arg15 : memref<!tpu.dma_semaphore, #tpu.memory_space<semaphore_mem>>) src(%dma_wait3A_164 : memref<12000000xf32, #tpu.memory_space<hbm>>) dst(%arg11 : memref<800xf32, #tpu.memory_space<vmem>>)
      %scan3A_165 = arith.constant 0 : i32
      %scan3A_166 = arith.constant 50 : i32
      %scan3A_167 = arith.addi %scan3A_165, %scan3A_166 : i32
      %scan3A_168 = arith.constant 1 : i32
      scf.for %scan3A_236 = %scan3A_165 to %scan3A_167 step %scan3A_168  : i32 {
        %mul3A_237 = arith.constant 1 : i32
        %mul3A_238 = arith.muli %scan3A_236, %mul3A_237 : i32
        %add3A_239 = arith.constant 0 : i32
        %add3A_240 = arith.addi %add3A_239, %mul3A_238 : i32
        %mul3A_241 = arith.constant 16 : i32
        %mul3A_242 = arith.muli %add3A_240, %mul3A_241 : i32
        %get3A_243 = arith.index_cast %mul3A_242 : i32 to index
        %get3A_244 = tpu.vector_load %arg11[%get3A_243] {strides = array<i32>} : memref<800xf32, #tpu.memory_space<vmem>>, vector<16xf32>,
        %get3A_245 = vector.shape_cast %get3A_244 : vector<16xf32> to vector<16xf32>
        %get3A_246 = arith.index_cast %mul3A_242 : i32 to index
        %get3A_247 = tpu.vector_load %arg12[%get3A_246] {strides = array<i32>} : memref<800xf32, #tpu.memory_space<vmem>>, vector<16xf32>,
        %get3A_248 = vector.shape_cast %get3A_247 : vector<16xf32> to vector<16xf32>
        %mul3A_249 = arith.mulf %get3A_245, %get3A_248 : vector<16xf32>
        %mul3A_250 = arith.mulf %mul3A_249, %get3A_8 : vector<16xf32>
        %add3A_251 = arith.addf %mul3A_250, %get3A_11 : vector<16xf32>
        %swap3A = arith.index_cast %mul3A_242 : i32 to index
        %swap3A_252 = tpu.vector_load %arg13[%swap3A] {strides = array<i32>} : memref<800xf32, #tpu.memory_space<vmem>>, vector<16xf32>,
        %swap3A_253 = vector.shape_cast %swap3A_252 : vector<16xf32> to vector<16xf32>
        %swap3A_254 = vector.shape_cast %add3A_251 : vector<16xf32> to vector<16xf32>
        tpu.vector_store %arg13[%swap3A], %swap3A_254 {strides = array<i32>} : memref<800xf32, #tpu.memory_space<vmem>>, vector<16xf32>,
      }
      %scan3A_169 = arith.constant 50 : i32
      %add3A_170 = arith.constant 1000000 : i32
      %add3A_171 = arith.addi %add3A_170, %mul3A_37 : i32
      "tpu.region"() ({
        %run_scoped3A = tpu.sem_alloc : memref<!tpu.dma_semaphore, #tpu.memory_space<semaphore_mem>>
        %dma_start3A_236 = tpu.memref_slice %arg7[%add3A_171] : memref<2000000xf32, #tpu.memory_space<hbm>> -> memref<800xf32, #tpu.memory_space<hbm>>
        %dma_start3A_237 = tpu.memref_slice %arg7[%add3A_171] : memref<2000000xf32, #tpu.memory_space<hbm>> -> memref<800xf32, #tpu.memory_space<hbm>>
        tpu.enqueue_dma source(%arg13 : memref<800xf32, #tpu.memory_space<vmem>>) target(%dma_start3A_237 : memref<800xf32, #tpu.memory_space<hbm>>) target_semaphore(%run_scoped3A : memref<!tpu.dma_semaphore, #tpu.memory_space<semaphore_mem>>)
        %dma_wait3A_238 = tpu.memref_slice %arg7[%add3A_171] : memref<2000000xf32, #tpu.memory_space<hbm>> -> memref<800xf32, #tpu.memory_space<hbm>>
        %dma_wait3A_239 = tpu.memref_slice %arg7[%add3A_171] : memref<2000000xf32, #tpu.memory_space<hbm>> -> memref<800xf32, #tpu.memory_space<hbm>>
        tpu.wait_dma2 semaphore(%run_scoped3A : memref<!tpu.dma_semaphore, #tpu.memory_space<semaphore_mem>>) src(%arg13 : memref<800xf32, #tpu.memory_space<vmem>>) dst(%dma_wait3A_239 : memref<800xf32, #tpu.memory_space<hbm>>)
        tpu.yield
      }) : () -> ()
      %scan3A_172 = arith.constant 0 : i32
      %scan3A_173 = arith.constant 50 : i32
      %scan3A_174 = arith.addi %scan3A_172, %scan3A_173 : i32
      %scan3A_175 = arith.constant 1 : i32
      scf.for %scan3A_236 = %scan3A_172 to %scan3A_174 step %scan3A_175  : i32 {
        %mul3A_237 = arith.constant 1 : i32
        %mul3A_238 = arith.muli %scan3A_236, %mul3A_237 : i32
        %add3A_239 = arith.constant 0 : i32
        %add3A_240 = arith.addi %add3A_239, %mul3A_238 : i32
        %mul3A_241 = arith.constant 16 : i32
        %mul3A_242 = arith.muli %add3A_240, %mul3A_241 : i32
        %get3A_243 = arith.index_cast %mul3A_242 : i32 to index
        %get3A_244 = tpu.vector_load %arg9[%get3A_243] {strides = array<i32>} : memref<800xi32, #tpu.memory_space<vmem>>, vector<16xi32>,
        %get3A_245 = vector.shape_cast %get3A_244 : vector<16xi32> to vector<16xi32>
        %add3A_246 = arith.constant 8000000 : i32
        %add3A_247 = vector.broadcast %add3A_246 : i32 to vector<16xi32>
        %add3A_248 = arith.addi %get3A_245, %add3A_247 : vector<16xi32>
        %swap3A = arith.index_cast %mul3A_242 : i32 to index
        %swap3A_249 = tpu.vector_load %arg10[%swap3A] {strides = array<i32>} : memref<800xi32, #tpu.memory_space<vmem>>, vector<16xi32>,
        %swap3A_250 = vector.shape_cast %swap3A_249 : vector<16xi32> to vector<16xi32>
        %swap3A_251 = vector.shape_cast %add3A_248 : vector<16xi32> to vector<16xi32>
        tpu.vector_store %arg10[%swap3A], %swap3A_251 {strides = array<i32>} : memref<800xi32, #tpu.memory_space<vmem>>, vector<16xi32>,
      }
      %scan3A_176 = arith.constant 50 : i32
      %dma_start3A_177 = arith.constant 0 : i32
      %dma_start3A_178 = tpu.memref_slice %arg2[%dma_start3A_177] : memref<12000000xf32, #tpu.memory_space<hbm>> -> memref<12000000xf32, #tpu.memory_space<hbm>>
      tpu.enqueue_indirect_dma source(%dma_start3A_178 : memref<12000000xf32, #tpu.memory_space<hbm>>) target(%arg11 : memref<800xf32, #tpu.memory_space<vmem>>) offsets(%arg10 : memref<800xi32, #tpu.memory_space<vmem>>) semaphore(%arg15 : memref<!tpu.dma_semaphore, #tpu.memory_space<semaphore_mem>>)
      %dma_wait3A_179 = arith.constant 0 : i32
      %dma_wait3A_180 = tpu.memref_slice %arg2[%dma_wait3A_179] : memref<12000000xf32, #tpu.memory_space<hbm>> -> memref<12000000xf32, #tpu.memory_space<hbm>>
      tpu.wait_indirect_dma semaphore(%arg15 : memref<!tpu.dma_semaphore, #tpu.memory_space<semaphore_mem>>) src(%dma_wait3A_180 : memref<12000000xf32, #tpu.memory_space<hbm>>) dst(%arg11 : memref<800xf32, #tpu.memory_space<vmem>>)
      %scan3A_181 = arith.constant 0 : i32
      %scan3A_182 = arith.constant 50 : i32
      %scan3A_183 = arith.addi %scan3A_181, %scan3A_182 : i32
      %scan3A_184 = arith.constant 1 : i32
      scf.for %scan3A_236 = %scan3A_181 to %scan3A_183 step %scan3A_184  : i32 {
        %mul3A_237 = arith.constant 1 : i32
        %mul3A_238 = arith.muli %scan3A_236, %mul3A_237 : i32
        %add3A_239 = arith.constant 0 : i32
        %add3A_240 = arith.addi %add3A_239, %mul3A_238 : i32
        %mul3A_241 = arith.constant 16 : i32
        %mul3A_242 = arith.muli %add3A_240, %mul3A_241 : i32
        %get3A_243 = arith.index_cast %mul3A_242 : i32 to index
        %get3A_244 = tpu.vector_load %arg11[%get3A_243] {strides = array<i32>} : memref<800xf32, #tpu.memory_space<vmem>>, vector<16xf32>,
        %get3A_245 = vector.shape_cast %get3A_244 : vector<16xf32> to vector<16xf32>
        %get3A_246 = arith.index_cast %mul3A_242 : i32 to index
        %get3A_247 = tpu.vector_load %arg12[%get3A_246] {strides = array<i32>} : memref<800xf32, #tpu.memory_space<vmem>>, vector<16xf32>,
        %get3A_248 = vector.shape_cast %get3A_247 : vector<16xf32> to vector<16xf32>
        %mul3A_249 = arith.mulf %get3A_245, %get3A_248 : vector<16xf32>
        %mul3A_250 = arith.mulf %mul3A_249, %get3A_14 : vector<16xf32>
        %add3A_251 = arith.addf %mul3A_250, %get3A_17 : vector<16xf32>
        %swap3A = arith.index_cast %mul3A_242 : i32 to index
        %swap3A_252 = tpu.vector_load %arg13[%swap3A] {strides = array<i32>} : memref<800xf32, #tpu.memory_space<vmem>>, vector<16xf32>,
        %swap3A_253 = vector.shape_cast %swap3A_252 : vector<16xf32> to vector<16xf32>
        %swap3A_254 = vector.shape_cast %add3A_251 : vector<16xf32> to vector<16xf32>
        tpu.vector_store %arg13[%swap3A], %swap3A_254 {strides = array<i32>} : memref<800xf32, #tpu.memory_space<vmem>>, vector<16xf32>,
      }
      %scan3A_185 = arith.constant 50 : i32
      %add3A_186 = arith.constant 1000000 : i32
      %add3A_187 = arith.addi %add3A_186, %mul3A_37 : i32
      "tpu.region"() ({
        %run_scoped3A = tpu.sem_alloc : memref<!tpu.dma_semaphore, #tpu.memory_space<semaphore_mem>>
        %dma_start3A_236 = tpu.memref_slice %arg8[%add3A_187] : memref<2000000xf32, #tpu.memory_space<hbm>> -> memref<800xf32, #tpu.memory_space<hbm>>
        %dma_start3A_237 = tpu.memref_slice %arg8[%add3A_187] : memref<2000000xf32, #tpu.memory_space<hbm>> -> memref<800xf32, #tpu.memory_space<hbm>>
        tpu.enqueue_dma source(%arg13 : memref<800xf32, #tpu.memory_space<vmem>>) target(%dma_start3A_237 : memref<800xf32, #tpu.memory_space<hbm>>) target_semaphore(%run_scoped3A : memref<!tpu.dma_semaphore, #tpu.memory_space<semaphore_mem>>)
        %dma_wait3A_238 = tpu.memref_slice %arg8[%add3A_187] : memref<2000000xf32, #tpu.memory_space<hbm>> -> memref<800xf32, #tpu.memory_space<hbm>>
        %dma_wait3A_239 = tpu.memref_slice %arg8[%add3A_187] : memref<2000000xf32, #tpu.memory_space<hbm>> -> memref<800xf32, #tpu.memory_space<hbm>>
        tpu.wait_dma2 semaphore(%run_scoped3A : memref<!tpu.dma_semaphore, #tpu.memory_space<semaphore_mem>>) src(%arg13 : memref<800xf32, #tpu.memory_space<vmem>>) dst(%dma_wait3A_239 : memref<800xf32, #tpu.memory_space<hbm>>)
        tpu.yield
      }) : () -> ()
      %scan3A_188 = arith.constant 0 : i32
      %scan3A_189 = arith.constant 50 : i32
      %scan3A_190 = arith.addi %scan3A_188, %scan3A_189 : i32
      %scan3A_191 = arith.constant 1 : i32
      scf.for %scan3A_236 = %scan3A_188 to %scan3A_190 step %scan3A_191  : i32 {
        %mul3A_237 = arith.constant 1 : i32
        %mul3A_238 = arith.muli %scan3A_236, %mul3A_237 : i32
        %add3A_239 = arith.constant 0 : i32
        %add3A_240 = arith.addi %add3A_239, %mul3A_238 : i32
        %mul3A_241 = arith.constant 16 : i32
        %mul3A_242 = arith.muli %add3A_240, %mul3A_241 : i32
        %get3A_243 = arith.index_cast %mul3A_242 : i32 to index
        %get3A_244 = tpu.vector_load %arg9[%get3A_243] {strides = array<i32>} : memref<800xi32, #tpu.memory_space<vmem>>, vector<16xi32>,
        %get3A_245 = vector.shape_cast %get3A_244 : vector<16xi32> to vector<16xi32>
        %add3A_246 = arith.constant 9000000 : i32
        %add3A_247 = vector.broadcast %add3A_246 : i32 to vector<16xi32>
        %add3A_248 = arith.addi %get3A_245, %add3A_247 : vector<16xi32>
        %swap3A = arith.index_cast %mul3A_242 : i32 to index
        %swap3A_249 = tpu.vector_load %arg10[%swap3A] {strides = array<i32>} : memref<800xi32, #tpu.memory_space<vmem>>, vector<16xi32>,
        %swap3A_250 = vector.shape_cast %swap3A_249 : vector<16xi32> to vector<16xi32>
        %swap3A_251 = vector.shape_cast %add3A_248 : vector<16xi32> to vector<16xi32>
        tpu.vector_store %arg10[%swap3A], %swap3A_251 {strides = array<i32>} : memref<800xi32, #tpu.memory_space<vmem>>, vector<16xi32>,
      }
      %scan3A_192 = arith.constant 50 : i32
      %dma_start3A_193 = arith.constant 0 : i32
      %dma_start3A_194 = tpu.memref_slice %arg2[%dma_start3A_193] : memref<12000000xf32, #tpu.memory_space<hbm>> -> memref<12000000xf32, #tpu.memory_space<hbm>>
      tpu.enqueue_indirect_dma source(%dma_start3A_194 : memref<12000000xf32, #tpu.memory_space<hbm>>) target(%arg11 : memref<800xf32, #tpu.memory_space<vmem>>) offsets(%arg10 : memref<800xi32, #tpu.memory_space<vmem>>) semaphore(%arg15 : memref<!tpu.dma_semaphore, #tpu.memory_space<semaphore_mem>>)
      %dma_wait3A_195 = arith.constant 0 : i32
      %dma_wait3A_196 = tpu.memref_slice %arg2[%dma_wait3A_195] : memref<12000000xf32, #tpu.memory_space<hbm>> -> memref<12000000xf32, #tpu.memory_space<hbm>>
      tpu.wait_indirect_dma semaphore(%arg15 : memref<!tpu.dma_semaphore, #tpu.memory_space<semaphore_mem>>) src(%dma_wait3A_196 : memref<12000000xf32, #tpu.memory_space<hbm>>) dst(%arg11 : memref<800xf32, #tpu.memory_space<vmem>>)
      %scan3A_197 = arith.constant 0 : i32
      %scan3A_198 = arith.constant 50 : i32
      %scan3A_199 = arith.addi %scan3A_197, %scan3A_198 : i32
      %scan3A_200 = arith.constant 1 : i32
      scf.for %scan3A_236 = %scan3A_197 to %scan3A_199 step %scan3A_200  : i32 {
        %mul3A_237 = arith.constant 1 : i32
        %mul3A_238 = arith.muli %scan3A_236, %mul3A_237 : i32
        %add3A_239 = arith.constant 0 : i32
        %add3A_240 = arith.addi %add3A_239, %mul3A_238 : i32
        %mul3A_241 = arith.constant 16 : i32
        %mul3A_242 = arith.muli %add3A_240, %mul3A_241 : i32
        %get3A_243 = arith.index_cast %mul3A_242 : i32 to index
        %get3A_244 = tpu.vector_load %arg11[%get3A_243] {strides = array<i32>} : memref<800xf32, #tpu.memory_space<vmem>>, vector<16xf32>,
        %get3A_245 = vector.shape_cast %get3A_244 : vector<16xf32> to vector<16xf32>
        %get3A_246 = arith.index_cast %mul3A_242 : i32 to index
        %get3A_247 = tpu.vector_load %arg12[%get3A_246] {strides = array<i32>} : memref<800xf32, #tpu.memory_space<vmem>>, vector<16xf32>,
        %get3A_248 = vector.shape_cast %get3A_247 : vector<16xf32> to vector<16xf32>
        %mul3A_249 = arith.mulf %get3A_245, %get3A_248 : vector<16xf32>
        %mul3A_250 = arith.mulf %mul3A_249, %get3A_2 : vector<16xf32>
        %add3A_251 = arith.addf %mul3A_250, %get3A_5 : vector<16xf32>
        %swap3A = arith.index_cast %mul3A_242 : i32 to index
        %swap3A_252 = tpu.vector_load %arg13[%swap3A] {strides = array<i32>} : memref<800xf32, #tpu.memory_space<vmem>>, vector<16xf32>,
        %swap3A_253 = vector.shape_cast %swap3A_252 : vector<16xf32> to vector<16xf32>
        %swap3A_254 = vector.shape_cast %add3A_251 : vector<16xf32> to vector<16xf32>
        tpu.vector_store %arg13[%swap3A], %swap3A_254 {strides = array<i32>} : memref<800xf32, #tpu.memory_space<vmem>>, vector<16xf32>,
      }
      %scan3A_201 = arith.constant 50 : i32
      %add3A_202 = arith.constant 1500000 : i32
      %add3A_203 = arith.addi %add3A_202, %mul3A_37 : i32
      "tpu.region"() ({
        %run_scoped3A = tpu.sem_alloc : memref<!tpu.dma_semaphore, #tpu.memory_space<semaphore_mem>>
        %dma_start3A_236 = tpu.memref_slice %arg6[%add3A_203] : memref<2000000xf32, #tpu.memory_space<hbm>> -> memref<800xf32, #tpu.memory_space<hbm>>
        %dma_start3A_237 = tpu.memref_slice %arg6[%add3A_203] : memref<2000000xf32, #tpu.memory_space<hbm>> -> memref<800xf32, #tpu.memory_space<hbm>>
        tpu.enqueue_dma source(%arg13 : memref<800xf32, #tpu.memory_space<vmem>>) target(%dma_start3A_237 : memref<800xf32, #tpu.memory_space<hbm>>) target_semaphore(%run_scoped3A : memref<!tpu.dma_semaphore, #tpu.memory_space<semaphore_mem>>)
        %dma_wait3A_238 = tpu.memref_slice %arg6[%add3A_203] : memref<2000000xf32, #tpu.memory_space<hbm>> -> memref<800xf32, #tpu.memory_space<hbm>>
        %dma_wait3A_239 = tpu.memref_slice %arg6[%add3A_203] : memref<2000000xf32, #tpu.memory_space<hbm>> -> memref<800xf32, #tpu.memory_space<hbm>>
        tpu.wait_dma2 semaphore(%run_scoped3A : memref<!tpu.dma_semaphore, #tpu.memory_space<semaphore_mem>>) src(%arg13 : memref<800xf32, #tpu.memory_space<vmem>>) dst(%dma_wait3A_239 : memref<800xf32, #tpu.memory_space<hbm>>)
        tpu.yield
      }) : () -> ()
      %scan3A_204 = arith.constant 0 : i32
      %scan3A_205 = arith.constant 50 : i32
      %scan3A_206 = arith.addi %scan3A_204, %scan3A_205 : i32
      %scan3A_207 = arith.constant 1 : i32
      scf.for %scan3A_236 = %scan3A_204 to %scan3A_206 step %scan3A_207  : i32 {
        %mul3A_237 = arith.constant 1 : i32
        %mul3A_238 = arith.muli %scan3A_236, %mul3A_237 : i32
        %add3A_239 = arith.constant 0 : i32
        %add3A_240 = arith.addi %add3A_239, %mul3A_238 : i32
        %mul3A_241 = arith.constant 16 : i32
        %mul3A_242 = arith.muli %add3A_240, %mul3A_241 : i32
        %get3A_243 = arith.index_cast %mul3A_242 : i32 to index
        %get3A_244 = tpu.vector_load %arg9[%get3A_243] {strides = array<i32>} : memref<800xi32, #tpu.memory_space<vmem>>, vector<16xi32>,
        %get3A_245 = vector.shape_cast %get3A_244 : vector<16xi32> to vector<16xi32>
        %add3A_246 = arith.constant 10000000 : i32
        %add3A_247 = vector.broadcast %add3A_246 : i32 to vector<16xi32>
        %add3A_248 = arith.addi %get3A_245, %add3A_247 : vector<16xi32>
        %swap3A = arith.index_cast %mul3A_242 : i32 to index
        %swap3A_249 = tpu.vector_load %arg10[%swap3A] {strides = array<i32>} : memref<800xi32, #tpu.memory_space<vmem>>, vector<16xi32>,
        %swap3A_250 = vector.shape_cast %swap3A_249 : vector<16xi32> to vector<16xi32>
        %swap3A_251 = vector.shape_cast %add3A_248 : vector<16xi32> to vector<16xi32>
        tpu.vector_store %arg10[%swap3A], %swap3A_251 {strides = array<i32>} : memref<800xi32, #tpu.memory_space<vmem>>, vector<16xi32>,
      }
      %scan3A_208 = arith.constant 50 : i32
      %dma_start3A_209 = arith.constant 0 : i32
      %dma_start3A_210 = tpu.memref_slice %arg2[%dma_start3A_209] : memref<12000000xf32, #tpu.memory_space<hbm>> -> memref<12000000xf32, #tpu.memory_space<hbm>>
      tpu.enqueue_indirect_dma source(%dma_start3A_210 : memref<12000000xf32, #tpu.memory_space<hbm>>) target(%arg11 : memref<800xf32, #tpu.memory_space<vmem>>) offsets(%arg10 : memref<800xi32, #tpu.memory_space<vmem>>) semaphore(%arg15 : memref<!tpu.dma_semaphore, #tpu.memory_space<semaphore_mem>>)
      %dma_wait3A_211 = arith.constant 0 : i32
      %dma_wait3A_212 = tpu.memref_slice %arg2[%dma_wait3A_211] : memref<12000000xf32, #tpu.memory_space<hbm>> -> memref<12000000xf32, #tpu.memory_space<hbm>>
      tpu.wait_indirect_dma semaphore(%arg15 : memref<!tpu.dma_semaphore, #tpu.memory_space<semaphore_mem>>) src(%dma_wait3A_212 : memref<12000000xf32, #tpu.memory_space<hbm>>) dst(%arg11 : memref<800xf32, #tpu.memory_space<vmem>>)
      %scan3A_213 = arith.constant 0 : i32
      %scan3A_214 = arith.constant 50 : i32
      %scan3A_215 = arith.addi %scan3A_213, %scan3A_214 : i32
      %scan3A_216 = arith.constant 1 : i32
      scf.for %scan3A_236 = %scan3A_213 to %scan3A_215 step %scan3A_216  : i32 {
        %mul3A_237 = arith.constant 1 : i32
        %mul3A_238 = arith.muli %scan3A_236, %mul3A_237 : i32
        %add3A_239 = arith.constant 0 : i32
        %add3A_240 = arith.addi %add3A_239, %mul3A_238 : i32
        %mul3A_241 = arith.constant 16 : i32
        %mul3A_242 = arith.muli %add3A_240, %mul3A_241 : i32
        %get3A_243 = arith.index_cast %mul3A_242 : i32 to index
        %get3A_244 = tpu.vector_load %arg11[%get3A_243] {strides = array<i32>} : memref<800xf32, #tpu.memory_space<vmem>>, vector<16xf32>,
        %get3A_245 = vector.shape_cast %get3A_244 : vector<16xf32> to vector<16xf32>
        %get3A_246 = arith.index_cast %mul3A_242 : i32 to index
        %get3A_247 = tpu.vector_load %arg12[%get3A_246] {strides = array<i32>} : memref<800xf32, #tpu.memory_space<vmem>>, vector<16xf32>,
        %get3A_248 = vector.shape_cast %get3A_247 : vector<16xf32> to vector<16xf32>
        %mul3A_249 = arith.mulf %get3A_245, %get3A_248 : vector<16xf32>
        %mul3A_250 = arith.mulf %mul3A_249, %get3A_8 : vector<16xf32>
        %add3A_251 = arith.addf %mul3A_250, %get3A_11 : vector<16xf32>
        %swap3A = arith.index_cast %mul3A_242 : i32 to index
        %swap3A_252 = tpu.vector_load %arg13[%swap3A] {strides = array<i32>} : memref<800xf32, #tpu.memory_space<vmem>>, vector<16xf32>,
        %swap3A_253 = vector.shape_cast %swap3A_252 : vector<16xf32> to vector<16xf32>
        %swap3A_254 = vector.shape_cast %add3A_251 : vector<16xf32> to vector<16xf32>
        tpu.vector_store %arg13[%swap3A], %swap3A_254 {strides = array<i32>} : memref<800xf32, #tpu.memory_space<vmem>>, vector<16xf32>,
      }
      %scan3A_217 = arith.constant 50 : i32
      %add3A_218 = arith.constant 1500000 : i32
      %add3A_219 = arith.addi %add3A_218, %mul3A_37 : i32
      "tpu.region"() ({
        %run_scoped3A = tpu.sem_alloc : memref<!tpu.dma_semaphore, #tpu.memory_space<semaphore_mem>>
        %dma_start3A_236 = tpu.memref_slice %arg7[%add3A_219] : memref<2000000xf32, #tpu.memory_space<hbm>> -> memref<800xf32, #tpu.memory_space<hbm>>
        %dma_start3A_237 = tpu.memref_slice %arg7[%add3A_219] : memref<2000000xf32, #tpu.memory_space<hbm>> -> memref<800xf32, #tpu.memory_space<hbm>>
        tpu.enqueue_dma source(%arg13 : memref<800xf32, #tpu.memory_space<vmem>>) target(%dma_start3A_237 : memref<800xf32, #tpu.memory_space<hbm>>) target_semaphore(%run_scoped3A : memref<!tpu.dma_semaphore, #tpu.memory_space<semaphore_mem>>)
        %dma_wait3A_238 = tpu.memref_slice %arg7[%add3A_219] : memref<2000000xf32, #tpu.memory_space<hbm>> -> memref<800xf32, #tpu.memory_space<hbm>>
        %dma_wait3A_239 = tpu.memref_slice %arg7[%add3A_219] : memref<2000000xf32, #tpu.memory_space<hbm>> -> memref<800xf32, #tpu.memory_space<hbm>>
        tpu.wait_dma2 semaphore(%run_scoped3A : memref<!tpu.dma_semaphore, #tpu.memory_space<semaphore_mem>>) src(%arg13 : memref<800xf32, #tpu.memory_space<vmem>>) dst(%dma_wait3A_239 : memref<800xf32, #tpu.memory_space<hbm>>)
        tpu.yield
      }) : () -> ()
      %scan3A_220 = arith.constant 0 : i32
      %scan3A_221 = arith.constant 50 : i32
      %scan3A_222 = arith.addi %scan3A_220, %scan3A_221 : i32
      %scan3A_223 = arith.constant 1 : i32
      scf.for %scan3A_236 = %scan3A_220 to %scan3A_222 step %scan3A_223  : i32 {
        %mul3A_237 = arith.constant 1 : i32
        %mul3A_238 = arith.muli %scan3A_236, %mul3A_237 : i32
        %add3A_239 = arith.constant 0 : i32
        %add3A_240 = arith.addi %add3A_239, %mul3A_238 : i32
        %mul3A_241 = arith.constant 16 : i32
        %mul3A_242 = arith.muli %add3A_240, %mul3A_241 : i32
        %get3A_243 = arith.index_cast %mul3A_242 : i32 to index
        %get3A_244 = tpu.vector_load %arg9[%get3A_243] {strides = array<i32>} : memref<800xi32, #tpu.memory_space<vmem>>, vector<16xi32>,
        %get3A_245 = vector.shape_cast %get3A_244 : vector<16xi32> to vector<16xi32>
        %add3A_246 = arith.constant 11000000 : i32
        %add3A_247 = vector.broadcast %add3A_246 : i32 to vector<16xi32>
        %add3A_248 = arith.addi %get3A_245, %add3A_247 : vector<16xi32>
        %swap3A = arith.index_cast %mul3A_242 : i32 to index
        %swap3A_249 = tpu.vector_load %arg10[%swap3A] {strides = array<i32>} : memref<800xi32, #tpu.memory_space<vmem>>, vector<16xi32>,
        %swap3A_250 = vector.shape_cast %swap3A_249 : vector<16xi32> to vector<16xi32>
        %swap3A_251 = vector.shape_cast %add3A_248 : vector<16xi32> to vector<16xi32>
        tpu.vector_store %arg10[%swap3A], %swap3A_251 {strides = array<i32>} : memref<800xi32, #tpu.memory_space<vmem>>, vector<16xi32>,
      }
      %scan3A_224 = arith.constant 50 : i32
      %dma_start3A_225 = arith.constant 0 : i32
      %dma_start3A_226 = tpu.memref_slice %arg2[%dma_start3A_225] : memref<12000000xf32, #tpu.memory_space<hbm>> -> memref<12000000xf32, #tpu.memory_space<hbm>>
      tpu.enqueue_indirect_dma source(%dma_start3A_226 : memref<12000000xf32, #tpu.memory_space<hbm>>) target(%arg11 : memref<800xf32, #tpu.memory_space<vmem>>) offsets(%arg10 : memref<800xi32, #tpu.memory_space<vmem>>) semaphore(%arg15 : memref<!tpu.dma_semaphore, #tpu.memory_space<semaphore_mem>>)
      %dma_wait3A_227 = arith.constant 0 : i32
      %dma_wait3A_228 = tpu.memref_slice %arg2[%dma_wait3A_227] : memref<12000000xf32, #tpu.memory_space<hbm>> -> memref<12000000xf32, #tpu.memory_space<hbm>>
      tpu.wait_indirect_dma semaphore(%arg15 : memref<!tpu.dma_semaphore, #tpu.memory_space<semaphore_mem>>) src(%dma_wait3A_228 : memref<12000000xf32, #tpu.memory_space<hbm>>) dst(%arg11 : memref<800xf32, #tpu.memory_space<vmem>>)
      %scan3A_229 = arith.constant 0 : i32
      %scan3A_230 = arith.constant 50 : i32
      %scan3A_231 = arith.addi %scan3A_229, %scan3A_230 : i32
      %scan3A_232 = arith.constant 1 : i32
      scf.for %scan3A_236 = %scan3A_229 to %scan3A_231 step %scan3A_232  : i32 {
        %mul3A_237 = arith.constant 1 : i32
        %mul3A_238 = arith.muli %scan3A_236, %mul3A_237 : i32
        %add3A_239 = arith.constant 0 : i32
        %add3A_240 = arith.addi %add3A_239, %mul3A_238 : i32
        %mul3A_241 = arith.constant 16 : i32
        %mul3A_242 = arith.muli %add3A_240, %mul3A_241 : i32
        %get3A_243 = arith.index_cast %mul3A_242 : i32 to index
        %get3A_244 = tpu.vector_load %arg11[%get3A_243] {strides = array<i32>} : memref<800xf32, #tpu.memory_space<vmem>>, vector<16xf32>,
        %get3A_245 = vector.shape_cast %get3A_244 : vector<16xf32> to vector<16xf32>
        %get3A_246 = arith.index_cast %mul3A_242 : i32 to index
        %get3A_247 = tpu.vector_load %arg12[%get3A_246] {strides = array<i32>} : memref<800xf32, #tpu.memory_space<vmem>>, vector<16xf32>,
        %get3A_248 = vector.shape_cast %get3A_247 : vector<16xf32> to vector<16xf32>
        %mul3A_249 = arith.mulf %get3A_245, %get3A_248 : vector<16xf32>
        %mul3A_250 = arith.mulf %mul3A_249, %get3A_14 : vector<16xf32>
        %add3A_251 = arith.addf %mul3A_250, %get3A_17 : vector<16xf32>
        %swap3A = arith.index_cast %mul3A_242 : i32 to index
        %swap3A_252 = tpu.vector_load %arg13[%swap3A] {strides = array<i32>} : memref<800xf32, #tpu.memory_space<vmem>>, vector<16xf32>,
        %swap3A_253 = vector.shape_cast %swap3A_252 : vector<16xf32> to vector<16xf32>
        %swap3A_254 = vector.shape_cast %add3A_251 : vector<16xf32> to vector<16xf32>
        tpu.vector_store %arg13[%swap3A], %swap3A_254 {strides = array<i32>} : memref<800xf32, #tpu.memory_space<vmem>>, vector<16xf32>,
      }
      %scan3A_233 = arith.constant 50 : i32
      %add3A_234 = arith.constant 1500000 : i32
      %add3A_235 = arith.addi %add3A_234, %mul3A_37 : i32
      "tpu.region"() ({
        %run_scoped3A = tpu.sem_alloc : memref<!tpu.dma_semaphore, #tpu.memory_space<semaphore_mem>>
        %dma_start3A_236 = tpu.memref_slice %arg8[%add3A_235] : memref<2000000xf32, #tpu.memory_space<hbm>> -> memref<800xf32, #tpu.memory_space<hbm>>
        %dma_start3A_237 = tpu.memref_slice %arg8[%add3A_235] : memref<2000000xf32, #tpu.memory_space<hbm>> -> memref<800xf32, #tpu.memory_space<hbm>>
        tpu.enqueue_dma source(%arg13 : memref<800xf32, #tpu.memory_space<vmem>>) target(%dma_start3A_237 : memref<800xf32, #tpu.memory_space<hbm>>) target_semaphore(%run_scoped3A : memref<!tpu.dma_semaphore, #tpu.memory_space<semaphore_mem>>)
        %dma_wait3A_238 = tpu.memref_slice %arg8[%add3A_235] : memref<2000000xf32, #tpu.memory_space<hbm>> -> memref<800xf32, #tpu.memory_space<hbm>>
        %dma_wait3A_239 = tpu.memref_slice %arg8[%add3A_235] : memref<2000000xf32, #tpu.memory_space<hbm>> -> memref<800xf32, #tpu.memory_space<hbm>>
        tpu.wait_dma2 semaphore(%run_scoped3A : memref<!tpu.dma_semaphore, #tpu.memory_space<semaphore_mem>>) src(%arg13 : memref<800xf32, #tpu.memory_space<vmem>>) dst(%dma_wait3A_239 : memref<800xf32, #tpu.memory_space<hbm>>)
        tpu.yield
      }) : () -> ()
    }
    return
  }
}

module attributes {stable_mosaic.version = 14 : i64} {
  func.func @_trig_body(%arg0: i32, %arg1: memref<625x640xf32, #tpu.memory_space<vmem>>, %arg2: memref<625x640xf32, #tpu.memory_space<vmem>>, %arg3: memref<625x640xf32, #tpu.memory_space<vmem>>) attributes {dimension_semantics = [#tpu.dimension_semantics<arbitrary>], iteration_bounds = array<i64: 5>, scalar_prefetch = 0 : i64, scratch_operands = 0 : i64, tpu.core_type = #tpu.core_type<tc>, window_params = [{transform_indices = @transform_0, window_bounds = array<i64: 625, 640>}, {transform_indices = @transform_1, window_bounds = array<i64: 625, 640>}, {transform_indices = @transform_2, window_bounds = array<i64: 625, 640>}]} {
    %get3A = arith.constant 0 : index
    %get3A_0 = arith.constant 0 : index
    %get3A_1 = vector.load %arg1[%get3A, %get3A_0] : memref<625x640xf32, #tpu.memory_space<vmem>>, vector<625x640xf32>
    %mul3A = arith.constant 2.000000e+00 : f32
    %mul3A_2 = vector.broadcast %mul3A : f32 to vector<625x640xf32>
    %mul3A_3 = arith.mulf %mul3A_2, %get3A_1 : vector<625x640xf32>
    %cos3A = math.cos %mul3A_3 : vector<625x640xf32>
    %swap3A = arith.constant 0 : index
    %swap3A_4 = arith.constant 0 : index
    %swap3A_5 = vector.load %arg2[%swap3A, %swap3A_4] : memref<625x640xf32, #tpu.memory_space<vmem>>, vector<625x640xf32>
    tpu.vector_store %arg2[%swap3A, %swap3A_4], %cos3A {strides = array<i32>} : memref<625x640xf32, #tpu.memory_space<vmem>>, vector<625x640xf32>,
    %sin3A = math.sin %mul3A_3 : vector<625x640xf32>
    %swap3A_6 = arith.constant 0 : index
    %swap3A_7 = arith.constant 0 : index
    %swap3A_8 = vector.load %arg3[%swap3A_6, %swap3A_7] : memref<625x640xf32, #tpu.memory_space<vmem>>, vector<625x640xf32>
    tpu.vector_store %arg3[%swap3A_6, %swap3A_7], %sin3A {strides = array<i32>} : memref<625x640xf32, #tpu.memory_space<vmem>>, vector<625x640xf32>,
    return
  }
  func.func @transform_0(%arg0: i32) -> (i32, i32) {
    %c0_i32 = arith.constant 0 : i32
    %c0_i32_0 = arith.constant 0 : i32
    return %c0_i32, %arg0 : i32, i32
  }
  func.func @transform_1(%arg0: i32) -> (i32, i32) {
    %c0_i32 = arith.constant 0 : i32
    %c0_i32_0 = arith.constant 0 : i32
    return %c0_i32, %arg0 : i32, i32
  }
  func.func @transform_2(%arg0: i32) -> (i32, i32) {
    %c0_i32 = arith.constant 0 : i32
    %c0_i32_0 = arith.constant 0 : i32
    return %c0_i32, %arg0 : i32, i32
  }
}

</mosaic_0001>

<sc_bundles>
// kernel: kernel.12.cloned.1.call-start
scs
__scs_entry_jumppad:
0x0: {  	(pc) =	sbr.rel $0x88, $3  }
0x1: {  	(tag) =	ssettag $0x0;
	lr =	simm.s32 $0x1  }
0x2: {  	[smem:$0x3F97] =	sst lr;
	_ =	strace $0xD0000000  }
0x3: {  	_ = 	snop  }
0x4: {  	_ = 	snop  }
0x5: {  	_ = 	snop  }
0x6: {  	_ = 	snop  }
0x7: {  	_ = 	snop  }
__scs_overlays_trampoline_lowered:
0x8: {  	[smem:$0x3FA6] =	sst s0  }
0x9: {  	[smem:$0x3FA7] =	sst s1  }
0xa: {  	[smem:$0x3FA8] =	sst s2  }
0xb: {  	[smem:$0x3FA9] =	sst s3  }
0xc: {  	[smem:$0x3FAA] =	sst s4  }
0xd: {  	[smem:$0x3FAB] =	sst s5  }
0xe: {  	[smem:$0x3FAC] =	sst s6  }
0xf: {  	[smem:$0x3FAD] =	sst s7  }
0x10: {  	[smem:$0x3FAE] =	sst s8  }
0x11: {  	[smem:$0x3FAF] =	sst s9;
	s0 =	simm.s32 @!p0 $0x0  }
0x12: {  	s1 =	sld [smem:$0x3F95];
	s0 =	simm.s32 @p0 $0x1  }
0x13: {  	[smem:$0x3FB0] =	sst s0;
	s0 =	simm.s32 @!p1 $0x0  }
0x14: {  	s2 =	sld [smem:$0x3F94];
	s0 =	simm.s32 @p1 $0x1  }
0x15: {  	[smem:$0x3FB1] =	sst s0;
	s0 =	simm.s32 @!p2 $0x0  }
0x16: {  	s3 =	sld [smem:$0x3FDB];
	s0 =	simm.s32 @p2 $0x1  }
0x17: {  	s4 =	simm.s32 $0x1BF5;
	[smem:$0x3FB3] =	sst s0  }
0x18: {  	s0 =	sld [smem:$0x3F96];
	_ =	swait.ge [sflag:s4], $0x0  }
0x19: {  	s7 =	sld [smem:$0x3F97]  }
0x1a: {  	s8 =	sadd.s32 $0xFFFFE003, lr  }
0x1b: {  	s9 =	sadd.s32 $0xFFFFFEF7, lr;
	s5 =	simm.s32 $0xFFFFFFFF;
	p2 =	slt.u32 s8, $0xFFFFF086  }
0x1c: {  	p1 =	slt.u32 s9, $0xF7A;
	s5 =	simm.s32 @!p2 $0x0  }
0x1d: {  	s5 =	simm.s32 @p1 $0x1;
	p0 =	seq.s32 s7, s2  }
0x1e: {  	s7 =	smul.u32 @!p0 $0xF7A, s2;
	p2 =	seq.s32 @!p0 s5, $0x0  }
0x1f: {  	s9 =	smul.u32 $0xF7A, s1;
	s8 =	simm.s32 @!p0 $0x1BF5;
	p2 =	por !p2, p0  }
0x20: {  	[sflag:s8] =	ssyncset.s32 @!p0 $0xFFFFF086;
	s6 =	sadd.s32 @!p0 s3, s7;
	s7 =	simm.s32 @!p0 $0x108  }
0x21: {  	s3 =	sadd.s32 s3, s9;
	s6 =	sadd.s32 @!p0 $0x88, s6;
	s7 =	simm.s32 @p2 $0x1082  }
0x22: {  	[simem:s7], [sflag:s8] =	dma.local @!p0 [hbm:s6], $0xF7A  }
0x23: {  	s9 =	sor.u32 $0xD0000000, s2;
	s6 =	simm.s32 $0x108;
	_ =	swait.ge @!p0 [sflag:s8], $0x0  }
0x24: {  	s3 =	sadd.s32 $0x88, s3;
	s6 =	simm.s32 @!p1 $0x1082;
	[sflag:s4] =	ssyncset.s32 $0xFFFFF086  }
0x25: {  	[simem:s6], [sflag:s4] =	dma.local [hbm:s3], $0xF7A  }
0x26: {  	[smem:$0x3F97] =	sst s1;
	(tag) =	ssettag s2;
	_ =	strace s9  }
0x27: {  	s1 =	sld [smem:$0x3FA7]  }
0x28: {  	s2 =	sld [smem:$0x3FA8]  }
0x29: {  	s4 =	sld [smem:$0x3FAA]  }
0x2a: {  	p0 =	seq.s32 s5, $0x0;
	s5 =	sld [smem:$0x3FAB]  }
0x2b: {  	s6 =	sld [smem:$0x3FAC]  }
0x2c: {  	s7 =	sld [smem:$0x3FAD]  }
0x2d: {  	s3 =	simm.s32 $0x108;
	s8 =	sld [smem:$0x3FAE]  }
0x2e: {  	s3 =	simm.s32 @!p0 $0x1082;
	s9 =	sld [smem:$0x3FAF]  }
0x2f: {  	lr =	sadd.s32 s0, s3;
	s0 =	sld [smem:$0x3FA6]  }
0x30: {  	s3 =	sld [smem:$0x3FA9]  }
0x31: {  	[smem:$0x3FB2] =	sst s10  }
0x32: {  	s10 =	sld [smem:$0x3FB0];
	_ =	sdelay $0x3  }
0x33: {  	p0 =	seq.s32 s10, $0x1;
	s10 =	sld [smem:$0x3FB2];
	_ =	sdelay $0x3  }
0x34: {  	[smem:$0x3FB2] =	sst s10  }
0x35: {  	s10 =	sld [smem:$0x3FB1];
	_ =	sdelay $0x3  }
0x36: {  	p1 =	seq.s32 s10, $0x1;
	s10 =	sld [smem:$0x3FB2];
	_ =	sdelay $0x3  }
0x37: {  	[smem:$0x3FB2] =	sst s10  }
0x38: {  	s10 =	sld [smem:$0x3FB3]  }
0x39: {  	_ = 	snop;
	(pc) =	sbr.ind lr, $3  }
0x3a: {  	_ = 	snop  }
0x3b: {  	_ = 	snop  }
0x3c: {  	p2 =	seq.s32 s10, $0x1;
	s10 =	sld [smem:$0x3FB2]  }
0x3d: {  	_ =	shalt  }
0x3e: {  	_ =	shalt  }
0x3f: {  	_ =	shalt  }
0x40: {  	_ =	shalt  }
0x41: {  	_ =	shalt  }
0x42: {  	_ =	shalt  }
0x43: {  	_ =	shalt  }
0x44: {  	_ =	shalt  }
0x45: {  	_ =	shalt  }
0x46: {  	_ =	shalt  }
0x47: {  	_ =	shalt  }
0x48: {  	_ =	shalt  }
0x49: {  	_ =	shalt  }
0x4a: {  	_ =	shalt  }
0x4b: {  	_ =	shalt  }
0x4c: {  	_ =	shalt  }
0x4d: {  	_ =	shalt  }
0x4e: {  	_ =	shalt  }
0x4f: {  	_ =	shalt  }
0x50: {  	_ =	shalt  }
0x51: {  	_ =	shalt  }
0x52: {  	_ =	shalt  }
0x53: {  	_ =	shalt  }
0x54: {  	_ =	shalt  }
0x55: {  	_ =	shalt  }
0x56: {  	_ =	shalt  }
0x57: {  	_ =	shalt  }
0x58: {  	_ =	shalt  }
0x59: {  	_ =	shalt  }
0x5a: {  	_ =	shalt  }
0x5b: {  	_ =	shalt  }
0x5c: {  	_ =	shalt  }
0x5d: {  	_ =	shalt  }
0x5e: {  	_ =	shalt  }
0x5f: {  	_ =	shalt  }
0x60: {  	_ =	shalt  }
0x61: {  	_ =	shalt  }
0x62: {  	_ =	shalt  }
0x63: {  	_ =	shalt  }
0x64: {  	_ =	shalt  }
0x65: {  	_ =	shalt  }
0x66: {  	_ =	shalt  }
0x67: {  	_ =	shalt  }
0x68: {  	_ =	shalt  }
0x69: {  	_ =	shalt  }
0x6a: {  	_ =	shalt  }
0x6b: {  	_ =	shalt  }
0x6c: {  	_ =	shalt  }
0x6d: {  	_ =	shalt  }
0x6e: {  	_ =	shalt  }
0x6f: {  	_ =	shalt  }
0x70: {  	_ =	shalt  }
0x71: {  	_ =	shalt  }
0x72: {  	_ =	shalt  }
0x73: {  	_ =	shalt  }
0x74: {  	_ =	shalt  }
0x75: {  	_ =	shalt  }
0x76: {  	_ =	shalt  }
0x77: {  	_ =	shalt  }
0x78: {  	_ =	shalt  }
0x79: {  	_ =	shalt  }
0x7a: {  	_ =	shalt  }
0x7b: {  	_ =	shalt  }
0x7c: {  	_ =	shalt  }
0x7d: {  	_ =	shalt  }
0x7e: {  	_ =	shalt  }
0x7f: {  	_ =	shalt  }
0x80: {  	_ =	shalt  }
0x81: {  	_ =	shalt  }
0x82: {  	_ =	shalt  }
0x83: {  	_ =	shalt  }
0x84: {  	_ =	shalt  }
0x85: {  	_ =	shalt  }
0x86: {  	_ =	shalt  }
0x87: {  	_ =	shalt  }
.Lfunc_end0:
.L_simem_size_0:
called_computation.2_lowered:
.L_overlay_start_0:
0x88: {  	s2 =	sld [smem:$0x3FD9]  }
0x89: {  	s3 =	sld [smem:$0x3FFE];
	_ =	sdelay $0x1  }
0x8a: {  	s1 =	srdreg.scid  }
0x8b: {  	s0 =	sand.u32 $0x1, s1  }
0x8c: {  	s14 =	sshll.u32 s0, $0xA;
	s2 =	sadd.s32 s3, s2  }
0x8d: {  	s2 =	sadd.s32 s2, s14  }
0x8e: {  	[smem:$0x3FBE] =	sst s2  }
0x8f: {  	_ = 	snop  }
0x90: {  	s2 =	sld [smem:$0x3FD0];
	_ =	sdelay $0x2  }
0x91: {  	s4 =	simm.s32 $0xB;
	s5 =	simm.s32 $0x10;
	s15 =	sld [smem:$0x3FC6]  }
0x92: {  	[smem:s5], [sflag:s4] =	dma.local [hbm:s2], $0x1  }
0x93: {  	_ =	swait.eq [sflag:s4], $0x1  }
0x94: {  	[sflag:s4] =	ssyncset.done $0x0  }
0x95: {  	s16 =	sld [smem:$0x10];
	[sflag:s4] =	ssyncadd.s32 $0xFFFFFFFF  }
0x96: {  	s17 =	sld [smem:$0x12];
	(tm) =	ssettm $0x1  }
0x97: {  	s18 =	sld [smem:$0x3FFB];
	_ =	sdelay $0x3  }
0x98: {  	_ =	strace s18  }
0x99: {  	s5 =	sld [smem:$0x3FFC];
	_ =	sdelay $0x3  }
0x9a: {  	_ =	strace s5  }
0x9b: {  	s5 =	sld [smem:$0x3FFD];
	_ =	sdelay $0x3  }
0x9c: {  	_ =	strace s5  }
0x9d: {  	_ =	strace $0x8FFFFFFF  }
0x9e: {  	s19 =	sld [smem:$0x3FDB];
	_ =	sdelay $0x1  }
0x9f: {  	s6 =	simm.s32 $_scs_section_size  }
0xa0: {  	s7 =	simm.s32 $_size__tile_overlayer_lowered;
	s8 =	simm.s32 $_tile_overlayer_lowered  }
0xa1: {  	s22 =	simm.s32 $0x1BFF;
	s21 =	sshll.u32 s8, $0x1;
	s5 =	sadd.s32 s6, s19  }
0xa2: {  	s9 =	simm.s32 $0x0;
	s20 =	sshll.u32 s7, $0x1;
	s7 =	sadd.s32 s21, s5  }
0xa3: {  	[timem:s9], [sflag:s22] =	dma.local [hbm:s7], s20  }
0xa4: {  	_ =	swait.ge [sflag:s22], s20  }
0xa5: {  	s6 =	ssub.s32 $0x0, s20;
	[sflag:s22] =	ssyncset.done $0x0  }
0xa6: {  	[sflag:s22] =	ssyncadd.s32 s6;
	_ =	sdelay $0x1  }
0xa7: {  	s23 =	simm.s32 $0x1B8B  }
0xa8: {  	_ =	swait.ge [sflag:s23], $0x1  }
0xa9: {  	[sflag:s23] =	ssyncset.done $0x0  }
0xaa: {  	s25 =	simm.s32 $0x1B8E;
	s24 =	sld [smem:$0x3FFE];
	[sflag:s23] =	ssyncadd.s32 $0xFFFFFFFF  }
0xab: {  	s26 =	simm.s32 $execute0_lowered;
	[smem:$0x3FD2] =	sst s25  }
0xac: {  	s7 =	sshll.u32 s26, $0x1;
	_ =	strace $0x8000004C;
	[dreg:$0x1] =	wrdreg $0xFFFFFFFF  }
0xad: {  	s28 =	simm.s32 $_size_execute0_lowered;
	s5 =	sadd.s32 s5, s7;
	[dreg:$0x0] =	wrdreg $0x0  }
0xae: {  	s7 =	sshll.u32 s28, $0x1;
	[dreg:$0x2] =	wrdreg s5  }
0xaf: {  	[dreg:$0x3] =	wrdreg s7  }
0xb0: {  	[dreg:$0x4] =	wrdreg $0xC0  }
0xb1: {  	_ =	task [dreg:s9], $0x5FFFF  }
0xb2: {  	[dreg:$0x1] =	wrdreg $0xFFFFFFFF  }
0xb3: {  	[dreg:$0x0] =	wrdreg $0x60  }
0xb4: {  	[dreg:$0x2] =	wrdreg s24  }
0xb5: {  	[dreg:$0x3] =	wrdreg s17  }
0xb6: {  	[dreg:$0x4] =	wrdreg s15  }
0xb7: {  	[dreg:$0x5] =	wrdreg s16  }
0xb8: {  	[dreg:$0x6] =	wrdreg $0x9  }
0xb9: {  	_ =	task.clear_ibuf [dreg:s9], $0x7FFFF;
	_ =	strace $0x9000004C  }
0xba: {  	s29 =	simm.s32 $0x9;
	_ =	strace $0x8000004E  }
0xbb: {  	_ =	swait.ge [sflag:s29], $0x1  }
0xbc: {  	[sflag:s29] =	ssyncadd.s32 $0xFFFFFFFF  }
0xbd: {  	_ =	strace $0x9000004E  }
0xbe: {  	_ =	sfence  }
0xbf: {  	s30 =	sld [smem:$0x0];
	_ =	sdelay $0x2  }
0xc0: {  	s31 =	sshll.u32 s1, $0xD;
	s1 =	sshrl.u32 s1, $0x2  }
0xc1: {  	s3 =	sand.u32 $0x4000, s31;
	s1 =	sadd.s32 s1, s30  }
0xc2: {  	s0 =	sor.u32 s3, s0;
	s1 =	sshll.u32 s1, $0x11  }
0xc3: {  	s0 =	sor.u32 s1, s0  }
0xc4: {  	s0 =	sadd.s32 $0x8F2B, s0  }
0xc5: {  	[sflag:s0] =	ssyncadd.remote.s32 $0x1  }
0xc6: {  	_ =	sfence.sel $0xFFFF  }
0xc7: {  	[dreg:$0x0] =	wrdreg $0xFFFFFFFF;
	(pc) =	sbr.abs _section_cstart, $3  }
0xc8: {  	[dreg:$0x1] =	wrdreg $0xFFFFFFFF  }
0xc9: {  	_ =	task.clear_ibuf [dreg:s9], $0x2FFFF;
	_ =	strace $0x9FFFFFFF  }
0xca: {  	(tm) =	ssettm $0x7FFFFFFF  }
0xcb: {  	_ =	shalt  }
tec
execute0_lowered:
.L_overlay_start_1:
0x0: {  	(tag) =	ssettag $0x1  }
0x1: {  	s10 =	rddreg [dreg:$0x0]  }
0x2: {  	s1 =	rddreg [dreg:$0x1]  }
0x3: {  	s2 =	rddreg [dreg:$0x2]  }
0x4: {  	s3 =	rddreg [dreg:$0x3]  }
0x5: {  	s0 =	rddreg [dreg:$0x4];
	s5 =	simm.s32 $0x0;
	s7 =	srdreg.scid  }
0x6: {  	s4 =	stileid.u32;
	s14 =	simm.s32 $0x2;
	s15 =	simm.s32 $0x320  }
0x7: {  	s16 =	simm.s32 $0x700;
	s17 =	simm.s32 $0x1;
	s18 =	simm.s32 $0x380  }
0x8: {  	s19 =	simm.s32 $0xE00;
	s20 =	simm.s32 $0x0;
	[smem:$0x7FF] =	sst s5  }
0x9: {  	s6 =	sadd.s32 $0x170200, s10;
	s8 =	sand.u32 $0x1, s7;
	s9 =	sshll.u32 s4, $0x1  }
0xa: {  	s7 =	sadd.s32 $0x1A00, s10;
	_ =	strace $0x8000004D;
	s11 =	ssub.s32 $0x2, s8  }
0xb: {  	s8 =	sor.u32 s9, s8;
	s9 =	sadd.s32 $0x3EC00, s10;
	s12 =	sshrl.u32 s11, $0x1  }
0xc: {  	s10 =	sadd.s32 $0x7BE00, s10;
	s13 =	ssub.s32 $0x290, s8;
	s12 =	ssub.s32 s11, s12  }
0xd: {  	s11 =	sshrl.u32 s13, $0x5;
	s13 =	simm.s32 $0x1180;
	s12 =	smax.u32 s12, $0x1  }
.LBB2_1:
0xe: {  	[tilespmem:s13], [sflag:$0x2] =	stream.linear.gather [hbm4b:s3+s5], $0x80, $0x38;
	[tilespmem:$0x1200] =	vst v63  }
0xf: {  	_ =	swait.ge [sflag:s14], $0x80  }
0x10: {  	[sflag:s14] =	ssyncset.done $0x0  }
0x11: {  	[sflag:s14] =	ssyncadd.s32 $0xFFFFFF80  }
0x12: {  	v0 =	vld [tilespmem:$0x1180]  }
0x13: {  	v1 =	vld [tilespmem:$0x1190]  }
0x14: {  	v2 =	vld [tilespmem:$0x11A0]  }
0x15: {  	v3 =	vld [tilespmem:$0x11B0]  }
0x16: {  	v4 =	vld [tilespmem:$0x11C0]  }
0x17: {  	s21 =	simm.s32 $0x0;
	v5 =	vld [tilespmem:$0x11D0]  }
.LBB2_2:
0x18: {  	s22 =	sshll.u32 s21, $0x5  }
0x19: {  	s22 =	sor.u32 s8, s22  }
0x1a: {  	s22 =	smul.u32 $0x320, s22;
	_ =	sdelay $0x1  }
0x1b: {  	s23 =	sshrl.u32 s22, $0x3  }
0x1c: {  	s25 =	simm.s32 $0x0;
	s24 =	sadd.s32 s2, s23  }
0x1d: {  	[tilespmem:s25], [sflag:$0x2] =	stream.linear.gather [hbm4b:s24+s25], $0x320, $0x38;
	[tilespmem:$0x1200] =	vst v63  }
0x1e: {  	_ =	swait.ge [sflag:s14], $0x320  }
0x1f: {  	[sflag:s14] =	ssyncset.done $0x0  }
0x20: {  	[sflag:s14] =	ssyncadd.s32 $0xFFFFFCE0  }
0x21: {  	[tilespmem:s16], [sflag:$0x1] =	stream.indirect.gather [hbm4b:s1+s15], $0x1, s25, s15, $0xb8;
	[tilespmem:$0x1200] =	vst v63  }
0x22: {  	_ =	swait.ge [sflag:s17], $0x320  }
0x23: {  	[sflag:s17] =	ssyncset.done $0x0  }
0x24: {  	s24 =	simm.s32 $0x0;
	[sflag:s17] =	ssyncadd.s32 $0xFFFFFCE0  }
0x25: {  	v6 =	vld [tilespmem:s24+$0x700];
	_ =	sdelay $0x4  }
0x26: {  	s26 =	simm.s32 $0x10;
	v7 =	vmax.f32 v6, $1.000000000e+00  }
0x27: {  	v6 =	vld [tilespmem:s26+$0x700];
	(erf) = vrcp.f32 v7;
	_ =	sdelay $0x3  }
0x28: {  	s29 =	simm.s32 $0x80;
	s28 =	simm.s32 $0x0;
	s25 =	simm.s32 $0x40  }
.LBB2_3:
0x29: {  	s30 =	sshra.s32 s29, $0x2;
	p0 =	sne.s32 s29, $0xC40;
	s29 =	sadd.s32 $0x40, s29;
	v7 =	vmax.f32 v6, $1.000000000e+00  }
.Ltmp0:
0x2a: {  	v6 =	vld [tilespmem:s30+$0x700];
	(erf) = vrcp.f32 v7;
	(pc) =	sbr.rel @p0 .LBB2_3-.Ltmp0, $3  }
0x2b: {  	_ =	sdelay $0x1  }
0x2c: {  	v7 =	vpop (erf)  }
0x2d: {  	[tilespmem:s28+$0xA80] =	vst v7;
	s28 =	smov.u32 s26;
	s26 =	smov.u32 s30  }
0x2e: {  	v6 =	vmax.f32 v6, $1.000000000e+00  }
0x2f: {  	(erf) = vrcp.f32 v6;
	_ =	sdelay $0x7  }
0x30: {  	v6 =	vpop (erf)  }
0x31: {  	[tilespmem:s28+$0xA80] =	vst v6;
	v6 =	vpop (erf)  }
0x32: {  	[tilespmem:s26+$0xA80] =	vst v6  }
0x33: {  	v6 =	vld [tilespmem:s24+$0x0]  }
.LBB2_5:
0x34: {  	p0 =	sne.s32 s25, $0xC40  }
.Ltmp1:
0x35: {  	_ = 	snop;
	(pc) =	sbr.rel @p0 .LBB2_5-.Ltmp1, $3  }
0x36: {  	_ =	sdelay $0x1  }
0x37: {  	[tilespmem:s24+$0x380] =	vst v6;
	s24 =	sshra.s32 s25, $0x2;
	s25 =	sadd.s32 $0x40, s25  }
0x38: {  	v6 =	vld [tilespmem:s24+$0x0]  }
0x39: {  	_ =	sdelay $0x3  }
0x3a: {  	[tilespmem:s24+$0x380] =	vst v6  }
0x3b: {  	[tilespmem:s16], [sflag:$0x1] =	stream.indirect.gather [hbm4b:s6+s15], $0x1, s18, s15, $0xb8;
	[tilespmem:$0x1200] =	vst v63  }
0x3c: {  	_ =	swait.ge [sflag:s17], $0x320  }
0x3d: {  	[sflag:s17] =	ssyncset.done $0x0  }
0x3e: {  	s24 =	simm.s32 $0x0;
	[sflag:s17] =	ssyncadd.s32 $0xFFFFFCE0  }
0x3f: {  	v6 =	vld [tilespmem:s24+$0x700]  }
0x40: {  	v7 =	vld [tilespmem:s24+$0xA80];
	_ =	sdelay $0x4  }
0x41: {  	s25 =	simm.s32 $0x10;
	v6 =	vmul.f32 v7, v6  }
0x42: {  	v7 =	vld [tilespmem:s25+$0xA80]  }
0x43: {  	v8 =	vmul.f32 v6, v0;
	v6 =	vld [tilespmem:s25+$0x700];
	_ =	sdelay $0x2  }
0x44: {  	s26 =	simm.s32 $0x80;
	v8 =	vadd.f32 v8, v1  }
.LBB2_7:
0x45: {  	s28 =	sshra.s32 s26, $0x2;
	p0 =	sne.s32 s26, $0xC40  }
.Ltmp2:
0x46: {  	s26 =	sadd.s32 $0x40, s26;
	v9 =	vmul.f32 v7, v6;
	v6 =	vld [tilespmem:s28+$0x700];
	[tilespmem:s24+$0xE00] =	vst v8;
	(pc) =	sbr.rel @p0 .LBB2_7-.Ltmp2, $3  }
0x47: {  	s24 =	smov.u32 s25;
	s25 =	smov.u32 s28;
	v7 =	vld [tilespmem:s28+$0xA80]  }
0x48: {  	v8 =	vmul.f32 v9, v0;
	_ =	sdelay $0x1  }
0x49: {  	v8 =	vadd.f32 v8, v1  }
0x4a: {  	_ = 	snop  }
0x4b: {  	v6 =	vmul.f32 v7, v6;
	_ =	sdelay $0x1  }
0x4c: {  	v6 =	vmul.f32 v6, v0;
	_ =	sdelay $0x1  }
0x4d: {  	v6 =	vadd.f32 v6, v1  }
0x4e: {  	[tilespmem:s24+$0xE00] =	vst v8  }
0x4f: {  	s30 =	sadd.s32 s7, s23;
	s31 =	simm.s32 $0x0;
	[tilespmem:s25+$0xE00] =	vst v6  }
0x50: {  	[hbm4b:s30+s31] =	stream.linear.scatter [tilespmem:s19], [sflag:$0x2], $0x320, $0x38;
	[tilespmem:$0x1200] =	vst v63  }
0x51: {  	_ =	swait.ge [sflag:s14], $0x320  }
0x52: {  	[sflag:s14] =	ssyncset.done $0x0  }
0x53: {  	s24 =	simm.s32 $0x0;
	[sflag:s14] =	ssyncadd.s32 $0xFFFFFCE0  }
0x54: {  	s25 =	simm.s32 $0x40;
	v6 =	vld [tilespmem:s24+$0x0]  }
.LBB2_9:
0x55: {  	p0 =	sne.s32 s25, $0xC40  }
.Ltmp3:
0x56: {  	_ = 	snop;
	(pc) =	sbr.rel @p0 .LBB2_9-.Ltmp3, $3  }
0x57: {  	_ =	sdelay $0x1  }
0x58: {  	s26 =	sshra.s32 s25, $0x2;
	s25 =	sadd.s32 $0x40, s25;
	v7 =	vadd.s32 $0xF4240, v6  }
0x59: {  	v6 =	vld [tilespmem:s26+$0x0];
	[tilespmem:s24+$0x380] =	vst v7;
	s24 =	smov.u32 s26  }
0x5a: {  	_ =	sdelay $0x3  }
0x5b: {  	v6 =	vadd.s32 $0xF4240, v6  }
0x5c: {  	[tilespmem:s24+$0x380] =	vst v6  }
0x5d: {  	[tilespmem:s16], [sflag:$0x1] =	stream.indirect.gather [hbm4b:s6+s15], $0x1, s18, s15, $0xb8;
	[tilespmem:$0x1200] =	vst v63  }
0x5e: {  	_ =	swait.ge [sflag:s17], $0x320  }
0x5f: {  	[sflag:s17] =	ssyncset.done $0x0  }
0x60: {  	s24 =	simm.s32 $0x0;
	[sflag:s17] =	ssyncadd.s32 $0xFFFFFCE0  }
0x61: {  	v6 =	vld [tilespmem:s24+$0x700]  }
0x62: {  	v7 =	vld [tilespmem:s24+$0xA80];
	_ =	sdelay $0x4  }
0x63: {  	s25 =	simm.s32 $0x10;
	v6 =	vmul.f32 v7, v6  }
0x64: {  	v7 =	vld [tilespmem:s25+$0xA80]  }
0x65: {  	v8 =	vmul.f32 v6, v2;
	v6 =	vld [tilespmem:s25+$0x700];
	_ =	sdelay $0x2  }
0x66: {  	s26 =	simm.s32 $0x80;
	v8 =	vadd.f32 v8, v3  }
.LBB2_11:
0x67: {  	s28 =	sshra.s32 s26, $0x2;
	p0 =	sne.s32 s26, $0xC40  }
.Ltmp4:
0x68: {  	s26 =	sadd.s32 $0x40, s26;
	v9 =	vmul.f32 v7, v6;
	v6 =	vld [tilespmem:s28+$0x700];
	[tilespmem:s24+$0xE00] =	vst v8;
	(pc) =	sbr.rel @p0 .LBB2_11-.Ltmp4, $3  }
0x69: {  	s24 =	smov.u32 s25;
	s25 =	smov.u32 s28;
	v7 =	vld [tilespmem:s28+$0xA80]  }
0x6a: {  	v8 =	vmul.f32 v9, v2;
	_ =	sdelay $0x1  }
0x6b: {  	v8 =	vadd.f32 v8, v3  }
0x6c: {  	_ = 	snop  }
0x6d: {  	v6 =	vmul.f32 v7, v6;
	_ =	sdelay $0x1  }
0x6e: {  	v6 =	vmul.f32 v6, v2;
	_ =	sdelay $0x1  }
0x6f: {  	v6 =	vadd.f32 v6, v3  }
0x70: {  	[tilespmem:s24+$0xE00] =	vst v8  }
0x71: {  	s30 =	sadd.s32 s9, s23;
	s31 =	simm.s32 $0x0;
	[tilespmem:s25+$0xE00] =	vst v6  }
0x72: {  	[hbm4b:s30+s31] =	stream.linear.scatter [tilespmem:s19], [sflag:$0x2], $0x320, $0x38;
	[tilespmem:$0x1200] =	vst v63  }
0x73: {  	_ =	swait.ge [sflag:s14], $0x320  }
0x74: {  	[sflag:s14] =	ssyncset.done $0x0  }
0x75: {  	s24 =	simm.s32 $0x0;
	[sflag:s14] =	ssyncadd.s32 $0xFFFFFCE0  }
0x76: {  	s25 =	simm.s32 $0x40;
	v6 =	vld [tilespmem:s24+$0x0]  }
.LBB2_13:
0x77: {  	p0 =	sne.s32 s25, $0xC40  }
.Ltmp5:
0x78: {  	_ = 	snop;
	(pc) =	sbr.rel @p0 .LBB2_13-.Ltmp5, $3  }
0x79: {  	_ =	sdelay $0x1  }
0x7a: {  	s26 =	sshra.s32 s25, $0x2;
	s25 =	sadd.s32 $0x40, s25;
	v7 =	vadd.s32 $0x1E8480, v6  }
0x7b: {  	v6 =	vld [tilespmem:s26+$0x0];
	[tilespmem:s24+$0x380] =	vst v7;
	s24 =	smov.u32 s26  }
0x7c: {  	_ =	sdelay $0x3  }
0x7d: {  	v6 =	vadd.s32 $0x1E8480, v6  }
0x7e: {  	[tilespmem:s24+$0x380] =	vst v6  }
0x7f: {  	[tilespmem:s16], [sflag:$0x1] =	stream.indirect.gather [hbm4b:s6+s15], $0x1, s18, s15, $0xb8;
	[tilespmem:$0x1200] =	vst v63  }
0x80: {  	_ =	swait.ge [sflag:s17], $0x320  }
0x81: {  	[sflag:s17] =	ssyncset.done $0x0  }
0x82: {  	s24 =	simm.s32 $0x0;
	[sflag:s17] =	ssyncadd.s32 $0xFFFFFCE0  }
0x83: {  	v6 =	vld [tilespmem:s24+$0x700]  }
0x84: {  	v7 =	vld [tilespmem:s24+$0xA80];
	_ =	sdelay $0x4  }
0x85: {  	s25 =	simm.s32 $0x10;
	v6 =	vmul.f32 v7, v6  }
0x86: {  	v7 =	vld [tilespmem:s25+$0xA80]  }
0x87: {  	v8 =	vmul.f32 v6, v4;
	v6 =	vld [tilespmem:s25+$0x700];
	_ =	sdelay $0x2  }
0x88: {  	s26 =	simm.s32 $0x80;
	v8 =	vadd.f32 v8, v5  }
.LBB2_15:
0x89: {  	s28 =	sshra.s32 s26, $0x2;
	p0 =	sne.s32 s26, $0xC40  }
.Ltmp6:
0x8a: {  	s26 =	sadd.s32 $0x40, s26;
	v9 =	vmul.f32 v7, v6;
	v6 =	vld [tilespmem:s28+$0x700];
	[tilespmem:s24+$0xE00] =	vst v8;
	(pc) =	sbr.rel @p0 .LBB2_15-.Ltmp6, $3  }
0x8b: {  	s24 =	smov.u32 s25;
	s25 =	smov.u32 s28;
	v7 =	vld [tilespmem:s28+$0xA80]  }
0x8c: {  	v8 =	vmul.f32 v9, v4;
	_ =	sdelay $0x1  }
0x8d: {  	v8 =	vadd.f32 v8, v5  }
0x8e: {  	_ = 	snop  }
0x8f: {  	v6 =	vmul.f32 v7, v6;
	_ =	sdelay $0x1  }
0x90: {  	v6 =	vmul.f32 v6, v4;
	_ =	sdelay $0x1  }
0x91: {  	v6 =	vadd.f32 v6, v5  }
0x92: {  	[tilespmem:s24+$0xE00] =	vst v8  }
0x93: {  	s23 =	sadd.s32 s10, s23;
	s31 =	simm.s32 $0x0;
	[tilespmem:s25+$0xE00] =	vst v6  }
0x94: {  	[hbm4b:s23+s31] =	stream.linear.scatter [tilespmem:s19], [sflag:$0x2], $0x320, $0x38;
	[tilespmem:$0x1200] =	vst v63  }
0x95: {  	_ =	swait.ge [sflag:s14], $0x320  }
0x96: {  	[sflag:s14] =	ssyncset.done $0x0  }
0x97: {  	s23 =	simm.s32 $0x0;
	[sflag:s14] =	ssyncadd.s32 $0xFFFFFCE0  }
0x98: {  	s24 =	simm.s32 $0x40;
	v6 =	vld [tilespmem:s23+$0x0]  }
.LBB2_17:
0x99: {  	p0 =	sne.s32 s24, $0xC40  }
.Ltmp7:
0x9a: {  	_ = 	snop;
	(pc) =	sbr.rel @p0 .LBB2_17-.Ltmp7, $3  }
0x9b: {  	_ =	sdelay $0x1  }
0x9c: {  	s25 =	sshra.s32 s24, $0x2;
	s24 =	sadd.s32 $0x40, s24;
	v7 =	vadd.s32 $0x2DC6C0, v6  }
0x9d: {  	v6 =	vld [tilespmem:s25+$0x0];
	[tilespmem:s23+$0x380] =	vst v7;
	s23 =	smov.u32 s25  }
0x9e: {  	_ =	sdelay $0x3  }
0x9f: {  	v6 =	vadd.s32 $0x2DC6C0, v6  }
0xa0: {  	[tilespmem:s23+$0x380] =	vst v6  }
0xa1: {  	[tilespmem:s16], [sflag:$0x1] =	stream.indirect.gather [hbm4b:s6+s15], $0x1, s18, s15, $0xb8;
	[tilespmem:$0x1200] =	vst v63  }
0xa2: {  	_ =	swait.ge [sflag:s17], $0x320  }
0xa3: {  	[sflag:s17] =	ssyncset.done $0x0  }
0xa4: {  	s23 =	simm.s32 $0x0;
	[sflag:s17] =	ssyncadd.s32 $0xFFFFFCE0  }
0xa5: {  	v6 =	vld [tilespmem:s23+$0x700]  }
0xa6: {  	v7 =	vld [tilespmem:s23+$0xA80];
	_ =	sdelay $0x4  }
0xa7: {  	s24 =	simm.s32 $0x10;
	v6 =	vmul.f32 v7, v6  }
0xa8: {  	v7 =	vld [tilespmem:s24+$0xA80]  }
0xa9: {  	v8 =	vmul.f32 v6, v0;
	v6 =	vld [tilespmem:s24+$0x700];
	_ =	sdelay $0x2  }
0xaa: {  	s25 =	simm.s32 $0x80;
	v8 =	vadd.f32 v8, v1  }
.LBB2_19:
0xab: {  	s26 =	sshra.s32 s25, $0x2;
	p0 =	sne.s32 s25, $0xC40  }
.Ltmp8:
0xac: {  	s25 =	sadd.s32 $0x40, s25;
	v9 =	vmul.f32 v7, v6;
	v6 =	vld [tilespmem:s26+$0x700];
	[tilespmem:s23+$0xE00] =	vst v8;
	(pc) =	sbr.rel @p0 .LBB2_19-.Ltmp8, $3  }
0xad: {  	s23 =	smov.u32 s24;
	s24 =	smov.u32 s26;
	v7 =	vld [tilespmem:s26+$0xA80]  }
0xae: {  	v8 =	vmul.f32 v9, v0;
	_ =	sdelay $0x1  }
0xaf: {  	v8 =	vadd.f32 v8, v1  }
0xb0: {  	_ = 	snop  }
0xb1: {  	v6 =	vmul.f32 v7, v6;
	_ =	sdelay $0x1  }
0xb2: {  	v6 =	vmul.f32 v6, v0;
	_ =	sdelay $0x1  }
0xb3: {  	s25 =	sadd.s32 $0x7A120, s22;
	v6 =	vadd.f32 v6, v1  }
0xb4: {  	[tilespmem:s23+$0xE00] =	vst v8;
	s23 =	sshrl.u32 s25, $0x3  }
0xb5: {  	s31 =	simm.s32 $0x0;
	s30 =	sadd.s32 s7, s23;
	[tilespmem:s24+$0xE00] =	vst v6  }
0xb6: {  	[hbm4b:s30+s31] =	stream.linear.scatter [tilespmem:s19], [sflag:$0x2], $0x320, $0x38;
	[tilespmem:$0x1200] =	vst v63  }
0xb7: {  	_ =	swait.ge [sflag:s14], $0x320  }
0xb8: {  	[sflag:s14] =	ssyncset.done $0x0  }
0xb9: {  	s24 =	simm.s32 $0x0;
	[sflag:s14] =	ssyncadd.s32 $0xFFFFFCE0  }
0xba: {  	s25 =	simm.s32 $0x40;
	v6 =	vld [tilespmem:s24+$0x0]  }
.LBB2_21:
0xbb: {  	p0 =	sne.s32 s25, $0xC40  }
.Ltmp9:
0xbc: {  	_ = 	snop;
	(pc) =	sbr.rel @p0 .LBB2_21-.Ltmp9, $3  }
0xbd: {  	_ =	sdelay $0x1  }
0xbe: {  	s26 =	sshra.s32 s25, $0x2;
	s25 =	sadd.s32 $0x40, s25;
	v7 =	vadd.s32 $0x3D0900, v6  }
0xbf: {  	v6 =	vld [tilespmem:s26+$0x0];
	[tilespmem:s24+$0x380] =	vst v7;
	s24 =	smov.u32 s26  }
0xc0: {  	_ =	sdelay $0x3  }
0xc1: {  	v6 =	vadd.s32 $0x3D0900, v6  }
0xc2: {  	[tilespmem:s24+$0x380] =	vst v6  }
0xc3: {  	[tilespmem:s16], [sflag:$0x1] =	stream.indirect.gather [hbm4b:s6+s15], $0x1, s18, s15, $0xb8;
	[tilespmem:$0x1200] =	vst v63  }
0xc4: {  	_ =	swait.ge [sflag:s17], $0x320  }
0xc5: {  	[sflag:s17] =	ssyncset.done $0x0  }
0xc6: {  	s24 =	simm.s32 $0x0;
	[sflag:s17] =	ssyncadd.s32 $0xFFFFFCE0  }
0xc7: {  	v6 =	vld [tilespmem:s24+$0x700]  }
0xc8: {  	v7 =	vld [tilespmem:s24+$0xA80];
	_ =	sdelay $0x4  }
0xc9: {  	s25 =	simm.s32 $0x10;
	v6 =	vmul.f32 v7, v6  }
0xca: {  	v7 =	vld [tilespmem:s25+$0xA80]  }
0xcb: {  	v8 =	vmul.f32 v6, v2;
	v6 =	vld [tilespmem:s25+$0x700];
	_ =	sdelay $0x2  }
0xcc: {  	s26 =	simm.s32 $0x80;
	v8 =	vadd.f32 v8, v3  }
.LBB2_23:
0xcd: {  	s28 =	sshra.s32 s26, $0x2;
	p0 =	sne.s32 s26, $0xC40  }
.Ltmp10:
0xce: {  	s26 =	sadd.s32 $0x40, s26;
	v9 =	vmul.f32 v7, v6;
	v6 =	vld [tilespmem:s28+$0x700];
	[tilespmem:s24+$0xE00] =	vst v8;
	(pc) =	sbr.rel @p0 .LBB2_23-.Ltmp10, $3  }
0xcf: {  	s24 =	smov.u32 s25;
	s25 =	smov.u32 s28;
	v7 =	vld [tilespmem:s28+$0xA80]  }
0xd0: {  	v8 =	vmul.f32 v9, v2;
	_ =	sdelay $0x1  }
0xd1: {  	v8 =	vadd.f32 v8, v3  }
0xd2: {  	_ = 	snop  }
0xd3: {  	v6 =	vmul.f32 v7, v6;
	_ =	sdelay $0x1  }
0xd4: {  	v6 =	vmul.f32 v6, v2;
	_ =	sdelay $0x1  }
0xd5: {  	v6 =	vadd.f32 v6, v3  }
0xd6: {  	[tilespmem:s24+$0xE00] =	vst v8  }
0xd7: {  	s30 =	sadd.s32 s9, s23;
	s31 =	simm.s32 $0x0;
	[tilespmem:s25+$0xE00] =	vst v6  }
0xd8: {  	[hbm4b:s30+s31] =	stream.linear.scatter [tilespmem:s19], [sflag:$0x2], $0x320, $0x38;
	[tilespmem:$0x1200] =	vst v63  }
0xd9: {  	_ =	swait.ge [sflag:s14], $0x320  }
0xda: {  	[sflag:s14] =	ssyncset.done $0x0  }
0xdb: {  	s24 =	simm.s32 $0x0;
	[sflag:s14] =	ssyncadd.s32 $0xFFFFFCE0  }
0xdc: {  	s25 =	simm.s32 $0x40;
	v6 =	vld [tilespmem:s24+$0x0]  }
.LBB2_25:
0xdd: {  	p0 =	sne.s32 s25, $0xC40  }
.Ltmp11:
0xde: {  	_ = 	snop;
	(pc) =	sbr.rel @p0 .LBB2_25-.Ltmp11, $3  }
0xdf: {  	_ =	sdelay $0x1  }
0xe0: {  	s26 =	sshra.s32 s25, $0x2;
	s25 =	sadd.s32 $0x40, s25;
	v7 =	vadd.s32 $0x4C4B40, v6  }
0xe1: {  	v6 =	vld [tilespmem:s26+$0x0];
	[tilespmem:s24+$0x380] =	vst v7;
	s24 =	smov.u32 s26  }
0xe2: {  	_ =	sdelay $0x3  }
0xe3: {  	v6 =	vadd.s32 $0x4C4B40, v6  }
0xe4: {  	[tilespmem:s24+$0x380] =	vst v6  }
0xe5: {  	[tilespmem:s16], [sflag:$0x1] =	stream.indirect.gather [hbm4b:s6+s15], $0x1, s18, s15, $0xb8;
	[tilespmem:$0x1200] =	vst v63  }
0xe6: {  	_ =	swait.ge [sflag:s17], $0x320  }
0xe7: {  	[sflag:s17] =	ssyncset.done $0x0  }
0xe8: {  	s24 =	simm.s32 $0x0;
	[sflag:s17] =	ssyncadd.s32 $0xFFFFFCE0  }
0xe9: {  	v6 =	vld [tilespmem:s24+$0x700]  }
0xea: {  	v7 =	vld [tilespmem:s24+$0xA80];
	_ =	sdelay $0x4  }
0xeb: {  	s25 =	simm.s32 $0x10;
	v6 =	vmul.f32 v7, v6  }
0xec: {  	v7 =	vld [tilespmem:s25+$0xA80]  }
0xed: {  	v8 =	vmul.f32 v6, v4;
	v6 =	vld [tilespmem:s25+$0x700];
	_ =	sdelay $0x2  }
0xee: {  	s26 =	simm.s32 $0x80;
	v8 =	vadd.f32 v8, v5  }
.LBB2_27:
0xef: {  	s28 =	sshra.s32 s26, $0x2;
	p0 =	sne.s32 s26, $0xC40  }
.Ltmp12:
0xf0: {  	s26 =	sadd.s32 $0x40, s26;
	v9 =	vmul.f32 v7, v6;
	v6 =	vld [tilespmem:s28+$0x700];
	[tilespmem:s24+$0xE00] =	vst v8;
	(pc) =	sbr.rel @p0 .LBB2_27-.Ltmp12, $3  }
0xf1: {  	s24 =	smov.u32 s25;
	s25 =	smov.u32 s28;
	v7 =	vld [tilespmem:s28+$0xA80]  }
0xf2: {  	v8 =	vmul.f32 v9, v4;
	_ =	sdelay $0x1  }
0xf3: {  	v8 =	vadd.f32 v8, v5  }
0xf4: {  	_ = 	snop  }
0xf5: {  	v6 =	vmul.f32 v7, v6;
	_ =	sdelay $0x1  }
0xf6: {  	v6 =	vmul.f32 v6, v4;
	_ =	sdelay $0x1  }
0xf7: {  	v6 =	vadd.f32 v6, v5  }
0xf8: {  	[tilespmem:s24+$0xE00] =	vst v8  }
0xf9: {  	s23 =	sadd.s32 s10, s23;
	s31 =	simm.s32 $0x0;
	[tilespmem:s25+$0xE00] =	vst v6  }
0xfa: {  	[hbm4b:s23+s31] =	stream.linear.scatter [tilespmem:s19], [sflag:$0x2], $0x320, $0x38;
	[tilespmem:$0x1200] =	vst v63  }
0xfb: {  	_ =	swait.ge [sflag:s14], $0x320  }
0xfc: {  	[sflag:s14] =	ssyncset.done $0x0  }
0xfd: {  	s23 =	simm.s32 $0x0;
	[sflag:s14] =	ssyncadd.s32 $0xFFFFFCE0  }
0xfe: {  	s24 =	simm.s32 $0x40;
	v6 =	vld [tilespmem:s23+$0x0]  }
.LBB2_29:
0xff: {  	p0 =	sne.s32 s24, $0xC40  }
.Ltmp13:
0x100: {  	_ = 	snop;
	(pc) =	sbr.rel @p0 .LBB2_29-.Ltmp13, $3  }
0x101: {  	_ =	sdelay $0x1  }
0x102: {  	s25 =	sshra.s32 s24, $0x2;
	s24 =	sadd.s32 $0x40, s24;
	v7 =	vadd.s32 $0x5B8D80, v6  }
0x103: {  	v6 =	vld [tilespmem:s25+$0x0];
	[tilespmem:s23+$0x380] =	vst v7;
	s23 =	smov.u32 s25  }
0x104: {  	_ =	sdelay $0x3  }
0x105: {  	v6 =	vadd.s32 $0x5B8D80, v6  }
0x106: {  	[tilespmem:s23+$0x380] =	vst v6  }
0x107: {  	[tilespmem:s16], [sflag:$0x1] =	stream.indirect.gather [hbm4b:s6+s15], $0x1, s18, s15, $0xb8;
	[tilespmem:$0x1200] =	vst v63  }
0x108: {  	_ =	swait.ge [sflag:s17], $0x320  }
0x109: {  	[sflag:s17] =	ssyncset.done $0x0  }
0x10a: {  	s23 =	simm.s32 $0x0;
	[sflag:s17] =	ssyncadd.s32 $0xFFFFFCE0  }
0x10b: {  	v6 =	vld [tilespmem:s23+$0x700]  }
0x10c: {  	v7 =	vld [tilespmem:s23+$0xA80];
	_ =	sdelay $0x4  }
0x10d: {  	s24 =	simm.s32 $0x10;
	v6 =	vmul.f32 v7, v6  }
0x10e: {  	v7 =	vld [tilespmem:s24+$0xA80]  }
0x10f: {  	v8 =	vmul.f32 v6, v0;
	v6 =	vld [tilespmem:s24+$0x700];
	_ =	sdelay $0x2  }
0x110: {  	s25 =	simm.s32 $0x80;
	v8 =	vadd.f32 v8, v1  }
.LBB2_31:
0x111: {  	s26 =	sshra.s32 s25, $0x2;
	p0 =	sne.s32 s25, $0xC40  }
.Ltmp14:
0x112: {  	s25 =	sadd.s32 $0x40, s25;
	v9 =	vmul.f32 v7, v6;
	v6 =	vld [tilespmem:s26+$0x700];
	[tilespmem:s23+$0xE00] =	vst v8;
	(pc) =	sbr.rel @p0 .LBB2_31-.Ltmp14, $3  }
0x113: {  	s23 =	smov.u32 s24;
	s24 =	smov.u32 s26;
	v7 =	vld [tilespmem:s26+$0xA80]  }
0x114: {  	v8 =	vmul.f32 v9, v0;
	_ =	sdelay $0x1  }
0x115: {  	v8 =	vadd.f32 v8, v1  }
0x116: {  	_ = 	snop  }
0x117: {  	v6 =	vmul.f32 v7, v6;
	_ =	sdelay $0x1  }
0x118: {  	v6 =	vmul.f32 v6, v0;
	_ =	sdelay $0x1  }
0x119: {  	s25 =	sadd.s32 $0xF4240, s22;
	v6 =	vadd.f32 v6, v1  }
0x11a: {  	[tilespmem:s23+$0xE00] =	vst v8;
	s23 =	sshrl.u32 s25, $0x3  }
0x11b: {  	s31 =	simm.s32 $0x0;
	s30 =	sadd.s32 s7, s23;
	[tilespmem:s24+$0xE00] =	vst v6  }
0x11c: {  	[hbm4b:s30+s31] =	stream.linear.scatter [tilespmem:s19], [sflag:$0x2], $0x320, $0x38;
	[tilespmem:$0x1200] =	vst v63  }
0x11d: {  	_ =	swait.ge [sflag:s14], $0x320  }
0x11e: {  	[sflag:s14] =	ssyncset.done $0x0  }
0x11f: {  	s24 =	simm.s32 $0x0;
	[sflag:s14] =	ssyncadd.s32 $0xFFFFFCE0  }
0x120: {  	s25 =	simm.s32 $0x40;
	v6 =	vld [tilespmem:s24+$0x0]  }
.LBB2_33:
0x121: {  	p0 =	sne.s32 s25, $0xC40  }
.Ltmp15:
0x122: {  	_ = 	snop;
	(pc) =	sbr.rel @p0 .LBB2_33-.Ltmp15, $3  }
0x123: {  	_ =	sdelay $0x1  }
0x124: {  	s26 =	sshra.s32 s25, $0x2;
	s25 =	sadd.s32 $0x40, s25;
	v7 =	vadd.s32 $0x6ACFC0, v6  }
0x125: {  	v6 =	vld [tilespmem:s26+$0x0];
	[tilespmem:s24+$0x380] =	vst v7;
	s24 =	smov.u32 s26  }
0x126: {  	_ =	sdelay $0x3  }
0x127: {  	v6 =	vadd.s32 $0x6ACFC0, v6  }
0x128: {  	[tilespmem:s24+$0x380] =	vst v6  }
0x129: {  	[tilespmem:s16], [sflag:$0x1] =	stream.indirect.gather [hbm4b:s6+s15], $0x1, s18, s15, $0xb8;
	[tilespmem:$0x1200] =	vst v63  }
0x12a: {  	_ =	swait.ge [sflag:s17], $0x320  }
0x12b: {  	[sflag:s17] =	ssyncset.done $0x0  }
0x12c: {  	s24 =	simm.s32 $0x0;
	[sflag:s17] =	ssyncadd.s32 $0xFFFFFCE0  }
0x12d: {  	v6 =	vld [tilespmem:s24+$0x700]  }
0x12e: {  	v7 =	vld [tilespmem:s24+$0xA80];
	_ =	sdelay $0x4  }
0x12f: {  	s25 =	simm.s32 $0x10;
	v6 =	vmul.f32 v7, v6  }
0x130: {  	v7 =	vld [tilespmem:s25+$0xA80]  }
0x131: {  	v8 =	vmul.f32 v6, v2;
	v6 =	vld [tilespmem:s25+$0x700];
	_ =	sdelay $0x2  }
0x132: {  	s26 =	simm.s32 $0x80;
	v8 =	vadd.f32 v8, v3  }
.LBB2_35:
0x133: {  	s28 =	sshra.s32 s26, $0x2;
	p0 =	sne.s32 s26, $0xC40  }
.Ltmp16:
0x134: {  	s26 =	sadd.s32 $0x40, s26;
	v9 =	vmul.f32 v7, v6;
	v6 =	vld [tilespmem:s28+$0x700];
	[tilespmem:s24+$0xE00] =	vst v8;
	(pc) =	sbr.rel @p0 .LBB2_35-.Ltmp16, $3  }
0x135: {  	s24 =	smov.u32 s25;
	s25 =	smov.u32 s28;
	v7 =	vld [tilespmem:s28+$0xA80]  }
0x136: {  	v8 =	vmul.f32 v9, v2;
	_ =	sdelay $0x1  }
0x137: {  	v8 =	vadd.f32 v8, v3  }
0x138: {  	_ = 	snop  }
0x139: {  	v6 =	vmul.f32 v7, v6;
	_ =	sdelay $0x1  }
0x13a: {  	v6 =	vmul.f32 v6, v2;
	_ =	sdelay $0x1  }
0x13b: {  	v6 =	vadd.f32 v6, v3  }
0x13c: {  	[tilespmem:s24+$0xE00] =	vst v8  }
0x13d: {  	s30 =	sadd.s32 s9, s23;
	s31 =	simm.s32 $0x0;
	[tilespmem:s25+$0xE00] =	vst v6  }
0x13e: {  	[hbm4b:s30+s31] =	stream.linear.scatter [tilespmem:s19], [sflag:$0x2], $0x320, $0x38;
	[tilespmem:$0x1200] =	vst v63  }
0x13f: {  	_ =	swait.ge [sflag:s14], $0x320  }
0x140: {  	[sflag:s14] =	ssyncset.done $0x0  }
0x141: {  	s24 =	simm.s32 $0x0;
	[sflag:s14] =	ssyncadd.s32 $0xFFFFFCE0  }
0x142: {  	s25 =	simm.s32 $0x40;
	v6 =	vld [tilespmem:s24+$0x0]  }
.LBB2_37:
0x143: {  	p0 =	sne.s32 s25, $0xC40  }
.Ltmp17:
0x144: {  	_ = 	snop;
	(pc) =	sbr.rel @p0 .LBB2_37-.Ltmp17, $3  }
0x145: {  	_ =	sdelay $0x1  }
0x146: {  	s26 =	sshra.s32 s25, $0x2;
	s25 =	sadd.s32 $0x40, s25;
	v7 =	vadd.s32 $0x7A1200, v6  }
0x147: {  	v6 =	vld [tilespmem:s26+$0x0];
	[tilespmem:s24+$0x380] =	vst v7;
	s24 =	smov.u32 s26  }
0x148: {  	_ =	sdelay $0x3  }
0x149: {  	v6 =	vadd.s32 $0x7A1200, v6  }
0x14a: {  	[tilespmem:s24+$0x380] =	vst v6  }
0x14b: {  	[tilespmem:s16], [sflag:$0x1] =	stream.indirect.gather [hbm4b:s6+s15], $0x1, s18, s15, $0xb8;
	[tilespmem:$0x1200] =	vst v63  }
0x14c: {  	_ =	swait.ge [sflag:s17], $0x320  }
0x14d: {  	[sflag:s17] =	ssyncset.done $0x0  }
0x14e: {  	s24 =	simm.s32 $0x0;
	[sflag:s17] =	ssyncadd.s32 $0xFFFFFCE0  }
0x14f: {  	v6 =	vld [tilespmem:s24+$0x700]  }
0x150: {  	v7 =	vld [tilespmem:s24+$0xA80];
	_ =	sdelay $0x4  }
0x151: {  	s25 =	simm.s32 $0x10;
	v6 =	vmul.f32 v7, v6  }
0x152: {  	v7 =	vld [tilespmem:s25+$0xA80]  }
0x153: {  	v8 =	vmul.f32 v6, v4;
	v6 =	vld [tilespmem:s25+$0x700];
	_ =	sdelay $0x2  }
0x154: {  	s26 =	simm.s32 $0x80;
	v8 =	vadd.f32 v8, v5  }
.LBB2_39:
0x155: {  	s28 =	sshra.s32 s26, $0x2;
	p0 =	sne.s32 s26, $0xC40  }
.Ltmp18:
0x156: {  	s26 =	sadd.s32 $0x40, s26;
	v9 =	vmul.f32 v7, v6;
	v6 =	vld [tilespmem:s28+$0x700];
	[tilespmem:s24+$0xE00] =	vst v8;
	(pc) =	sbr.rel @p0 .LBB2_39-.Ltmp18, $3  }
0x157: {  	s24 =	smov.u32 s25;
	s25 =	smov.u32 s28;
	v7 =	vld [tilespmem:s28+$0xA80]  }
0x158: {  	v8 =	vmul.f32 v9, v4;
	_ =	sdelay $0x1  }
0x159: {  	v8 =	vadd.f32 v8, v5  }
0x15a: {  	_ = 	snop  }
0x15b: {  	v6 =	vmul.f32 v7, v6;
	_ =	sdelay $0x1  }
0x15c: {  	v6 =	vmul.f32 v6, v4;
	_ =	sdelay $0x1  }
0x15d: {  	v6 =	vadd.f32 v6, v5  }
0x15e: {  	[tilespmem:s24+$0xE00] =	vst v8  }
0x15f: {  	s23 =	sadd.s32 s10, s23;
	s31 =	simm.s32 $0x0;
	[tilespmem:s25+$0xE00] =	vst v6  }
0x160: {  	[hbm4b:s23+s31] =	stream.linear.scatter [tilespmem:s19], [sflag:$0x2], $0x320, $0x38;
	[tilespmem:$0x1200] =	vst v63  }
0x161: {  	_ =	swait.ge [sflag:s14], $0x320  }
0x162: {  	[sflag:s14] =	ssyncset.done $0x0  }
0x163: {  	s23 =	simm.s32 $0x0;
	[sflag:s14] =	ssyncadd.s32 $0xFFFFFCE0  }
0x164: {  	s24 =	simm.s32 $0x40;
	v6 =	vld [tilespmem:s23+$0x0]  }
.LBB2_41:
0x165: {  	p0 =	sne.s32 s24, $0xC40  }
.Ltmp19:
0x166: {  	_ = 	snop;
	(pc) =	sbr.rel @p0 .LBB2_41-.Ltmp19, $3  }
0x167: {  	_ =	sdelay $0x1  }
0x168: {  	s25 =	sshra.s32 s24, $0x2;
	s24 =	sadd.s32 $0x40, s24;
	v7 =	vadd.s32 $0x895440, v6  }
0x169: {  	v6 =	vld [tilespmem:s25+$0x0];
	[tilespmem:s23+$0x380] =	vst v7;
	s23 =	smov.u32 s25  }
0x16a: {  	_ =	sdelay $0x3  }
0x16b: {  	v6 =	vadd.s32 $0x895440, v6  }
0x16c: {  	[tilespmem:s23+$0x380] =	vst v6  }
0x16d: {  	[tilespmem:s16], [sflag:$0x1] =	stream.indirect.gather [hbm4b:s6+s15], $0x1, s18, s15, $0xb8;
	[tilespmem:$0x1200] =	vst v63  }
0x16e: {  	_ =	swait.ge [sflag:s17], $0x320  }
0x16f: {  	[sflag:s17] =	ssyncset.done $0x0  }
0x170: {  	s23 =	simm.s32 $0x0;
	[sflag:s17] =	ssyncadd.s32 $0xFFFFFCE0  }
0x171: {  	v6 =	vld [tilespmem:s23+$0x700]  }
0x172: {  	v7 =	vld [tilespmem:s23+$0xA80];
	_ =	sdelay $0x4  }
0x173: {  	s24 =	simm.s32 $0x10;
	v6 =	vmul.f32 v7, v6  }
0x174: {  	v7 =	vld [tilespmem:s24+$0xA80]  }
0x175: {  	v8 =	vmul.f32 v6, v0;
	v6 =	vld [tilespmem:s24+$0x700];
	_ =	sdelay $0x2  }
0x176: {  	s25 =	simm.s32 $0x80;
	v8 =	vadd.f32 v8, v1  }
.LBB2_43:
0x177: {  	s26 =	sshra.s32 s25, $0x2;
	p0 =	sne.s32 s25, $0xC40  }
.Ltmp20:
0x178: {  	s25 =	sadd.s32 $0x40, s25;
	v9 =	vmul.f32 v7, v6;
	v6 =	vld [tilespmem:s26+$0x700];
	[tilespmem:s23+$0xE00] =	vst v8;
	(pc) =	sbr.rel @p0 .LBB2_43-.Ltmp20, $3  }
0x179: {  	s23 =	smov.u32 s24;
	s24 =	smov.u32 s26;
	v7 =	vld [tilespmem:s26+$0xA80]  }
0x17a: {  	v8 =	vmul.f32 v9, v0;
	_ =	sdelay $0x1  }
0x17b: {  	v8 =	vadd.f32 v8, v1  }
0x17c: {  	_ = 	snop  }
0x17d: {  	v6 =	vmul.f32 v7, v6;
	_ =	sdelay $0x1  }
0x17e: {  	v6 =	vmul.f32 v6, v0;
	_ =	sdelay $0x1  }
0x17f: {  	s22 =	sadd.s32 $0x16E360, s22;
	v6 =	vadd.f32 v6, v1  }
0x180: {  	[tilespmem:s23+$0xE00] =	vst v8;
	s22 =	sshrl.u32 s22, $0x3  }
0x181: {  	s31 =	simm.s32 $0x0;
	s30 =	sadd.s32 s7, s22;
	[tilespmem:s24+$0xE00] =	vst v6  }
0x182: {  	[hbm4b:s30+s31] =	stream.linear.scatter [tilespmem:s19], [sflag:$0x2], $0x320, $0x38;
	[tilespmem:$0x1200] =	vst v63  }
0x183: {  	_ =	swait.ge [sflag:s14], $0x320  }
0x184: {  	[sflag:s14] =	ssyncset.done $0x0  }
0x185: {  	s23 =	simm.s32 $0x0;
	[sflag:s14] =	ssyncadd.s32 $0xFFFFFCE0  }
0x186: {  	s24 =	simm.s32 $0x40;
	v6 =	vld [tilespmem:s23+$0x0]  }
.LBB2_45:
0x187: {  	p0 =	sne.s32 s24, $0xC40  }
.Ltmp21:
0x188: {  	_ = 	snop;
	(pc) =	sbr.rel @p0 .LBB2_45-.Ltmp21, $3  }
0x189: {  	_ =	sdelay $0x1  }
0x18a: {  	s25 =	sshra.s32 s24, $0x2;
	s24 =	sadd.s32 $0x40, s24;
	v7 =	vadd.s32 $0x989680, v6  }
0x18b: {  	v6 =	vld [tilespmem:s25+$0x0];
	[tilespmem:s23+$0x380] =	vst v7;
	s23 =	smov.u32 s25  }
0x18c: {  	_ =	sdelay $0x3  }
0x18d: {  	v6 =	vadd.s32 $0x989680, v6  }
0x18e: {  	[tilespmem:s23+$0x380] =	vst v6  }
0x18f: {  	[tilespmem:s16], [sflag:$0x1] =	stream.indirect.gather [hbm4b:s6+s15], $0x1, s18, s15, $0xb8;
	[tilespmem:$0x1200] =	vst v63  }
0x190: {  	_ =	swait.ge [sflag:s17], $0x320  }
0x191: {  	[sflag:s17] =	ssyncset.done $0x0  }
0x192: {  	s23 =	simm.s32 $0x0;
	[sflag:s17] =	ssyncadd.s32 $0xFFFFFCE0  }
0x193: {  	v6 =	vld [tilespmem:s23+$0x700]  }
0x194: {  	v7 =	vld [tilespmem:s23+$0xA80];
	_ =	sdelay $0x4  }
0x195: {  	s24 =	simm.s32 $0x10;
	v6 =	vmul.f32 v7, v6  }
0x196: {  	v7 =	vld [tilespmem:s24+$0xA80]  }
0x197: {  	v8 =	vmul.f32 v6, v2;
	v6 =	vld [tilespmem:s24+$0x700];
	_ =	sdelay $0x2  }
0x198: {  	s25 =	simm.s32 $0x80;
	v8 =	vadd.f32 v8, v3  }
.LBB2_47:
0x199: {  	s26 =	sshra.s32 s25, $0x2;
	p0 =	sne.s32 s25, $0xC40  }
.Ltmp22:
0x19a: {  	s25 =	sadd.s32 $0x40, s25;
	v9 =	vmul.f32 v7, v6;
	v6 =	vld [tilespmem:s26+$0x700];
	[tilespmem:s23+$0xE00] =	vst v8;
	(pc) =	sbr.rel @p0 .LBB2_47-.Ltmp22, $3  }
0x19b: {  	s23 =	smov.u32 s24;
	s24 =	smov.u32 s26;
	v7 =	vld [tilespmem:s26+$0xA80]  }
0x19c: {  	v8 =	vmul.f32 v9, v2;
	_ =	sdelay $0x1  }
0x19d: {  	v8 =	vadd.f32 v8, v3  }
0x19e: {  	_ = 	snop  }
0x19f: {  	v6 =	vmul.f32 v7, v6;
	_ =	sdelay $0x1  }
0x1a0: {  	v6 =	vmul.f32 v6, v2;
	_ =	sdelay $0x1  }
0x1a1: {  	v6 =	vadd.f32 v6, v3  }
0x1a2: {  	[tilespmem:s23+$0xE00] =	vst v8  }
0x1a3: {  	s30 =	sadd.s32 s9, s22;
	s31 =	simm.s32 $0x0;
	[tilespmem:s24+$0xE00] =	vst v6  }
0x1a4: {  	[hbm4b:s30+s31] =	stream.linear.scatter [tilespmem:s19], [sflag:$0x2], $0x320, $0x38;
	[tilespmem:$0x1200] =	vst v63  }
0x1a5: {  	_ =	swait.ge [sflag:s14], $0x320  }
0x1a6: {  	[sflag:s14] =	ssyncset.done $0x0  }
0x1a7: {  	s23 =	simm.s32 $0x0;
	[sflag:s14] =	ssyncadd.s32 $0xFFFFFCE0  }
0x1a8: {  	s24 =	simm.s32 $0x40;
	v6 =	vld [tilespmem:s23+$0x0]  }
.LBB2_49:
0x1a9: {  	p0 =	sne.s32 s24, $0xC40  }
.Ltmp23:
0x1aa: {  	_ = 	snop;
	(pc) =	sbr.rel @p0 .LBB2_49-.Ltmp23, $3  }
0x1ab: {  	_ =	sdelay $0x1  }
0x1ac: {  	s25 =	sshra.s32 s24, $0x2;
	s24 =	sadd.s32 $0x40, s24;
	v7 =	vadd.s32 $0xA7D8C0, v6  }
0x1ad: {  	v6 =	vld [tilespmem:s25+$0x0];
	[tilespmem:s23+$0x380] =	vst v7;
	s23 =	smov.u32 s25  }
0x1ae: {  	_ =	sdelay $0x3  }
0x1af: {  	v6 =	vadd.s32 $0xA7D8C0, v6  }
0x1b0: {  	[tilespmem:s23+$0x380] =	vst v6  }
0x1b1: {  	[tilespmem:s16], [sflag:$0x1] =	stream.indirect.gather [hbm4b:s6+s15], $0x1, s18, s15, $0xb8;
	[tilespmem:$0x1200] =	vst v63  }
0x1b2: {  	_ =	swait.ge [sflag:s17], $0x320  }
0x1b3: {  	[sflag:s17] =	ssyncset.done $0x0  }
0x1b4: {  	s23 =	simm.s32 $0x0;
	[sflag:s17] =	ssyncadd.s32 $0xFFFFFCE0  }
0x1b5: {  	v6 =	vld [tilespmem:s23+$0x700]  }
0x1b6: {  	v7 =	vld [tilespmem:s23+$0xA80];
	_ =	sdelay $0x4  }
0x1b7: {  	s24 =	simm.s32 $0x10;
	v6 =	vmul.f32 v7, v6  }
0x1b8: {  	v7 =	vld [tilespmem:s24+$0xA80]  }
0x1b9: {  	v8 =	vmul.f32 v6, v4;
	v6 =	vld [tilespmem:s24+$0x700];
	_ =	sdelay $0x2  }
0x1ba: {  	s25 =	simm.s32 $0x80;
	v8 =	vadd.f32 v8, v5  }
.LBB2_51:
0x1bb: {  	s26 =	sshra.s32 s25, $0x2;
	p0 =	sne.s32 s25, $0xC40  }
.Ltmp24:
0x1bc: {  	s25 =	sadd.s32 $0x40, s25;
	v9 =	vmul.f32 v7, v6;
	v6 =	vld [tilespmem:s26+$0x700];
	[tilespmem:s23+$0xE00] =	vst v8;
	(pc) =	sbr.rel @p0 .LBB2_51-.Ltmp24, $3  }
0x1bd: {  	s23 =	smov.u32 s24;
	s24 =	smov.u32 s26;
	v7 =	vld [tilespmem:s26+$0xA80]  }
0x1be: {  	v8 =	vmul.f32 v9, v4;
	_ =	sdelay $0x1  }
0x1bf: {  	v8 =	vadd.f32 v8, v5  }
0x1c0: {  	_ = 	snop  }
0x1c1: {  	v6 =	vmul.f32 v7, v6;
	_ =	sdelay $0x1  }
0x1c2: {  	v6 =	vmul.f32 v6, v4;
	_ =	sdelay $0x1  }
0x1c3: {  	s21 =	sadd.s32 $0x1, s21;
	v6 =	vadd.f32 v6, v5  }
0x1c4: {  	[tilespmem:s23+$0xE00] =	vst v8;
	p0 =	sne.s32 s21, s11  }
.Ltmp25:
0x1c5: {  	s22 =	sadd.s32 s10, s22;
	[tilespmem:s24+$0xE00] =	vst v6;
	(pc) =	sbr.rel @p0 .LBB2_2-.Ltmp25, $4  }
0x1c6: {  	[hbm4b:s22+s5] =	stream.linear.scatter [tilespmem:s19], [sflag:$0x2], $0x320, $0x38;
	[tilespmem:$0x1200] =	vst v63  }
0x1c7: {  	_ =	swait.ge [sflag:s14], $0x320  }
0x1c8: {  	[sflag:s14] =	ssyncset.done $0x0  }
0x1c9: {  	[sflag:s14] =	ssyncadd.s32 $0xFFFFFCE0  }
0x1ca: {  	s20 =	sadd.s32 $0x1, s20  }
0x1cb: {  	p0 =	sne.s32 s20, s12  }
.Ltmp26:
0x1cc: {  	_ = 	snop;
	(pc) =	sbr.rel @p0 .LBB2_1-.Ltmp26, $1  }
0x1cd: {  	_ =	sdelay $0x3  }
0x1ce: {  	_ =	sfence.sel $0x180000  }
0x1cf: {  	[bflag:$0x0] =	sbarrier.arrive $0xFFFF  }
0x1d0: {  	p0 =	sne.s32 s4, $0x0;
	_ =	strace $0x9000004D  }
0x1d1: {  	s0 =	sadd.s32 @!p0 $0x100000, s0;
	[bflag:$0x2] =	sbarrier.arrive $0xFFFF  }
0x1d2: {  	[sflag:s0] =	ssyncadd.tile.s32 @!p0 $0x1;
	_ =	shalt  }
.Lfunc_end2:
_tile_overlayer_lowered:
.L_overlay_start_2:
0x1d3: {  	(tag) =	ssettag $0x2  }
0x1d4: {  	s0 =	rddreg [dreg:$0x0];
	s2 =	stileid.u32  }
0x1d5: {  	s1 =	rddreg [dreg:$0x1];
	p0 =	sne.s32 s2, $0x0  }
0x1d6: {  	s3 =	rddreg [dreg:$0x2];
	[bflag:$0x3] =	sbarrier.arrive $0xFFFF;
	s2 =	simm.s32 @!p0 $0x1C02  }
0x1d7: {  	[timem:s3], [sflag:s2] =	dma.local @!p0 [hbm:s0], s1  }
0x1d8: {  	s0 =	simm.s32 @!p0 $0x2  }
0x1d9: {  	_ =	swait.ge @!p0 [sflag:s0], s1  }
0x1da: {  	s1 =	ssub.s32 @!p0 $0x0, s1;
	[sflag:s0] =	ssyncset.done @!p0 $0x0  }
0x1db: {  	[sflag:s0] =	ssyncadd.s32 @!p0 s1  }
0x1dc: {  	[bflag:$0x3] =	sbarrier.arrive $0xFFFF  }
0x1dd: {  	_ =	shalt  }

// kernel: kernel.6.cloned.1.call-start
scs
__scs_entry_jumppad:
0x0: {  	(pc) =	sbr.rel $0x88, $3  }
0x1: {  	(tag) =	ssettag $0x0;
	lr =	simm.s32 $0x1  }
0x2: {  	[smem:$0x3F97] =	sst lr;
	_ =	strace $0xD0000000  }
0x3: {  	_ = 	snop  }
0x4: {  	_ = 	snop  }
0x5: {  	_ = 	snop  }
0x6: {  	_ = 	snop  }
0x7: {  	_ = 	snop  }
__scs_overlays_trampoline_lowered:
0x8: {  	[smem:$0x3FA6] =	sst s0  }
0x9: {  	[smem:$0x3FA7] =	sst s1  }
0xa: {  	[smem:$0x3FA8] =	sst s2  }
0xb: {  	[smem:$0x3FA9] =	sst s3  }
0xc: {  	[smem:$0x3FAA] =	sst s4  }
0xd: {  	[smem:$0x3FAB] =	sst s5  }
0xe: {  	[smem:$0x3FAC] =	sst s6  }
0xf: {  	[smem:$0x3FAD] =	sst s7  }
0x10: {  	[smem:$0x3FAE] =	sst s8  }
0x11: {  	[smem:$0x3FAF] =	sst s9;
	s0 =	simm.s32 @!p0 $0x0  }
0x12: {  	s1 =	sld [smem:$0x3F95];
	s0 =	simm.s32 @p0 $0x1  }
0x13: {  	[smem:$0x3FB0] =	sst s0;
	s0 =	simm.s32 @!p1 $0x0  }
0x14: {  	s2 =	sld [smem:$0x3F94];
	s0 =	simm.s32 @p1 $0x1  }
0x15: {  	[smem:$0x3FB1] =	sst s0;
	s0 =	simm.s32 @!p2 $0x0  }
0x16: {  	s3 =	sld [smem:$0x3FDB];
	s0 =	simm.s32 @p2 $0x1  }
0x17: {  	s4 =	simm.s32 $0x1BF5;
	[smem:$0x3FB3] =	sst s0  }
0x18: {  	s0 =	sld [smem:$0x3F96];
	_ =	swait.ge [sflag:s4], $0x0  }
0x19: {  	s7 =	sld [smem:$0x3F97]  }
0x1a: {  	s8 =	sadd.s32 $0xFFFFE003, lr  }
0x1b: {  	s9 =	sadd.s32 $0xFFFFFEF7, lr;
	s5 =	simm.s32 $0xFFFFFFFF;
	p2 =	slt.u32 s8, $0xFFFFF086  }
0x1c: {  	p1 =	slt.u32 s9, $0xF7A;
	s5 =	simm.s32 @!p2 $0x0  }
0x1d: {  	s5 =	simm.s32 @p1 $0x1;
	p0 =	seq.s32 s7, s2  }
0x1e: {  	s7 =	smul.u32 @!p0 $0xF7A, s2;
	p2 =	seq.s32 @!p0 s5, $0x0  }
0x1f: {  	s9 =	smul.u32 $0xF7A, s1;
	s8 =	simm.s32 @!p0 $0x1BF5;
	p2 =	por !p2, p0  }
0x20: {  	[sflag:s8] =	ssyncset.s32 @!p0 $0xFFFFF086;
	s6 =	sadd.s32 @!p0 s3, s7;
	s7 =	simm.s32 @!p0 $0x108  }
0x21: {  	s3 =	sadd.s32 s3, s9;
	s6 =	sadd.s32 @!p0 $0x88, s6;
	s7 =	simm.s32 @p2 $0x1082  }
0x22: {  	[simem:s7], [sflag:s8] =	dma.local @!p0 [hbm:s6], $0xF7A  }
0x23: {  	s9 =	sor.u32 $0xD0000000, s2;
	s6 =	simm.s32 $0x108;
	_ =	swait.ge @!p0 [sflag:s8], $0x0  }
0x24: {  	s3 =	sadd.s32 $0x88, s3;
	s6 =	simm.s32 @!p1 $0x1082;
	[sflag:s4] =	ssyncset.s32 $0xFFFFF086  }
0x25: {  	[simem:s6], [sflag:s4] =	dma.local [hbm:s3], $0xF7A  }
0x26: {  	[smem:$0x3F97] =	sst s1;
	(tag) =	ssettag s2;
	_ =	strace s9  }
0x27: {  	s1 =	sld [smem:$0x3FA7]  }
0x28: {  	s2 =	sld [smem:$0x3FA8]  }
0x29: {  	s4 =	sld [smem:$0x3FAA]  }
0x2a: {  	p0 =	seq.s32 s5, $0x0;
	s5 =	sld [smem:$0x3FAB]  }
0x2b: {  	s6 =	sld [smem:$0x3FAC]  }
0x2c: {  	s7 =	sld [smem:$0x3FAD]  }
0x2d: {  	s3 =	simm.s32 $0x108;
	s8 =	sld [smem:$0x3FAE]  }
0x2e: {  	s3 =	simm.s32 @!p0 $0x1082;
	s9 =	sld [smem:$0x3FAF]  }
0x2f: {  	lr =	sadd.s32 s0, s3;
	s0 =	sld [smem:$0x3FA6]  }
0x30: {  	s3 =	sld [smem:$0x3FA9]  }
0x31: {  	[smem:$0x3FB2] =	sst s10  }
0x32: {  	s10 =	sld [smem:$0x3FB0];
	_ =	sdelay $0x3  }
0x33: {  	p0 =	seq.s32 s10, $0x1;
	s10 =	sld [smem:$0x3FB2];
	_ =	sdelay $0x3  }
0x34: {  	[smem:$0x3FB2] =	sst s10  }
0x35: {  	s10 =	sld [smem:$0x3FB1];
	_ =	sdelay $0x3  }
0x36: {  	p1 =	seq.s32 s10, $0x1;
	s10 =	sld [smem:$0x3FB2];
	_ =	sdelay $0x3  }
0x37: {  	[smem:$0x3FB2] =	sst s10  }
0x38: {  	s10 =	sld [smem:$0x3FB3]  }
0x39: {  	_ = 	snop;
	(pc) =	sbr.ind lr, $3  }
0x3a: {  	_ = 	snop  }
0x3b: {  	_ = 	snop  }
0x3c: {  	p2 =	seq.s32 s10, $0x1;
	s10 =	sld [smem:$0x3FB2]  }
0x3d: {  	_ =	shalt  }
0x3e: {  	_ =	shalt  }
0x3f: {  	_ =	shalt  }
0x40: {  	_ =	shalt  }
0x41: {  	_ =	shalt  }
0x42: {  	_ =	shalt  }
0x43: {  	_ =	shalt  }
0x44: {  	_ =	shalt  }
0x45: {  	_ =	shalt  }
0x46: {  	_ =	shalt  }
0x47: {  	_ =	shalt  }
0x48: {  	_ =	shalt  }
0x49: {  	_ =	shalt  }
0x4a: {  	_ =	shalt  }
0x4b: {  	_ =	shalt  }
0x4c: {  	_ =	shalt  }
0x4d: {  	_ =	shalt  }
0x4e: {  	_ =	shalt  }
0x4f: {  	_ =	shalt  }
0x50: {  	_ =	shalt  }
0x51: {  	_ =	shalt  }
0x52: {  	_ =	shalt  }
0x53: {  	_ =	shalt  }
0x54: {  	_ =	shalt  }
0x55: {  	_ =	shalt  }
0x56: {  	_ =	shalt  }
0x57: {  	_ =	shalt  }
0x58: {  	_ =	shalt  }
0x59: {  	_ =	shalt  }
0x5a: {  	_ =	shalt  }
0x5b: {  	_ =	shalt  }
0x5c: {  	_ =	shalt  }
0x5d: {  	_ =	shalt  }
0x5e: {  	_ =	shalt  }
0x5f: {  	_ =	shalt  }
0x60: {  	_ =	shalt  }
0x61: {  	_ =	shalt  }
0x62: {  	_ =	shalt  }
0x63: {  	_ =	shalt  }
0x64: {  	_ =	shalt  }
0x65: {  	_ =	shalt  }
0x66: {  	_ =	shalt  }
0x67: {  	_ =	shalt  }
0x68: {  	_ =	shalt  }
0x69: {  	_ =	shalt  }
0x6a: {  	_ =	shalt  }
0x6b: {  	_ =	shalt  }
0x6c: {  	_ =	shalt  }
0x6d: {  	_ =	shalt  }
0x6e: {  	_ =	shalt  }
0x6f: {  	_ =	shalt  }
0x70: {  	_ =	shalt  }
0x71: {  	_ =	shalt  }
0x72: {  	_ =	shalt  }
0x73: {  	_ =	shalt  }
0x74: {  	_ =	shalt  }
0x75: {  	_ =	shalt  }
0x76: {  	_ =	shalt  }
0x77: {  	_ =	shalt  }
0x78: {  	_ =	shalt  }
0x79: {  	_ =	shalt  }
0x7a: {  	_ =	shalt  }
0x7b: {  	_ =	shalt  }
0x7c: {  	_ =	shalt  }
0x7d: {  	_ =	shalt  }
0x7e: {  	_ =	shalt  }
0x7f: {  	_ =	shalt  }
0x80: {  	_ =	shalt  }
0x81: {  	_ =	shalt  }
0x82: {  	_ =	shalt  }
0x83: {  	_ =	shalt  }
0x84: {  	_ =	shalt  }
0x85: {  	_ =	shalt  }
0x86: {  	_ =	shalt  }
0x87: {  	_ =	shalt  }
.Lfunc_end0:
.L_simem_size_0:
called_computation_lowered:
.L_overlay_start_0:
0x88: {  	s2 =	sld [smem:$0x3FD9]  }
0x89: {  	s3 =	sld [smem:$0x3FFE];
	_ =	sdelay $0x1  }
0x8a: {  	s1 =	srdreg.scid  }
0x8b: {  	s0 =	sand.u32 $0x1, s1  }
0x8c: {  	s16 =	sshll.u32 s0, $0xA;
	s2 =	sadd.s32 s3, s2  }
0x8d: {  	s2 =	sadd.s32 s2, s16  }
0x8e: {  	[smem:$0x3FBE] =	sst s2  }
0x8f: {  	_ = 	snop  }
0x90: {  	s17 =	sld [smem:$0x3FD0];
	_ =	sdelay $0x2  }
0x91: {  	s5 =	simm.s32 $0xB;
	s4 =	simm.s32 $0x10;
	s2 =	sld [smem:$0x3FC8]  }
0x92: {  	[smem:s4], [sflag:s5] =	dma.local [hbm:s17], $0x1  }
0x93: {  	_ =	swait.eq [sflag:s5], $0x1  }
0x94: {  	[sflag:s5] =	ssyncset.done $0x0  }
0x95: {  	s18 =	sld [smem:$0x11];
	[sflag:s5] =	ssyncadd.s32 $0xFFFFFFFF  }
0x96: {  	s19 =	sld [smem:$0x12];
	(tm) =	ssettm $0x1  }
0x97: {  	s20 =	sld [smem:$0x3FFB];
	_ =	sdelay $0x3  }
0x98: {  	_ =	strace s20  }
0x99: {  	s3 =	sld [smem:$0x3FFC];
	_ =	sdelay $0x3  }
0x9a: {  	_ =	strace s3  }
0x9b: {  	s3 =	sld [smem:$0x3FFD];
	_ =	sdelay $0x3  }
0x9c: {  	_ =	strace s3  }
0x9d: {  	_ =	strace $0x8FFFFFFF  }
0x9e: {  	s21 =	sld [smem:$0x3FDB];
	_ =	sdelay $0x1  }
0x9f: {  	s6 =	simm.s32 $_scs_section_size  }
0xa0: {  	s7 =	simm.s32 $_size__tile_overlayer_lowered;
	s8 =	simm.s32 $_tile_overlayer_lowered  }
0xa1: {  	s9 =	simm.s32 $0x1BFF;
	s22 =	sshll.u32 s8, $0x1;
	s6 =	sadd.s32 s6, s21  }
0xa2: {  	s23 =	simm.s32 $0x0;
	s7 =	sshll.u32 s7, $0x1;
	s8 =	sadd.s32 s22, s6  }
0xa3: {  	[timem:s23], [sflag:s9] =	dma.local [hbm:s8], s7  }
0xa4: {  	_ =	swait.ge [sflag:s9], s7  }
0xa5: {  	s7 =	ssub.s32 $0x0, s7;
	[sflag:s9] =	ssyncset.done $0x0  }
0xa6: {  	[sflag:s9] =	ssyncadd.s32 s7;
	_ =	sdelay $0x1  }
0xa7: {  	s24 =	simm.s32 $0x1B8B  }
0xa8: {  	_ =	swait.ge [sflag:s24], $0x1  }
0xa9: {  	[sflag:s24] =	ssyncset.done $0x0  }
0xaa: {  	[sflag:s24] =	ssyncadd.s32 $0xFFFFFFFF  }
0xab: {  	s7 =	sld [smem:$0x0]  }
0xac: {  	s8 =	sand.u32 $0xFFFFFFFE, s1  }
0xad: {  	p0 =	sne.s32 s1, s8  }
0xae: {  	s8 =	sshll.u32 @p0 s8, $0xE  }
0xaf: {  	s8 =	sadd.s32 @p0 $0x11B8D, s8;
	s9 =	sshll.u32 @p0 s7, $0x11  }
0xb0: {  	s8 =	sor.u32 @p0 s9, s8  }
0xb1: {  	[sflag:s8] =	ssyncadd.remote.s32 @p0 $0x1;
	_ =	sdelay $0x1  }
0xb2: {  	s8 =	simm.s32 @p0 $0x1B8D  }
0xb3: {  	_ =	swait.eq @p0 [sflag:s8], $0x1  }
0xb4: {  	[sflag:s8] =	ssyncadd.s32 @p0 $0xFFFFFFFF  }
0xb5: {  	s9 =	sshll.u32 @!p0 s1, $0xE  }
0xb6: {  	s9 =	sor.u32 @!p0 $0x4000, s9;
	s8 =	simm.s32 @!p0 $0x1B8D  }
0xb7: {  	s7 =	sshll.u32 @!p0 s7, $0x11;
	s9 =	sadd.s32 @!p0 $0x11B8D, s9;
	_ =	swait.eq @!p0 [sflag:s8], $0x1  }
0xb8: {  	s7 =	sor.u32 @!p0 s7, s9;
	[sflag:s8] =	ssyncadd.s32 @!p0 $0xFFFFFFFF  }
0xb9: {  	s25 =	simm.s32 $0x1B8E;
	[sflag:s7] =	ssyncadd.remote.s32 @!p0 $0x1  }
0xba: {  	s26 =	simm.s32 $execute0_lowered;
	[smem:$0x3FD2] =	sst s25  }
0xbb: {  	s7 =	sshll.u32 s26, $0x1;
	_ =	strace $0x80000049;
	[dreg:$0x1] =	wrdreg $0xFFFFFFFF  }
0xbc: {  	s28 =	simm.s32 $_size_execute0_lowered;
	s6 =	sadd.s32 s6, s7;
	[dreg:$0x0] =	wrdreg $0x0  }
0xbd: {  	s7 =	sshll.u32 s28, $0x1;
	[dreg:$0x2] =	wrdreg s6  }
0xbe: {  	[dreg:$0x3] =	wrdreg s7  }
0xbf: {  	[dreg:$0x4] =	wrdreg $0xC0  }
0xc0: {  	_ =	task [dreg:s23], $0x5FFFF  }
0xc1: {  	[dreg:$0x1] =	wrdreg $0xFFFFFFFF  }
0xc2: {  	[dreg:$0x0] =	wrdreg $0x60  }
0xc3: {  	[dreg:$0x2] =	wrdreg s2  }
0xc4: {  	[dreg:$0x3] =	wrdreg s18  }
0xc5: {  	[dreg:$0x4] =	wrdreg s19  }
0xc6: {  	[dreg:$0x5] =	wrdreg $0x0  }
0xc7: {  	[dreg:$0x6] =	wrdreg $0x9  }
0xc8: {  	_ =	task.clear_ibuf [dreg:s23], $0x7FFFF;
	_ =	strace $0x90000049  }
0xc9: {  	s29 =	simm.s32 $0x9;
	_ =	strace $0x8000004B  }
0xca: {  	_ =	swait.ge [sflag:s29], $0x1  }
0xcb: {  	[sflag:s29] =	ssyncadd.s32 $0xFFFFFFFF  }
0xcc: {  	_ =	strace $0x9000004B  }
0xcd: {  	_ =	sfence  }
0xce: {  	s30 =	sld [smem:$0x0];
	_ =	sdelay $0x2  }
0xcf: {  	s31 =	sshll.u32 s1, $0xD;
	s1 =	sshrl.u32 s1, $0x2  }
0xd0: {  	s4 =	sand.u32 $0x4000, s31;
	s1 =	sadd.s32 s1, s30  }
0xd1: {  	s0 =	sor.u32 s4, s0;
	s1 =	sshll.u32 s1, $0x11  }
0xd2: {  	s0 =	sor.u32 s1, s0  }
0xd3: {  	s0 =	sadd.s32 $0x8F2B, s0  }
0xd4: {  	[sflag:s0] =	ssyncadd.remote.s32 $0x1  }
0xd5: {  	_ =	sfence.sel $0xFFFF  }
0xd6: {  	[dreg:$0x0] =	wrdreg $0xFFFFFFFF;
	(pc) =	sbr.abs _section_cstart, $3  }
0xd7: {  	[dreg:$0x1] =	wrdreg $0xFFFFFFFF  }
0xd8: {  	_ =	task.clear_ibuf [dreg:s23], $0x2FFFF;
	_ =	strace $0x9FFFFFFF  }
0xd9: {  	(tm) =	ssettm $0x7FFFFFFF  }
tec
execute0_lowered:
.L_overlay_start_1:
0x0: {  	(tag) =	ssettag $0x1  }
0x1: {  	s1 =	rddreg [dreg:$0x0]  }
0x2: {  	s2 =	rddreg [dreg:$0x1]  }
0x3: {  	s10 =	rddreg [dreg:$0x2]  }
0x4: {  	s3 =	rddreg [dreg:$0x3]  }
0x5: {  	s4 =	srdreg.scid;
	s0 =	rddreg [dreg:$0x4];
	s5 =	simm.s32 $0x0  }
0x6: {  	s13 =	simm.s32 $0x7A18;
	s14 =	simm.s32 $0x4E20;
	s16 =	simm.s32 $0xC898  }
0x7: {  	s17 =	simm.s32 $0x0;
	s6 =	sand.u32 $0x1, s4;
	[smem:$0x7FF] =	sst s5  }
0x8: {  	s4 =	stileid.u32;
	s7 =	ssub.s32 $0x2, s6;
	s15 =	smul.u32 $0x7A120, s6  }
0x9: {  	_ =	strace $0x8000004A;
	s9 =	smul.u32 $0xFA0, s4;
	s30 =	ssub.s32 $0x8C, s4  }
0xa: {  	s31 =	ssub.s32 $0x73, s4;
	s11 =	smul.u32 $0x3E80, s4;
	s8 =	sshrl.u32 s7, $0x1  }
0xb: {  	s6 =	sshrl.u32 s30, $0x4;
	s8 =	ssub.s32 s7, s8;
	s7 =	sshrl.u32 s31, $0x4  }
0xc: {  	s9 =	sadd.s32 s9, s15;
	s11 =	sshrl.u32 s11, $0x2;
	v0 =	vmov s15;
	s15 =	simm.s32 $0x11718  }
0xd: {  	s8 =	smax.u32 s8, $0x1;
	s12 =	sshrl.u32 s9, $0x3;
	s9 =	sadd.s32 s11, s3  }
0xe: {  	v1 =	vimm.f32 $0.0e+00;
	s11 =	simm.s32 $0x16598;
	s10 =	sadd.s32 s12, s10;
	s12 =	simm.s32 $0x1  }
.LBB2_1:
0xf: {  	[tilespmem:s11], [sflag:$0x1] =	stream.linear.gather [hbm4b:s2+s5], $0x1000, $0x38;
	[tilespmem:$0x17598] =	vst v63  }
0x10: {  	p0 =	sne.s32 s6, $0x1;
	_ =	swait.ge [sflag:s12], $0x1000  }
.Ltmp0:
0x11: {  	[sflag:s12] =	ssyncset.done $0x0;
	(pc) =	sbr.rel @!p0 .LBB2_3-.Ltmp0, $4  }
0x12: {  	[sflag:s12] =	ssyncadd.s32 $0xFFFFF000  }
0x13: {  	[spmem:s9] =	stream.linear.scatter [tilespmem:s11], [sflag:$0x1], $0xFA0, $0x38;
	[tilespmem:$0x17598] =	vst v63  }
0x14: {  	_ =	swait.ge [sflag:s12], $0xFA0  }
0x15: {  	s18 =	sadd.s32 $0xFFFFFFFF, s6;
	s19 =	smov.u32 s9;
	[sflag:s12] =	ssyncset.done $0x0  }
.LBB2_2:
0x16: {  	p1 =	sne.s32 s18, $0x1;
	[sflag:s12] =	ssyncadd.s32 $0xFFFFF060;
	s19 =	sadd.s32 $0xFA00, s19  }
.Ltmp1:
0x17: {  	s18 =	sadd.s32 $0xFFFFFFFF, s18;
	(pc) =	sbr.rel @p1 .LBB2_2-.Ltmp1, $4  }
0x18: {  	_ = 	snop  }
0x19: {  	[spmem:s19] =	stream.linear.scatter [tilespmem:s11], [sflag:$0x1], $0xFA0, $0x38;
	[tilespmem:$0x17598] =	vst v63  }
0x1a: {  	_ =	swait.ge [sflag:s12], $0xFA0  }
0x1b: {  	[sflag:s12] =	ssyncset.done $0x0  }
.LBB2_3:
0x1c: {  	[sflag:s12] =	ssyncadd.s32 $0xFFFFF060  }
0x1d: {  	s18 =	simm.s32 $0x0;
	s19 =	simm.s32 $0x0;
	[bflag:$0x0] =	sbarrier.arrive $0xFFFF  }
.LBB2_4:
0x1e: {  	s20 =	sshll.u32 s19, $0x4  }
0x1f: {  	s20 =	sor.u32 s4, s20  }
0x20: {  	s20 =	smul.u32 $0x9C4, s20;
	_ =	sdelay $0x1  }
0x21: {  	s20 =	sadd.s32 s1, s20  }
0x22: {  	[tilespmem:s13], [sflag:$0x1] =	stream.linear.gather [hbm4b:s20+s18], $0x4E20, $0x38;
	[tilespmem:$0x17598] =	vst v63  }
0x23: {  	_ =	swait.ge [sflag:s12], $0x4E20  }
0x24: {  	[sflag:s12] =	ssyncset.done $0x0  }
0x25: {  	s20 =	simm.s32 $0x0;
	[sflag:s12] =	ssyncadd.s32 $0xFFFFB1E0  }
0x26: {  	v2 =	vld [tilespmem:s20+$0x7A18];
	_ =	sdelay $0x2  }
0x27: {  	s21 =	simm.s32 $0x40  }
.LBB2_5:
0x28: {  	p1 =	sne.s32 s21, $0x13840  }
.Ltmp2:
0x29: {  	s22 =	sshra.s32 s21, $0x2;
	s21 =	sadd.s32 $0x40, s21;
	v3 =	vsub.s32 v2, v0;
	(pc) =	sbr.rel @p1 .LBB2_5-.Ltmp2, $4  }
0x2a: {  	v2 =	vld [tilespmem:s22+$0x7A18];
	vm0 =	vlt.u32 v3, $0x7A120;
	vm1 =	vgt.s32 v3, $0x0  }
0x2b: {  	v3 =	vnsel vm1, $0x0, v3;
	v4 =	vsel vm0, $0x3F800000, v1  }
0x2c: {  	v3 =	vmin.u32 v3, $0x7A11F;
	[tilespmem:s20+$0xC898] =	vst v4  }
0x2d: {  	[tilespmem:s20+$0x11718] =	vst v3;
	s20 =	smov.u32 s22  }
0x2e: {  	_ = 	snop  }
0x2f: {  	v2 =	vsub.s32 v2, v0  }
0x30: {  	vm0 =	vlt.u32 v2, $0x7A120;
	vm1 =	vgt.s32 v2, $0x0  }
0x31: {  	s19 =	sadd.s32 $0x1, s19;
	v2 =	vnsel vm1, $0x0, v2;
	v3 =	vsel vm0, $0x3F800000, v1  }
0x32: {  	p1 =	sne.s32 s19, s7;
	v2 =	vmin.u32 v2, $0x7A11F;
	[tilespmem:s20+$0xC898] =	vst v3  }
.Ltmp3:
0x33: {  	[tilespmem:s20+$0x11718] =	vst v2;
	(pc) =	sbr.rel @p1 .LBB2_4-.Ltmp3, $4  }
0x34: {  	[spmem:s3] =	stream.indirect.scatter.add.f32 [tilespmem:s16], [sflag:$0x1], $0x1, s15, s14, $0xb8;
	[tilespmem:$0x17598] =	vst v63  }
0x35: {  	_ =	swait.ge [sflag:s12], $0x4E20  }
0x36: {  	[sflag:s12] =	ssyncset.done $0x0  }
0x37: {  	[sflag:s12] =	ssyncadd.s32 $0xFFFFB1E0  }
0x38: {  	[bflag:$0x0] =	sbarrier.arrive $0xFFFF  }
0x39: {  	[tilespmem:s11], [sflag:$0x1] =	stream.linear.gather [spmem:s9], $0xFA0, $0x38;
	[tilespmem:$0x17598] =	vst v63  }
0x3a: {  	_ =	swait.ge [sflag:s12], $0xFA0  }
.Ltmp4:
0x3b: {  	[sflag:s12] =	ssyncset.done $0x0;
	(pc) =	sbr.rel @!p0 .LBB2_9-.Ltmp4, $4  }
0x3c: {  	[sflag:s12] =	ssyncadd.s32 $0xFFFFF060  }
0x3d: {  	[hbm4b:s10+s5] =	stream.linear.scatter [tilespmem:s11], [sflag:$0x1], $0xFA0, $0x38;
	[tilespmem:$0x17598] =	vst v63  }
0x3e: {  	s18 =	sadd.s32 $0xFFFFFFFF, s6;
	_ =	swait.ge [sflag:s12], $0xFA0  }
0x3f: {  	s19 =	smov.u32 s9;
	s20 =	smov.u32 s10;
	[sflag:s12] =	ssyncset.done $0x0  }
.LBB2_8:
0x40: {  	[sflag:s12] =	ssyncadd.s32 $0xFFFFF060;
	s19 =	sadd.s32 $0xFA00, s19;
	s20 =	sadd.s32 $0x1F40, s20  }
0x41: {  	[tilespmem:s11], [sflag:$0x1] =	stream.linear.gather [spmem:s19], $0xFA0, $0x38;
	[tilespmem:$0x17598] =	vst v63  }
0x42: {  	p0 =	sne.s32 s18, $0x1;
	s18 =	sadd.s32 $0xFFFFFFFF, s18;
	_ =	swait.ge [sflag:s12], $0xFA0  }
.Ltmp5:
0x43: {  	[sflag:s12] =	ssyncset.done $0x0;
	(pc) =	sbr.rel @p0 .LBB2_8-.Ltmp5, $4  }
0x44: {  	[sflag:s12] =	ssyncadd.s32 $0xFFFFF060  }
0x45: {  	[hbm4b:s20+s5] =	stream.linear.scatter [tilespmem:s11], [sflag:$0x1], $0xFA0, $0x38;
	[tilespmem:$0x17598] =	vst v63  }
0x46: {  	_ =	swait.ge [sflag:s12], $0xFA0  }
0x47: {  	[sflag:s12] =	ssyncset.done $0x0  }
.LBB2_9:
0x48: {  	s17 =	sadd.s32 $0x1, s17  }
0x49: {  	p0 =	sne.s32 s17, s8  }
.Ltmp6:
0x4a: {  	_ = 	snop;
	(pc) =	sbr.rel @p0 .LBB2_1-.Ltmp6, $2  }
0x4b: {  	_ =	sdelay $0x2  }
0x4c: {  	[sflag:s12] =	ssyncadd.s32 $0xFFFFF060  }
0x4d: {  	_ =	sfence.sel $0x180000  }
0x4e: {  	[bflag:$0x0] =	sbarrier.arrive $0xFFFF  }
0x4f: {  	p0 =	sne.s32 s4, $0x0;
	_ =	strace $0x9000004A  }
0x50: {  	s0 =	sadd.s32 @!p0 $0x100000, s0;
	[bflag:$0x2] =	sbarrier.arrive $0xFFFF  }
0x51: {  	[sflag:s0] =	ssyncadd.tile.s32 @!p0 $0x1;
	_ =	shalt  }
.Lfunc_end2:
_tile_overlayer_lowered:
.L_overlay_start_2:
0x52: {  	(tag) =	ssettag $0x2  }
0x53: {  	s0 =	rddreg [dreg:$0x0];
	s2 =	stileid.u32  }
0x54: {  	s1 =	rddreg [dreg:$0x1];
	p0 =	sne.s32 s2, $0x0  }
0x55: {  	s3 =	rddreg [dreg:$0x2];
	[bflag:$0x3] =	sbarrier.arrive $0xFFFF;
	s2 =	simm.s32 @!p0 $0x1C01  }
0x56: {  	[timem:s3], [sflag:s2] =	dma.local @!p0 [hbm:s0], s1  }
0x57: {  	s0 =	simm.s32 @!p0 $0x1  }
0x58: {  	_ =	swait.ge @!p0 [sflag:s0], s1  }
0x59: {  	s1 =	ssub.s32 @!p0 $0x0, s1;
	[sflag:s0] =	ssyncset.done @!p0 $0x0  }
0x5a: {  	[sflag:s0] =	ssyncadd.s32 @!p0 s1  }
0x5b: {  	[bflag:$0x3] =	sbarrier.arrive $0xFFFF  }
0x5c: {  	_ =	shalt  }

// kernel: kernel.9.cloned.1.call-start
scs
__scs_entry_jumppad:
0x0: {  	(pc) =	sbr.rel $0x88, $3  }
0x1: {  	(tag) =	ssettag $0x0;
	lr =	simm.s32 $0x1  }
0x2: {  	[smem:$0x3F97] =	sst lr;
	_ =	strace $0xD0000000  }
0x3: {  	_ = 	snop  }
0x4: {  	_ = 	snop  }
0x5: {  	_ = 	snop  }
0x6: {  	_ = 	snop  }
0x7: {  	_ = 	snop  }
__scs_overlays_trampoline_lowered:
0x8: {  	[smem:$0x3FA6] =	sst s0  }
0x9: {  	[smem:$0x3FA7] =	sst s1  }
0xa: {  	[smem:$0x3FA8] =	sst s2  }
0xb: {  	[smem:$0x3FA9] =	sst s3  }
0xc: {  	[smem:$0x3FAA] =	sst s4  }
0xd: {  	[smem:$0x3FAB] =	sst s5  }
0xe: {  	[smem:$0x3FAC] =	sst s6  }
0xf: {  	[smem:$0x3FAD] =	sst s7  }
0x10: {  	[smem:$0x3FAE] =	sst s8  }
0x11: {  	[smem:$0x3FAF] =	sst s9;
	s0 =	simm.s32 @!p0 $0x0  }
0x12: {  	s1 =	sld [smem:$0x3F95];
	s0 =	simm.s32 @p0 $0x1  }
0x13: {  	[smem:$0x3FB0] =	sst s0;
	s0 =	simm.s32 @!p1 $0x0  }
0x14: {  	s2 =	sld [smem:$0x3F94];
	s0 =	simm.s32 @p1 $0x1  }
0x15: {  	[smem:$0x3FB1] =	sst s0;
	s0 =	simm.s32 @!p2 $0x0  }
0x16: {  	s3 =	sld [smem:$0x3FDB];
	s0 =	simm.s32 @p2 $0x1  }
0x17: {  	s4 =	simm.s32 $0x1BF5;
	[smem:$0x3FB3] =	sst s0  }
0x18: {  	s0 =	sld [smem:$0x3F96];
	_ =	swait.ge [sflag:s4], $0x0  }
0x19: {  	s7 =	sld [smem:$0x3F97]  }
0x1a: {  	s8 =	sadd.s32 $0xFFFFE003, lr  }
0x1b: {  	s9 =	sadd.s32 $0xFFFFFEF7, lr;
	s5 =	simm.s32 $0xFFFFFFFF;
	p2 =	slt.u32 s8, $0xFFFFF086  }
0x1c: {  	p1 =	slt.u32 s9, $0xF7A;
	s5 =	simm.s32 @!p2 $0x0  }
0x1d: {  	s5 =	simm.s32 @p1 $0x1;
	p0 =	seq.s32 s7, s2  }
0x1e: {  	s7 =	smul.u32 @!p0 $0xF7A, s2;
	p2 =	seq.s32 @!p0 s5, $0x0  }
0x1f: {  	s9 =	smul.u32 $0xF7A, s1;
	s8 =	simm.s32 @!p0 $0x1BF5;
	p2 =	por !p2, p0  }
0x20: {  	[sflag:s8] =	ssyncset.s32 @!p0 $0xFFFFF086;
	s6 =	sadd.s32 @!p0 s3, s7;
	s7 =	simm.s32 @!p0 $0x108  }
0x21: {  	s3 =	sadd.s32 s3, s9;
	s6 =	sadd.s32 @!p0 $0x88, s6;
	s7 =	simm.s32 @p2 $0x1082  }
0x22: {  	[simem:s7], [sflag:s8] =	dma.local @!p0 [hbm:s6], $0xF7A  }
0x23: {  	s9 =	sor.u32 $0xD0000000, s2;
	s6 =	simm.s32 $0x108;
	_ =	swait.ge @!p0 [sflag:s8], $0x0  }
0x24: {  	s3 =	sadd.s32 $0x88, s3;
	s6 =	simm.s32 @!p1 $0x1082;
	[sflag:s4] =	ssyncset.s32 $0xFFFFF086  }
0x25: {  	[simem:s6], [sflag:s4] =	dma.local [hbm:s3], $0xF7A  }
0x26: {  	[smem:$0x3F97] =	sst s1;
	(tag) =	ssettag s2;
	_ =	strace s9  }
0x27: {  	s1 =	sld [smem:$0x3FA7]  }
0x28: {  	s2 =	sld [smem:$0x3FA8]  }
0x29: {  	s4 =	sld [smem:$0x3FAA]  }
0x2a: {  	p0 =	seq.s32 s5, $0x0;
	s5 =	sld [smem:$0x3FAB]  }
0x2b: {  	s6 =	sld [smem:$0x3FAC]  }
0x2c: {  	s7 =	sld [smem:$0x3FAD]  }
0x2d: {  	s3 =	simm.s32 $0x108;
	s8 =	sld [smem:$0x3FAE]  }
0x2e: {  	s3 =	simm.s32 @!p0 $0x1082;
	s9 =	sld [smem:$0x3FAF]  }
0x2f: {  	lr =	sadd.s32 s0, s3;
	s0 =	sld [smem:$0x3FA6]  }
0x30: {  	s3 =	sld [smem:$0x3FA9]  }
0x31: {  	[smem:$0x3FB2] =	sst s10  }
0x32: {  	s10 =	sld [smem:$0x3FB0];
	_ =	sdelay $0x3  }
0x33: {  	p0 =	seq.s32 s10, $0x1;
	s10 =	sld [smem:$0x3FB2];
	_ =	sdelay $0x3  }
0x34: {  	[smem:$0x3FB2] =	sst s10  }
0x35: {  	s10 =	sld [smem:$0x3FB1];
	_ =	sdelay $0x3  }
0x36: {  	p1 =	seq.s32 s10, $0x1;
	s10 =	sld [smem:$0x3FB2];
	_ =	sdelay $0x3  }
0x37: {  	[smem:$0x3FB2] =	sst s10  }
0x38: {  	s10 =	sld [smem:$0x3FB3]  }
0x39: {  	_ = 	snop;
	(pc) =	sbr.ind lr, $3  }
0x3a: {  	_ = 	snop  }
0x3b: {  	_ = 	snop  }
0x3c: {  	p2 =	seq.s32 s10, $0x1;
	s10 =	sld [smem:$0x3FB2]  }
0x3d: {  	_ =	shalt  }
0x3e: {  	_ =	shalt  }
0x3f: {  	_ =	shalt  }
0x40: {  	_ =	shalt  }
0x41: {  	_ =	shalt  }
0x42: {  	_ =	shalt  }
0x43: {  	_ =	shalt  }
0x44: {  	_ =	shalt  }
0x45: {  	_ =	shalt  }
0x46: {  	_ =	shalt  }
0x47: {  	_ =	shalt  }
0x48: {  	_ =	shalt  }
0x49: {  	_ =	shalt  }
0x4a: {  	_ =	shalt  }
0x4b: {  	_ =	shalt  }
0x4c: {  	_ =	shalt  }
0x4d: {  	_ =	shalt  }
0x4e: {  	_ =	shalt  }
0x4f: {  	_ =	shalt  }
0x50: {  	_ =	shalt  }
0x51: {  	_ =	shalt  }
0x52: {  	_ =	shalt  }
0x53: {  	_ =	shalt  }
0x54: {  	_ =	shalt  }
0x55: {  	_ =	shalt  }
0x56: {  	_ =	shalt  }
0x57: {  	_ =	shalt  }
0x58: {  	_ =	shalt  }
0x59: {  	_ =	shalt  }
0x5a: {  	_ =	shalt  }
0x5b: {  	_ =	shalt  }
0x5c: {  	_ =	shalt  }
0x5d: {  	_ =	shalt  }
0x5e: {  	_ =	shalt  }
0x5f: {  	_ =	shalt  }
0x60: {  	_ =	shalt  }
0x61: {  	_ =	shalt  }
0x62: {  	_ =	shalt  }
0x63: {  	_ =	shalt  }
0x64: {  	_ =	shalt  }
0x65: {  	_ =	shalt  }
0x66: {  	_ =	shalt  }
0x67: {  	_ =	shalt  }
0x68: {  	_ =	shalt  }
0x69: {  	_ =	shalt  }
0x6a: {  	_ =	shalt  }
0x6b: {  	_ =	shalt  }
0x6c: {  	_ =	shalt  }
0x6d: {  	_ =	shalt  }
0x6e: {  	_ =	shalt  }
0x6f: {  	_ =	shalt  }
0x70: {  	_ =	shalt  }
0x71: {  	_ =	shalt  }
0x72: {  	_ =	shalt  }
0x73: {  	_ =	shalt  }
0x74: {  	_ =	shalt  }
0x75: {  	_ =	shalt  }
0x76: {  	_ =	shalt  }
0x77: {  	_ =	shalt  }
0x78: {  	_ =	shalt  }
0x79: {  	_ =	shalt  }
0x7a: {  	_ =	shalt  }
0x7b: {  	_ =	shalt  }
0x7c: {  	_ =	shalt  }
0x7d: {  	_ =	shalt  }
0x7e: {  	_ =	shalt  }
0x7f: {  	_ =	shalt  }
0x80: {  	_ =	shalt  }
0x81: {  	_ =	shalt  }
0x82: {  	_ =	shalt  }
0x83: {  	_ =	shalt  }
0x84: {  	_ =	shalt  }
0x85: {  	_ =	shalt  }
0x86: {  	_ =	shalt  }
0x87: {  	_ =	shalt  }
.Lfunc_end0:
.L_simem_size_0:
called_computation.1_lowered:
.L_overlay_start_0:
0x88: {  	s2 =	sld [smem:$0x3FD9]  }
0x89: {  	s3 =	sld [smem:$0x3FFE];
	_ =	sdelay $0x1  }
0x8a: {  	s1 =	srdreg.scid  }
0x8b: {  	s0 =	sand.u32 $0x1, s1  }
0x8c: {  	s14 =	sshll.u32 s0, $0xA;
	s2 =	sadd.s32 s3, s2  }
0x8d: {  	s2 =	sadd.s32 s2, s14  }
0x8e: {  	[smem:$0x3FBE] =	sst s2  }
0x8f: {  	_ = 	snop  }
0x90: {  	s2 =	sld [smem:$0x3FD0];
	_ =	sdelay $0x2  }
0x91: {  	s4 =	simm.s32 $0xB;
	s5 =	simm.s32 $0x10;
	s15 =	sld [smem:$0x3FC8]  }
0x92: {  	[smem:s5], [sflag:s4] =	dma.local [hbm:s2], $0x1  }
0x93: {  	_ =	swait.eq [sflag:s4], $0x1  }
0x94: {  	[sflag:s4] =	ssyncset.done $0x0  }
0x95: {  	[sflag:s4] =	ssyncadd.s32 $0xFFFFFFFF  }
0x96: {  	s16 =	sld [smem:$0x11];
	(tm) =	ssettm $0x1  }
0x97: {  	s17 =	sld [smem:$0x3FFB];
	_ =	sdelay $0x3  }
0x98: {  	_ =	strace s17  }
0x99: {  	s4 =	sld [smem:$0x3FFC];
	_ =	sdelay $0x3  }
0x9a: {  	_ =	strace s4  }
0x9b: {  	s4 =	sld [smem:$0x3FFD];
	_ =	sdelay $0x3  }
0x9c: {  	_ =	strace s4  }
0x9d: {  	_ =	strace $0x8FFFFFFF  }
0x9e: {  	s18 =	sld [smem:$0x3FDB];
	_ =	sdelay $0x1  }
0x9f: {  	s19 =	simm.s32 $_scs_section_size  }
0xa0: {  	s6 =	simm.s32 $_size__tile_overlayer_lowered;
	s7 =	simm.s32 $_tile_overlayer_lowered  }
0xa1: {  	s22 =	simm.s32 $0x1BFF;
	s21 =	sshll.u32 s7, $0x1;
	s4 =	sadd.s32 s19, s18  }
0xa2: {  	s8 =	simm.s32 $0x0;
	s20 =	sshll.u32 s6, $0x1;
	s6 =	sadd.s32 s21, s4  }
0xa3: {  	[timem:s8], [sflag:s22] =	dma.local [hbm:s6], s20  }
0xa4: {  	_ =	swait.ge [sflag:s22], s20  }
0xa5: {  	s5 =	ssub.s32 $0x0, s20;
	[sflag:s22] =	ssyncset.done $0x0  }
0xa6: {  	[sflag:s22] =	ssyncadd.s32 s5;
	_ =	sdelay $0x1  }
0xa7: {  	s23 =	simm.s32 $0x1B8B  }
0xa8: {  	_ =	swait.ge [sflag:s23], $0x1  }
0xa9: {  	[sflag:s23] =	ssyncset.done $0x0  }
0xaa: {  	s25 =	simm.s32 $0x1B8E;
	s24 =	sld [smem:$0x3FFE];
	[sflag:s23] =	ssyncadd.s32 $0xFFFFFFFF  }
0xab: {  	s26 =	simm.s32 $execute0_lowered;
	[smem:$0x3FD2] =	sst s25  }
0xac: {  	s6 =	sshll.u32 s26, $0x1;
	_ =	strace $0x80000046;
	[dreg:$0x1] =	wrdreg $0xFFFFFFFF  }
0xad: {  	s28 =	simm.s32 $_size_execute0_lowered;
	s4 =	sadd.s32 s4, s6;
	[dreg:$0x0] =	wrdreg $0x0  }
0xae: {  	s6 =	sshll.u32 s28, $0x1;
	[dreg:$0x2] =	wrdreg s4  }
0xaf: {  	[dreg:$0x3] =	wrdreg s6  }
0xb0: {  	[dreg:$0x4] =	wrdreg $0xC0  }
0xb1: {  	_ =	task [dreg:s8], $0x5FFFF  }
0xb2: {  	[dreg:$0x1] =	wrdreg $0xFFFFFFFF  }
0xb3: {  	[dreg:$0x0] =	wrdreg $0x60  }
0xb4: {  	[dreg:$0x2] =	wrdreg s15  }
0xb5: {  	[dreg:$0x3] =	wrdreg s24  }
0xb6: {  	[dreg:$0x4] =	wrdreg s16  }
0xb7: {  	[dreg:$0x5] =	wrdreg $0x0  }
0xb8: {  	[dreg:$0x6] =	wrdreg $0xA  }
0xb9: {  	_ =	task.clear_ibuf [dreg:s8], $0x7FFFF;
	_ =	strace $0x90000046  }
0xba: {  	s29 =	simm.s32 $0xA;
	_ =	strace $0x80000048  }
0xbb: {  	_ =	swait.ge [sflag:s29], $0x1  }
0xbc: {  	[sflag:s29] =	ssyncadd.s32 $0xFFFFFFFF  }
0xbd: {  	_ =	strace $0x90000048  }
0xbe: {  	_ =	sfence  }
0xbf: {  	s30 =	sld [smem:$0x0];
	_ =	sdelay $0x2  }
0xc0: {  	s31 =	sshll.u32 s1, $0xD;
	s1 =	sshrl.u32 s1, $0x2  }
0xc1: {  	s3 =	sand.u32 $0x4000, s31;
	s1 =	sadd.s32 s1, s30  }
0xc2: {  	s0 =	sor.u32 s3, s0;
	s1 =	sshll.u32 s1, $0x11  }
0xc3: {  	s0 =	sor.u32 s1, s0  }
0xc4: {  	s0 =	sadd.s32 $0x8F2B, s0  }
0xc5: {  	[sflag:s0] =	ssyncadd.remote.s32 $0x1  }
0xc6: {  	_ =	sfence.sel $0xFFFF  }
0xc7: {  	[dreg:$0x0] =	wrdreg $0xFFFFFFFF;
	(pc) =	sbr.abs _section_cstart, $3  }
0xc8: {  	[dreg:$0x1] =	wrdreg $0xFFFFFFFF  }
0xc9: {  	_ =	task.clear_ibuf [dreg:s8], $0x2FFFF;
	_ =	strace $0x9FFFFFFF  }
0xca: {  	(tm) =	ssettm $0x7FFFFFFF  }
0xcb: {  	_ =	shalt  }
tec
execute0_lowered:
.L_overlay_start_1:
0x0: {  	(tag) =	ssettag $0x1  }
0x1: {  	s1 =	rddreg [dreg:$0x0]  }
0x2: {  	s0 =	rddreg [dreg:$0x1]  }
0x3: {  	s3 =	rddreg [dreg:$0x3];
	s4 =	simm.s32 $0x0;
	s2 =	srdreg.scid  }
0x4: {  	s5 =	stileid.u32;
	s29 =	simm.s32 $0x1EB38;
	s31 =	simm.s32 $0x2580  }
0x5: {  	[smem:$0x7FF] =	sst s4;
	s6 =	sadd.s32 $0x1A00, s0;
	s2 =	sand.u32 $0x1, s2  }
0x6: {  	s7 =	sadd.s32 $0xF5E00, s0;
	s8 =	sadd.s32 $0x133000, s0;
	s11 =	smul.u32 $0xFA0, s5  }
0x7: {  	s0 =	sadd.s32 $0x170200, s0;
	s10 =	smul.u32 $0x7A120, s2;
	s2 =	ssub.s32 $0x2, s2  }
0x8: {  	s12 =	ssub.s32 $0x186, s5;
	_ =	strace $0x80000047;
	s9 =	sshrl.u32 s2, $0x1  }
0x9: {  	s2 =	ssub.s32 s2, s9;
	s9 =	sshrl.u32 s12, $0x4;
	s11 =	sadd.s32 s11, s10  }
0xa: {  	s12 =	smul.u32 $0x3E80, s5;
	s14 =	sadd.s32 $0xF4240, s11;
	s20 =	sadd.s32 $0x1E8480, s11  }
0xb: {  	s30 =	simm.s32 $0x1;
	s22 =	sadd.s32 $0x2DC6C0, s11;
	s24 =	sadd.s32 $0x3D0900, s11  }
0xc: {  	s13 =	sshrl.u32 s11, $0x3;
	s26 =	sadd.s32 $0x4C4B40, s11;
	s15 =	sadd.s32 $0x5B8D80, s11  }
0xd: {  	s17 =	sadd.s32 $0x6ACFC0, s11;
	s13 =	sadd.s32 s13, s0;
	s19 =	sshrl.u32 s14, $0x3  }
0xe: {  	s21 =	sshrl.u32 s20, $0x3;
	s23 =	sshrl.u32 s22, $0x3;
	s25 =	sshrl.u32 s24, $0x3  }
0xf: {  	s14 =	sshrl.u32 s26, $0x3;
	s16 =	sshrl.u32 s15, $0x3;
	s18 =	sshrl.u32 s17, $0x3  }
0x10: {  	s22 =	sadd.s32 $0x989680, s11;
	s24 =	sshrl.u32 s12, $0x2;
	s26 =	smax.u32 s2, $0x1  }
0x11: {  	s2 =	simm.s32 $0x0;
	[dreg:$0x5] =	wrdreg s13;
	s13 =	sadd.s32 s19, s0  }
0x12: {  	s19 =	sadd.s32 $0x7A1200, s11;
	s24 =	sadd.s32 s24, s3;
	[dreg:$0xf] =	wrdreg s26  }
0x13: {  	[dreg:$0x6] =	wrdreg s13;
	s13 =	sadd.s32 s21, s0;
	s20 =	sshrl.u32 s19, $0x3  }
0x14: {  	s21 =	sadd.s32 $0x895440, s11;
	[dreg:$0x7] =	wrdreg s13;
	s13 =	sadd.s32 s23, s0  }
0x15: {  	s11 =	sadd.s32 $0xA7D8C0, s11;
	[dreg:$0x8] =	wrdreg s13;
	s13 =	sadd.s32 s25, s0  }
0x16: {  	s26 =	sadd.s32 $0x7A120, s24;
	[dreg:$0x9] =	wrdreg s13;
	s13 =	sadd.s32 s14, s0  }
0x17: {  	s14 =	sshrl.u32 s21, $0x3;
	[dreg:$0xa] =	wrdreg s13;
	s13 =	sadd.s32 s16, s0  }
0x18: {  	s28 =	sadd.s32 $0xF4240, s24;
	s14 =	sadd.s32 s14, s0;
	[dreg:$0xb] =	wrdreg s13  }
0x19: {  	s11 =	sshrl.u32 s11, $0x3;
	s13 =	sadd.s32 s18, s0;
	[dreg:$0xe] =	wrdreg s14  }
0x1a: {  	s23 =	ssub.s32 $0x280, s5;
	[dreg:$0xc] =	wrdreg s13;
	s13 =	sadd.s32 s20, s0  }
0x1b: {  	s25 =	ssub.s32 $0x8C, s5;
	s21 =	sadd.s32 s11, s0;
	[dreg:$0xd] =	wrdreg s13  }
0x1c: {  	s13 =	sshrl.u32 s22, $0x3;
	s22 =	sshrl.u32 s23, $0x4;
	s23 =	sshrl.u32 s25, $0x4  }
0x1d: {  	v0 =	vmov s10;
	s25 =	simm.s32 $0x1A038;
	s20 =	sadd.s32 s13, s0;
	s0 =	simm.s32 $0x1C5B8  }
.LBB2_1:
0x1e: {  	s10 =	rddreg [dreg:$0x2]  }
0x1f: {  	[tilespmem:s29], [sflag:$0x1] =	stream.linear.gather [hbm4b:s10+s4], $0x1000, $0x38;
	[tilespmem:$0x1FB38] =	vst v63  }
0x20: {  	p1 =	sne.s32 s9, $0x1;
	_ =	swait.ge [sflag:s30], $0x1000  }
.Ltmp0:
0x21: {  	[sflag:s30] =	ssyncset.done $0x0;
	(pc) =	sbr.rel @!p1 .LBB2_3-.Ltmp0, $4  }
0x22: {  	[sflag:s30] =	ssyncadd.s32 $0xFFFFF000  }
0x23: {  	[spmem:s24] =	stream.linear.scatter [tilespmem:s29], [sflag:$0x1], $0xFA0, $0x38;
	[tilespmem:$0x1FB38] =	vst v63  }
0x24: {  	_ =	swait.ge [sflag:s30], $0xFA0  }
0x25: {  	s11 =	smov.u32 s24;
	s10 =	sadd.s32 $0xFFFFFFFF, s9;
	[sflag:s30] =	ssyncset.done $0x0  }
.LBB2_2:
0x26: {  	p0 =	sne.s32 s10, $0x1;
	[sflag:s30] =	ssyncadd.s32 $0xFFFFF060;
	s11 =	sadd.s32 $0xFA00, s11  }
.Ltmp1:
0x27: {  	s10 =	sadd.s32 $0xFFFFFFFF, s10;
	(pc) =	sbr.rel @p0 .LBB2_2-.Ltmp1, $4  }
0x28: {  	_ = 	snop  }
0x29: {  	[spmem:s11] =	stream.linear.scatter [tilespmem:s29], [sflag:$0x1], $0xFA0, $0x38;
	[tilespmem:$0x1FB38] =	vst v63  }
0x2a: {  	_ =	swait.ge [sflag:s30], $0xFA0  }
0x2b: {  	[sflag:s30] =	ssyncset.done $0x0  }
.LBB2_3:
0x2c: {  	[sflag:s30] =	ssyncadd.s32 $0xFFFFF060  }
0x2d: {  	s10 =	simm.s32 $0x0;
	s11 =	simm.s32 $0x0;
	[bflag:$0x0] =	sbarrier.arrive $0xFFFF  }
.LBB2_4:
0x2e: {  	s12 =	sshll.u32 s11, $0x4  }
0x2f: {  	s12 =	sor.u32 s5, s12  }
0x30: {  	s14 =	smul.u32 $0x190, s12;
	_ =	sdelay $0x1  }
0x31: {  	s12 =	simm.s32 $0x16E38;
	s13 =	sadd.s32 s1, s14  }
0x32: {  	[tilespmem:s12], [sflag:$0x1] =	stream.linear.gather [hbm4b:s13+s10], $0xC80, $0x38;
	[tilespmem:$0x1FB38] =	vst v63  }
0x33: {  	_ =	swait.ge [sflag:s30], $0xC80  }
0x34: {  	[sflag:s30] =	ssyncset.done $0x0  }
0x35: {  	s15 =	sadd.s32 s6, s14;
	s13 =	simm.s32 $0x17AB8;
	[sflag:s30] =	ssyncadd.s32 $0xFFFFF380  }
0x36: {  	[tilespmem:s13], [sflag:$0x1] =	stream.linear.gather [hbm4b:s15+s10], $0xC80, $0x38;
	[tilespmem:$0x1FB38] =	vst v63  }
0x37: {  	_ =	swait.ge [sflag:s30], $0xC80  }
0x38: {  	[sflag:s30] =	ssyncset.done $0x0  }
0x39: {  	s16 =	simm.s32 $0x18738;
	s17 =	sadd.s32 s7, s14;
	[sflag:s30] =	ssyncadd.s32 $0xFFFFF380  }
0x3a: {  	[tilespmem:s16], [sflag:$0x1] =	stream.linear.gather [hbm4b:s17+s10], $0xC80, $0x38;
	[tilespmem:$0x1FB38] =	vst v63  }
0x3b: {  	_ =	swait.ge [sflag:s30], $0xC80  }
0x3c: {  	[sflag:s30] =	ssyncset.done $0x0  }
0x3d: {  	s18 =	simm.s32 $0x193B8;
	s14 =	sadd.s32 s8, s14;
	[sflag:s30] =	ssyncadd.s32 $0xFFFFF380  }
0x3e: {  	[tilespmem:s18], [sflag:$0x1] =	stream.linear.gather [hbm4b:s14+s10], $0xC80, $0x38;
	[tilespmem:$0x1FB38] =	vst v63  }
0x3f: {  	_ =	swait.ge [sflag:s30], $0xC80  }
0x40: {  	[sflag:s30] =	ssyncset.done $0x0  }
0x41: {  	[sflag:s30] =	ssyncadd.s32 $0xFFFFF380  }
0x42: {  	v1 =	vld [tilespmem:s12+$0x0];
	_ =	sdelay $0x4  }
0x43: {  	v1 =	vsub.s32 v1, v0  }
0x44: {  	v2 =	vld [tilespmem:s13+$0x0];
	vm0 =	vgt.s32 v1, $0x0  }
0x45: {  	v3 =	vnsel vm0, $0x0, v1  }
0x46: {  	s14 =	simm.s32 $0x1C5B8;
	v3 =	vmin.u32 v3, $0x7A11F  }
0x47: {  	s19 =	sand.u32 $0xFF0, s10;
	[tilespmem:s14+$0x0] =	vst v3;
	v4 =	vadd.s32 $0x7A120, v3  }
0x48: {  	vm15 =	vlt.u32 v1, $0x7A120;
	v1 =	vadd.s32 $0xF4240, v3;
	[tilespmem:s19+$0x1D238] =	vst v4  }
0x49: {  	s17 =	simm.s32 $0x1A038;
	v2 =	vnsel vm15, $0x0, v2;
	[tilespmem:s19+$0x1DEB8] =	vst v1  }
0x4a: {  	[tilespmem:s17+$0x0] =	vst v2  }
0x4b: {  	v1 =	vld [tilespmem:s16+$0x0];
	_ =	sdelay $0x4  }
0x4c: {  	v1 =	vmul.f32 v1, v2;
	_ =	sdelay $0x1  }
0x4d: {  	[tilespmem:s19+$0x1ACB8] =	vst v1  }
0x4e: {  	v1 =	vld [tilespmem:s18+$0x0];
	_ =	sdelay $0x3  }
0x4f: {  	s15 =	simm.s32 $0x10  }
0x50: {  	s17 =	simm.s32 $0x18748;
	s16 =	simm.s32 $0x1A048;
	s18 =	simm.s32 $0x193C8;
	v1 =	vmul.f32 v1, v2  }
.LBB2_5:
0x51: {  	s12 =	sadd.s32 $0x10, s12;
	s13 =	sadd.s32 $0x10, s13;
	s14 =	sadd.s32 $0x10, s14  }
0x52: {  	p0 =	sne.s32 s15, $0xC70;
	[tilespmem:s19+$0x1B938] =	vst v1;
	s19 =	smov.u32 s15;
	s15 =	sadd.s32 $0x10, s15  }
0x53: {  	v1 =	vld [tilespmem:s12+$0x0];
	_ =	sdelay $0x4  }
0x54: {  	v1 =	vsub.s32 v1, v0;
	v2 =	vld [tilespmem:s13+$0x0]  }
0x55: {  	vm0 =	vlt.u32 v1, $0x7A120;
	vm1 =	vgt.s32 v1, $0x0  }
0x56: {  	v1 =	vnsel vm1, $0x0, v1  }
0x57: {  	v1 =	vmin.u32 v1, $0x7A11F  }
0x58: {  	s19 =	sand.u32 $0xFF0, s19;
	[tilespmem:s14+$0x0] =	vst v1;
	v3 =	vadd.s32 $0x7A120, v1;
	v1 =	vadd.s32 $0xF4240, v1  }
0x59: {  	v2 =	vnsel vm0, $0x0, v2;
	[tilespmem:s19+$0x1D238] =	vst v3  }
0x5a: {  	[tilespmem:s19+$0x1DEB8] =	vst v1  }
0x5b: {  	[tilespmem:s16+$0x0] =	vst v2  }
0x5c: {  	v1 =	vld [tilespmem:s17+$0x0];
	_ =	sdelay $0x4  }
0x5d: {  	v1 =	vmul.f32 v1, v2;
	_ =	sdelay $0x1  }
0x5e: {  	[tilespmem:s19+$0x1ACB8] =	vst v1  }
0x5f: {  	v1 =	vld [tilespmem:s18+$0x0]  }
.Ltmp2:
0x60: {  	(pc) =	sbr.rel @p0 .LBB2_5-.Ltmp2, $2  }
0x61: {  	_ =	sdelay $0x2  }
0x62: {  	s16 =	sadd.s32 $0x10, s16;
	s17 =	sadd.s32 $0x10, s17;
	s18 =	sadd.s32 $0x10, s18;
	v1 =	vmul.f32 v1, v2  }
0x63: {  	s11 =	sadd.s32 $0x1, s11  }
0x64: {  	p0 =	sne.s32 s11, s22  }
.Ltmp3:
0x65: {  	[tilespmem:s19+$0x1B938] =	vst v1;
	(pc) =	sbr.rel @p0 .LBB2_4-.Ltmp3, $4  }
0x66: {  	[spmem:s3] =	stream.indirect.scatter.add.f32 [tilespmem:s25], [sflag:$0x1], $0x1, s0, s31, $0xb8;
	[tilespmem:$0x1FB38] =	vst v63  }
0x67: {  	_ =	swait.ge [sflag:s30], $0x2580  }
0x68: {  	[sflag:s30] =	ssyncset.done $0x0  }
0x69: {  	[sflag:s30] =	ssyncadd.s32 $0xFFFFDA80  }
0x6a: {  	[bflag:$0x0] =	sbarrier.arrive $0xFFFF  }
0x6b: {  	[tilespmem:s29], [sflag:$0x1] =	stream.linear.gather [spmem:s24], $0xFA0, $0x38;
	[tilespmem:$0x1FB38] =	vst v63  }
0x6c: {  	p0 =	sne.s32 s23, $0x1;
	_ =	swait.ge [sflag:s30], $0xFA0  }
.Ltmp4:
0x6d: {  	[sflag:s30] =	ssyncset.done $0x0;
	(pc) =	sbr.rel @!p0 .LBB2_9-.Ltmp4, $4  }
0x6e: {  	s12 =	rddreg [dreg:$0x5];
	[sflag:s30] =	ssyncadd.s32 $0xFFFFF060  }
0x6f: {  	[hbm4b:s12+s4] =	stream.linear.scatter [tilespmem:s29], [sflag:$0x1], $0xFA0, $0x38;
	[tilespmem:$0x1FB38] =	vst v63  }
0x70: {  	_ =	swait.ge [sflag:s30], $0xFA0  }
0x71: {  	s10 =	sadd.s32 $0xFFFFFFFF, s23;
	s11 =	smov.u32 s24;
	[sflag:s30] =	ssyncset.done $0x0  }
.LBB2_8:
0x72: {  	[sflag:s30] =	ssyncadd.s32 $0xFFFFF060;
	s11 =	sadd.s32 $0xFA00, s11;
	s12 =	sadd.s32 $0x1F40, s12  }
0x73: {  	[tilespmem:s29], [sflag:$0x1] =	stream.linear.gather [spmem:s11], $0xFA0, $0x38;
	[tilespmem:$0x1FB38] =	vst v63  }
0x74: {  	p2 =	sne.s32 s10, $0x1;
	s10 =	sadd.s32 $0xFFFFFFFF, s10;
	_ =	swait.ge [sflag:s30], $0xFA0  }
.Ltmp5:
0x75: {  	[sflag:s30] =	ssyncset.done $0x0;
	(pc) =	sbr.rel @p2 .LBB2_8-.Ltmp5, $4  }
0x76: {  	[sflag:s30] =	ssyncadd.s32 $0xFFFFF060  }
0x77: {  	[hbm4b:s12+s4] =	stream.linear.scatter [tilespmem:s29], [sflag:$0x1], $0xFA0, $0x38;
	[tilespmem:$0x1FB38] =	vst v63  }
0x78: {  	_ =	swait.ge [sflag:s30], $0xFA0  }
0x79: {  	[sflag:s30] =	ssyncset.done $0x0  }
.LBB2_9:
0x7a: {  	[sflag:s30] =	ssyncadd.s32 $0xFFFFF060  }
0x7b: {  	[tilespmem:s29], [sflag:$0x1] =	stream.linear.gather [spmem:s26], $0xFA0, $0x38;
	[tilespmem:$0x1FB38] =	vst v63  }
0x7c: {  	_ =	swait.ge [sflag:s30], $0xFA0  }
.Ltmp6:
0x7d: {  	[sflag:s30] =	ssyncset.done $0x0;
	(pc) =	sbr.rel @!p0 .LBB2_11-.Ltmp6, $4  }
0x7e: {  	s12 =	rddreg [dreg:$0x6];
	[sflag:s30] =	ssyncadd.s32 $0xFFFFF060  }
0x7f: {  	[hbm4b:s12+s4] =	stream.linear.scatter [tilespmem:s29], [sflag:$0x1], $0xFA0, $0x38;
	[tilespmem:$0x1FB38] =	vst v63  }
0x80: {  	_ =	swait.ge [sflag:s30], $0xFA0  }
0x81: {  	s10 =	sadd.s32 $0xFFFFFFFF, s23;
	s11 =	smov.u32 s26;
	[sflag:s30] =	ssyncset.done $0x0  }
.LBB2_10:
0x82: {  	[sflag:s30] =	ssyncadd.s32 $0xFFFFF060;
	s11 =	sadd.s32 $0xFA00, s11;
	s12 =	sadd.s32 $0x1F40, s12  }
0x83: {  	[tilespmem:s29], [sflag:$0x1] =	stream.linear.gather [spmem:s11], $0xFA0, $0x38;
	[tilespmem:$0x1FB38] =	vst v63  }
0x84: {  	p2 =	sne.s32 s10, $0x1;
	s10 =	sadd.s32 $0xFFFFFFFF, s10;
	_ =	swait.ge [sflag:s30], $0xFA0  }
.Ltmp7:
0x85: {  	[sflag:s30] =	ssyncset.done $0x0;
	(pc) =	sbr.rel @p2 .LBB2_10-.Ltmp7, $4  }
0x86: {  	[sflag:s30] =	ssyncadd.s32 $0xFFFFF060  }
0x87: {  	[hbm4b:s12+s4] =	stream.linear.scatter [tilespmem:s29], [sflag:$0x1], $0xFA0, $0x38;
	[tilespmem:$0x1FB38] =	vst v63  }
0x88: {  	_ =	swait.ge [sflag:s30], $0xFA0  }
0x89: {  	[sflag:s30] =	ssyncset.done $0x0  }
.LBB2_11:
0x8a: {  	[sflag:s30] =	ssyncadd.s32 $0xFFFFF060  }
0x8b: {  	[tilespmem:s29], [sflag:$0x1] =	stream.linear.gather [spmem:s28], $0xFA0, $0x38;
	[tilespmem:$0x1FB38] =	vst v63  }
0x8c: {  	_ =	swait.ge [sflag:s30], $0xFA0  }
.Ltmp8:
0x8d: {  	[sflag:s30] =	ssyncset.done $0x0;
	(pc) =	sbr.rel @!p0 .LBB2_13-.Ltmp8, $4  }
0x8e: {  	s12 =	rddreg [dreg:$0x7];
	[sflag:s30] =	ssyncadd.s32 $0xFFFFF060  }
0x8f: {  	[hbm4b:s12+s4] =	stream.linear.scatter [tilespmem:s29], [sflag:$0x1], $0xFA0, $0x38;
	[tilespmem:$0x1FB38] =	vst v63  }
0x90: {  	_ =	swait.ge [sflag:s30], $0xFA0  }
0x91: {  	s10 =	sadd.s32 $0xFFFFFFFF, s23;
	s11 =	smov.u32 s28;
	[sflag:s30] =	ssyncset.done $0x0  }
.LBB2_12:
0x92: {  	[sflag:s30] =	ssyncadd.s32 $0xFFFFF060;
	s11 =	sadd.s32 $0xFA00, s11;
	s12 =	sadd.s32 $0x1F40, s12  }
0x93: {  	[tilespmem:s29], [sflag:$0x1] =	stream.linear.gather [spmem:s11], $0xFA0, $0x38;
	[tilespmem:$0x1FB38] =	vst v63  }
0x94: {  	p2 =	sne.s32 s10, $0x1;
	s10 =	sadd.s32 $0xFFFFFFFF, s10;
	_ =	swait.ge [sflag:s30], $0xFA0  }
.Ltmp9:
0x95: {  	[sflag:s30] =	ssyncset.done $0x0;
	(pc) =	sbr.rel @p2 .LBB2_12-.Ltmp9, $4  }
0x96: {  	[sflag:s30] =	ssyncadd.s32 $0xFFFFF060  }
0x97: {  	[hbm4b:s12+s4] =	stream.linear.scatter [tilespmem:s29], [sflag:$0x1], $0xFA0, $0x38;
	[tilespmem:$0x1FB38] =	vst v63  }
0x98: {  	_ =	swait.ge [sflag:s30], $0xFA0  }
0x99: {  	[sflag:s30] =	ssyncset.done $0x0  }
.LBB2_13:
0x9a: {  	[sflag:s30] =	ssyncadd.s32 $0xFFFFF060  }
0x9b: {  	[bflag:$0x0] =	sbarrier.arrive $0xFFFF  }
0x9c: {  	s10 =	rddreg [dreg:$0x2]  }
0x9d: {  	[tilespmem:s29], [sflag:$0x1] =	stream.linear.gather [hbm4b:s10+s4], $0x1000, $0x38;
	[tilespmem:$0x1FB38] =	vst v63  }
0x9e: {  	_ =	swait.ge [sflag:s30], $0x1000  }
.Ltmp10:
0x9f: {  	[sflag:s30] =	ssyncset.done $0x0;
	(pc) =	sbr.rel @!p1 .LBB2_15-.Ltmp10, $4  }
0xa0: {  	[sflag:s30] =	ssyncadd.s32 $0xFFFFF000  }
0xa1: {  	[spmem:s24] =	stream.linear.scatter [tilespmem:s29], [sflag:$0x1], $0xFA0, $0x38;
	[tilespmem:$0x1FB38] =	vst v63  }
0xa2: {  	_ =	swait.ge [sflag:s30], $0xFA0  }
0xa3: {  	s11 =	smov.u32 s24;
	s10 =	sadd.s32 $0xFFFFFFFF, s9;
	[sflag:s30] =	ssyncset.done $0x0  }
.LBB2_14:
0xa4: {  	p2 =	sne.s32 s10, $0x1;
	[sflag:s30] =	ssyncadd.s32 $0xFFFFF060;
	s11 =	sadd.s32 $0xFA00, s11  }
.Ltmp11:
0xa5: {  	s10 =	sadd.s32 $0xFFFFFFFF, s10;
	(pc) =	sbr.rel @p2 .LBB2_14-.Ltmp11, $4  }
0xa6: {  	_ = 	snop  }
0xa7: {  	[spmem:s11] =	stream.linear.scatter [tilespmem:s29], [sflag:$0x1], $0xFA0, $0x38;
	[tilespmem:$0x1FB38] =	vst v63  }
0xa8: {  	_ =	swait.ge [sflag:s30], $0xFA0  }
0xa9: {  	[sflag:s30] =	ssyncset.done $0x0  }
.LBB2_15:
0xaa: {  	[sflag:s30] =	ssyncadd.s32 $0xFFFFF060  }
0xab: {  	s10 =	simm.s32 $0x0;
	s11 =	simm.s32 $0x0;
	[bflag:$0x0] =	sbarrier.arrive $0xFFFF  }
.LBB2_16:
0xac: {  	s12 =	sshll.u32 s11, $0x4  }
0xad: {  	s12 =	sor.u32 s5, s12  }
0xae: {  	s12 =	smul.u32 $0xC80, s12;
	_ =	sdelay $0x1  }
0xaf: {  	s14 =	sshrl.u32 s12, $0x3  }
0xb0: {  	s12 =	simm.s32 $0x16E38;
	s13 =	sadd.s32 s1, s14  }
0xb1: {  	[tilespmem:s12], [sflag:$0x1] =	stream.linear.gather [hbm4b:s13+s10], $0xC80, $0x38;
	[tilespmem:$0x1FB38] =	vst v63  }
0xb2: {  	_ =	swait.ge [sflag:s30], $0xC80  }
0xb3: {  	s16 =	sadd.s32 s6, s14;
	[sflag:s30] =	ssyncset.done $0x0  }
0xb4: {  	s15 =	sadd.s32 $0x3D090, s16;
	s13 =	simm.s32 $0x17AB8;
	[sflag:s30] =	ssyncadd.s32 $0xFFFFF380  }
0xb5: {  	[tilespmem:s13], [sflag:$0x1] =	stream.linear.gather [hbm4b:s15+s10], $0xC80, $0x38;
	[tilespmem:$0x1FB38] =	vst v63  }
0xb6: {  	_ =	swait.ge [sflag:s30], $0xC80  }
0xb7: {  	[sflag:s30] =	ssyncset.done $0x0  }
0xb8: {  	s17 =	sadd.s32 s7, s14;
	s16 =	simm.s32 $0x18738;
	[sflag:s30] =	ssyncadd.s32 $0xFFFFF380  }
0xb9: {  	[tilespmem:s16], [sflag:$0x1] =	stream.linear.gather [hbm4b:s17+s10], $0xC80, $0x38;
	[tilespmem:$0x1FB38] =	vst v63  }
0xba: {  	_ =	swait.ge [sflag:s30], $0xC80  }
0xbb: {  	[sflag:s30] =	ssyncset.done $0x0  }
0xbc: {  	s18 =	simm.s32 $0x193B8;
	s14 =	sadd.s32 s8, s14;
	[sflag:s30] =	ssyncadd.s32 $0xFFFFF380  }
0xbd: {  	[tilespmem:s18], [sflag:$0x1] =	stream.linear.gather [hbm4b:s14+s10], $0xC80, $0x38;
	[tilespmem:$0x1FB38] =	vst v63  }
0xbe: {  	_ =	swait.ge [sflag:s30], $0xC80  }
0xbf: {  	[sflag:s30] =	ssyncset.done $0x0  }
0xc0: {  	[sflag:s30] =	ssyncadd.s32 $0xFFFFF380  }
0xc1: {  	v1 =	vld [tilespmem:s12+$0x0];
	_ =	sdelay $0x4  }
0xc2: {  	v1 =	vsub.s32 v1, v0  }
0xc3: {  	v2 =	vld [tilespmem:s13+$0x0];
	vm0 =	vgt.s32 v1, $0x0  }
0xc4: {  	v3 =	vnsel vm0, $0x0, v1  }
0xc5: {  	s14 =	simm.s32 $0x1C5B8;
	v3 =	vmin.u32 v3, $0x7A11F  }
0xc6: {  	s19 =	sand.u32 $0xFF0, s10;
	[tilespmem:s14+$0x0] =	vst v3;
	v4 =	vadd.s32 $0x7A120, v3  }
0xc7: {  	vm15 =	vlt.u32 v1, $0x7A120;
	v1 =	vadd.s32 $0xF4240, v3;
	[tilespmem:s19+$0x1D238] =	vst v4  }
0xc8: {  	s17 =	simm.s32 $0x1A038;
	v2 =	vnsel vm15, $0x0, v2;
	[tilespmem:s19+$0x1DEB8] =	vst v1  }
0xc9: {  	[tilespmem:s17+$0x0] =	vst v2  }
0xca: {  	v1 =	vld [tilespmem:s16+$0x0];
	_ =	sdelay $0x4  }
0xcb: {  	v1 =	vmul.f32 v1, v2;
	_ =	sdelay $0x1  }
0xcc: {  	[tilespmem:s19+$0x1ACB8] =	vst v1  }
0xcd: {  	v1 =	vld [tilespmem:s18+$0x0];
	_ =	sdelay $0x3  }
0xce: {  	s15 =	simm.s32 $0x10  }
0xcf: {  	s17 =	simm.s32 $0x18748;
	s16 =	simm.s32 $0x1A048;
	s18 =	simm.s32 $0x193C8;
	v1 =	vmul.f32 v1, v2  }
.LBB2_17:
0xd0: {  	s12 =	sadd.s32 $0x10, s12;
	s13 =	sadd.s32 $0x10, s13;
	s14 =	sadd.s32 $0x10, s14  }
0xd1: {  	p2 =	sne.s32 s15, $0xC70;
	[tilespmem:s19+$0x1B938] =	vst v1;
	s19 =	smov.u32 s15;
	s15 =	sadd.s32 $0x10, s15  }
0xd2: {  	v1 =	vld [tilespmem:s12+$0x0];
	_ =	sdelay $0x4  }
0xd3: {  	v1 =	vsub.s32 v1, v0;
	v2 =	vld [tilespmem:s13+$0x0]  }
0xd4: {  	vm0 =	vlt.u32 v1, $0x7A120;
	vm1 =	vgt.s32 v1, $0x0  }
0xd5: {  	v1 =	vnsel vm1, $0x0, v1  }
0xd6: {  	v1 =	vmin.u32 v1, $0x7A11F  }
0xd7: {  	s19 =	sand.u32 $0xFF0, s19;
	[tilespmem:s14+$0x0] =	vst v1;
	v3 =	vadd.s32 $0x7A120, v1;
	v1 =	vadd.s32 $0xF4240, v1  }
0xd8: {  	v2 =	vnsel vm0, $0x0, v2;
	[tilespmem:s19+$0x1D238] =	vst v3  }
0xd9: {  	[tilespmem:s19+$0x1DEB8] =	vst v1  }
0xda: {  	[tilespmem:s16+$0x0] =	vst v2  }
0xdb: {  	v1 =	vld [tilespmem:s17+$0x0];
	_ =	sdelay $0x4  }
0xdc: {  	v1 =	vmul.f32 v1, v2;
	_ =	sdelay $0x1  }
0xdd: {  	[tilespmem:s19+$0x1ACB8] =	vst v1  }
0xde: {  	v1 =	vld [tilespmem:s18+$0x0]  }
.Ltmp12:
0xdf: {  	(pc) =	sbr.rel @p2 .LBB2_17-.Ltmp12, $2  }
0xe0: {  	_ =	sdelay $0x2  }
0xe1: {  	s16 =	sadd.s32 $0x10, s16;
	s17 =	sadd.s32 $0x10, s17;
	s18 =	sadd.s32 $0x10, s18;
	v1 =	vmul.f32 v1, v2  }
0xe2: {  	s11 =	sadd.s32 $0x1, s11  }
0xe3: {  	p2 =	sne.s32 s11, s22  }
.Ltmp13:
0xe4: {  	[tilespmem:s19+$0x1B938] =	vst v1;
	(pc) =	sbr.rel @p2 .LBB2_16-.Ltmp13, $4  }
0xe5: {  	[spmem:s3] =	stream.indirect.scatter.add.f32 [tilespmem:s25], [sflag:$0x1], $0x1, s0, s31, $0xb8;
	[tilespmem:$0x1FB38] =	vst v63  }
0xe6: {  	_ =	swait.ge [sflag:s30], $0x2580  }
0xe7: {  	[sflag:s30] =	ssyncset.done $0x0  }
0xe8: {  	[sflag:s30] =	ssyncadd.s32 $0xFFFFDA80  }
0xe9: {  	[bflag:$0x0] =	sbarrier.arrive $0xFFFF  }
0xea: {  	[tilespmem:s29], [sflag:$0x1] =	stream.linear.gather [spmem:s24], $0xFA0, $0x38;
	[tilespmem:$0x1FB38] =	vst v63  }
0xeb: {  	_ =	swait.ge [sflag:s30], $0xFA0  }
.Ltmp14:
0xec: {  	[sflag:s30] =	ssyncset.done $0x0;
	(pc) =	sbr.rel @!p0 .LBB2_21-.Ltmp14, $4  }
0xed: {  	s12 =	rddreg [dreg:$0x8];
	[sflag:s30] =	ssyncadd.s32 $0xFFFFF060  }
0xee: {  	[hbm4b:s12+s4] =	stream.linear.scatter [tilespmem:s29], [sflag:$0x1], $0xFA0, $0x38;
	[tilespmem:$0x1FB38] =	vst v63  }
0xef: {  	_ =	swait.ge [sflag:s30], $0xFA0  }
0xf0: {  	s10 =	sadd.s32 $0xFFFFFFFF, s23;
	s11 =	smov.u32 s24;
	[sflag:s30] =	ssyncset.done $0x0  }
.LBB2_20:
0xf1: {  	[sflag:s30] =	ssyncadd.s32 $0xFFFFF060;
	s11 =	sadd.s32 $0xFA00, s11;
	s12 =	sadd.s32 $0x1F40, s12  }
0xf2: {  	[tilespmem:s29], [sflag:$0x1] =	stream.linear.gather [spmem:s11], $0xFA0, $0x38;
	[tilespmem:$0x1FB38] =	vst v63  }
0xf3: {  	p2 =	sne.s32 s10, $0x1;
	s10 =	sadd.s32 $0xFFFFFFFF, s10;
	_ =	swait.ge [sflag:s30], $0xFA0  }
.Ltmp15:
0xf4: {  	[sflag:s30] =	ssyncset.done $0x0;
	(pc) =	sbr.rel @p2 .LBB2_20-.Ltmp15, $4  }
0xf5: {  	[sflag:s30] =	ssyncadd.s32 $0xFFFFF060  }
0xf6: {  	[hbm4b:s12+s4] =	stream.linear.scatter [tilespmem:s29], [sflag:$0x1], $0xFA0, $0x38;
	[tilespmem:$0x1FB38] =	vst v63  }
0xf7: {  	_ =	swait.ge [sflag:s30], $0xFA0  }
0xf8: {  	[sflag:s30] =	ssyncset.done $0x0  }
.LBB2_21:
0xf9: {  	[sflag:s30] =	ssyncadd.s32 $0xFFFFF060  }
0xfa: {  	[tilespmem:s29], [sflag:$0x1] =	stream.linear.gather [spmem:s26], $0xFA0, $0x38;
	[tilespmem:$0x1FB38] =	vst v63  }
0xfb: {  	_ =	swait.ge [sflag:s30], $0xFA0  }
.Ltmp16:
0xfc: {  	[sflag:s30] =	ssyncset.done $0x0;
	(pc) =	sbr.rel @!p0 .LBB2_23-.Ltmp16, $4  }
0xfd: {  	s12 =	rddreg [dreg:$0x9];
	[sflag:s30] =	ssyncadd.s32 $0xFFFFF060  }
0xfe: {  	[hbm4b:s12+s4] =	stream.linear.scatter [tilespmem:s29], [sflag:$0x1], $0xFA0, $0x38;
	[tilespmem:$0x1FB38] =	vst v63  }
0xff: {  	_ =	swait.ge [sflag:s30], $0xFA0  }
0x100: {  	s10 =	sadd.s32 $0xFFFFFFFF, s23;
	s11 =	smov.u32 s26;
	[sflag:s30] =	ssyncset.done $0x0  }
.LBB2_22:
0x101: {  	[sflag:s30] =	ssyncadd.s32 $0xFFFFF060;
	s11 =	sadd.s32 $0xFA00, s11;
	s12 =	sadd.s32 $0x1F40, s12  }
0x102: {  	[tilespmem:s29], [sflag:$0x1] =	stream.linear.gather [spmem:s11], $0xFA0, $0x38;
	[tilespmem:$0x1FB38] =	vst v63  }
0x103: {  	p2 =	sne.s32 s10, $0x1;
	s10 =	sadd.s32 $0xFFFFFFFF, s10;
	_ =	swait.ge [sflag:s30], $0xFA0  }
.Ltmp17:
0x104: {  	[sflag:s30] =	ssyncset.done $0x0;
	(pc) =	sbr.rel @p2 .LBB2_22-.Ltmp17, $4  }
0x105: {  	[sflag:s30] =	ssyncadd.s32 $0xFFFFF060  }
0x106: {  	[hbm4b:s12+s4] =	stream.linear.scatter [tilespmem:s29], [sflag:$0x1], $0xFA0, $0x38;
	[tilespmem:$0x1FB38] =	vst v63  }
0x107: {  	_ =	swait.ge [sflag:s30], $0xFA0  }
0x108: {  	[sflag:s30] =	ssyncset.done $0x0  }
.LBB2_23:
0x109: {  	[sflag:s30] =	ssyncadd.s32 $0xFFFFF060  }
0x10a: {  	[tilespmem:s29], [sflag:$0x1] =	stream.linear.gather [spmem:s28], $0xFA0, $0x38;
	[tilespmem:$0x1FB38] =	vst v63  }
0x10b: {  	_ =	swait.ge [sflag:s30], $0xFA0  }
.Ltmp18:
0x10c: {  	[sflag:s30] =	ssyncset.done $0x0;
	(pc) =	sbr.rel @!p0 .LBB2_25-.Ltmp18, $4  }
0x10d: {  	s12 =	rddreg [dreg:$0xa];
	[sflag:s30] =	ssyncadd.s32 $0xFFFFF060  }
0x10e: {  	[hbm4b:s12+s4] =	stream.linear.scatter [tilespmem:s29], [sflag:$0x1], $0xFA0, $0x38;
	[tilespmem:$0x1FB38] =	vst v63  }
0x10f: {  	_ =	swait.ge [sflag:s30], $0xFA0  }
0x110: {  	s10 =	sadd.s32 $0xFFFFFFFF, s23;
	s11 =	smov.u32 s28;
	[sflag:s30] =	ssyncset.done $0x0  }
.LBB2_24:
0x111: {  	[sflag:s30] =	ssyncadd.s32 $0xFFFFF060;
	s11 =	sadd.s32 $0xFA00, s11;
	s12 =	sadd.s32 $0x1F40, s12  }
0x112: {  	[tilespmem:s29], [sflag:$0x1] =	stream.linear.gather [spmem:s11], $0xFA0, $0x38;
	[tilespmem:$0x1FB38] =	vst v63  }
0x113: {  	p2 =	sne.s32 s10, $0x1;
	s10 =	sadd.s32 $0xFFFFFFFF, s10;
	_ =	swait.ge [sflag:s30], $0xFA0  }
.Ltmp19:
0x114: {  	[sflag:s30] =	ssyncset.done $0x0;
	(pc) =	sbr.rel @p2 .LBB2_24-.Ltmp19, $4  }
0x115: {  	[sflag:s30] =	ssyncadd.s32 $0xFFFFF060  }
0x116: {  	[hbm4b:s12+s4] =	stream.linear.scatter [tilespmem:s29], [sflag:$0x1], $0xFA0, $0x38;
	[tilespmem:$0x1FB38] =	vst v63  }
0x117: {  	_ =	swait.ge [sflag:s30], $0xFA0  }
0x118: {  	[sflag:s30] =	ssyncset.done $0x0  }
.LBB2_25:
0x119: {  	[sflag:s30] =	ssyncadd.s32 $0xFFFFF060  }
0x11a: {  	[bflag:$0x0] =	sbarrier.arrive $0xFFFF  }
0x11b: {  	s10 =	rddreg [dreg:$0x2]  }
0x11c: {  	[tilespmem:s29], [sflag:$0x1] =	stream.linear.gather [hbm4b:s10+s4], $0x1000, $0x38;
	[tilespmem:$0x1FB38] =	vst v63  }
0x11d: {  	_ =	swait.ge [sflag:s30], $0x1000  }
.Ltmp20:
0x11e: {  	[sflag:s30] =	ssyncset.done $0x0;
	(pc) =	sbr.rel @!p1 .LBB2_27-.Ltmp20, $4  }
0x11f: {  	[sflag:s30] =	ssyncadd.s32 $0xFFFFF000  }
0x120: {  	[spmem:s24] =	stream.linear.scatter [tilespmem:s29], [sflag:$0x1], $0xFA0, $0x38;
	[tilespmem:$0x1FB38] =	vst v63  }
0x121: {  	_ =	swait.ge [sflag:s30], $0xFA0  }
0x122: {  	s11 =	smov.u32 s24;
	s10 =	sadd.s32 $0xFFFFFFFF, s9;
	[sflag:s30] =	ssyncset.done $0x0  }
.LBB2_26:
0x123: {  	p2 =	sne.s32 s10, $0x1;
	[sflag:s30] =	ssyncadd.s32 $0xFFFFF060;
	s11 =	sadd.s32 $0xFA00, s11  }
.Ltmp21:
0x124: {  	s10 =	sadd.s32 $0xFFFFFFFF, s10;
	(pc) =	sbr.rel @p2 .LBB2_26-.Ltmp21, $4  }
0x125: {  	_ = 	snop  }
0x126: {  	[spmem:s11] =	stream.linear.scatter [tilespmem:s29], [sflag:$0x1], $0xFA0, $0x38;
	[tilespmem:$0x1FB38] =	vst v63  }
0x127: {  	_ =	swait.ge [sflag:s30], $0xFA0  }
0x128: {  	[sflag:s30] =	ssyncset.done $0x0  }
.LBB2_27:
0x129: {  	[sflag:s30] =	ssyncadd.s32 $0xFFFFF060  }
0x12a: {  	s10 =	simm.s32 $0x0;
	s11 =	simm.s32 $0x0;
	[bflag:$0x0] =	sbarrier.arrive $0xFFFF  }
.LBB2_28:
0x12b: {  	s12 =	sshll.u32 s11, $0x4  }
0x12c: {  	s12 =	sor.u32 s5, s12  }
0x12d: {  	s12 =	smul.u32 $0xC80, s12;
	_ =	sdelay $0x1  }
0x12e: {  	s14 =	sshrl.u32 s12, $0x3  }
0x12f: {  	s12 =	simm.s32 $0x16E38;
	s13 =	sadd.s32 s1, s14  }
0x130: {  	[tilespmem:s12], [sflag:$0x1] =	stream.linear.gather [hbm4b:s13+s10], $0xC80, $0x38;
	[tilespmem:$0x1FB38] =	vst v63  }
0x131: {  	_ =	swait.ge [sflag:s30], $0xC80  }
0x132: {  	s16 =	sadd.s32 s6, s14;
	[sflag:s30] =	ssyncset.done $0x0  }
0x133: {  	s15 =	sadd.s32 $0x7A120, s16;
	s13 =	simm.s32 $0x17AB8;
	[sflag:s30] =	ssyncadd.s32 $0xFFFFF380  }
0x134: {  	[tilespmem:s13], [sflag:$0x1] =	stream.linear.gather [hbm4b:s15+s10], $0xC80, $0x38;
	[tilespmem:$0x1FB38] =	vst v63  }
0x135: {  	_ =	swait.ge [sflag:s30], $0xC80  }
0x136: {  	[sflag:s30] =	ssyncset.done $0x0  }
0x137: {  	s17 =	sadd.s32 s7, s14;
	s16 =	simm.s32 $0x18738;
	[sflag:s30] =	ssyncadd.s32 $0xFFFFF380  }
0x138: {  	[tilespmem:s16], [sflag:$0x1] =	stream.linear.gather [hbm4b:s17+s10], $0xC80, $0x38;
	[tilespmem:$0x1FB38] =	vst v63  }
0x139: {  	_ =	swait.ge [sflag:s30], $0xC80  }
0x13a: {  	[sflag:s30] =	ssyncset.done $0x0  }
0x13b: {  	s18 =	simm.s32 $0x193B8;
	s14 =	sadd.s32 s8, s14;
	[sflag:s30] =	ssyncadd.s32 $0xFFFFF380  }
0x13c: {  	[tilespmem:s18], [sflag:$0x1] =	stream.linear.gather [hbm4b:s14+s10], $0xC80, $0x38;
	[tilespmem:$0x1FB38] =	vst v63  }
0x13d: {  	_ =	swait.ge [sflag:s30], $0xC80  }
0x13e: {  	[sflag:s30] =	ssyncset.done $0x0  }
0x13f: {  	[sflag:s30] =	ssyncadd.s32 $0xFFFFF380  }
0x140: {  	v1 =	vld [tilespmem:s12+$0x0];
	_ =	sdelay $0x4  }
0x141: {  	v1 =	vsub.s32 v1, v0  }
0x142: {  	v2 =	vld [tilespmem:s13+$0x0];
	vm0 =	vgt.s32 v1, $0x0  }
0x143: {  	v3 =	vnsel vm0, $0x0, v1  }
0x144: {  	s14 =	simm.s32 $0x1C5B8;
	v3 =	vmin.u32 v3, $0x7A11F  }
0x145: {  	s19 =	sand.u32 $0xFF0, s10;
	[tilespmem:s14+$0x0] =	vst v3;
	v4 =	vadd.s32 $0x7A120, v3  }
0x146: {  	vm15 =	vlt.u32 v1, $0x7A120;
	v1 =	vadd.s32 $0xF4240, v3;
	[tilespmem:s19+$0x1D238] =	vst v4  }
0x147: {  	s17 =	simm.s32 $0x1A038;
	v2 =	vnsel vm15, $0x0, v2;
	[tilespmem:s19+$0x1DEB8] =	vst v1  }
0x148: {  	[tilespmem:s17+$0x0] =	vst v2  }
0x149: {  	v1 =	vld [tilespmem:s16+$0x0];
	_ =	sdelay $0x4  }
0x14a: {  	v1 =	vmul.f32 v1, v2;
	_ =	sdelay $0x1  }
0x14b: {  	[tilespmem:s19+$0x1ACB8] =	vst v1  }
0x14c: {  	v1 =	vld [tilespmem:s18+$0x0];
	_ =	sdelay $0x3  }
0x14d: {  	s15 =	simm.s32 $0x10  }
0x14e: {  	s17 =	simm.s32 $0x18748;
	s16 =	simm.s32 $0x1A048;
	s18 =	simm.s32 $0x193C8;
	v1 =	vmul.f32 v1, v2  }
.LBB2_29:
0x14f: {  	s12 =	sadd.s32 $0x10, s12;
	s13 =	sadd.s32 $0x10, s13;
	s14 =	sadd.s32 $0x10, s14  }
0x150: {  	p2 =	sne.s32 s15, $0xC70;
	[tilespmem:s19+$0x1B938] =	vst v1;
	s19 =	smov.u32 s15;
	s15 =	sadd.s32 $0x10, s15  }
0x151: {  	v1 =	vld [tilespmem:s12+$0x0];
	_ =	sdelay $0x4  }
0x152: {  	v1 =	vsub.s32 v1, v0;
	v2 =	vld [tilespmem:s13+$0x0]  }
0x153: {  	vm0 =	vlt.u32 v1, $0x7A120;
	vm1 =	vgt.s32 v1, $0x0  }
0x154: {  	v1 =	vnsel vm1, $0x0, v1  }
0x155: {  	v1 =	vmin.u32 v1, $0x7A11F  }
0x156: {  	s19 =	sand.u32 $0xFF0, s19;
	[tilespmem:s14+$0x0] =	vst v1;
	v3 =	vadd.s32 $0x7A120, v1;
	v1 =	vadd.s32 $0xF4240, v1  }
0x157: {  	v2 =	vnsel vm0, $0x0, v2;
	[tilespmem:s19+$0x1D238] =	vst v3  }
0x158: {  	[tilespmem:s19+$0x1DEB8] =	vst v1  }
0x159: {  	[tilespmem:s16+$0x0] =	vst v2  }
0x15a: {  	v1 =	vld [tilespmem:s17+$0x0];
	_ =	sdelay $0x4  }
0x15b: {  	v1 =	vmul.f32 v1, v2;
	_ =	sdelay $0x1  }
0x15c: {  	[tilespmem:s19+$0x1ACB8] =	vst v1  }
0x15d: {  	v1 =	vld [tilespmem:s18+$0x0]  }
.Ltmp22:
0x15e: {  	(pc) =	sbr.rel @p2 .LBB2_29-.Ltmp22, $2  }
0x15f: {  	_ =	sdelay $0x2  }
0x160: {  	s16 =	sadd.s32 $0x10, s16;
	s17 =	sadd.s32 $0x10, s17;
	s18 =	sadd.s32 $0x10, s18;
	v1 =	vmul.f32 v1, v2  }
0x161: {  	s11 =	sadd.s32 $0x1, s11  }
0x162: {  	p2 =	sne.s32 s11, s22  }
.Ltmp23:
0x163: {  	[tilespmem:s19+$0x1B938] =	vst v1;
	(pc) =	sbr.rel @p2 .LBB2_28-.Ltmp23, $4  }
0x164: {  	[spmem:s3] =	stream.indirect.scatter.add.f32 [tilespmem:s25], [sflag:$0x1], $0x1, s0, s31, $0xb8;
	[tilespmem:$0x1FB38] =	vst v63  }
0x165: {  	_ =	swait.ge [sflag:s30], $0x2580  }
0x166: {  	[sflag:s30] =	ssyncset.done $0x0  }
0x167: {  	[sflag:s30] =	ssyncadd.s32 $0xFFFFDA80  }
0x168: {  	[bflag:$0x0] =	sbarrier.arrive $0xFFFF  }
0x169: {  	[tilespmem:s29], [sflag:$0x1] =	stream.linear.gather [spmem:s24], $0xFA0, $0x38;
	[tilespmem:$0x1FB38] =	vst v63  }
0x16a: {  	_ =	swait.ge [sflag:s30], $0xFA0  }
.Ltmp24:
0x16b: {  	[sflag:s30] =	ssyncset.done $0x0;
	(pc) =	sbr.rel @!p0 .LBB2_33-.Ltmp24, $4  }
0x16c: {  	s12 =	rddreg [dreg:$0xb];
	[sflag:s30] =	ssyncadd.s32 $0xFFFFF060  }
0x16d: {  	[hbm4b:s12+s4] =	stream.linear.scatter [tilespmem:s29], [sflag:$0x1], $0xFA0, $0x38;
	[tilespmem:$0x1FB38] =	vst v63  }
0x16e: {  	_ =	swait.ge [sflag:s30], $0xFA0  }
0x16f: {  	s10 =	sadd.s32 $0xFFFFFFFF, s23;
	s11 =	smov.u32 s24;
	[sflag:s30] =	ssyncset.done $0x0  }
.LBB2_32:
0x170: {  	[sflag:s30] =	ssyncadd.s32 $0xFFFFF060;
	s11 =	sadd.s32 $0xFA00, s11;
	s12 =	sadd.s32 $0x1F40, s12  }
0x171: {  	[tilespmem:s29], [sflag:$0x1] =	stream.linear.gather [spmem:s11], $0xFA0, $0x38;
	[tilespmem:$0x1FB38] =	vst v63  }
0x172: {  	p2 =	sne.s32 s10, $0x1;
	s10 =	sadd.s32 $0xFFFFFFFF, s10;
	_ =	swait.ge [sflag:s30], $0xFA0  }
.Ltmp25:
0x173: {  	[sflag:s30] =	ssyncset.done $0x0;
	(pc) =	sbr.rel @p2 .LBB2_32-.Ltmp25, $4  }
0x174: {  	[sflag:s30] =	ssyncadd.s32 $0xFFFFF060  }
0x175: {  	[hbm4b:s12+s4] =	stream.linear.scatter [tilespmem:s29], [sflag:$0x1], $0xFA0, $0x38;
	[tilespmem:$0x1FB38] =	vst v63  }
0x176: {  	_ =	swait.ge [sflag:s30], $0xFA0  }
0x177: {  	[sflag:s30] =	ssyncset.done $0x0  }
.LBB2_33:
0x178: {  	[sflag:s30] =	ssyncadd.s32 $0xFFFFF060  }
0x179: {  	[tilespmem:s29], [sflag:$0x1] =	stream.linear.gather [spmem:s26], $0xFA0, $0x38;
	[tilespmem:$0x1FB38] =	vst v63  }
0x17a: {  	_ =	swait.ge [sflag:s30], $0xFA0  }
.Ltmp26:
0x17b: {  	[sflag:s30] =	ssyncset.done $0x0;
	(pc) =	sbr.rel @!p0 .LBB2_35-.Ltmp26, $4  }
0x17c: {  	s12 =	rddreg [dreg:$0xc];
	[sflag:s30] =	ssyncadd.s32 $0xFFFFF060  }
0x17d: {  	[hbm4b:s12+s4] =	stream.linear.scatter [tilespmem:s29], [sflag:$0x1], $0xFA0, $0x38;
	[tilespmem:$0x1FB38] =	vst v63  }
0x17e: {  	_ =	swait.ge [sflag:s30], $0xFA0  }
0x17f: {  	s10 =	sadd.s32 $0xFFFFFFFF, s23;
	s11 =	smov.u32 s26;
	[sflag:s30] =	ssyncset.done $0x0  }
.LBB2_34:
0x180: {  	[sflag:s30] =	ssyncadd.s32 $0xFFFFF060;
	s11 =	sadd.s32 $0xFA00, s11;
	s12 =	sadd.s32 $0x1F40, s12  }
0x181: {  	[tilespmem:s29], [sflag:$0x1] =	stream.linear.gather [spmem:s11], $0xFA0, $0x38;
	[tilespmem:$0x1FB38] =	vst v63  }
0x182: {  	p2 =	sne.s32 s10, $0x1;
	s10 =	sadd.s32 $0xFFFFFFFF, s10;
	_ =	swait.ge [sflag:s30], $0xFA0  }
.Ltmp27:
0x183: {  	[sflag:s30] =	ssyncset.done $0x0;
	(pc) =	sbr.rel @p2 .LBB2_34-.Ltmp27, $4  }
0x184: {  	[sflag:s30] =	ssyncadd.s32 $0xFFFFF060  }
0x185: {  	[hbm4b:s12+s4] =	stream.linear.scatter [tilespmem:s29], [sflag:$0x1], $0xFA0, $0x38;
	[tilespmem:$0x1FB38] =	vst v63  }
0x186: {  	_ =	swait.ge [sflag:s30], $0xFA0  }
0x187: {  	[sflag:s30] =	ssyncset.done $0x0  }
.LBB2_35:
0x188: {  	[sflag:s30] =	ssyncadd.s32 $0xFFFFF060  }
0x189: {  	[tilespmem:s29], [sflag:$0x1] =	stream.linear.gather [spmem:s28], $0xFA0, $0x38;
	[tilespmem:$0x1FB38] =	vst v63  }
0x18a: {  	_ =	swait.ge [sflag:s30], $0xFA0  }
.Ltmp28:
0x18b: {  	[sflag:s30] =	ssyncset.done $0x0;
	(pc) =	sbr.rel @!p0 .LBB2_37-.Ltmp28, $4  }
0x18c: {  	s12 =	rddreg [dreg:$0xd];
	[sflag:s30] =	ssyncadd.s32 $0xFFFFF060  }
0x18d: {  	[hbm4b:s12+s4] =	stream.linear.scatter [tilespmem:s29], [sflag:$0x1], $0xFA0, $0x38;
	[tilespmem:$0x1FB38] =	vst v63  }
0x18e: {  	_ =	swait.ge [sflag:s30], $0xFA0  }
0x18f: {  	s10 =	sadd.s32 $0xFFFFFFFF, s23;
	s11 =	smov.u32 s28;
	[sflag:s30] =	ssyncset.done $0x0  }
.LBB2_36:
0x190: {  	[sflag:s30] =	ssyncadd.s32 $0xFFFFF060;
	s11 =	sadd.s32 $0xFA00, s11;
	s12 =	sadd.s32 $0x1F40, s12  }
0x191: {  	[tilespmem:s29], [sflag:$0x1] =	stream.linear.gather [spmem:s11], $0xFA0, $0x38;
	[tilespmem:$0x1FB38] =	vst v63  }
0x192: {  	p2 =	sne.s32 s10, $0x1;
	s10 =	sadd.s32 $0xFFFFFFFF, s10;
	_ =	swait.ge [sflag:s30], $0xFA0  }
.Ltmp29:
0x193: {  	[sflag:s30] =	ssyncset.done $0x0;
	(pc) =	sbr.rel @p2 .LBB2_36-.Ltmp29, $4  }
0x194: {  	[sflag:s30] =	ssyncadd.s32 $0xFFFFF060  }
0x195: {  	[hbm4b:s12+s4] =	stream.linear.scatter [tilespmem:s29], [sflag:$0x1], $0xFA0, $0x38;
	[tilespmem:$0x1FB38] =	vst v63  }
0x196: {  	_ =	swait.ge [sflag:s30], $0xFA0  }
0x197: {  	[sflag:s30] =	ssyncset.done $0x0  }
.LBB2_37:
0x198: {  	[sflag:s30] =	ssyncadd.s32 $0xFFFFF060  }
0x199: {  	[bflag:$0x0] =	sbarrier.arrive $0xFFFF  }
0x19a: {  	s10 =	rddreg [dreg:$0x2]  }
0x19b: {  	[tilespmem:s29], [sflag:$0x1] =	stream.linear.gather [hbm4b:s10+s4], $0x1000, $0x38;
	[tilespmem:$0x1FB38] =	vst v63  }
0x19c: {  	_ =	swait.ge [sflag:s30], $0x1000  }
.Ltmp30:
0x19d: {  	[sflag:s30] =	ssyncset.done $0x0;
	(pc) =	sbr.rel @!p1 .LBB2_39-.Ltmp30, $4  }
0x19e: {  	[sflag:s30] =	ssyncadd.s32 $0xFFFFF000  }
0x19f: {  	[spmem:s24] =	stream.linear.scatter [tilespmem:s29], [sflag:$0x1], $0xFA0, $0x38;
	[tilespmem:$0x1FB38] =	vst v63  }
0x1a0: {  	_ =	swait.ge [sflag:s30], $0xFA0  }
0x1a1: {  	s11 =	smov.u32 s24;
	s10 =	sadd.s32 $0xFFFFFFFF, s9;
	[sflag:s30] =	ssyncset.done $0x0  }
.LBB2_38:
0x1a2: {  	p1 =	sne.s32 s10, $0x1;
	[sflag:s30] =	ssyncadd.s32 $0xFFFFF060;
	s11 =	sadd.s32 $0xFA00, s11  }
.Ltmp31:
0x1a3: {  	s10 =	sadd.s32 $0xFFFFFFFF, s10;
	(pc) =	sbr.rel @p1 .LBB2_38-.Ltmp31, $4  }
0x1a4: {  	_ = 	snop  }
0x1a5: {  	[spmem:s11] =	stream.linear.scatter [tilespmem:s29], [sflag:$0x1], $0xFA0, $0x38;
	[tilespmem:$0x1FB38] =	vst v63  }
0x1a6: {  	_ =	swait.ge [sflag:s30], $0xFA0  }
0x1a7: {  	[sflag:s30] =	ssyncset.done $0x0  }
.LBB2_39:
0x1a8: {  	[sflag:s30] =	ssyncadd.s32 $0xFFFFF060  }
0x1a9: {  	s10 =	simm.s32 $0x0;
	s11 =	simm.s32 $0x0;
	[bflag:$0x0] =	sbarrier.arrive $0xFFFF  }
.LBB2_40:
0x1aa: {  	s12 =	sshll.u32 s11, $0x4  }
0x1ab: {  	s12 =	sor.u32 s5, s12  }
0x1ac: {  	s12 =	smul.u32 $0xC80, s12;
	_ =	sdelay $0x1  }
0x1ad: {  	s14 =	sshrl.u32 s12, $0x3  }
0x1ae: {  	s12 =	simm.s32 $0x16E38;
	s13 =	sadd.s32 s1, s14  }
0x1af: {  	[tilespmem:s12], [sflag:$0x1] =	stream.linear.gather [hbm4b:s13+s10], $0xC80, $0x38;
	[tilespmem:$0x1FB38] =	vst v63  }
0x1b0: {  	_ =	swait.ge [sflag:s30], $0xC80  }
0x1b1: {  	s16 =	sadd.s32 s6, s14;
	[sflag:s30] =	ssyncset.done $0x0  }
0x1b2: {  	s15 =	sadd.s32 $0xB71B0, s16;
	s13 =	simm.s32 $0x17AB8;
	[sflag:s30] =	ssyncadd.s32 $0xFFFFF380  }
0x1b3: {  	[tilespmem:s13], [sflag:$0x1] =	stream.linear.gather [hbm4b:s15+s10], $0xC80, $0x38;
	[tilespmem:$0x1FB38] =	vst v63  }
0x1b4: {  	_ =	swait.ge [sflag:s30], $0xC80  }
0x1b5: {  	[sflag:s30] =	ssyncset.done $0x0  }
0x1b6: {  	s17 =	sadd.s32 s7, s14;
	s16 =	simm.s32 $0x18738;
	[sflag:s30] =	ssyncadd.s32 $0xFFFFF380  }
0x1b7: {  	[tilespmem:s16], [sflag:$0x1] =	stream.linear.gather [hbm4b:s17+s10], $0xC80, $0x38;
	[tilespmem:$0x1FB38] =	vst v63  }
0x1b8: {  	_ =	swait.ge [sflag:s30], $0xC80  }
0x1b9: {  	[sflag:s30] =	ssyncset.done $0x0  }
0x1ba: {  	s18 =	simm.s32 $0x193B8;
	s14 =	sadd.s32 s8, s14;
	[sflag:s30] =	ssyncadd.s32 $0xFFFFF380  }
0x1bb: {  	[tilespmem:s18], [sflag:$0x1] =	stream.linear.gather [hbm4b:s14+s10], $0xC80, $0x38;
	[tilespmem:$0x1FB38] =	vst v63  }
0x1bc: {  	_ =	swait.ge [sflag:s30], $0xC80  }
0x1bd: {  	[sflag:s30] =	ssyncset.done $0x0  }
0x1be: {  	[sflag:s30] =	ssyncadd.s32 $0xFFFFF380  }
0x1bf: {  	v1 =	vld [tilespmem:s12+$0x0];
	_ =	sdelay $0x4  }
0x1c0: {  	v1 =	vsub.s32 v1, v0  }
0x1c1: {  	v2 =	vld [tilespmem:s13+$0x0];
	vm0 =	vgt.s32 v1, $0x0  }
0x1c2: {  	v3 =	vnsel vm0, $0x0, v1  }
0x1c3: {  	s14 =	simm.s32 $0x1C5B8;
	v3 =	vmin.u32 v3, $0x7A11F  }
0x1c4: {  	s19 =	sand.u32 $0xFF0, s10;
	[tilespmem:s14+$0x0] =	vst v3;
	v4 =	vadd.s32 $0x7A120, v3  }
0x1c5: {  	vm15 =	vlt.u32 v1, $0x7A120;
	v1 =	vadd.s32 $0xF4240, v3;
	[tilespmem:s19+$0x1D238] =	vst v4  }
0x1c6: {  	s17 =	simm.s32 $0x1A038;
	v2 =	vnsel vm15, $0x0, v2;
	[tilespmem:s19+$0x1DEB8] =	vst v1  }
0x1c7: {  	[tilespmem:s17+$0x0] =	vst v2  }
0x1c8: {  	v1 =	vld [tilespmem:s16+$0x0];
	_ =	sdelay $0x4  }
0x1c9: {  	v1 =	vmul.f32 v1, v2;
	_ =	sdelay $0x1  }
0x1ca: {  	[tilespmem:s19+$0x1ACB8] =	vst v1  }
0x1cb: {  	v1 =	vld [tilespmem:s18+$0x0];
	_ =	sdelay $0x3  }
0x1cc: {  	s15 =	simm.s32 $0x10  }
0x1cd: {  	s17 =	simm.s32 $0x18748;
	s16 =	simm.s32 $0x1A048;
	s18 =	simm.s32 $0x193C8;
	v1 =	vmul.f32 v1, v2  }
.LBB2_41:
0x1ce: {  	s12 =	sadd.s32 $0x10, s12;
	s13 =	sadd.s32 $0x10, s13;
	s14 =	sadd.s32 $0x10, s14  }
0x1cf: {  	p1 =	sne.s32 s15, $0xC70;
	[tilespmem:s19+$0x1B938] =	vst v1;
	s19 =	smov.u32 s15;
	s15 =	sadd.s32 $0x10, s15  }
0x1d0: {  	v1 =	vld [tilespmem:s12+$0x0];
	_ =	sdelay $0x4  }
0x1d1: {  	v1 =	vsub.s32 v1, v0;
	v2 =	vld [tilespmem:s13+$0x0]  }
0x1d2: {  	vm0 =	vlt.u32 v1, $0x7A120;
	vm1 =	vgt.s32 v1, $0x0  }
0x1d3: {  	v1 =	vnsel vm1, $0x0, v1  }
0x1d4: {  	v1 =	vmin.u32 v1, $0x7A11F  }
0x1d5: {  	s19 =	sand.u32 $0xFF0, s19;
	[tilespmem:s14+$0x0] =	vst v1;
	v3 =	vadd.s32 $0x7A120, v1;
	v1 =	vadd.s32 $0xF4240, v1  }
0x1d6: {  	v2 =	vnsel vm0, $0x0, v2;
	[tilespmem:s19+$0x1D238] =	vst v3  }
0x1d7: {  	[tilespmem:s19+$0x1DEB8] =	vst v1  }
0x1d8: {  	[tilespmem:s16+$0x0] =	vst v2  }
0x1d9: {  	v1 =	vld [tilespmem:s17+$0x0];
	_ =	sdelay $0x4  }
0x1da: {  	v1 =	vmul.f32 v1, v2;
	_ =	sdelay $0x1  }
0x1db: {  	[tilespmem:s19+$0x1ACB8] =	vst v1  }
0x1dc: {  	v1 =	vld [tilespmem:s18+$0x0]  }
.Ltmp32:
0x1dd: {  	(pc) =	sbr.rel @p1 .LBB2_41-.Ltmp32, $2  }
0x1de: {  	_ =	sdelay $0x2  }
0x1df: {  	s16 =	sadd.s32 $0x10, s16;
	s17 =	sadd.s32 $0x10, s17;
	s18 =	sadd.s32 $0x10, s18;
	v1 =	vmul.f32 v1, v2  }
0x1e0: {  	s11 =	sadd.s32 $0x1, s11  }
0x1e1: {  	p1 =	sne.s32 s11, s22  }
.Ltmp33:
0x1e2: {  	[tilespmem:s19+$0x1B938] =	vst v1;
	(pc) =	sbr.rel @p1 .LBB2_40-.Ltmp33, $4  }
0x1e3: {  	[spmem:s3] =	stream.indirect.scatter.add.f32 [tilespmem:s25], [sflag:$0x1], $0x1, s0, s31, $0xb8;
	[tilespmem:$0x1FB38] =	vst v63  }
0x1e4: {  	_ =	swait.ge [sflag:s30], $0x2580  }
0x1e5: {  	[sflag:s30] =	ssyncset.done $0x0  }
0x1e6: {  	[sflag:s30] =	ssyncadd.s32 $0xFFFFDA80  }
0x1e7: {  	[bflag:$0x0] =	sbarrier.arrive $0xFFFF  }
0x1e8: {  	[tilespmem:s29], [sflag:$0x1] =	stream.linear.gather [spmem:s24], $0xFA0, $0x38;
	[tilespmem:$0x1FB38] =	vst v63  }
0x1e9: {  	_ =	swait.ge [sflag:s30], $0xFA0  }
.Ltmp34:
0x1ea: {  	[sflag:s30] =	ssyncset.done $0x0;
	(pc) =	sbr.rel @!p0 .LBB2_45-.Ltmp34, $4  }
0x1eb: {  	s12 =	rddreg [dreg:$0xe];
	[sflag:s30] =	ssyncadd.s32 $0xFFFFF060  }
0x1ec: {  	[hbm4b:s12+s4] =	stream.linear.scatter [tilespmem:s29], [sflag:$0x1], $0xFA0, $0x38;
	[tilespmem:$0x1FB38] =	vst v63  }
0x1ed: {  	_ =	swait.ge [sflag:s30], $0xFA0  }
0x1ee: {  	s10 =	sadd.s32 $0xFFFFFFFF, s23;
	s11 =	smov.u32 s24;
	[sflag:s30] =	ssyncset.done $0x0  }
.LBB2_44:
0x1ef: {  	[sflag:s30] =	ssyncadd.s32 $0xFFFFF060;
	s11 =	sadd.s32 $0xFA00, s11;
	s12 =	sadd.s32 $0x1F40, s12  }
0x1f0: {  	[tilespmem:s29], [sflag:$0x1] =	stream.linear.gather [spmem:s11], $0xFA0, $0x38;
	[tilespmem:$0x1FB38] =	vst v63  }
0x1f1: {  	p1 =	sne.s32 s10, $0x1;
	s10 =	sadd.s32 $0xFFFFFFFF, s10;
	_ =	swait.ge [sflag:s30], $0xFA0  }
.Ltmp35:
0x1f2: {  	[sflag:s30] =	ssyncset.done $0x0;
	(pc) =	sbr.rel @p1 .LBB2_44-.Ltmp35, $4  }
0x1f3: {  	[sflag:s30] =	ssyncadd.s32 $0xFFFFF060  }
0x1f4: {  	[hbm4b:s12+s4] =	stream.linear.scatter [tilespmem:s29], [sflag:$0x1], $0xFA0, $0x38;
	[tilespmem:$0x1FB38] =	vst v63  }
0x1f5: {  	_ =	swait.ge [sflag:s30], $0xFA0  }
0x1f6: {  	[sflag:s30] =	ssyncset.done $0x0  }
.LBB2_45:
0x1f7: {  	[sflag:s30] =	ssyncadd.s32 $0xFFFFF060  }
0x1f8: {  	[tilespmem:s29], [sflag:$0x1] =	stream.linear.gather [spmem:s26], $0xFA0, $0x38;
	[tilespmem:$0x1FB38] =	vst v63  }
0x1f9: {  	_ =	swait.ge [sflag:s30], $0xFA0  }
.Ltmp36:
0x1fa: {  	[sflag:s30] =	ssyncset.done $0x0;
	(pc) =	sbr.rel @!p0 .LBB2_47-.Ltmp36, $4  }
0x1fb: {  	[sflag:s30] =	ssyncadd.s32 $0xFFFFF060  }
0x1fc: {  	[hbm4b:s20+s4] =	stream.linear.scatter [tilespmem:s29], [sflag:$0x1], $0xFA0, $0x38;
	[tilespmem:$0x1FB38] =	vst v63  }
0x1fd: {  	s10 =	sadd.s32 $0xFFFFFFFF, s23;
	_ =	swait.ge [sflag:s30], $0xFA0  }
0x1fe: {  	s11 =	smov.u32 s26;
	s12 =	smov.u32 s20;
	[sflag:s30] =	ssyncset.done $0x0  }
.LBB2_46:
0x1ff: {  	[sflag:s30] =	ssyncadd.s32 $0xFFFFF060;
	s11 =	sadd.s32 $0xFA00, s11;
	s12 =	sadd.s32 $0x1F40, s12  }
0x200: {  	[tilespmem:s29], [sflag:$0x1] =	stream.linear.gather [spmem:s11], $0xFA0, $0x38;
	[tilespmem:$0x1FB38] =	vst v63  }
0x201: {  	p1 =	sne.s32 s10, $0x1;
	s10 =	sadd.s32 $0xFFFFFFFF, s10;
	_ =	swait.ge [sflag:s30], $0xFA0  }
.Ltmp37:
0x202: {  	[sflag:s30] =	ssyncset.done $0x0;
	(pc) =	sbr.rel @p1 .LBB2_46-.Ltmp37, $4  }
0x203: {  	[sflag:s30] =	ssyncadd.s32 $0xFFFFF060  }
0x204: {  	[hbm4b:s12+s4] =	stream.linear.scatter [tilespmem:s29], [sflag:$0x1], $0xFA0, $0x38;
	[tilespmem:$0x1FB38] =	vst v63  }
0x205: {  	_ =	swait.ge [sflag:s30], $0xFA0  }
0x206: {  	[sflag:s30] =	ssyncset.done $0x0  }
.LBB2_47:
0x207: {  	[sflag:s30] =	ssyncadd.s32 $0xFFFFF060  }
0x208: {  	[tilespmem:s29], [sflag:$0x1] =	stream.linear.gather [spmem:s28], $0xFA0, $0x38;
	[tilespmem:$0x1FB38] =	vst v63  }
0x209: {  	_ =	swait.ge [sflag:s30], $0xFA0  }
.Ltmp38:
0x20a: {  	[sflag:s30] =	ssyncset.done $0x0;
	(pc) =	sbr.rel @!p0 .LBB2_49-.Ltmp38, $4  }
0x20b: {  	[sflag:s30] =	ssyncadd.s32 $0xFFFFF060  }
0x20c: {  	[hbm4b:s21+s4] =	stream.linear.scatter [tilespmem:s29], [sflag:$0x1], $0xFA0, $0x38;
	[tilespmem:$0x1FB38] =	vst v63  }
0x20d: {  	s10 =	sadd.s32 $0xFFFFFFFF, s23;
	_ =	swait.ge [sflag:s30], $0xFA0  }
0x20e: {  	s11 =	smov.u32 s28;
	s12 =	smov.u32 s21;
	[sflag:s30] =	ssyncset.done $0x0  }
.LBB2_48:
0x20f: {  	[sflag:s30] =	ssyncadd.s32 $0xFFFFF060;
	s11 =	sadd.s32 $0xFA00, s11;
	s12 =	sadd.s32 $0x1F40, s12  }
0x210: {  	[tilespmem:s29], [sflag:$0x1] =	stream.linear.gather [spmem:s11], $0xFA0, $0x38;
	[tilespmem:$0x1FB38] =	vst v63  }
0x211: {  	p0 =	sne.s32 s10, $0x1;
	s10 =	sadd.s32 $0xFFFFFFFF, s10;
	_ =	swait.ge [sflag:s30], $0xFA0  }
.Ltmp39:
0x212: {  	[sflag:s30] =	ssyncset.done $0x0;
	(pc) =	sbr.rel @p0 .LBB2_48-.Ltmp39, $4  }
0x213: {  	[sflag:s30] =	ssyncadd.s32 $0xFFFFF060  }
0x214: {  	[hbm4b:s12+s4] =	stream.linear.scatter [tilespmem:s29], [sflag:$0x1], $0xFA0, $0x38;
	[tilespmem:$0x1FB38] =	vst v63  }
0x215: {  	_ =	swait.ge [sflag:s30], $0xFA0  }
0x216: {  	[sflag:s30] =	ssyncset.done $0x0  }
.LBB2_49:
0x217: {  	s2 =	sadd.s32 $0x1, s2;
	s10 =	rddreg [dreg:$0xf]  }
0x218: {  	p0 =	sne.s32 s2, s10  }
.Ltmp40:
0x219: {  	_ = 	snop;
	(pc) =	sbr.rel @p0 .LBB2_1-.Ltmp40, $3  }
0x21a: {  	_ = 	snop  }
0x21b: {  	[sflag:s30] =	ssyncadd.s32 $0xFFFFF060  }
0x21c: {  	[bflag:$0x0] =	sbarrier.arrive $0xFFFF;
	_ =	sdelay $0x1  }
0x21d: {  	_ =	sfence.sel $0x180000  }
0x21e: {  	[bflag:$0x0] =	sbarrier.arrive $0xFFFF  }
0x21f: {  	_ =	strace $0x90000047  }
0x220: {  	[bflag:$0x2] =	sbarrier.arrive $0xFFFF  }
0x221: {  	p0 =	sne.s32 s5, $0x0;
	s0 =	rddreg [dreg:$0x4]  }
0x222: {  	s0 =	sadd.s32 @!p0 $0x100000, s0  }
0x223: {  	[sflag:s0] =	ssyncadd.tile.s32 @!p0 $0x1;
	_ =	shalt  }
.Lfunc_end2:
_tile_overlayer_lowered:
.L_overlay_start_2:
0x224: {  	(tag) =	ssettag $0x2  }
0x225: {  	s0 =	rddreg [dreg:$0x0];
	s2 =	stileid.u32  }
0x226: {  	s1 =	rddreg [dreg:$0x1];
	p0 =	sne.s32 s2, $0x0  }
0x227: {  	s3 =	rddreg [dreg:$0x2];
	[bflag:$0x3] =	sbarrier.arrive $0xFFFF;
	s2 =	simm.s32 @!p0 $0x1C01  }
0x228: {  	[timem:s3], [sflag:s2] =	dma.local @!p0 [hbm:s0], s1  }
0x229: {  	s0 =	simm.s32 @!p0 $0x1  }
0x22a: {  	_ =	swait.ge @!p0 [sflag:s0], s1  }
0x22b: {  	s1 =	ssub.s32 @!p0 $0x0, s1;
	[sflag:s0] =	ssyncset.done @!p0 $0x0  }
0x22c: {  	[sflag:s0] =	ssyncadd.s32 @!p0 s1  }
0x22d: {  	[bflag:$0x3] =	sbarrier.arrive $0xFFFF  }
0x22e: {  	_ =	shalt  }

</sc_bundles>
